<compile_context>
chip_gen: v7x
topology: tpu7x:2x2x1
jax: 0.10.2.dev20260603
libtpu: 0.0.44.dev20260713+nightly
codegen_flags: <defaults>
</compile_context>

<pallas_src>
import functools

import jax
import jax.numpy as jnp
import numpy as np
from jax import lax
from jax.experimental import pallas as pl
from jax.experimental.pallas import tpu as pltpu
from jax.experimental.pallas import tpu_sc as plsc

B = 16384
NF = 26
VOCAB = 1000
ED = 128
IN_DIM = NF * ED
H1 = 1024
H2 = 512
EPS = 1e-5
_ISQRT = float(1.0 / np.sqrt(1.0 + EPS))

NC = 2
NS = 16
NW = NC * NS
N_SLICES = 4


def _sc_gather(featT_flat, table_flat, nbase, nb):
    mesh = plsc.VectorSubcoreMesh(core_axis_name="c", subcore_axis_name="s")
    nb_per_w = nb // NW
    SCH = min(256, nb_per_w)
    cpf = nb_per_w // SCH
    n_ch = NF * cpf

    @functools.partial(
        pl.kernel,
        mesh=mesh,
        out_type=jax.ShapeDtypeStruct((NF, nb, ED), jnp.float32),
        scratch_types=[
            pltpu.VMEM((SCH,), jnp.int32),
            pltpu.VMEM((SCH,), jnp.int32),
            pltpu.VMEM((SCH, ED), jnp.float32),
            pltpu.VMEM((SCH, ED), jnp.float32),
            pltpu.SemaphoreType.DMA,
            pltpu.SemaphoreType.DMA,
            pltpu.SemaphoreType.DMA,
            pltpu.SemaphoreType.DMA,
        ],
    )
    def k(feat_hbm, tab_hbm, out_hbm, idx0, idx1, rows0, rows1, g0, g1, w0, w1):
        wid = lax.axis_index("s") * NC + lax.axis_index("c")
        sbase = wid * nb_per_w

        def srcoff(c):
            return (c // cpf) * B + nbase + sbase + (c % cpf) * SCH

        def dst(c):
            return out_hbm.at[c // cpf, pl.ds(sbase + (c % cpf) * SCH, SCH)]

        def wait_wb(rows, sem):
            pltpu.make_async_copy(
                rows, out_hbm.at[0, pl.ds(sbase, SCH)], sem).wait()

        def pair_body(p, carry):
            c0 = 2 * p
            c1 = 2 * p + 1
            pltpu.sync_copy(feat_hbm.at[pl.ds(srcoff(c0), SCH)], idx0)
            pltpu.sync_copy(feat_hbm.at[pl.ds(srcoff(c1), SCH)], idx1)
            for buf, c in ((idx0, c0), (idx1, c1)):
                voff = (c // cpf) * VOCAB
                for j in range(SCH // 16):
                    v = buf[pl.ds(j * 16, 16)]
                    v = jnp.minimum(jnp.maximum(v, 0), VOCAB - 1) + voff
                    buf[pl.ds(j * 16, 16)] = v

            @pl.when(p > 0)
            def _():
                wait_wb(rows0, w0)

            cp0 = pltpu.async_copy(tab_hbm.at[idx0], rows0, g0)

            @pl.when(p > 0)
            def _():
                wait_wb(rows1, w1)

            cp1 = pltpu.async_copy(tab_hbm.at[idx1], rows1, g1)
            cp0.wait()
            pltpu.async_copy(rows0, dst(c0), w0)
            cp1.wait()
            pltpu.async_copy(rows1, dst(c1), w1)
            return carry

        lax.fori_loop(0, n_ch // 2, pair_body, 0)
        wait_wb(rows0, w0)
        wait_wb(rows1, w1)

    return k(featT_flat, table_flat)


def _mlp(xt, gamma2, beta2, w1, b1r, w2, b2r, w3, b3r, nb):
    BLK = 256
    grid = (nb // BLK,)

    def body(xt_ref, g_ref, be_ref, w1_ref, b1_ref, w2_ref, b2_ref,
             w3_ref, b3_ref, o_ref):
        xb = jnp.concatenate([xt_ref[f] for f in range(NF)], axis=-1)
        xb = xb * (g_ref[...] * _ISQRT) + be_ref[...]
        h = jnp.dot(xb.astype(jnp.bfloat16), w1_ref[...].astype(jnp.bfloat16),
                    preferred_element_type=jnp.float32)
        h = jnp.maximum(h + b1_ref[...], 0.0)
        h = jnp.dot(h.astype(jnp.bfloat16), w2_ref[...].astype(jnp.bfloat16),
                    preferred_element_type=jnp.float32)
        h = jnp.maximum(h + b2_ref[...], 0.0)
        o = jnp.dot(h, w3_ref[...], preferred_element_type=jnp.float32)
        o_ref[...] = jax.nn.sigmoid(o + b3_ref[...])

    out = pl.pallas_call(
        body,
        grid=grid,
        in_specs=[
            pl.BlockSpec((NF, BLK, ED), lambda i: (0, i, 0)),
            pl.BlockSpec((1, IN_DIM), lambda i: (0, 0)),
            pl.BlockSpec((1, IN_DIM), lambda i: (0, 0)),
            pl.BlockSpec((IN_DIM, H1), lambda i: (0, 0)),
            pl.BlockSpec((1, H1), lambda i: (0, 0)),
            pl.BlockSpec((H1, H2), lambda i: (0, 0)),
            pl.BlockSpec((1, H2), lambda i: (0, 0)),
            pl.BlockSpec((H2, 1), lambda i: (0, 0)),
            pl.BlockSpec((1, 1), lambda i: (0, 0)),
        ],
        out_specs=pl.BlockSpec((BLK, 1), lambda i: (i, 0)),
        out_shape=jax.ShapeDtypeStruct((nb, 1), jnp.float32),
    )(xt, gamma2, beta2, w1, b1r, w2, b2r, w3, b3r)
    return out[:, 0]


def kernel(features, tables, gamma, beta, W1, b1, W2, b2, W3, b3):
    featT_flat = features.astype(jnp.int32).T.reshape(NF * B)
    table_flat = tables.reshape(NF * VOCAB, ED)
    g2 = gamma.reshape(1, IN_DIM)
    be2 = beta.reshape(1, IN_DIM)
    b1r = b1.reshape(1, H1)
    b2r = b2.reshape(1, H2)
    b3r = b3.reshape(1, 1)
    nb = B // N_SLICES
    outs = []
    for s in range(N_SLICES):
        xt = _sc_gather(featT_flat, table_flat, s * nb, nb)
        outs.append(_mlp(xt, g2, be2, W1, b1r, W2, b2r, W3, b3r, nb))
    return jnp.concatenate(outs)

# --- scband reference (transcript-rebuilt; emitter-appended) ---
"""Pipeline reference for scband-base-model-3530463117970 (READ-ONLY COPY).

The authoritative reference and input builder live on the scoring server;
editing this copy changes nothing except your own understanding.
"""

import jax, jax.numpy as jnp
import numpy as np

B = 16384
N_FIELDS = 26
VOCAB = 1000
EMBED_DIM = 128
HIDDEN = 1024
IN_DIM = N_FIELDS * EMBED_DIM
EPS = 1e-5


def setup_inputs(seed: int = 0) -> dict:
    key = jax.random.key(seed)
    ks = jax.random.split(key, 10)
    features = jax.random.randint(ks[0], (B, N_FIELDS), 0, VOCAB, dtype=jnp.int64 if jax.config.jax_enable_x64 else jnp.int32)
    # stacked embedding tables (all vocab sizes equal) with xavier_uniform-like init
    lim_e = np.sqrt(6.0 / (VOCAB + EMBED_DIM))
    tables = jax.random.uniform(ks[1], (N_FIELDS, VOCAB, EMBED_DIM), minval=-lim_e, maxval=lim_e, dtype=jnp.float32)
    # BatchNorm1d affine params (eval mode: running_mean=0, running_var=1)
    gamma = jnp.ones((IN_DIM,), dtype=jnp.float32)
    beta = jnp.zeros((IN_DIM,), dtype=jnp.float32)
    lim1 = np.sqrt(6.0 / (IN_DIM + HIDDEN))
    W1 = jax.random.uniform(ks[2], (IN_DIM, HIDDEN), minval=-lim1, maxval=lim1, dtype=jnp.float32)
    b1 = jnp.zeros((HIDDEN,), dtype=jnp.float32)
    lim2 = np.sqrt(6.0 / (HIDDEN + HIDDEN // 2))
    W2 = jax.random.uniform(ks[3], (HIDDEN, HIDDEN // 2), minval=-lim2, maxval=lim2, dtype=jnp.float32)
    b2 = jnp.zeros((HIDDEN // 2,), dtype=jnp.float32)
    lim3 = np.sqrt(6.0 / (HIDDEN // 2 + 1))
    W3 = jax.random.uniform(ks[4], (HIDDEN // 2, 1), minval=-lim3, maxval=lim3, dtype=jnp.float32)
    b3 = jnp.zeros((1,), dtype=jnp.float32)
    return {"features": features, "tables": tables, "gamma": gamma, "beta": beta,
            "W1": W1, "b1": b1, "W2": W2, "b2": b2, "W3": W3, "b3": b3}


def reference(features, tables, gamma, beta, W1, b1, W2, b2, W3, b3):
    # per-field embedding lookup with clamp
    idx = jnp.clip(features, 0, VOCAB - 1)
    field_ids = jnp.arange(N_FIELDS)
    embs = tables[field_ids[None, :], idx]          # [B, N_FIELDS, EMBED_DIM]
    x = embs.reshape(B, IN_DIM)                      # torch.cat(embs, dim=-1)
    # BatchNorm1d in eval mode: running_mean=0, running_var=1
    x = (x - 0.0) / jnp.sqrt(1.0 + EPS) * gamma + beta
    # MLP (dropout is identity in eval)
    h = jax.nn.relu(x @ W1 + b1)
    h = jax.nn.relu(h @ W2 + b2)
    logits = (h @ W3 + b3)[:, 0]
    return jax.nn.sigmoid(logits)

if __name__ == "__main__":
    import jax
    _d = setup_inputs()
    print(jax.jit(kernel)(*tuple(_d.values())))

</pallas_src>

<mosaic_0001>
#map = affine_map<(d0, d1) -> (0)>
#map1 = affine_map<(d0, d1) -> (0, 0)>
#map2 = affine_map<(d0, d1) -> (0, 0, 0)>
module attributes {stable_mosaic.version = 14 : i64} {
  func.func @k(%arg0: i32, %arg1: i32, %arg2: memref<425984xi32, #tpu.memory_space<hbm>>, %arg3: memref<26000x128xf32, #tpu.memory_space<hbm>>, %arg4: memref<26x4096x128xf32, #tpu.memory_space<hbm>>, %arg5: memref<128xi32, #tpu.memory_space<vmem>>, %arg6: memref<128xi32, #tpu.memory_space<vmem>>, %arg7: memref<128x128xf32, #tpu.memory_space<vmem>>, %arg8: memref<128x128xf32, #tpu.memory_space<vmem>>, %arg9: memref<!tpu.dma_semaphore, #tpu.memory_space<semaphore_mem>>, %arg10: memref<!tpu.dma_semaphore, #tpu.memory_space<semaphore_mem>>, %arg11: memref<!tpu.dma_semaphore, #tpu.memory_space<semaphore_mem>>, %arg12: memref<!tpu.dma_semaphore, #tpu.memory_space<semaphore_mem>>) attributes {dimension_semantics = [#tpu.dimension_semantics<core_parallel>, #tpu.dimension_semantics<subcore_parallel>], iteration_bounds = array<i64: 2, 16>, scalar_prefetch = 0 : i64, scratch_operands = 8 : i64, tpu.core_type = #tpu.core_type<sc_vector_subcore>, window_params = [{transform_indices = #map}, {transform_indices = #map1}, {transform_indices = #map2}]} {
    %mul3A = arith.constant 2 : i32
    %mul3A_0 = arith.muli %arg1, %mul3A : i32
    %add3A = arith.addi %mul3A_0, %arg0 : i32
    %mul3A_1 = arith.constant 128 : i32
    %mul3A_2 = arith.muli %add3A, %mul3A_1 : i32
    %scan3A = arith.constant 0 : i32
    %scan3A_3 = arith.constant 0 : i32
    %scan3A_4 = arith.constant 13 : i32
    %scan3A_5 = arith.addi %scan3A_3, %scan3A_4 : i32
    %scan3A_6 = arith.constant 1 : i32
    scf.for %scan3A_21 = %scan3A_3 to %scan3A_5 step %scan3A_6  : i32 {
      %mul3A_22 = arith.constant 2 : i32
      %mul3A_23 = arith.muli %mul3A_22, %scan3A_21 : i32
      %mul3A_24 = arith.constant 2 : i32
      %mul3A_25 = arith.muli %mul3A_24, %scan3A_21 : i32
      %add3A_26 = arith.constant 1 : i32
      %add3A_27 = arith.addi %mul3A_25, %add3A_26 : i32
      %jit3A = arith.constant 1 : i32
      %div3A = arith.divsi %mul3A_23, %jit3A : i32
      %sign3A = arith.constant 0 : i32
      %sign3A_28 = arith.cmpi sgt, %mul3A_23, %sign3A : i32
      %sign3A_29 = arith.extui %sign3A_28 : i1 to i32
      %sign3A_30 = arith.constant 0 : i32
      %sign3A_31 = arith.cmpi slt, %mul3A_23, %sign3A_30 : i32
      %sign3A_32 = arith.extui %sign3A_31 : i1 to i32
      %sign3A_33 = arith.subi %sign3A_29, %sign3A_32 : i32
      %sign3A_34 = arith.constant 0 : i32
      %sign3A_35 = arith.cmpi sgt, %jit3A, %sign3A_34 : i32
      %sign3A_36 = arith.extui %sign3A_35 : i1 to i32
      %sign3A_37 = arith.constant 0 : i32
      %sign3A_38 = arith.cmpi slt, %jit3A, %sign3A_37 : i32
      %sign3A_39 = arith.extui %sign3A_38 : i1 to i32
      %sign3A_40 = arith.subi %sign3A_36, %sign3A_39 : i32
      %ne3A = arith.cmpi ne, %sign3A_33, %sign3A_40 : i32
      %rem3A = arith.remsi %mul3A_23, %jit3A : i32
      %ne3A_41 = arith.constant 0 : i32
      %ne3A_42 = arith.cmpi ne, %rem3A, %ne3A_41 : i32
      %and3A = arith.andi %ne3A, %ne3A_42 : i1
      %sub3A = arith.constant 1 : i32
      %sub3A_43 = arith.subi %div3A, %sub3A : i32
      %select_n3A = arith.select %and3A, %sub3A_43, %div3A : i32
      %mul3A_44 = arith.constant 16384 : i32
      %mul3A_45 = arith.muli %select_n3A, %mul3A_44 : i32
      %add3A_46 = arith.constant 8192 : i32
      %add3A_47 = arith.addi %mul3A_45, %add3A_46 : i32
      %add3A_48 = arith.addi %add3A_47, %mul3A_2 : i32
      %jit3A_49 = arith.constant 1 : i32
      %eq3A = arith.constant 0 : i32
      %eq3A_50 = arith.cmpi eq, %jit3A_49, %eq3A : i32
      %jit3A_51 = arith.constant 1 : i32
      %select_n3A_52 = arith.select %eq3A_50, %jit3A_51, %jit3A_49 : i32
      %rem3A_53 = arith.remsi %mul3A_23, %select_n3A_52 : i32
      %ne3A_54 = arith.constant 0 : i32
      %ne3A_55 = arith.cmpi ne, %rem3A_53, %ne3A_54 : i32
      %lt3A = arith.constant 0 : i32
      %lt3A_56 = arith.cmpi slt, %rem3A_53, %lt3A : i32
      %lt3A_57 = arith.constant 0 : i32
      %lt3A_58 = arith.cmpi slt, %select_n3A_52, %lt3A_57 : i32
      %ne3A_59 = arith.xori %lt3A_56, %lt3A_58 : i1
      %and3A_60 = arith.andi %ne3A_59, %ne3A_55 : i1
      %add3A_61 = arith.addi %rem3A_53, %select_n3A_52 : i32
      %select_n3A_62 = arith.select %and3A_60, %add3A_61, %rem3A_53 : i32
      %mul3A_63 = arith.constant 128 : i32
      %mul3A_64 = arith.muli %select_n3A_62, %mul3A_63 : i32
      %add3A_65 = arith.addi %add3A_48, %mul3A_64 : i32
      "tpu.region"() ({
        %run_scoped3A = tpu.sem_alloc : memref<!tpu.dma_semaphore, #tpu.memory_space<semaphore_mem>>
        %dma_start3A_518 = tpu.memref_slice %arg2[%add3A_65] : memref<425984xi32, #tpu.memory_space<hbm>> -> memref<128xi32, #tpu.memory_space<hbm>>
        %dma_start3A_519 = tpu.memref_slice %arg2[%add3A_65] : memref<425984xi32, #tpu.memory_space<hbm>> -> memref<128xi32, #tpu.memory_space<hbm>>
        tpu.enqueue_dma source(%dma_start3A_519 : memref<128xi32, #tpu.memory_space<hbm>>) target(%arg5 : memref<128xi32, #tpu.memory_space<vmem>>) target_semaphore(%run_scoped3A : memref<!tpu.dma_semaphore, #tpu.memory_space<semaphore_mem>>)
        %dma_wait3A_520 = tpu.memref_slice %arg2[%add3A_65] : memref<425984xi32, #tpu.memory_space<hbm>> -> memref<128xi32, #tpu.memory_space<hbm>>
        %dma_wait3A_521 = tpu.memref_slice %arg2[%add3A_65] : memref<425984xi32, #tpu.memory_space<hbm>> -> memref<128xi32, #tpu.memory_space<hbm>>
        tpu.wait_dma2 semaphore(%run_scoped3A : memref<!tpu.dma_semaphore, #tpu.memory_space<semaphore_mem>>) src(%dma_wait3A_521 : memref<128xi32, #tpu.memory_space<hbm>>) dst(%arg5 : memref<128xi32, #tpu.memory_space<vmem>>)
        tpu.yield
      }) : () -> ()
      %jit3A_66 = arith.constant 1 : i32
      %div3A_67 = arith.divsi %add3A_27, %jit3A_66 : i32
      %sign3A_68 = arith.constant 0 : i32
      %sign3A_69 = arith.cmpi sgt, %add3A_27, %sign3A_68 : i32
      %sign3A_70 = arith.extui %sign3A_69 : i1 to i32
      %sign3A_71 = arith.constant 0 : i32
      %sign3A_72 = arith.cmpi slt, %add3A_27, %sign3A_71 : i32
      %sign3A_73 = arith.extui %sign3A_72 : i1 to i32
      %sign3A_74 = arith.subi %sign3A_70, %sign3A_73 : i32
      %sign3A_75 = arith.constant 0 : i32
      %sign3A_76 = arith.cmpi sgt, %jit3A_66, %sign3A_75 : i32
      %sign3A_77 = arith.extui %sign3A_76 : i1 to i32
      %sign3A_78 = arith.constant 0 : i32
      %sign3A_79 = arith.cmpi slt, %jit3A_66, %sign3A_78 : i32
      %sign3A_80 = arith.extui %sign3A_79 : i1 to i32
      %sign3A_81 = arith.subi %sign3A_77, %sign3A_80 : i32
      %ne3A_82 = arith.cmpi ne, %sign3A_74, %sign3A_81 : i32
      %rem3A_83 = arith.remsi %add3A_27, %jit3A_66 : i32
      %ne3A_84 = arith.constant 0 : i32
      %ne3A_85 = arith.cmpi ne, %rem3A_83, %ne3A_84 : i32
      %and3A_86 = arith.andi %ne3A_82, %ne3A_85 : i1
      %sub3A_87 = arith.constant 1 : i32
      %sub3A_88 = arith.subi %div3A_67, %sub3A_87 : i32
      %select_n3A_89 = arith.select %and3A_86, %sub3A_88, %div3A_67 : i32
      %mul3A_90 = arith.constant 16384 : i32
      %mul3A_91 = arith.muli %select_n3A_89, %mul3A_90 : i32
      %add3A_92 = arith.constant 8192 : i32
      %add3A_93 = arith.addi %mul3A_91, %add3A_92 : i32
      %add3A_94 = arith.addi %add3A_93, %mul3A_2 : i32
      %jit3A_95 = arith.constant 1 : i32
      %eq3A_96 = arith.constant 0 : i32
      %eq3A_97 = arith.cmpi eq, %jit3A_95, %eq3A_96 : i32
      %jit3A_98 = arith.constant 1 : i32
      %select_n3A_99 = arith.select %eq3A_97, %jit3A_98, %jit3A_95 : i32
      %rem3A_100 = arith.remsi %add3A_27, %select_n3A_99 : i32
      %ne3A_101 = arith.constant 0 : i32
      %ne3A_102 = arith.cmpi ne, %rem3A_100, %ne3A_101 : i32
      %lt3A_103 = arith.constant 0 : i32
      %lt3A_104 = arith.cmpi slt, %rem3A_100, %lt3A_103 : i32
      %lt3A_105 = arith.constant 0 : i32
      %lt3A_106 = arith.cmpi slt, %select_n3A_99, %lt3A_105 : i32
      %ne3A_107 = arith.xori %lt3A_104, %lt3A_106 : i1
      %and3A_108 = arith.andi %ne3A_107, %ne3A_102 : i1
      %add3A_109 = arith.addi %rem3A_100, %select_n3A_99 : i32
      %select_n3A_110 = arith.select %and3A_108, %add3A_109, %rem3A_100 : i32
      %mul3A_111 = arith.constant 128 : i32
      %mul3A_112 = arith.muli %select_n3A_110, %mul3A_111 : i32
      %add3A_113 = arith.addi %add3A_94, %mul3A_112 : i32
      "tpu.region"() ({
        %run_scoped3A = tpu.sem_alloc : memref<!tpu.dma_semaphore, #tpu.memory_space<semaphore_mem>>
        %dma_start3A_518 = tpu.memref_slice %arg2[%add3A_113] : memref<425984xi32, #tpu.memory_space<hbm>> -> memref<128xi32, #tpu.memory_space<hbm>>
        %dma_start3A_519 = tpu.memref_slice %arg2[%add3A_113] : memref<425984xi32, #tpu.memory_space<hbm>> -> memref<128xi32, #tpu.memory_space<hbm>>
        tpu.enqueue_dma source(%dma_start3A_519 : memref<128xi32, #tpu.memory_space<hbm>>) target(%arg6 : memref<128xi32, #tpu.memory_space<vmem>>) target_semaphore(%run_scoped3A : memref<!tpu.dma_semaphore, #tpu.memory_space<semaphore_mem>>)
        %dma_wait3A_520 = tpu.memref_slice %arg2[%add3A_113] : memref<425984xi32, #tpu.memory_space<hbm>> -> memref<128xi32, #tpu.memory_space<hbm>>
        %dma_wait3A_521 = tpu.memref_slice %arg2[%add3A_113] : memref<425984xi32, #tpu.memory_space<hbm>> -> memref<128xi32, #tpu.memory_space<hbm>>
        tpu.wait_dma2 semaphore(%run_scoped3A : memref<!tpu.dma_semaphore, #tpu.memory_space<semaphore_mem>>) src(%dma_wait3A_521 : memref<128xi32, #tpu.memory_space<hbm>>) dst(%arg6 : memref<128xi32, #tpu.memory_space<vmem>>)
        tpu.yield
      }) : () -> ()
      %jit3A_114 = arith.constant 1 : i32
      %div3A_115 = arith.divsi %mul3A_23, %jit3A_114 : i32
      %sign3A_116 = arith.constant 0 : i32
      %sign3A_117 = arith.cmpi sgt, %mul3A_23, %sign3A_116 : i32
      %sign3A_118 = arith.extui %sign3A_117 : i1 to i32
      %sign3A_119 = arith.constant 0 : i32
      %sign3A_120 = arith.cmpi slt, %mul3A_23, %sign3A_119 : i32
      %sign3A_121 = arith.extui %sign3A_120 : i1 to i32
      %sign3A_122 = arith.subi %sign3A_118, %sign3A_121 : i32
      %sign3A_123 = arith.constant 0 : i32
      %sign3A_124 = arith.cmpi sgt, %jit3A_114, %sign3A_123 : i32
      %sign3A_125 = arith.extui %sign3A_124 : i1 to i32
      %sign3A_126 = arith.constant 0 : i32
      %sign3A_127 = arith.cmpi slt, %jit3A_114, %sign3A_126 : i32
      %sign3A_128 = arith.extui %sign3A_127 : i1 to i32
      %sign3A_129 = arith.subi %sign3A_125, %sign3A_128 : i32
      %ne3A_130 = arith.cmpi ne, %sign3A_122, %sign3A_129 : i32
      %rem3A_131 = arith.remsi %mul3A_23, %jit3A_114 : i32
      %ne3A_132 = arith.constant 0 : i32
      %ne3A_133 = arith.cmpi ne, %rem3A_131, %ne3A_132 : i32
      %and3A_134 = arith.andi %ne3A_130, %ne3A_133 : i1
      %sub3A_135 = arith.constant 1 : i32
      %sub3A_136 = arith.subi %div3A_115, %sub3A_135 : i32
      %select_n3A_137 = arith.select %and3A_134, %sub3A_136, %div3A_115 : i32
      %mul3A_138 = arith.constant 1000 : i32
      %mul3A_139 = arith.muli %select_n3A_137, %mul3A_138 : i32
      %get3A = arith.constant 0 : index
      %get3A_140 = tpu.vector_load %arg5[%get3A] {strides = array<i32>} : memref<128xi32, #tpu.memory_space<vmem>>, vector<16xi32>,
      %get3A_141 = vector.shape_cast %get3A_140 : vector<16xi32> to vector<16xi32>
      %max3A = arith.constant 0 : i32
      %max3A_142 = vector.broadcast %max3A : i32 to vector<16xi32>
      %max3A_143 = arith.maxsi %get3A_141, %max3A_142 : vector<16xi32>
      %min3A = arith.constant 999 : i32
      %min3A_144 = vector.broadcast %min3A : i32 to vector<16xi32>
      %min3A_145 = arith.minsi %max3A_143, %min3A_144 : vector<16xi32>
      %add3A_146 = vector.broadcast %mul3A_139 : i32 to vector<16xi32>
      %add3A_147 = arith.addi %min3A_145, %add3A_146 : vector<16xi32>
      %swap3A = arith.constant 0 : index
      %swap3A_148 = tpu.vector_load %arg5[%swap3A] {strides = array<i32>} : memref<128xi32, #tpu.memory_space<vmem>>, vector<16xi32>,
      %swap3A_149 = vector.shape_cast %swap3A_148 : vector<16xi32> to vector<16xi32>
      %swap3A_150 = vector.shape_cast %add3A_147 : vector<16xi32> to vector<16xi32>
      tpu.vector_store %arg5[%swap3A], %swap3A_150 {strides = array<i32>} : memref<128xi32, #tpu.memory_space<vmem>>, vector<16xi32>,
      %get3A_151 = arith.constant 16 : index
      %get3A_152 = tpu.vector_load %arg5[%get3A_151] {strides = array<i32>} : memref<128xi32, #tpu.memory_space<vmem>>, vector<16xi32>,
      %get3A_153 = vector.shape_cast %get3A_152 : vector<16xi32> to vector<16xi32>
      %max3A_154 = arith.constant 0 : i32
      %max3A_155 = vector.broadcast %max3A_154 : i32 to vector<16xi32>
      %max3A_156 = arith.maxsi %get3A_153, %max3A_155 : vector<16xi32>
      %min3A_157 = arith.constant 999 : i32
      %min3A_158 = vector.broadcast %min3A_157 : i32 to vector<16xi32>
      %min3A_159 = arith.minsi %max3A_156, %min3A_158 : vector<16xi32>
      %add3A_160 = vector.broadcast %mul3A_139 : i32 to vector<16xi32>
      %add3A_161 = arith.addi %min3A_159, %add3A_160 : vector<16xi32>
      %swap3A_162 = arith.constant 16 : index
      %swap3A_163 = tpu.vector_load %arg5[%swap3A_162] {strides = array<i32>} : memref<128xi32, #tpu.memory_space<vmem>>, vector<16xi32>,
      %swap3A_164 = vector.shape_cast %swap3A_163 : vector<16xi32> to vector<16xi32>
      %swap3A_165 = vector.shape_cast %add3A_161 : vector<16xi32> to vector<16xi32>
      tpu.vector_store %arg5[%swap3A_162], %swap3A_165 {strides = array<i32>} : memref<128xi32, #tpu.memory_space<vmem>>, vector<16xi32>,
      %get3A_166 = arith.constant 32 : index
      %get3A_167 = tpu.vector_load %arg5[%get3A_166] {strides = array<i32>} : memref<128xi32, #tpu.memory_space<vmem>>, vector<16xi32>,
      %get3A_168 = vector.shape_cast %get3A_167 : vector<16xi32> to vector<16xi32>
      %max3A_169 = arith.constant 0 : i32
      %max3A_170 = vector.broadcast %max3A_169 : i32 to vector<16xi32>
      %max3A_171 = arith.maxsi %get3A_168, %max3A_170 : vector<16xi32>
      %min3A_172 = arith.constant 999 : i32
      %min3A_173 = vector.broadcast %min3A_172 : i32 to vector<16xi32>
      %min3A_174 = arith.minsi %max3A_171, %min3A_173 : vector<16xi32>
      %add3A_175 = vector.broadcast %mul3A_139 : i32 to vector<16xi32>
      %add3A_176 = arith.addi %min3A_174, %add3A_175 : vector<16xi32>
      %swap3A_177 = arith.constant 32 : index
      %swap3A_178 = tpu.vector_load %arg5[%swap3A_177] {strides = array<i32>} : memref<128xi32, #tpu.memory_space<vmem>>, vector<16xi32>,
      %swap3A_179 = vector.shape_cast %swap3A_178 : vector<16xi32> to vector<16xi32>
      %swap3A_180 = vector.shape_cast %add3A_176 : vector<16xi32> to vector<16xi32>
      tpu.vector_store %arg5[%swap3A_177], %swap3A_180 {strides = array<i32>} : memref<128xi32, #tpu.memory_space<vmem>>, vector<16xi32>,
      %get3A_181 = arith.constant 48 : index
      %get3A_182 = tpu.vector_load %arg5[%get3A_181] {strides = array<i32>} : memref<128xi32, #tpu.memory_space<vmem>>, vector<16xi32>,
      %get3A_183 = vector.shape_cast %get3A_182 : vector<16xi32> to vector<16xi32>
      %max3A_184 = arith.constant 0 : i32
      %max3A_185 = vector.broadcast %max3A_184 : i32 to vector<16xi32>
      %max3A_186 = arith.maxsi %get3A_183, %max3A_185 : vector<16xi32>
      %min3A_187 = arith.constant 999 : i32
      %min3A_188 = vector.broadcast %min3A_187 : i32 to vector<16xi32>
      %min3A_189 = arith.minsi %max3A_186, %min3A_188 : vector<16xi32>
      %add3A_190 = vector.broadcast %mul3A_139 : i32 to vector<16xi32>
      %add3A_191 = arith.addi %min3A_189, %add3A_190 : vector<16xi32>
      %swap3A_192 = arith.constant 48 : index
      %swap3A_193 = tpu.vector_load %arg5[%swap3A_192] {strides = array<i32>} : memref<128xi32, #tpu.memory_space<vmem>>, vector<16xi32>,
      %swap3A_194 = vector.shape_cast %swap3A_193 : vector<16xi32> to vector<16xi32>
      %swap3A_195 = vector.shape_cast %add3A_191 : vector<16xi32> to vector<16xi32>
      tpu.vector_store %arg5[%swap3A_192], %swap3A_195 {strides = array<i32>} : memref<128xi32, #tpu.memory_space<vmem>>, vector<16xi32>,
      %get3A_196 = arith.constant 64 : index
      %get3A_197 = tpu.vector_load %arg5[%get3A_196] {strides = array<i32>} : memref<128xi32, #tpu.memory_space<vmem>>, vector<16xi32>,
      %get3A_198 = vector.shape_cast %get3A_197 : vector<16xi32> to vector<16xi32>
      %max3A_199 = arith.constant 0 : i32
      %max3A_200 = vector.broadcast %max3A_199 : i32 to vector<16xi32>
      %max3A_201 = arith.maxsi %get3A_198, %max3A_200 : vector<16xi32>
      %min3A_202 = arith.constant 999 : i32
      %min3A_203 = vector.broadcast %min3A_202 : i32 to vector<16xi32>
      %min3A_204 = arith.minsi %max3A_201, %min3A_203 : vector<16xi32>
      %add3A_205 = vector.broadcast %mul3A_139 : i32 to vector<16xi32>
      %add3A_206 = arith.addi %min3A_204, %add3A_205 : vector<16xi32>
      %swap3A_207 = arith.constant 64 : index
      %swap3A_208 = tpu.vector_load %arg5[%swap3A_207] {strides = array<i32>} : memref<128xi32, #tpu.memory_space<vmem>>, vector<16xi32>,
      %swap3A_209 = vector.shape_cast %swap3A_208 : vector<16xi32> to vector<16xi32>
      %swap3A_210 = vector.shape_cast %add3A_206 : vector<16xi32> to vector<16xi32>
      tpu.vector_store %arg5[%swap3A_207], %swap3A_210 {strides = array<i32>} : memref<128xi32, #tpu.memory_space<vmem>>, vector<16xi32>,
      %get3A_211 = arith.constant 80 : index
      %get3A_212 = tpu.vector_load %arg5[%get3A_211] {strides = array<i32>} : memref<128xi32, #tpu.memory_space<vmem>>, vector<16xi32>,
      %get3A_213 = vector.shape_cast %get3A_212 : vector<16xi32> to vector<16xi32>
      %max3A_214 = arith.constant 0 : i32
      %max3A_215 = vector.broadcast %max3A_214 : i32 to vector<16xi32>
      %max3A_216 = arith.maxsi %get3A_213, %max3A_215 : vector<16xi32>
      %min3A_217 = arith.constant 999 : i32
      %min3A_218 = vector.broadcast %min3A_217 : i32 to vector<16xi32>
      %min3A_219 = arith.minsi %max3A_216, %min3A_218 : vector<16xi32>
      %add3A_220 = vector.broadcast %mul3A_139 : i32 to vector<16xi32>
      %add3A_221 = arith.addi %min3A_219, %add3A_220 : vector<16xi32>
      %swap3A_222 = arith.constant 80 : index
      %swap3A_223 = tpu.vector_load %arg5[%swap3A_222] {strides = array<i32>} : memref<128xi32, #tpu.memory_space<vmem>>, vector<16xi32>,
      %swap3A_224 = vector.shape_cast %swap3A_223 : vector<16xi32> to vector<16xi32>
      %swap3A_225 = vector.shape_cast %add3A_221 : vector<16xi32> to vector<16xi32>
      tpu.vector_store %arg5[%swap3A_222], %swap3A_225 {strides = array<i32>} : memref<128xi32, #tpu.memory_space<vmem>>, vector<16xi32>,
      %get3A_226 = arith.constant 96 : index
      %get3A_227 = tpu.vector_load %arg5[%get3A_226] {strides = array<i32>} : memref<128xi32, #tpu.memory_space<vmem>>, vector<16xi32>,
      %get3A_228 = vector.shape_cast %get3A_227 : vector<16xi32> to vector<16xi32>
      %max3A_229 = arith.constant 0 : i32
      %max3A_230 = vector.broadcast %max3A_229 : i32 to vector<16xi32>
      %max3A_231 = arith.maxsi %get3A_228, %max3A_230 : vector<16xi32>
      %min3A_232 = arith.constant 999 : i32
      %min3A_233 = vector.broadcast %min3A_232 : i32 to vector<16xi32>
      %min3A_234 = arith.minsi %max3A_231, %min3A_233 : vector<16xi32>
      %add3A_235 = vector.broadcast %mul3A_139 : i32 to vector<16xi32>
      %add3A_236 = arith.addi %min3A_234, %add3A_235 : vector<16xi32>
      %swap3A_237 = arith.constant 96 : index
      %swap3A_238 = tpu.vector_load %arg5[%swap3A_237] {strides = array<i32>} : memref<128xi32, #tpu.memory_space<vmem>>, vector<16xi32>,
      %swap3A_239 = vector.shape_cast %swap3A_238 : vector<16xi32> to vector<16xi32>
      %swap3A_240 = vector.shape_cast %add3A_236 : vector<16xi32> to vector<16xi32>
      tpu.vector_store %arg5[%swap3A_237], %swap3A_240 {strides = array<i32>} : memref<128xi32, #tpu.memory_space<vmem>>, vector<16xi32>,
      %get3A_241 = arith.constant 112 : index
      %get3A_242 = tpu.vector_load %arg5[%get3A_241] {strides = array<i32>} : memref<128xi32, #tpu.memory_space<vmem>>, vector<16xi32>,
      %get3A_243 = vector.shape_cast %get3A_242 : vector<16xi32> to vector<16xi32>
      %max3A_244 = arith.constant 0 : i32
      %max3A_245 = vector.broadcast %max3A_244 : i32 to vector<16xi32>
      %max3A_246 = arith.maxsi %get3A_243, %max3A_245 : vector<16xi32>
      %min3A_247 = arith.constant 999 : i32
      %min3A_248 = vector.broadcast %min3A_247 : i32 to vector<16xi32>
      %min3A_249 = arith.minsi %max3A_246, %min3A_248 : vector<16xi32>
      %add3A_250 = vector.broadcast %mul3A_139 : i32 to vector<16xi32>
      %add3A_251 = arith.addi %min3A_249, %add3A_250 : vector<16xi32>
      %swap3A_252 = arith.constant 112 : index
      %swap3A_253 = tpu.vector_load %arg5[%swap3A_252] {strides = array<i32>} : memref<128xi32, #tpu.memory_space<vmem>>, vector<16xi32>,
      %swap3A_254 = vector.shape_cast %swap3A_253 : vector<16xi32> to vector<16xi32>
      %swap3A_255 = vector.shape_cast %add3A_251 : vector<16xi32> to vector<16xi32>
      tpu.vector_store %arg5[%swap3A_252], %swap3A_255 {strides = array<i32>} : memref<128xi32, #tpu.memory_space<vmem>>, vector<16xi32>,
      %jit3A_256 = arith.constant 1 : i32
      %div3A_257 = arith.divsi %add3A_27, %jit3A_256 : i32
      %sign3A_258 = arith.constant 0 : i32
      %sign3A_259 = arith.cmpi sgt, %add3A_27, %sign3A_258 : i32
      %sign3A_260 = arith.extui %sign3A_259 : i1 to i32
      %sign3A_261 = arith.constant 0 : i32
      %sign3A_262 = arith.cmpi slt, %add3A_27, %sign3A_261 : i32
      %sign3A_263 = arith.extui %sign3A_262 : i1 to i32
      %sign3A_264 = arith.subi %sign3A_260, %sign3A_263 : i32
      %sign3A_265 = arith.constant 0 : i32
      %sign3A_266 = arith.cmpi sgt, %jit3A_256, %sign3A_265 : i32
      %sign3A_267 = arith.extui %sign3A_266 : i1 to i32
      %sign3A_268 = arith.constant 0 : i32
      %sign3A_269 = arith.cmpi slt, %jit3A_256, %sign3A_268 : i32
      %sign3A_270 = arith.extui %sign3A_269 : i1 to i32
      %sign3A_271 = arith.subi %sign3A_267, %sign3A_270 : i32
      %ne3A_272 = arith.cmpi ne, %sign3A_264, %sign3A_271 : i32
      %rem3A_273 = arith.remsi %add3A_27, %jit3A_256 : i32
      %ne3A_274 = arith.constant 0 : i32
      %ne3A_275 = arith.cmpi ne, %rem3A_273, %ne3A_274 : i32
      %and3A_276 = arith.andi %ne3A_272, %ne3A_275 : i1
      %sub3A_277 = arith.constant 1 : i32
      %sub3A_278 = arith.subi %div3A_257, %sub3A_277 : i32
      %select_n3A_279 = arith.select %and3A_276, %sub3A_278, %div3A_257 : i32
      %mul3A_280 = arith.constant 1000 : i32
      %mul3A_281 = arith.muli %select_n3A_279, %mul3A_280 : i32
      %get3A_282 = arith.constant 0 : index
      %get3A_283 = tpu.vector_load %arg6[%get3A_282] {strides = array<i32>} : memref<128xi32, #tpu.memory_space<vmem>>, vector<16xi32>,
      %get3A_284 = vector.shape_cast %get3A_283 : vector<16xi32> to vector<16xi32>
      %max3A_285 = arith.constant 0 : i32
      %max3A_286 = vector.broadcast %max3A_285 : i32 to vector<16xi32>
      %max3A_287 = arith.maxsi %get3A_284, %max3A_286 : vector<16xi32>
      %min3A_288 = arith.constant 999 : i32
      %min3A_289 = vector.broadcast %min3A_288 : i32 to vector<16xi32>
      %min3A_290 = arith.minsi %max3A_287, %min3A_289 : vector<16xi32>
      %add3A_291 = vector.broadcast %mul3A_281 : i32 to vector<16xi32>
      %add3A_292 = arith.addi %min3A_290, %add3A_291 : vector<16xi32>
      %swap3A_293 = arith.constant 0 : index
      %swap3A_294 = tpu.vector_load %arg6[%swap3A_293] {strides = array<i32>} : memref<128xi32, #tpu.memory_space<vmem>>, vector<16xi32>,
      %swap3A_295 = vector.shape_cast %swap3A_294 : vector<16xi32> to vector<16xi32>
      %swap3A_296 = vector.shape_cast %add3A_292 : vector<16xi32> to vector<16xi32>
      tpu.vector_store %arg6[%swap3A_293], %swap3A_296 {strides = array<i32>} : memref<128xi32, #tpu.memory_space<vmem>>, vector<16xi32>,
      %get3A_297 = arith.constant 16 : index
      %get3A_298 = tpu.vector_load %arg6[%get3A_297] {strides = array<i32>} : memref<128xi32, #tpu.memory_space<vmem>>, vector<16xi32>,
      %get3A_299 = vector.shape_cast %get3A_298 : vector<16xi32> to vector<16xi32>
      %max3A_300 = arith.constant 0 : i32
      %max3A_301 = vector.broadcast %max3A_300 : i32 to vector<16xi32>
      %max3A_302 = arith.maxsi %get3A_299, %max3A_301 : vector<16xi32>
      %min3A_303 = arith.constant 999 : i32
      %min3A_304 = vector.broadcast %min3A_303 : i32 to vector<16xi32>
      %min3A_305 = arith.minsi %max3A_302, %min3A_304 : vector<16xi32>
      %add3A_306 = vector.broadcast %mul3A_281 : i32 to vector<16xi32>
      %add3A_307 = arith.addi %min3A_305, %add3A_306 : vector<16xi32>
      %swap3A_308 = arith.constant 16 : index
      %swap3A_309 = tpu.vector_load %arg6[%swap3A_308] {strides = array<i32>} : memref<128xi32, #tpu.memory_space<vmem>>, vector<16xi32>,
      %swap3A_310 = vector.shape_cast %swap3A_309 : vector<16xi32> to vector<16xi32>
      %swap3A_311 = vector.shape_cast %add3A_307 : vector<16xi32> to vector<16xi32>
      tpu.vector_store %arg6[%swap3A_308], %swap3A_311 {strides = array<i32>} : memref<128xi32, #tpu.memory_space<vmem>>, vector<16xi32>,
      %get3A_312 = arith.constant 32 : index
      %get3A_313 = tpu.vector_load %arg6[%get3A_312] {strides = array<i32>} : memref<128xi32, #tpu.memory_space<vmem>>, vector<16xi32>,
      %get3A_314 = vector.shape_cast %get3A_313 : vector<16xi32> to vector<16xi32>
      %max3A_315 = arith.constant 0 : i32
      %max3A_316 = vector.broadcast %max3A_315 : i32 to vector<16xi32>
      %max3A_317 = arith.maxsi %get3A_314, %max3A_316 : vector<16xi32>
      %min3A_318 = arith.constant 999 : i32
      %min3A_319 = vector.broadcast %min3A_318 : i32 to vector<16xi32>
      %min3A_320 = arith.minsi %max3A_317, %min3A_319 : vector<16xi32>
      %add3A_321 = vector.broadcast %mul3A_281 : i32 to vector<16xi32>
      %add3A_322 = arith.addi %min3A_320, %add3A_321 : vector<16xi32>
      %swap3A_323 = arith.constant 32 : index
      %swap3A_324 = tpu.vector_load %arg6[%swap3A_323] {strides = array<i32>} : memref<128xi32, #tpu.memory_space<vmem>>, vector<16xi32>,
      %swap3A_325 = vector.shape_cast %swap3A_324 : vector<16xi32> to vector<16xi32>
      %swap3A_326 = vector.shape_cast %add3A_322 : vector<16xi32> to vector<16xi32>
      tpu.vector_store %arg6[%swap3A_323], %swap3A_326 {strides = array<i32>} : memref<128xi32, #tpu.memory_space<vmem>>, vector<16xi32>,
      %get3A_327 = arith.constant 48 : index
      %get3A_328 = tpu.vector_load %arg6[%get3A_327] {strides = array<i32>} : memref<128xi32, #tpu.memory_space<vmem>>, vector<16xi32>,
      %get3A_329 = vector.shape_cast %get3A_328 : vector<16xi32> to vector<16xi32>
      %max3A_330 = arith.constant 0 : i32
      %max3A_331 = vector.broadcast %max3A_330 : i32 to vector<16xi32>
      %max3A_332 = arith.maxsi %get3A_329, %max3A_331 : vector<16xi32>
      %min3A_333 = arith.constant 999 : i32
      %min3A_334 = vector.broadcast %min3A_333 : i32 to vector<16xi32>
      %min3A_335 = arith.minsi %max3A_332, %min3A_334 : vector<16xi32>
      %add3A_336 = vector.broadcast %mul3A_281 : i32 to vector<16xi32>
      %add3A_337 = arith.addi %min3A_335, %add3A_336 : vector<16xi32>
      %swap3A_338 = arith.constant 48 : index
      %swap3A_339 = tpu.vector_load %arg6[%swap3A_338] {strides = array<i32>} : memref<128xi32, #tpu.memory_space<vmem>>, vector<16xi32>,
      %swap3A_340 = vector.shape_cast %swap3A_339 : vector<16xi32> to vector<16xi32>
      %swap3A_341 = vector.shape_cast %add3A_337 : vector<16xi32> to vector<16xi32>
      tpu.vector_store %arg6[%swap3A_338], %swap3A_341 {strides = array<i32>} : memref<128xi32, #tpu.memory_space<vmem>>, vector<16xi32>,
      %get3A_342 = arith.constant 64 : index
      %get3A_343 = tpu.vector_load %arg6[%get3A_342] {strides = array<i32>} : memref<128xi32, #tpu.memory_space<vmem>>, vector<16xi32>,
      %get3A_344 = vector.shape_cast %get3A_343 : vector<16xi32> to vector<16xi32>
      %max3A_345 = arith.constant 0 : i32
      %max3A_346 = vector.broadcast %max3A_345 : i32 to vector<16xi32>
      %max3A_347 = arith.maxsi %get3A_344, %max3A_346 : vector<16xi32>
      %min3A_348 = arith.constant 999 : i32
      %min3A_349 = vector.broadcast %min3A_348 : i32 to vector<16xi32>
      %min3A_350 = arith.minsi %max3A_347, %min3A_349 : vector<16xi32>
      %add3A_351 = vector.broadcast %mul3A_281 : i32 to vector<16xi32>
      %add3A_352 = arith.addi %min3A_350, %add3A_351 : vector<16xi32>
      %swap3A_353 = arith.constant 64 : index
      %swap3A_354 = tpu.vector_load %arg6[%swap3A_353] {strides = array<i32>} : memref<128xi32, #tpu.memory_space<vmem>>, vector<16xi32>,
      %swap3A_355 = vector.shape_cast %swap3A_354 : vector<16xi32> to vector<16xi32>
      %swap3A_356 = vector.shape_cast %add3A_352 : vector<16xi32> to vector<16xi32>
      tpu.vector_store %arg6[%swap3A_353], %swap3A_356 {strides = array<i32>} : memref<128xi32, #tpu.memory_space<vmem>>, vector<16xi32>,
      %get3A_357 = arith.constant 80 : index
      %get3A_358 = tpu.vector_load %arg6[%get3A_357] {strides = array<i32>} : memref<128xi32, #tpu.memory_space<vmem>>, vector<16xi32>,
      %get3A_359 = vector.shape_cast %get3A_358 : vector<16xi32> to vector<16xi32>
      %max3A_360 = arith.constant 0 : i32
      %max3A_361 = vector.broadcast %max3A_360 : i32 to vector<16xi32>
      %max3A_362 = arith.maxsi %get3A_359, %max3A_361 : vector<16xi32>
      %min3A_363 = arith.constant 999 : i32
      %min3A_364 = vector.broadcast %min3A_363 : i32 to vector<16xi32>
      %min3A_365 = arith.minsi %max3A_362, %min3A_364 : vector<16xi32>
      %add3A_366 = vector.broadcast %mul3A_281 : i32 to vector<16xi32>
      %add3A_367 = arith.addi %min3A_365, %add3A_366 : vector<16xi32>
      %swap3A_368 = arith.constant 80 : index
      %swap3A_369 = tpu.vector_load %arg6[%swap3A_368] {strides = array<i32>} : memref<128xi32, #tpu.memory_space<vmem>>, vector<16xi32>,
      %swap3A_370 = vector.shape_cast %swap3A_369 : vector<16xi32> to vector<16xi32>
      %swap3A_371 = vector.shape_cast %add3A_367 : vector<16xi32> to vector<16xi32>
      tpu.vector_store %arg6[%swap3A_368], %swap3A_371 {strides = array<i32>} : memref<128xi32, #tpu.memory_space<vmem>>, vector<16xi32>,
      %get3A_372 = arith.constant 96 : index
      %get3A_373 = tpu.vector_load %arg6[%get3A_372] {strides = array<i32>} : memref<128xi32, #tpu.memory_space<vmem>>, vector<16xi32>,
      %get3A_374 = vector.shape_cast %get3A_373 : vector<16xi32> to vector<16xi32>
      %max3A_375 = arith.constant 0 : i32
      %max3A_376 = vector.broadcast %max3A_375 : i32 to vector<16xi32>
      %max3A_377 = arith.maxsi %get3A_374, %max3A_376 : vector<16xi32>
      %min3A_378 = arith.constant 999 : i32
      %min3A_379 = vector.broadcast %min3A_378 : i32 to vector<16xi32>
      %min3A_380 = arith.minsi %max3A_377, %min3A_379 : vector<16xi32>
      %add3A_381 = vector.broadcast %mul3A_281 : i32 to vector<16xi32>
      %add3A_382 = arith.addi %min3A_380, %add3A_381 : vector<16xi32>
      %swap3A_383 = arith.constant 96 : index
      %swap3A_384 = tpu.vector_load %arg6[%swap3A_383] {strides = array<i32>} : memref<128xi32, #tpu.memory_space<vmem>>, vector<16xi32>,
      %swap3A_385 = vector.shape_cast %swap3A_384 : vector<16xi32> to vector<16xi32>
      %swap3A_386 = vector.shape_cast %add3A_382 : vector<16xi32> to vector<16xi32>
      tpu.vector_store %arg6[%swap3A_383], %swap3A_386 {strides = array<i32>} : memref<128xi32, #tpu.memory_space<vmem>>, vector<16xi32>,
      %get3A_387 = arith.constant 112 : index
      %get3A_388 = tpu.vector_load %arg6[%get3A_387] {strides = array<i32>} : memref<128xi32, #tpu.memory_space<vmem>>, vector<16xi32>,
      %get3A_389 = vector.shape_cast %get3A_388 : vector<16xi32> to vector<16xi32>
      %max3A_390 = arith.constant 0 : i32
      %max3A_391 = vector.broadcast %max3A_390 : i32 to vector<16xi32>
      %max3A_392 = arith.maxsi %get3A_389, %max3A_391 : vector<16xi32>
      %min3A_393 = arith.constant 999 : i32
      %min3A_394 = vector.broadcast %min3A_393 : i32 to vector<16xi32>
      %min3A_395 = arith.minsi %max3A_392, %min3A_394 : vector<16xi32>
      %add3A_396 = vector.broadcast %mul3A_281 : i32 to vector<16xi32>
      %add3A_397 = arith.addi %min3A_395, %add3A_396 : vector<16xi32>
      %swap3A_398 = arith.constant 112 : index
      %swap3A_399 = tpu.vector_load %arg6[%swap3A_398] {strides = array<i32>} : memref<128xi32, #tpu.memory_space<vmem>>, vector<16xi32>,
      %swap3A_400 = vector.shape_cast %swap3A_399 : vector<16xi32> to vector<16xi32>
      %swap3A_401 = vector.shape_cast %add3A_397 : vector<16xi32> to vector<16xi32>
      tpu.vector_store %arg6[%swap3A_398], %swap3A_401 {strides = array<i32>} : memref<128xi32, #tpu.memory_space<vmem>>, vector<16xi32>,
      %gt3A = arith.constant 0 : i32
      %gt3A_402 = arith.cmpi sgt, %scan3A_21, %gt3A : i32
      %convert_element_type3A = arith.extui %gt3A_402 : i1 to i32
      %cond3A = arith.constant 0 : i32
      %cond3A_403 = arith.cmpi ne, %convert_element_type3A, %cond3A : i32
      scf.if %cond3A_403 {
        %dma_wait3A_518 = arith.constant 0 : i32
        %dma_wait3A_519 = arith.constant 0 : i32
        %dma_wait3A_520 = tpu.memref_slice %arg4[%dma_wait3A_518, %mul3A_2, %dma_wait3A_519] : memref<26x4096x128xf32, #tpu.memory_space<hbm>> -> memref<1x128x128xf32, #tpu.memory_space<hbm>>
        %dma_wait3A_521 = tpu.memref_squeeze %dma_wait3A_520 : memref<1x128x128xf32, #tpu.memory_space<hbm>> -> memref<128x128xf32, #tpu.memory_space<hbm>>
        %dma_wait3A_522 = arith.constant 0 : i32
        %dma_wait3A_523 = tpu.memref_slice %arg4[%dma_wait3A_518, %mul3A_2, %dma_wait3A_522] : memref<26x4096x128xf32, #tpu.memory_space<hbm>> -> memref<1x128x128xf32, #tpu.memory_space<hbm>>
        %dma_wait3A_524 = tpu.memref_squeeze %dma_wait3A_523 : memref<1x128x128xf32, #tpu.memory_space<hbm>> -> memref<128x128xf32, #tpu.memory_space<hbm>>
        tpu.wait_dma2 semaphore(%arg11 : memref<!tpu.dma_semaphore, #tpu.memory_space<semaphore_mem>>) src(%arg7 : memref<128x128xf32, #tpu.memory_space<vmem>>) dst(%dma_wait3A_524 : memref<128x128xf32, #tpu.memory_space<hbm>>)
      } else {
      }
      %dma_start3A = arith.constant 0 : i32
      %dma_start3A_404 = arith.constant 0 : i32
      %dma_start3A_405 = tpu.memref_slice %arg3[%dma_start3A, %dma_start3A_404] : memref<26000x128xf32, #tpu.memory_space<hbm>> -> memref<26000x128xf32, #tpu.memory_space<hbm>>
      tpu.enqueue_indirect_dma source(%dma_start3A_405 : memref<26000x128xf32, #tpu.memory_space<hbm>>) target(%arg7 : memref<128x128xf32, #tpu.memory_space<vmem>>) offsets(%arg5 : memref<128xi32, #tpu.memory_space<vmem>>) semaphore(%arg9 : memref<!tpu.dma_semaphore, #tpu.memory_space<semaphore_mem>>)
      %gt3A_406 = arith.constant 0 : i32
      %gt3A_407 = arith.cmpi sgt, %scan3A_21, %gt3A_406 : i32
      %convert_element_type3A_408 = arith.extui %gt3A_407 : i1 to i32
      %cond3A_409 = arith.constant 0 : i32
      %cond3A_410 = arith.cmpi ne, %convert_element_type3A_408, %cond3A_409 : i32
      scf.if %cond3A_410 {
        %dma_wait3A_518 = arith.constant 0 : i32
        %dma_wait3A_519 = arith.constant 0 : i32
        %dma_wait3A_520 = tpu.memref_slice %arg4[%dma_wait3A_518, %mul3A_2, %dma_wait3A_519] : memref<26x4096x128xf32, #tpu.memory_space<hbm>> -> memref<1x128x128xf32, #tpu.memory_space<hbm>>
        %dma_wait3A_521 = tpu.memref_squeeze %dma_wait3A_520 : memref<1x128x128xf32, #tpu.memory_space<hbm>> -> memref<128x128xf32, #tpu.memory_space<hbm>>
        %dma_wait3A_522 = arith.constant 0 : i32
        %dma_wait3A_523 = tpu.memref_slice %arg4[%dma_wait3A_518, %mul3A_2, %dma_wait3A_522] : memref<26x4096x128xf32, #tpu.memory_space<hbm>> -> memref<1x128x128xf32, #tpu.memory_space<hbm>>
        %dma_wait3A_524 = tpu.memref_squeeze %dma_wait3A_523 : memref<1x128x128xf32, #tpu.memory_space<hbm>> -> memref<128x128xf32, #tpu.memory_space<hbm>>
        tpu.wait_dma2 semaphore(%arg12 : memref<!tpu.dma_semaphore, #tpu.memory_space<semaphore_mem>>) src(%arg8 : memref<128x128xf32, #tpu.memory_space<vmem>>) dst(%dma_wait3A_524 : memref<128x128xf32, #tpu.memory_space<hbm>>)
      } else {
      }
      %dma_start3A_411 = arith.constant 0 : i32
      %dma_start3A_412 = arith.constant 0 : i32
      %dma_start3A_413 = tpu.memref_slice %arg3[%dma_start3A_411, %dma_start3A_412] : memref<26000x128xf32, #tpu.memory_space<hbm>> -> memref<26000x128xf32, #tpu.memory_space<hbm>>
      tpu.enqueue_indirect_dma source(%dma_start3A_413 : memref<26000x128xf32, #tpu.memory_space<hbm>>) target(%arg8 : memref<128x128xf32, #tpu.memory_space<vmem>>) offsets(%arg6 : memref<128xi32, #tpu.memory_space<vmem>>) semaphore(%arg10 : memref<!tpu.dma_semaphore, #tpu.memory_space<semaphore_mem>>)
      %dma_wait3A_414 = arith.constant 0 : i32
      %dma_wait3A_415 = arith.constant 0 : i32
      %dma_wait3A_416 = tpu.memref_slice %arg3[%dma_wait3A_414, %dma_wait3A_415] : memref<26000x128xf32, #tpu.memory_space<hbm>> -> memref<26000x128xf32, #tpu.memory_space<hbm>>
      tpu.wait_indirect_dma semaphore(%arg9 : memref<!tpu.dma_semaphore, #tpu.memory_space<semaphore_mem>>) src(%dma_wait3A_416 : memref<26000x128xf32, #tpu.memory_space<hbm>>) dst(%arg7 : memref<128x128xf32, #tpu.memory_space<vmem>>)
      %jit3A_417 = arith.constant 1 : i32
      %div3A_418 = arith.divsi %mul3A_23, %jit3A_417 : i32
      %sign3A_419 = arith.constant 0 : i32
      %sign3A_420 = arith.cmpi sgt, %mul3A_23, %sign3A_419 : i32
      %sign3A_421 = arith.extui %sign3A_420 : i1 to i32
      %sign3A_422 = arith.constant 0 : i32
      %sign3A_423 = arith.cmpi slt, %mul3A_23, %sign3A_422 : i32
      %sign3A_424 = arith.extui %sign3A_423 : i1 to i32
      %sign3A_425 = arith.subi %sign3A_421, %sign3A_424 : i32
      %sign3A_426 = arith.constant 0 : i32
      %sign3A_427 = arith.cmpi sgt, %jit3A_417, %sign3A_426 : i32
      %sign3A_428 = arith.extui %sign3A_427 : i1 to i32
      %sign3A_429 = arith.constant 0 : i32
      %sign3A_430 = arith.cmpi slt, %jit3A_417, %sign3A_429 : i32
      %sign3A_431 = arith.extui %sign3A_430 : i1 to i32
      %sign3A_432 = arith.subi %sign3A_428, %sign3A_431 : i32
      %ne3A_433 = arith.cmpi ne, %sign3A_425, %sign3A_432 : i32
      %rem3A_434 = arith.remsi %mul3A_23, %jit3A_417 : i32
      %ne3A_435 = arith.constant 0 : i32
      %ne3A_436 = arith.cmpi ne, %rem3A_434, %ne3A_435 : i32
      %and3A_437 = arith.andi %ne3A_433, %ne3A_436 : i1
      %sub3A_438 = arith.constant 1 : i32
      %sub3A_439 = arith.subi %div3A_418, %sub3A_438 : i32
      %select_n3A_440 = arith.select %and3A_437, %sub3A_439, %div3A_418 : i32
      %jit3A_441 = arith.constant 1 : i32
      %eq3A_442 = arith.constant 0 : i32
      %eq3A_443 = arith.cmpi eq, %jit3A_441, %eq3A_442 : i32
      %jit3A_444 = arith.constant 1 : i32
      %select_n3A_445 = arith.select %eq3A_443, %jit3A_444, %jit3A_441 : i32
      %rem3A_446 = arith.remsi %mul3A_23, %select_n3A_445 : i32
      %ne3A_447 = arith.constant 0 : i32
      %ne3A_448 = arith.cmpi ne, %rem3A_446, %ne3A_447 : i32
      %lt3A_449 = arith.constant 0 : i32
      %lt3A_450 = arith.cmpi slt, %rem3A_446, %lt3A_449 : i32
      %lt3A_451 = arith.constant 0 : i32
      %lt3A_452 = arith.cmpi slt, %select_n3A_445, %lt3A_451 : i32
      %ne3A_453 = arith.xori %lt3A_450, %lt3A_452 : i1
      %and3A_454 = arith.andi %ne3A_453, %ne3A_448 : i1
      %add3A_455 = arith.addi %rem3A_446, %select_n3A_445 : i32
      %select_n3A_456 = arith.select %and3A_454, %add3A_455, %rem3A_446 : i32
      %mul3A_457 = arith.constant 128 : i32
      %mul3A_458 = arith.muli %select_n3A_456, %mul3A_457 : i32
      %add3A_459 = arith.addi %mul3A_2, %mul3A_458 : i32
      %dma_start3A_460 = arith.constant 0 : i32
      %dma_start3A_461 = tpu.memref_slice %arg4[%select_n3A_440, %add3A_459, %dma_start3A_460] : memref<26x4096x128xf32, #tpu.memory_space<hbm>> -> memref<1x128x128xf32, #tpu.memory_space<hbm>>
      %dma_start3A_462 = tpu.memref_squeeze %dma_start3A_461 : memref<1x128x128xf32, #tpu.memory_space<hbm>> -> memref<128x128xf32, #tpu.memory_space<hbm>>
      %dma_start3A_463 = arith.constant 0 : i32
      %dma_start3A_464 = tpu.memref_slice %arg4[%select_n3A_440, %add3A_459, %dma_start3A_463] : memref<26x4096x128xf32, #tpu.memory_space<hbm>> -> memref<1x128x128xf32, #tpu.memory_space<hbm>>
      %dma_start3A_465 = tpu.memref_squeeze %dma_start3A_464 : memref<1x128x128xf32, #tpu.memory_space<hbm>> -> memref<128x128xf32, #tpu.memory_space<hbm>>
      tpu.enqueue_dma source(%arg7 : memref<128x128xf32, #tpu.memory_space<vmem>>) target(%dma_start3A_465 : memref<128x128xf32, #tpu.memory_space<hbm>>) target_semaphore(%arg11 : memref<!tpu.dma_semaphore, #tpu.memory_space<semaphore_mem>>)
      %dma_wait3A_466 = arith.constant 0 : i32
      %dma_wait3A_467 = arith.constant 0 : i32
      %dma_wait3A_468 = tpu.memref_slice %arg3[%dma_wait3A_466, %dma_wait3A_467] : memref<26000x128xf32, #tpu.memory_space<hbm>> -> memref<26000x128xf32, #tpu.memory_space<hbm>>
      tpu.wait_indirect_dma semaphore(%arg10 : memref<!tpu.dma_semaphore, #tpu.memory_space<semaphore_mem>>) src(%dma_wait3A_468 : memref<26000x128xf32, #tpu.memory_space<hbm>>) dst(%arg8 : memref<128x128xf32, #tpu.memory_space<vmem>>)
      %jit3A_469 = arith.constant 1 : i32
      %div3A_470 = arith.divsi %add3A_27, %jit3A_469 : i32
      %sign3A_471 = arith.constant 0 : i32
      %sign3A_472 = arith.cmpi sgt, %add3A_27, %sign3A_471 : i32
      %sign3A_473 = arith.extui %sign3A_472 : i1 to i32
      %sign3A_474 = arith.constant 0 : i32
      %sign3A_475 = arith.cmpi slt, %add3A_27, %sign3A_474 : i32
      %sign3A_476 = arith.extui %sign3A_475 : i1 to i32
      %sign3A_477 = arith.subi %sign3A_473, %sign3A_476 : i32
      %sign3A_478 = arith.constant 0 : i32
      %sign3A_479 = arith.cmpi sgt, %jit3A_469, %sign3A_478 : i32
      %sign3A_480 = arith.extui %sign3A_479 : i1 to i32
      %sign3A_481 = arith.constant 0 : i32
      %sign3A_482 = arith.cmpi slt, %jit3A_469, %sign3A_481 : i32
      %sign3A_483 = arith.extui %sign3A_482 : i1 to i32
      %sign3A_484 = arith.subi %sign3A_480, %sign3A_483 : i32
      %ne3A_485 = arith.cmpi ne, %sign3A_477, %sign3A_484 : i32
      %rem3A_486 = arith.remsi %add3A_27, %jit3A_469 : i32
      %ne3A_487 = arith.constant 0 : i32
      %ne3A_488 = arith.cmpi ne, %rem3A_486, %ne3A_487 : i32
      %and3A_489 = arith.andi %ne3A_485, %ne3A_488 : i1
      %sub3A_490 = arith.constant 1 : i32
      %sub3A_491 = arith.subi %div3A_470, %sub3A_490 : i32
      %select_n3A_492 = arith.select %and3A_489, %sub3A_491, %div3A_470 : i32
      %jit3A_493 = arith.constant 1 : i32
      %eq3A_494 = arith.constant 0 : i32
      %eq3A_495 = arith.cmpi eq, %jit3A_493, %eq3A_494 : i32
      %jit3A_496 = arith.constant 1 : i32
      %select_n3A_497 = arith.select %eq3A_495, %jit3A_496, %jit3A_493 : i32
      %rem3A_498 = arith.remsi %add3A_27, %select_n3A_497 : i32
      %ne3A_499 = arith.constant 0 : i32
      %ne3A_500 = arith.cmpi ne, %rem3A_498, %ne3A_499 : i32
      %lt3A_501 = arith.constant 0 : i32
      %lt3A_502 = arith.cmpi slt, %rem3A_498, %lt3A_501 : i32
      %lt3A_503 = arith.constant 0 : i32
      %lt3A_504 = arith.cmpi slt, %select_n3A_497, %lt3A_503 : i32
      %ne3A_505 = arith.xori %lt3A_502, %lt3A_504 : i1
      %and3A_506 = arith.andi %ne3A_505, %ne3A_500 : i1
      %add3A_507 = arith.addi %rem3A_498, %select_n3A_497 : i32
      %select_n3A_508 = arith.select %and3A_506, %add3A_507, %rem3A_498 : i32
      %mul3A_509 = arith.constant 128 : i32
      %mul3A_510 = arith.muli %select_n3A_508, %mul3A_509 : i32
      %add3A_511 = arith.addi %mul3A_2, %mul3A_510 : i32
      %dma_start3A_512 = arith.constant 0 : i32
      %dma_start3A_513 = tpu.memref_slice %arg4[%select_n3A_492, %add3A_511, %dma_start3A_512] : memref<26x4096x128xf32, #tpu.memory_space<hbm>> -> memref<1x128x128xf32, #tpu.memory_space<hbm>>
      %dma_start3A_514 = tpu.memref_squeeze %dma_start3A_513 : memref<1x128x128xf32, #tpu.memory_space<hbm>> -> memref<128x128xf32, #tpu.memory_space<hbm>>
      %dma_start3A_515 = arith.constant 0 : i32
      %dma_start3A_516 = tpu.memref_slice %arg4[%select_n3A_492, %add3A_511, %dma_start3A_515] : memref<26x4096x128xf32, #tpu.memory_space<hbm>> -> memref<1x128x128xf32, #tpu.memory_space<hbm>>
      %dma_start3A_517 = tpu.memref_squeeze %dma_start3A_516 : memref<1x128x128xf32, #tpu.memory_space<hbm>> -> memref<128x128xf32, #tpu.memory_space<hbm>>
      tpu.enqueue_dma source(%arg8 : memref<128x128xf32, #tpu.memory_space<vmem>>) target(%dma_start3A_517 : memref<128x128xf32, #tpu.memory_space<hbm>>) target_semaphore(%arg12 : memref<!tpu.dma_semaphore, #tpu.memory_space<semaphore_mem>>)
    }
    %scan3A_7 = arith.constant 13 : i32
    %dma_wait3A = arith.constant 0 : i32
    %dma_wait3A_8 = arith.constant 0 : i32
    %dma_wait3A_9 = tpu.memref_slice %arg4[%dma_wait3A, %mul3A_2, %dma_wait3A_8] : memref<26x4096x128xf32, #tpu.memory_space<hbm>> -> memref<1x128x128xf32, #tpu.memory_space<hbm>>
    %dma_wait3A_10 = tpu.memref_squeeze %dma_wait3A_9 : memref<1x128x128xf32, #tpu.memory_space<hbm>> -> memref<128x128xf32, #tpu.memory_space<hbm>>
    %dma_wait3A_11 = arith.constant 0 : i32
    %dma_wait3A_12 = tpu.memref_slice %arg4[%dma_wait3A, %mul3A_2, %dma_wait3A_11] : memref<26x4096x128xf32, #tpu.memory_space<hbm>> -> memref<1x128x128xf32, #tpu.memory_space<hbm>>
    %dma_wait3A_13 = tpu.memref_squeeze %dma_wait3A_12 : memref<1x128x128xf32, #tpu.memory_space<hbm>> -> memref<128x128xf32, #tpu.memory_space<hbm>>
    tpu.wait_dma2 semaphore(%arg11 : memref<!tpu.dma_semaphore, #tpu.memory_space<semaphore_mem>>) src(%arg7 : memref<128x128xf32, #tpu.memory_space<vmem>>) dst(%dma_wait3A_13 : memref<128x128xf32, #tpu.memory_space<hbm>>)
    %dma_wait3A_14 = arith.constant 0 : i32
    %dma_wait3A_15 = arith.constant 0 : i32
    %dma_wait3A_16 = tpu.memref_slice %arg4[%dma_wait3A_14, %mul3A_2, %dma_wait3A_15] : memref<26x4096x128xf32, #tpu.memory_space<hbm>> -> memref<1x128x128xf32, #tpu.memory_space<hbm>>
    %dma_wait3A_17 = tpu.memref_squeeze %dma_wait3A_16 : memref<1x128x128xf32, #tpu.memory_space<hbm>> -> memref<128x128xf32, #tpu.memory_space<hbm>>
    %dma_wait3A_18 = arith.constant 0 : i32
    %dma_wait3A_19 = tpu.memref_slice %arg4[%dma_wait3A_14, %mul3A_2, %dma_wait3A_18] : memref<26x4096x128xf32, #tpu.memory_space<hbm>> -> memref<1x128x128xf32, #tpu.memory_space<hbm>>
    %dma_wait3A_20 = tpu.memref_squeeze %dma_wait3A_19 : memref<1x128x128xf32, #tpu.memory_space<hbm>> -> memref<128x128xf32, #tpu.memory_space<hbm>>
    tpu.wait_dma2 semaphore(%arg12 : memref<!tpu.dma_semaphore, #tpu.memory_space<semaphore_mem>>) src(%arg8 : memref<128x128xf32, #tpu.memory_space<vmem>>) dst(%dma_wait3A_20 : memref<128x128xf32, #tpu.memory_space<hbm>>)
    return
  }
}

#map = affine_map<(d0, d1) -> (0)>
#map1 = affine_map<(d0, d1) -> (0, 0)>
#map2 = affine_map<(d0, d1) -> (0, 0, 0)>
module attributes {stable_mosaic.version = 14 : i64} {
  func.func @k(%arg0: i32, %arg1: i32, %arg2: memref<425984xi32, #tpu.memory_space<hbm>>, %arg3: memref<26000x128xf32, #tpu.memory_space<hbm>>, %arg4: memref<26x4096x128xf32, #tpu.memory_space<hbm>>, %arg5: memref<128xi32, #tpu.memory_space<vmem>>, %arg6: memref<128xi32, #tpu.memory_space<vmem>>, %arg7: memref<128x128xf32, #tpu.memory_space<vmem>>, %arg8: memref<128x128xf32, #tpu.memory_space<vmem>>, %arg9: memref<!tpu.dma_semaphore, #tpu.memory_space<semaphore_mem>>, %arg10: memref<!tpu.dma_semaphore, #tpu.memory_space<semaphore_mem>>, %arg11: memref<!tpu.dma_semaphore, #tpu.memory_space<semaphore_mem>>, %arg12: memref<!tpu.dma_semaphore, #tpu.memory_space<semaphore_mem>>) attributes {dimension_semantics = [#tpu.dimension_semantics<core_parallel>, #tpu.dimension_semantics<subcore_parallel>], iteration_bounds = array<i64: 2, 16>, scalar_prefetch = 0 : i64, scratch_operands = 8 : i64, tpu.core_type = #tpu.core_type<sc_vector_subcore>, window_params = [{transform_indices = #map}, {transform_indices = #map1}, {transform_indices = #map2}]} {
    %mul3A = arith.constant 2 : i32
    %mul3A_0 = arith.muli %arg1, %mul3A : i32
    %add3A = arith.addi %mul3A_0, %arg0 : i32
    %mul3A_1 = arith.constant 128 : i32
    %mul3A_2 = arith.muli %add3A, %mul3A_1 : i32
    %scan3A = arith.constant 0 : i32
    %scan3A_3 = arith.constant 0 : i32
    %scan3A_4 = arith.constant 13 : i32
    %scan3A_5 = arith.addi %scan3A_3, %scan3A_4 : i32
    %scan3A_6 = arith.constant 1 : i32
    scf.for %scan3A_21 = %scan3A_3 to %scan3A_5 step %scan3A_6  : i32 {
      %mul3A_22 = arith.constant 2 : i32
      %mul3A_23 = arith.muli %mul3A_22, %scan3A_21 : i32
      %mul3A_24 = arith.constant 2 : i32
      %mul3A_25 = arith.muli %mul3A_24, %scan3A_21 : i32
      %add3A_26 = arith.constant 1 : i32
      %add3A_27 = arith.addi %mul3A_25, %add3A_26 : i32
      %jit3A = arith.constant 1 : i32
      %div3A = arith.divsi %mul3A_23, %jit3A : i32
      %sign3A = arith.constant 0 : i32
      %sign3A_28 = arith.cmpi sgt, %mul3A_23, %sign3A : i32
      %sign3A_29 = arith.extui %sign3A_28 : i1 to i32
      %sign3A_30 = arith.constant 0 : i32
      %sign3A_31 = arith.cmpi slt, %mul3A_23, %sign3A_30 : i32
      %sign3A_32 = arith.extui %sign3A_31 : i1 to i32
      %sign3A_33 = arith.subi %sign3A_29, %sign3A_32 : i32
      %sign3A_34 = arith.constant 0 : i32
      %sign3A_35 = arith.cmpi sgt, %jit3A, %sign3A_34 : i32
      %sign3A_36 = arith.extui %sign3A_35 : i1 to i32
      %sign3A_37 = arith.constant 0 : i32
      %sign3A_38 = arith.cmpi slt, %jit3A, %sign3A_37 : i32
      %sign3A_39 = arith.extui %sign3A_38 : i1 to i32
      %sign3A_40 = arith.subi %sign3A_36, %sign3A_39 : i32
      %ne3A = arith.cmpi ne, %sign3A_33, %sign3A_40 : i32
      %rem3A = arith.remsi %mul3A_23, %jit3A : i32
      %ne3A_41 = arith.constant 0 : i32
      %ne3A_42 = arith.cmpi ne, %rem3A, %ne3A_41 : i32
      %and3A = arith.andi %ne3A, %ne3A_42 : i1
      %sub3A = arith.constant 1 : i32
      %sub3A_43 = arith.subi %div3A, %sub3A : i32
      %select_n3A = arith.select %and3A, %sub3A_43, %div3A : i32
      %mul3A_44 = arith.constant 16384 : i32
      %mul3A_45 = arith.muli %select_n3A, %mul3A_44 : i32
      %add3A_46 = arith.constant 12288 : i32
      %add3A_47 = arith.addi %mul3A_45, %add3A_46 : i32
      %add3A_48 = arith.addi %add3A_47, %mul3A_2 : i32
      %jit3A_49 = arith.constant 1 : i32
      %eq3A = arith.constant 0 : i32
      %eq3A_50 = arith.cmpi eq, %jit3A_49, %eq3A : i32
      %jit3A_51 = arith.constant 1 : i32
      %select_n3A_52 = arith.select %eq3A_50, %jit3A_51, %jit3A_49 : i32
      %rem3A_53 = arith.remsi %mul3A_23, %select_n3A_52 : i32
      %ne3A_54 = arith.constant 0 : i32
      %ne3A_55 = arith.cmpi ne, %rem3A_53, %ne3A_54 : i32
      %lt3A = arith.constant 0 : i32
      %lt3A_56 = arith.cmpi slt, %rem3A_53, %lt3A : i32
      %lt3A_57 = arith.constant 0 : i32
      %lt3A_58 = arith.cmpi slt, %select_n3A_52, %lt3A_57 : i32
      %ne3A_59 = arith.xori %lt3A_56, %lt3A_58 : i1
      %and3A_60 = arith.andi %ne3A_59, %ne3A_55 : i1
      %add3A_61 = arith.addi %rem3A_53, %select_n3A_52 : i32
      %select_n3A_62 = arith.select %and3A_60, %add3A_61, %rem3A_53 : i32
      %mul3A_63 = arith.constant 128 : i32
      %mul3A_64 = arith.muli %select_n3A_62, %mul3A_63 : i32
      %add3A_65 = arith.addi %add3A_48, %mul3A_64 : i32
      "tpu.region"() ({
        %run_scoped3A = tpu.sem_alloc : memref<!tpu.dma_semaphore, #tpu.memory_space<semaphore_mem>>
        %dma_start3A_518 = tpu.memref_slice %arg2[%add3A_65] : memref<425984xi32, #tpu.memory_space<hbm>> -> memref<128xi32, #tpu.memory_space<hbm>>
        %dma_start3A_519 = tpu.memref_slice %arg2[%add3A_65] : memref<425984xi32, #tpu.memory_space<hbm>> -> memref<128xi32, #tpu.memory_space<hbm>>
        tpu.enqueue_dma source(%dma_start3A_519 : memref<128xi32, #tpu.memory_space<hbm>>) target(%arg5 : memref<128xi32, #tpu.memory_space<vmem>>) target_semaphore(%run_scoped3A : memref<!tpu.dma_semaphore, #tpu.memory_space<semaphore_mem>>)
        %dma_wait3A_520 = tpu.memref_slice %arg2[%add3A_65] : memref<425984xi32, #tpu.memory_space<hbm>> -> memref<128xi32, #tpu.memory_space<hbm>>
        %dma_wait3A_521 = tpu.memref_slice %arg2[%add3A_65] : memref<425984xi32, #tpu.memory_space<hbm>> -> memref<128xi32, #tpu.memory_space<hbm>>
        tpu.wait_dma2 semaphore(%run_scoped3A : memref<!tpu.dma_semaphore, #tpu.memory_space<semaphore_mem>>) src(%dma_wait3A_521 : memref<128xi32, #tpu.memory_space<hbm>>) dst(%arg5 : memref<128xi32, #tpu.memory_space<vmem>>)
        tpu.yield
      }) : () -> ()
      %jit3A_66 = arith.constant 1 : i32
      %div3A_67 = arith.divsi %add3A_27, %jit3A_66 : i32
      %sign3A_68 = arith.constant 0 : i32
      %sign3A_69 = arith.cmpi sgt, %add3A_27, %sign3A_68 : i32
      %sign3A_70 = arith.extui %sign3A_69 : i1 to i32
      %sign3A_71 = arith.constant 0 : i32
      %sign3A_72 = arith.cmpi slt, %add3A_27, %sign3A_71 : i32
      %sign3A_73 = arith.extui %sign3A_72 : i1 to i32
      %sign3A_74 = arith.subi %sign3A_70, %sign3A_73 : i32
      %sign3A_75 = arith.constant 0 : i32
      %sign3A_76 = arith.cmpi sgt, %jit3A_66, %sign3A_75 : i32
      %sign3A_77 = arith.extui %sign3A_76 : i1 to i32
      %sign3A_78 = arith.constant 0 : i32
      %sign3A_79 = arith.cmpi slt, %jit3A_66, %sign3A_78 : i32
      %sign3A_80 = arith.extui %sign3A_79 : i1 to i32
      %sign3A_81 = arith.subi %sign3A_77, %sign3A_80 : i32
      %ne3A_82 = arith.cmpi ne, %sign3A_74, %sign3A_81 : i32
      %rem3A_83 = arith.remsi %add3A_27, %jit3A_66 : i32
      %ne3A_84 = arith.constant 0 : i32
      %ne3A_85 = arith.cmpi ne, %rem3A_83, %ne3A_84 : i32
      %and3A_86 = arith.andi %ne3A_82, %ne3A_85 : i1
      %sub3A_87 = arith.constant 1 : i32
      %sub3A_88 = arith.subi %div3A_67, %sub3A_87 : i32
      %select_n3A_89 = arith.select %and3A_86, %sub3A_88, %div3A_67 : i32
      %mul3A_90 = arith.constant 16384 : i32
      %mul3A_91 = arith.muli %select_n3A_89, %mul3A_90 : i32
      %add3A_92 = arith.constant 12288 : i32
      %add3A_93 = arith.addi %mul3A_91, %add3A_92 : i32
      %add3A_94 = arith.addi %add3A_93, %mul3A_2 : i32
      %jit3A_95 = arith.constant 1 : i32
      %eq3A_96 = arith.constant 0 : i32
      %eq3A_97 = arith.cmpi eq, %jit3A_95, %eq3A_96 : i32
      %jit3A_98 = arith.constant 1 : i32
      %select_n3A_99 = arith.select %eq3A_97, %jit3A_98, %jit3A_95 : i32
      %rem3A_100 = arith.remsi %add3A_27, %select_n3A_99 : i32
      %ne3A_101 = arith.constant 0 : i32
      %ne3A_102 = arith.cmpi ne, %rem3A_100, %ne3A_101 : i32
      %lt3A_103 = arith.constant 0 : i32
      %lt3A_104 = arith.cmpi slt, %rem3A_100, %lt3A_103 : i32
      %lt3A_105 = arith.constant 0 : i32
      %lt3A_106 = arith.cmpi slt, %select_n3A_99, %lt3A_105 : i32
      %ne3A_107 = arith.xori %lt3A_104, %lt3A_106 : i1
      %and3A_108 = arith.andi %ne3A_107, %ne3A_102 : i1
      %add3A_109 = arith.addi %rem3A_100, %select_n3A_99 : i32
      %select_n3A_110 = arith.select %and3A_108, %add3A_109, %rem3A_100 : i32
      %mul3A_111 = arith.constant 128 : i32
      %mul3A_112 = arith.muli %select_n3A_110, %mul3A_111 : i32
      %add3A_113 = arith.addi %add3A_94, %mul3A_112 : i32
      "tpu.region"() ({
        %run_scoped3A = tpu.sem_alloc : memref<!tpu.dma_semaphore, #tpu.memory_space<semaphore_mem>>
        %dma_start3A_518 = tpu.memref_slice %arg2[%add3A_113] : memref<425984xi32, #tpu.memory_space<hbm>> -> memref<128xi32, #tpu.memory_space<hbm>>
        %dma_start3A_519 = tpu.memref_slice %arg2[%add3A_113] : memref<425984xi32, #tpu.memory_space<hbm>> -> memref<128xi32, #tpu.memory_space<hbm>>
        tpu.enqueue_dma source(%dma_start3A_519 : memref<128xi32, #tpu.memory_space<hbm>>) target(%arg6 : memref<128xi32, #tpu.memory_space<vmem>>) target_semaphore(%run_scoped3A : memref<!tpu.dma_semaphore, #tpu.memory_space<semaphore_mem>>)
        %dma_wait3A_520 = tpu.memref_slice %arg2[%add3A_113] : memref<425984xi32, #tpu.memory_space<hbm>> -> memref<128xi32, #tpu.memory_space<hbm>>
        %dma_wait3A_521 = tpu.memref_slice %arg2[%add3A_113] : memref<425984xi32, #tpu.memory_space<hbm>> -> memref<128xi32, #tpu.memory_space<hbm>>
        tpu.wait_dma2 semaphore(%run_scoped3A : memref<!tpu.dma_semaphore, #tpu.memory_space<semaphore_mem>>) src(%dma_wait3A_521 : memref<128xi32, #tpu.memory_space<hbm>>) dst(%arg6 : memref<128xi32, #tpu.memory_space<vmem>>)
        tpu.yield
      }) : () -> ()
      %jit3A_114 = arith.constant 1 : i32
      %div3A_115 = arith.divsi %mul3A_23, %jit3A_114 : i32
      %sign3A_116 = arith.constant 0 : i32
      %sign3A_117 = arith.cmpi sgt, %mul3A_23, %sign3A_116 : i32
      %sign3A_118 = arith.extui %sign3A_117 : i1 to i32
      %sign3A_119 = arith.constant 0 : i32
      %sign3A_120 = arith.cmpi slt, %mul3A_23, %sign3A_119 : i32
      %sign3A_121 = arith.extui %sign3A_120 : i1 to i32
      %sign3A_122 = arith.subi %sign3A_118, %sign3A_121 : i32
      %sign3A_123 = arith.constant 0 : i32
      %sign3A_124 = arith.cmpi sgt, %jit3A_114, %sign3A_123 : i32
      %sign3A_125 = arith.extui %sign3A_124 : i1 to i32
      %sign3A_126 = arith.constant 0 : i32
      %sign3A_127 = arith.cmpi slt, %jit3A_114, %sign3A_126 : i32
      %sign3A_128 = arith.extui %sign3A_127 : i1 to i32
      %sign3A_129 = arith.subi %sign3A_125, %sign3A_128 : i32
      %ne3A_130 = arith.cmpi ne, %sign3A_122, %sign3A_129 : i32
      %rem3A_131 = arith.remsi %mul3A_23, %jit3A_114 : i32
      %ne3A_132 = arith.constant 0 : i32
      %ne3A_133 = arith.cmpi ne, %rem3A_131, %ne3A_132 : i32
      %and3A_134 = arith.andi %ne3A_130, %ne3A_133 : i1
      %sub3A_135 = arith.constant 1 : i32
      %sub3A_136 = arith.subi %div3A_115, %sub3A_135 : i32
      %select_n3A_137 = arith.select %and3A_134, %sub3A_136, %div3A_115 : i32
      %mul3A_138 = arith.constant 1000 : i32
      %mul3A_139 = arith.muli %select_n3A_137, %mul3A_138 : i32
      %get3A = arith.constant 0 : index
      %get3A_140 = tpu.vector_load %arg5[%get3A] {strides = array<i32>} : memref<128xi32, #tpu.memory_space<vmem>>, vector<16xi32>,
      %get3A_141 = vector.shape_cast %get3A_140 : vector<16xi32> to vector<16xi32>
      %max3A = arith.constant 0 : i32
      %max3A_142 = vector.broadcast %max3A : i32 to vector<16xi32>
      %max3A_143 = arith.maxsi %get3A_141, %max3A_142 : vector<16xi32>
      %min3A = arith.constant 999 : i32
      %min3A_144 = vector.broadcast %min3A : i32 to vector<16xi32>
      %min3A_145 = arith.minsi %max3A_143, %min3A_144 : vector<16xi32>
      %add3A_146 = vector.broadcast %mul3A_139 : i32 to vector<16xi32>
      %add3A_147 = arith.addi %min3A_145, %add3A_146 : vector<16xi32>
      %swap3A = arith.constant 0 : index
      %swap3A_148 = tpu.vector_load %arg5[%swap3A] {strides = array<i32>} : memref<128xi32, #tpu.memory_space<vmem>>, vector<16xi32>,
      %swap3A_149 = vector.shape_cast %swap3A_148 : vector<16xi32> to vector<16xi32>
      %swap3A_150 = vector.shape_cast %add3A_147 : vector<16xi32> to vector<16xi32>
      tpu.vector_store %arg5[%swap3A], %swap3A_150 {strides = array<i32>} : memref<128xi32, #tpu.memory_space<vmem>>, vector<16xi32>,
      %get3A_151 = arith.constant 16 : index
      %get3A_152 = tpu.vector_load %arg5[%get3A_151] {strides = array<i32>} : memref<128xi32, #tpu.memory_space<vmem>>, vector<16xi32>,
      %get3A_153 = vector.shape_cast %get3A_152 : vector<16xi32> to vector<16xi32>
      %max3A_154 = arith.constant 0 : i32
      %max3A_155 = vector.broadcast %max3A_154 : i32 to vector<16xi32>
      %max3A_156 = arith.maxsi %get3A_153, %max3A_155 : vector<16xi32>
      %min3A_157 = arith.constant 999 : i32
      %min3A_158 = vector.broadcast %min3A_157 : i32 to vector<16xi32>
      %min3A_159 = arith.minsi %max3A_156, %min3A_158 : vector<16xi32>
      %add3A_160 = vector.broadcast %mul3A_139 : i32 to vector<16xi32>
      %add3A_161 = arith.addi %min3A_159, %add3A_160 : vector<16xi32>
      %swap3A_162 = arith.constant 16 : index
      %swap3A_163 = tpu.vector_load %arg5[%swap3A_162] {strides = array<i32>} : memref<128xi32, #tpu.memory_space<vmem>>, vector<16xi32>,
      %swap3A_164 = vector.shape_cast %swap3A_163 : vector<16xi32> to vector<16xi32>
      %swap3A_165 = vector.shape_cast %add3A_161 : vector<16xi32> to vector<16xi32>
      tpu.vector_store %arg5[%swap3A_162], %swap3A_165 {strides = array<i32>} : memref<128xi32, #tpu.memory_space<vmem>>, vector<16xi32>,
      %get3A_166 = arith.constant 32 : index
      %get3A_167 = tpu.vector_load %arg5[%get3A_166] {strides = array<i32>} : memref<128xi32, #tpu.memory_space<vmem>>, vector<16xi32>,
      %get3A_168 = vector.shape_cast %get3A_167 : vector<16xi32> to vector<16xi32>
      %max3A_169 = arith.constant 0 : i32
      %max3A_170 = vector.broadcast %max3A_169 : i32 to vector<16xi32>
      %max3A_171 = arith.maxsi %get3A_168, %max3A_170 : vector<16xi32>
      %min3A_172 = arith.constant 999 : i32
      %min3A_173 = vector.broadcast %min3A_172 : i32 to vector<16xi32>
      %min3A_174 = arith.minsi %max3A_171, %min3A_173 : vector<16xi32>
      %add3A_175 = vector.broadcast %mul3A_139 : i32 to vector<16xi32>
      %add3A_176 = arith.addi %min3A_174, %add3A_175 : vector<16xi32>
      %swap3A_177 = arith.constant 32 : index
      %swap3A_178 = tpu.vector_load %arg5[%swap3A_177] {strides = array<i32>} : memref<128xi32, #tpu.memory_space<vmem>>, vector<16xi32>,
      %swap3A_179 = vector.shape_cast %swap3A_178 : vector<16xi32> to vector<16xi32>
      %swap3A_180 = vector.shape_cast %add3A_176 : vector<16xi32> to vector<16xi32>
      tpu.vector_store %arg5[%swap3A_177], %swap3A_180 {strides = array<i32>} : memref<128xi32, #tpu.memory_space<vmem>>, vector<16xi32>,
      %get3A_181 = arith.constant 48 : index
      %get3A_182 = tpu.vector_load %arg5[%get3A_181] {strides = array<i32>} : memref<128xi32, #tpu.memory_space<vmem>>, vector<16xi32>,
      %get3A_183 = vector.shape_cast %get3A_182 : vector<16xi32> to vector<16xi32>
      %max3A_184 = arith.constant 0 : i32
      %max3A_185 = vector.broadcast %max3A_184 : i32 to vector<16xi32>
      %max3A_186 = arith.maxsi %get3A_183, %max3A_185 : vector<16xi32>
      %min3A_187 = arith.constant 999 : i32
      %min3A_188 = vector.broadcast %min3A_187 : i32 to vector<16xi32>
      %min3A_189 = arith.minsi %max3A_186, %min3A_188 : vector<16xi32>
      %add3A_190 = vector.broadcast %mul3A_139 : i32 to vector<16xi32>
      %add3A_191 = arith.addi %min3A_189, %add3A_190 : vector<16xi32>
      %swap3A_192 = arith.constant 48 : index
      %swap3A_193 = tpu.vector_load %arg5[%swap3A_192] {strides = array<i32>} : memref<128xi32, #tpu.memory_space<vmem>>, vector<16xi32>,
      %swap3A_194 = vector.shape_cast %swap3A_193 : vector<16xi32> to vector<16xi32>
      %swap3A_195 = vector.shape_cast %add3A_191 : vector<16xi32> to vector<16xi32>
      tpu.vector_store %arg5[%swap3A_192], %swap3A_195 {strides = array<i32>} : memref<128xi32, #tpu.memory_space<vmem>>, vector<16xi32>,
      %get3A_196 = arith.constant 64 : index
      %get3A_197 = tpu.vector_load %arg5[%get3A_196] {strides = array<i32>} : memref<128xi32, #tpu.memory_space<vmem>>, vector<16xi32>,
      %get3A_198 = vector.shape_cast %get3A_197 : vector<16xi32> to vector<16xi32>
      %max3A_199 = arith.constant 0 : i32
      %max3A_200 = vector.broadcast %max3A_199 : i32 to vector<16xi32>
      %max3A_201 = arith.maxsi %get3A_198, %max3A_200 : vector<16xi32>
      %min3A_202 = arith.constant 999 : i32
      %min3A_203 = vector.broadcast %min3A_202 : i32 to vector<16xi32>
      %min3A_204 = arith.minsi %max3A_201, %min3A_203 : vector<16xi32>
      %add3A_205 = vector.broadcast %mul3A_139 : i32 to vector<16xi32>
      %add3A_206 = arith.addi %min3A_204, %add3A_205 : vector<16xi32>
      %swap3A_207 = arith.constant 64 : index
      %swap3A_208 = tpu.vector_load %arg5[%swap3A_207] {strides = array<i32>} : memref<128xi32, #tpu.memory_space<vmem>>, vector<16xi32>,
      %swap3A_209 = vector.shape_cast %swap3A_208 : vector<16xi32> to vector<16xi32>
      %swap3A_210 = vector.shape_cast %add3A_206 : vector<16xi32> to vector<16xi32>
      tpu.vector_store %arg5[%swap3A_207], %swap3A_210 {strides = array<i32>} : memref<128xi32, #tpu.memory_space<vmem>>, vector<16xi32>,
      %get3A_211 = arith.constant 80 : index
      %get3A_212 = tpu.vector_load %arg5[%get3A_211] {strides = array<i32>} : memref<128xi32, #tpu.memory_space<vmem>>, vector<16xi32>,
      %get3A_213 = vector.shape_cast %get3A_212 : vector<16xi32> to vector<16xi32>
      %max3A_214 = arith.constant 0 : i32
      %max3A_215 = vector.broadcast %max3A_214 : i32 to vector<16xi32>
      %max3A_216 = arith.maxsi %get3A_213, %max3A_215 : vector<16xi32>
      %min3A_217 = arith.constant 999 : i32
      %min3A_218 = vector.broadcast %min3A_217 : i32 to vector<16xi32>
      %min3A_219 = arith.minsi %max3A_216, %min3A_218 : vector<16xi32>
      %add3A_220 = vector.broadcast %mul3A_139 : i32 to vector<16xi32>
      %add3A_221 = arith.addi %min3A_219, %add3A_220 : vector<16xi32>
      %swap3A_222 = arith.constant 80 : index
      %swap3A_223 = tpu.vector_load %arg5[%swap3A_222] {strides = array<i32>} : memref<128xi32, #tpu.memory_space<vmem>>, vector<16xi32>,
      %swap3A_224 = vector.shape_cast %swap3A_223 : vector<16xi32> to vector<16xi32>
      %swap3A_225 = vector.shape_cast %add3A_221 : vector<16xi32> to vector<16xi32>
      tpu.vector_store %arg5[%swap3A_222], %swap3A_225 {strides = array<i32>} : memref<128xi32, #tpu.memory_space<vmem>>, vector<16xi32>,
      %get3A_226 = arith.constant 96 : index
      %get3A_227 = tpu.vector_load %arg5[%get3A_226] {strides = array<i32>} : memref<128xi32, #tpu.memory_space<vmem>>, vector<16xi32>,
      %get3A_228 = vector.shape_cast %get3A_227 : vector<16xi32> to vector<16xi32>
      %max3A_229 = arith.constant 0 : i32
      %max3A_230 = vector.broadcast %max3A_229 : i32 to vector<16xi32>
      %max3A_231 = arith.maxsi %get3A_228, %max3A_230 : vector<16xi32>
      %min3A_232 = arith.constant 999 : i32
      %min3A_233 = vector.broadcast %min3A_232 : i32 to vector<16xi32>
      %min3A_234 = arith.minsi %max3A_231, %min3A_233 : vector<16xi32>
      %add3A_235 = vector.broadcast %mul3A_139 : i32 to vector<16xi32>
      %add3A_236 = arith.addi %min3A_234, %add3A_235 : vector<16xi32>
      %swap3A_237 = arith.constant 96 : index
      %swap3A_238 = tpu.vector_load %arg5[%swap3A_237] {strides = array<i32>} : memref<128xi32, #tpu.memory_space<vmem>>, vector<16xi32>,
      %swap3A_239 = vector.shape_cast %swap3A_238 : vector<16xi32> to vector<16xi32>
      %swap3A_240 = vector.shape_cast %add3A_236 : vector<16xi32> to vector<16xi32>
      tpu.vector_store %arg5[%swap3A_237], %swap3A_240 {strides = array<i32>} : memref<128xi32, #tpu.memory_space<vmem>>, vector<16xi32>,
      %get3A_241 = arith.constant 112 : index
      %get3A_242 = tpu.vector_load %arg5[%get3A_241] {strides = array<i32>} : memref<128xi32, #tpu.memory_space<vmem>>, vector<16xi32>,
      %get3A_243 = vector.shape_cast %get3A_242 : vector<16xi32> to vector<16xi32>
      %max3A_244 = arith.constant 0 : i32
      %max3A_245 = vector.broadcast %max3A_244 : i32 to vector<16xi32>
      %max3A_246 = arith.maxsi %get3A_243, %max3A_245 : vector<16xi32>
      %min3A_247 = arith.constant 999 : i32
      %min3A_248 = vector.broadcast %min3A_247 : i32 to vector<16xi32>
      %min3A_249 = arith.minsi %max3A_246, %min3A_248 : vector<16xi32>
      %add3A_250 = vector.broadcast %mul3A_139 : i32 to vector<16xi32>
      %add3A_251 = arith.addi %min3A_249, %add3A_250 : vector<16xi32>
      %swap3A_252 = arith.constant 112 : index
      %swap3A_253 = tpu.vector_load %arg5[%swap3A_252] {strides = array<i32>} : memref<128xi32, #tpu.memory_space<vmem>>, vector<16xi32>,
      %swap3A_254 = vector.shape_cast %swap3A_253 : vector<16xi32> to vector<16xi32>
      %swap3A_255 = vector.shape_cast %add3A_251 : vector<16xi32> to vector<16xi32>
      tpu.vector_store %arg5[%swap3A_252], %swap3A_255 {strides = array<i32>} : memref<128xi32, #tpu.memory_space<vmem>>, vector<16xi32>,
      %jit3A_256 = arith.constant 1 : i32
      %div3A_257 = arith.divsi %add3A_27, %jit3A_256 : i32
      %sign3A_258 = arith.constant 0 : i32
      %sign3A_259 = arith.cmpi sgt, %add3A_27, %sign3A_258 : i32
      %sign3A_260 = arith.extui %sign3A_259 : i1 to i32
      %sign3A_261 = arith.constant 0 : i32
      %sign3A_262 = arith.cmpi slt, %add3A_27, %sign3A_261 : i32
      %sign3A_263 = arith.extui %sign3A_262 : i1 to i32
      %sign3A_264 = arith.subi %sign3A_260, %sign3A_263 : i32
      %sign3A_265 = arith.constant 0 : i32
      %sign3A_266 = arith.cmpi sgt, %jit3A_256, %sign3A_265 : i32
      %sign3A_267 = arith.extui %sign3A_266 : i1 to i32
      %sign3A_268 = arith.constant 0 : i32
      %sign3A_269 = arith.cmpi slt, %jit3A_256, %sign3A_268 : i32
      %sign3A_270 = arith.extui %sign3A_269 : i1 to i32
      %sign3A_271 = arith.subi %sign3A_267, %sign3A_270 : i32
      %ne3A_272 = arith.cmpi ne, %sign3A_264, %sign3A_271 : i32
      %rem3A_273 = arith.remsi %add3A_27, %jit3A_256 : i32
      %ne3A_274 = arith.constant 0 : i32
      %ne3A_275 = arith.cmpi ne, %rem3A_273, %ne3A_274 : i32
      %and3A_276 = arith.andi %ne3A_272, %ne3A_275 : i1
      %sub3A_277 = arith.constant 1 : i32
      %sub3A_278 = arith.subi %div3A_257, %sub3A_277 : i32
      %select_n3A_279 = arith.select %and3A_276, %sub3A_278, %div3A_257 : i32
      %mul3A_280 = arith.constant 1000 : i32
      %mul3A_281 = arith.muli %select_n3A_279, %mul3A_280 : i32
      %get3A_282 = arith.constant 0 : index
      %get3A_283 = tpu.vector_load %arg6[%get3A_282] {strides = array<i32>} : memref<128xi32, #tpu.memory_space<vmem>>, vector<16xi32>,
      %get3A_284 = vector.shape_cast %get3A_283 : vector<16xi32> to vector<16xi32>
      %max3A_285 = arith.constant 0 : i32
      %max3A_286 = vector.broadcast %max3A_285 : i32 to vector<16xi32>
      %max3A_287 = arith.maxsi %get3A_284, %max3A_286 : vector<16xi32>
      %min3A_288 = arith.constant 999 : i32
      %min3A_289 = vector.broadcast %min3A_288 : i32 to vector<16xi32>
      %min3A_290 = arith.minsi %max3A_287, %min3A_289 : vector<16xi32>
      %add3A_291 = vector.broadcast %mul3A_281 : i32 to vector<16xi32>
      %add3A_292 = arith.addi %min3A_290, %add3A_291 : vector<16xi32>
      %swap3A_293 = arith.constant 0 : index
      %swap3A_294 = tpu.vector_load %arg6[%swap3A_293] {strides = array<i32>} : memref<128xi32, #tpu.memory_space<vmem>>, vector<16xi32>,
      %swap3A_295 = vector.shape_cast %swap3A_294 : vector<16xi32> to vector<16xi32>
      %swap3A_296 = vector.shape_cast %add3A_292 : vector<16xi32> to vector<16xi32>
      tpu.vector_store %arg6[%swap3A_293], %swap3A_296 {strides = array<i32>} : memref<128xi32, #tpu.memory_space<vmem>>, vector<16xi32>,
      %get3A_297 = arith.constant 16 : index
      %get3A_298 = tpu.vector_load %arg6[%get3A_297] {strides = array<i32>} : memref<128xi32, #tpu.memory_space<vmem>>, vector<16xi32>,
      %get3A_299 = vector.shape_cast %get3A_298 : vector<16xi32> to vector<16xi32>
      %max3A_300 = arith.constant 0 : i32
      %max3A_301 = vector.broadcast %max3A_300 : i32 to vector<16xi32>
      %max3A_302 = arith.maxsi %get3A_299, %max3A_301 : vector<16xi32>
      %min3A_303 = arith.constant 999 : i32
      %min3A_304 = vector.broadcast %min3A_303 : i32 to vector<16xi32>
      %min3A_305 = arith.minsi %max3A_302, %min3A_304 : vector<16xi32>
      %add3A_306 = vector.broadcast %mul3A_281 : i32 to vector<16xi32>
      %add3A_307 = arith.addi %min3A_305, %add3A_306 : vector<16xi32>
      %swap3A_308 = arith.constant 16 : index
      %swap3A_309 = tpu.vector_load %arg6[%swap3A_308] {strides = array<i32>} : memref<128xi32, #tpu.memory_space<vmem>>, vector<16xi32>,
      %swap3A_310 = vector.shape_cast %swap3A_309 : vector<16xi32> to vector<16xi32>
      %swap3A_311 = vector.shape_cast %add3A_307 : vector<16xi32> to vector<16xi32>
      tpu.vector_store %arg6[%swap3A_308], %swap3A_311 {strides = array<i32>} : memref<128xi32, #tpu.memory_space<vmem>>, vector<16xi32>,
      %get3A_312 = arith.constant 32 : index
      %get3A_313 = tpu.vector_load %arg6[%get3A_312] {strides = array<i32>} : memref<128xi32, #tpu.memory_space<vmem>>, vector<16xi32>,
      %get3A_314 = vector.shape_cast %get3A_313 : vector<16xi32> to vector<16xi32>
      %max3A_315 = arith.constant 0 : i32
      %max3A_316 = vector.broadcast %max3A_315 : i32 to vector<16xi32>
      %max3A_317 = arith.maxsi %get3A_314, %max3A_316 : vector<16xi32>
      %min3A_318 = arith.constant 999 : i32
      %min3A_319 = vector.broadcast %min3A_318 : i32 to vector<16xi32>
      %min3A_320 = arith.minsi %max3A_317, %min3A_319 : vector<16xi32>
      %add3A_321 = vector.broadcast %mul3A_281 : i32 to vector<16xi32>
      %add3A_322 = arith.addi %min3A_320, %add3A_321 : vector<16xi32>
      %swap3A_323 = arith.constant 32 : index
      %swap3A_324 = tpu.vector_load %arg6[%swap3A_323] {strides = array<i32>} : memref<128xi32, #tpu.memory_space<vmem>>, vector<16xi32>,
      %swap3A_325 = vector.shape_cast %swap3A_324 : vector<16xi32> to vector<16xi32>
      %swap3A_326 = vector.shape_cast %add3A_322 : vector<16xi32> to vector<16xi32>
      tpu.vector_store %arg6[%swap3A_323], %swap3A_326 {strides = array<i32>} : memref<128xi32, #tpu.memory_space<vmem>>, vector<16xi32>,
      %get3A_327 = arith.constant 48 : index
      %get3A_328 = tpu.vector_load %arg6[%get3A_327] {strides = array<i32>} : memref<128xi32, #tpu.memory_space<vmem>>, vector<16xi32>,
      %get3A_329 = vector.shape_cast %get3A_328 : vector<16xi32> to vector<16xi32>
      %max3A_330 = arith.constant 0 : i32
      %max3A_331 = vector.broadcast %max3A_330 : i32 to vector<16xi32>
      %max3A_332 = arith.maxsi %get3A_329, %max3A_331 : vector<16xi32>
      %min3A_333 = arith.constant 999 : i32
      %min3A_334 = vector.broadcast %min3A_333 : i32 to vector<16xi32>
      %min3A_335 = arith.minsi %max3A_332, %min3A_334 : vector<16xi32>
      %add3A_336 = vector.broadcast %mul3A_281 : i32 to vector<16xi32>
      %add3A_337 = arith.addi %min3A_335, %add3A_336 : vector<16xi32>
      %swap3A_338 = arith.constant 48 : index
      %swap3A_339 = tpu.vector_load %arg6[%swap3A_338] {strides = array<i32>} : memref<128xi32, #tpu.memory_space<vmem>>, vector<16xi32>,
      %swap3A_340 = vector.shape_cast %swap3A_339 : vector<16xi32> to vector<16xi32>
      %swap3A_341 = vector.shape_cast %add3A_337 : vector<16xi32> to vector<16xi32>
      tpu.vector_store %arg6[%swap3A_338], %swap3A_341 {strides = array<i32>} : memref<128xi32, #tpu.memory_space<vmem>>, vector<16xi32>,
      %get3A_342 = arith.constant 64 : index
      %get3A_343 = tpu.vector_load %arg6[%get3A_342] {strides = array<i32>} : memref<128xi32, #tpu.memory_space<vmem>>, vector<16xi32>,
      %get3A_344 = vector.shape_cast %get3A_343 : vector<16xi32> to vector<16xi32>
      %max3A_345 = arith.constant 0 : i32
      %max3A_346 = vector.broadcast %max3A_345 : i32 to vector<16xi32>
      %max3A_347 = arith.maxsi %get3A_344, %max3A_346 : vector<16xi32>
      %min3A_348 = arith.constant 999 : i32
      %min3A_349 = vector.broadcast %min3A_348 : i32 to vector<16xi32>
      %min3A_350 = arith.minsi %max3A_347, %min3A_349 : vector<16xi32>
      %add3A_351 = vector.broadcast %mul3A_281 : i32 to vector<16xi32>
      %add3A_352 = arith.addi %min3A_350, %add3A_351 : vector<16xi32>
      %swap3A_353 = arith.constant 64 : index
      %swap3A_354 = tpu.vector_load %arg6[%swap3A_353] {strides = array<i32>} : memref<128xi32, #tpu.memory_space<vmem>>, vector<16xi32>,
      %swap3A_355 = vector.shape_cast %swap3A_354 : vector<16xi32> to vector<16xi32>
      %swap3A_356 = vector.shape_cast %add3A_352 : vector<16xi32> to vector<16xi32>
      tpu.vector_store %arg6[%swap3A_353], %swap3A_356 {strides = array<i32>} : memref<128xi32, #tpu.memory_space<vmem>>, vector<16xi32>,
      %get3A_357 = arith.constant 80 : index
      %get3A_358 = tpu.vector_load %arg6[%get3A_357] {strides = array<i32>} : memref<128xi32, #tpu.memory_space<vmem>>, vector<16xi32>,
      %get3A_359 = vector.shape_cast %get3A_358 : vector<16xi32> to vector<16xi32>
      %max3A_360 = arith.constant 0 : i32
      %max3A_361 = vector.broadcast %max3A_360 : i32 to vector<16xi32>
      %max3A_362 = arith.maxsi %get3A_359, %max3A_361 : vector<16xi32>
      %min3A_363 = arith.constant 999 : i32
      %min3A_364 = vector.broadcast %min3A_363 : i32 to vector<16xi32>
      %min3A_365 = arith.minsi %max3A_362, %min3A_364 : vector<16xi32>
      %add3A_366 = vector.broadcast %mul3A_281 : i32 to vector<16xi32>
      %add3A_367 = arith.addi %min3A_365, %add3A_366 : vector<16xi32>
      %swap3A_368 = arith.constant 80 : index
      %swap3A_369 = tpu.vector_load %arg6[%swap3A_368] {strides = array<i32>} : memref<128xi32, #tpu.memory_space<vmem>>, vector<16xi32>,
      %swap3A_370 = vector.shape_cast %swap3A_369 : vector<16xi32> to vector<16xi32>
      %swap3A_371 = vector.shape_cast %add3A_367 : vector<16xi32> to vector<16xi32>
      tpu.vector_store %arg6[%swap3A_368], %swap3A_371 {strides = array<i32>} : memref<128xi32, #tpu.memory_space<vmem>>, vector<16xi32>,
      %get3A_372 = arith.constant 96 : index
      %get3A_373 = tpu.vector_load %arg6[%get3A_372] {strides = array<i32>} : memref<128xi32, #tpu.memory_space<vmem>>, vector<16xi32>,
      %get3A_374 = vector.shape_cast %get3A_373 : vector<16xi32> to vector<16xi32>
      %max3A_375 = arith.constant 0 : i32
      %max3A_376 = vector.broadcast %max3A_375 : i32 to vector<16xi32>
      %max3A_377 = arith.maxsi %get3A_374, %max3A_376 : vector<16xi32>
      %min3A_378 = arith.constant 999 : i32
      %min3A_379 = vector.broadcast %min3A_378 : i32 to vector<16xi32>
      %min3A_380 = arith.minsi %max3A_377, %min3A_379 : vector<16xi32>
      %add3A_381 = vector.broadcast %mul3A_281 : i32 to vector<16xi32>
      %add3A_382 = arith.addi %min3A_380, %add3A_381 : vector<16xi32>
      %swap3A_383 = arith.constant 96 : index
      %swap3A_384 = tpu.vector_load %arg6[%swap3A_383] {strides = array<i32>} : memref<128xi32, #tpu.memory_space<vmem>>, vector<16xi32>,
      %swap3A_385 = vector.shape_cast %swap3A_384 : vector<16xi32> to vector<16xi32>
      %swap3A_386 = vector.shape_cast %add3A_382 : vector<16xi32> to vector<16xi32>
      tpu.vector_store %arg6[%swap3A_383], %swap3A_386 {strides = array<i32>} : memref<128xi32, #tpu.memory_space<vmem>>, vector<16xi32>,
      %get3A_387 = arith.constant 112 : index
      %get3A_388 = tpu.vector_load %arg6[%get3A_387] {strides = array<i32>} : memref<128xi32, #tpu.memory_space<vmem>>, vector<16xi32>,
      %get3A_389 = vector.shape_cast %get3A_388 : vector<16xi32> to vector<16xi32>
      %max3A_390 = arith.constant 0 : i32
      %max3A_391 = vector.broadcast %max3A_390 : i32 to vector<16xi32>
      %max3A_392 = arith.maxsi %get3A_389, %max3A_391 : vector<16xi32>
      %min3A_393 = arith.constant 999 : i32
      %min3A_394 = vector.broadcast %min3A_393 : i32 to vector<16xi32>
      %min3A_395 = arith.minsi %max3A_392, %min3A_394 : vector<16xi32>
      %add3A_396 = vector.broadcast %mul3A_281 : i32 to vector<16xi32>
      %add3A_397 = arith.addi %min3A_395, %add3A_396 : vector<16xi32>
      %swap3A_398 = arith.constant 112 : index
      %swap3A_399 = tpu.vector_load %arg6[%swap3A_398] {strides = array<i32>} : memref<128xi32, #tpu.memory_space<vmem>>, vector<16xi32>,
      %swap3A_400 = vector.shape_cast %swap3A_399 : vector<16xi32> to vector<16xi32>
      %swap3A_401 = vector.shape_cast %add3A_397 : vector<16xi32> to vector<16xi32>
      tpu.vector_store %arg6[%swap3A_398], %swap3A_401 {strides = array<i32>} : memref<128xi32, #tpu.memory_space<vmem>>, vector<16xi32>,
      %gt3A = arith.constant 0 : i32
      %gt3A_402 = arith.cmpi sgt, %scan3A_21, %gt3A : i32
      %convert_element_type3A = arith.extui %gt3A_402 : i1 to i32
      %cond3A = arith.constant 0 : i32
      %cond3A_403 = arith.cmpi ne, %convert_element_type3A, %cond3A : i32
      scf.if %cond3A_403 {
        %dma_wait3A_518 = arith.constant 0 : i32
        %dma_wait3A_519 = arith.constant 0 : i32
        %dma_wait3A_520 = tpu.memref_slice %arg4[%dma_wait3A_518, %mul3A_2, %dma_wait3A_519] : memref<26x4096x128xf32, #tpu.memory_space<hbm>> -> memref<1x128x128xf32, #tpu.memory_space<hbm>>
        %dma_wait3A_521 = tpu.memref_squeeze %dma_wait3A_520 : memref<1x128x128xf32, #tpu.memory_space<hbm>> -> memref<128x128xf32, #tpu.memory_space<hbm>>
        %dma_wait3A_522 = arith.constant 0 : i32
        %dma_wait3A_523 = tpu.memref_slice %arg4[%dma_wait3A_518, %mul3A_2, %dma_wait3A_522] : memref<26x4096x128xf32, #tpu.memory_space<hbm>> -> memref<1x128x128xf32, #tpu.memory_space<hbm>>
        %dma_wait3A_524 = tpu.memref_squeeze %dma_wait3A_523 : memref<1x128x128xf32, #tpu.memory_space<hbm>> -> memref<128x128xf32, #tpu.memory_space<hbm>>
        tpu.wait_dma2 semaphore(%arg11 : memref<!tpu.dma_semaphore, #tpu.memory_space<semaphore_mem>>) src(%arg7 : memref<128x128xf32, #tpu.memory_space<vmem>>) dst(%dma_wait3A_524 : memref<128x128xf32, #tpu.memory_space<hbm>>)
      } else {
      }
      %dma_start3A = arith.constant 0 : i32
      %dma_start3A_404 = arith.constant 0 : i32
      %dma_start3A_405 = tpu.memref_slice %arg3[%dma_start3A, %dma_start3A_404] : memref<26000x128xf32, #tpu.memory_space<hbm>> -> memref<26000x128xf32, #tpu.memory_space<hbm>>
      tpu.enqueue_indirect_dma source(%dma_start3A_405 : memref<26000x128xf32, #tpu.memory_space<hbm>>) target(%arg7 : memref<128x128xf32, #tpu.memory_space<vmem>>) offsets(%arg5 : memref<128xi32, #tpu.memory_space<vmem>>) semaphore(%arg9 : memref<!tpu.dma_semaphore, #tpu.memory_space<semaphore_mem>>)
      %gt3A_406 = arith.constant 0 : i32
      %gt3A_407 = arith.cmpi sgt, %scan3A_21, %gt3A_406 : i32
      %convert_element_type3A_408 = arith.extui %gt3A_407 : i1 to i32
      %cond3A_409 = arith.constant 0 : i32
      %cond3A_410 = arith.cmpi ne, %convert_element_type3A_408, %cond3A_409 : i32
      scf.if %cond3A_410 {
        %dma_wait3A_518 = arith.constant 0 : i32
        %dma_wait3A_519 = arith.constant 0 : i32
        %dma_wait3A_520 = tpu.memref_slice %arg4[%dma_wait3A_518, %mul3A_2, %dma_wait3A_519] : memref<26x4096x128xf32, #tpu.memory_space<hbm>> -> memref<1x128x128xf32, #tpu.memory_space<hbm>>
        %dma_wait3A_521 = tpu.memref_squeeze %dma_wait3A_520 : memref<1x128x128xf32, #tpu.memory_space<hbm>> -> memref<128x128xf32, #tpu.memory_space<hbm>>
        %dma_wait3A_522 = arith.constant 0 : i32
        %dma_wait3A_523 = tpu.memref_slice %arg4[%dma_wait3A_518, %mul3A_2, %dma_wait3A_522] : memref<26x4096x128xf32, #tpu.memory_space<hbm>> -> memref<1x128x128xf32, #tpu.memory_space<hbm>>
        %dma_wait3A_524 = tpu.memref_squeeze %dma_wait3A_523 : memref<1x128x128xf32, #tpu.memory_space<hbm>> -> memref<128x128xf32, #tpu.memory_space<hbm>>
        tpu.wait_dma2 semaphore(%arg12 : memref<!tpu.dma_semaphore, #tpu.memory_space<semaphore_mem>>) src(%arg8 : memref<128x128xf32, #tpu.memory_space<vmem>>) dst(%dma_wait3A_524 : memref<128x128xf32, #tpu.memory_space<hbm>>)
      } else {
      }
      %dma_start3A_411 = arith.constant 0 : i32
      %dma_start3A_412 = arith.constant 0 : i32
      %dma_start3A_413 = tpu.memref_slice %arg3[%dma_start3A_411, %dma_start3A_412] : memref<26000x128xf32, #tpu.memory_space<hbm>> -> memref<26000x128xf32, #tpu.memory_space<hbm>>
      tpu.enqueue_indirect_dma source(%dma_start3A_413 : memref<26000x128xf32, #tpu.memory_space<hbm>>) target(%arg8 : memref<128x128xf32, #tpu.memory_space<vmem>>) offsets(%arg6 : memref<128xi32, #tpu.memory_space<vmem>>) semaphore(%arg10 : memref<!tpu.dma_semaphore, #tpu.memory_space<semaphore_mem>>)
      %dma_wait3A_414 = arith.constant 0 : i32
      %dma_wait3A_415 = arith.constant 0 : i32
      %dma_wait3A_416 = tpu.memref_slice %arg3[%dma_wait3A_414, %dma_wait3A_415] : memref<26000x128xf32, #tpu.memory_space<hbm>> -> memref<26000x128xf32, #tpu.memory_space<hbm>>
      tpu.wait_indirect_dma semaphore(%arg9 : memref<!tpu.dma_semaphore, #tpu.memory_space<semaphore_mem>>) src(%dma_wait3A_416 : memref<26000x128xf32, #tpu.memory_space<hbm>>) dst(%arg7 : memref<128x128xf32, #tpu.memory_space<vmem>>)
      %jit3A_417 = arith.constant 1 : i32
      %div3A_418 = arith.divsi %mul3A_23, %jit3A_417 : i32
      %sign3A_419 = arith.constant 0 : i32
      %sign3A_420 = arith.cmpi sgt, %mul3A_23, %sign3A_419 : i32
      %sign3A_421 = arith.extui %sign3A_420 : i1 to i32
      %sign3A_422 = arith.constant 0 : i32
      %sign3A_423 = arith.cmpi slt, %mul3A_23, %sign3A_422 : i32
      %sign3A_424 = arith.extui %sign3A_423 : i1 to i32
      %sign3A_425 = arith.subi %sign3A_421, %sign3A_424 : i32
      %sign3A_426 = arith.constant 0 : i32
      %sign3A_427 = arith.cmpi sgt, %jit3A_417, %sign3A_426 : i32
      %sign3A_428 = arith.extui %sign3A_427 : i1 to i32
      %sign3A_429 = arith.constant 0 : i32
      %sign3A_430 = arith.cmpi slt, %jit3A_417, %sign3A_429 : i32
      %sign3A_431 = arith.extui %sign3A_430 : i1 to i32
      %sign3A_432 = arith.subi %sign3A_428, %sign3A_431 : i32
      %ne3A_433 = arith.cmpi ne, %sign3A_425, %sign3A_432 : i32
      %rem3A_434 = arith.remsi %mul3A_23, %jit3A_417 : i32
      %ne3A_435 = arith.constant 0 : i32
      %ne3A_436 = arith.cmpi ne, %rem3A_434, %ne3A_435 : i32
      %and3A_437 = arith.andi %ne3A_433, %ne3A_436 : i1
      %sub3A_438 = arith.constant 1 : i32
      %sub3A_439 = arith.subi %div3A_418, %sub3A_438 : i32
      %select_n3A_440 = arith.select %and3A_437, %sub3A_439, %div3A_418 : i32
      %jit3A_441 = arith.constant 1 : i32
      %eq3A_442 = arith.constant 0 : i32
      %eq3A_443 = arith.cmpi eq, %jit3A_441, %eq3A_442 : i32
      %jit3A_444 = arith.constant 1 : i32
      %select_n3A_445 = arith.select %eq3A_443, %jit3A_444, %jit3A_441 : i32
      %rem3A_446 = arith.remsi %mul3A_23, %select_n3A_445 : i32
      %ne3A_447 = arith.constant 0 : i32
      %ne3A_448 = arith.cmpi ne, %rem3A_446, %ne3A_447 : i32
      %lt3A_449 = arith.constant 0 : i32
      %lt3A_450 = arith.cmpi slt, %rem3A_446, %lt3A_449 : i32
      %lt3A_451 = arith.constant 0 : i32
      %lt3A_452 = arith.cmpi slt, %select_n3A_445, %lt3A_451 : i32
      %ne3A_453 = arith.xori %lt3A_450, %lt3A_452 : i1
      %and3A_454 = arith.andi %ne3A_453, %ne3A_448 : i1
      %add3A_455 = arith.addi %rem3A_446, %select_n3A_445 : i32
      %select_n3A_456 = arith.select %and3A_454, %add3A_455, %rem3A_446 : i32
      %mul3A_457 = arith.constant 128 : i32
      %mul3A_458 = arith.muli %select_n3A_456, %mul3A_457 : i32
      %add3A_459 = arith.addi %mul3A_2, %mul3A_458 : i32
      %dma_start3A_460 = arith.constant 0 : i32
      %dma_start3A_461 = tpu.memref_slice %arg4[%select_n3A_440, %add3A_459, %dma_start3A_460] : memref<26x4096x128xf32, #tpu.memory_space<hbm>> -> memref<1x128x128xf32, #tpu.memory_space<hbm>>
      %dma_start3A_462 = tpu.memref_squeeze %dma_start3A_461 : memref<1x128x128xf32, #tpu.memory_space<hbm>> -> memref<128x128xf32, #tpu.memory_space<hbm>>
      %dma_start3A_463 = arith.constant 0 : i32
      %dma_start3A_464 = tpu.memref_slice %arg4[%select_n3A_440, %add3A_459, %dma_start3A_463] : memref<26x4096x128xf32, #tpu.memory_space<hbm>> -> memref<1x128x128xf32, #tpu.memory_space<hbm>>
      %dma_start3A_465 = tpu.memref_squeeze %dma_start3A_464 : memref<1x128x128xf32, #tpu.memory_space<hbm>> -> memref<128x128xf32, #tpu.memory_space<hbm>>
      tpu.enqueue_dma source(%arg7 : memref<128x128xf32, #tpu.memory_space<vmem>>) target(%dma_start3A_465 : memref<128x128xf32, #tpu.memory_space<hbm>>) target_semaphore(%arg11 : memref<!tpu.dma_semaphore, #tpu.memory_space<semaphore_mem>>)
      %dma_wait3A_466 = arith.constant 0 : i32
      %dma_wait3A_467 = arith.constant 0 : i32
      %dma_wait3A_468 = tpu.memref_slice %arg3[%dma_wait3A_466, %dma_wait3A_467] : memref<26000x128xf32, #tpu.memory_space<hbm>> -> memref<26000x128xf32, #tpu.memory_space<hbm>>
      tpu.wait_indirect_dma semaphore(%arg10 : memref<!tpu.dma_semaphore, #tpu.memory_space<semaphore_mem>>) src(%dma_wait3A_468 : memref<26000x128xf32, #tpu.memory_space<hbm>>) dst(%arg8 : memref<128x128xf32, #tpu.memory_space<vmem>>)
      %jit3A_469 = arith.constant 1 : i32
      %div3A_470 = arith.divsi %add3A_27, %jit3A_469 : i32
      %sign3A_471 = arith.constant 0 : i32
      %sign3A_472 = arith.cmpi sgt, %add3A_27, %sign3A_471 : i32
      %sign3A_473 = arith.extui %sign3A_472 : i1 to i32
      %sign3A_474 = arith.constant 0 : i32
      %sign3A_475 = arith.cmpi slt, %add3A_27, %sign3A_474 : i32
      %sign3A_476 = arith.extui %sign3A_475 : i1 to i32
      %sign3A_477 = arith.subi %sign3A_473, %sign3A_476 : i32
      %sign3A_478 = arith.constant 0 : i32
      %sign3A_479 = arith.cmpi sgt, %jit3A_469, %sign3A_478 : i32
      %sign3A_480 = arith.extui %sign3A_479 : i1 to i32
      %sign3A_481 = arith.constant 0 : i32
      %sign3A_482 = arith.cmpi slt, %jit3A_469, %sign3A_481 : i32
      %sign3A_483 = arith.extui %sign3A_482 : i1 to i32
      %sign3A_484 = arith.subi %sign3A_480, %sign3A_483 : i32
      %ne3A_485 = arith.cmpi ne, %sign3A_477, %sign3A_484 : i32
      %rem3A_486 = arith.remsi %add3A_27, %jit3A_469 : i32
      %ne3A_487 = arith.constant 0 : i32
      %ne3A_488 = arith.cmpi ne, %rem3A_486, %ne3A_487 : i32
      %and3A_489 = arith.andi %ne3A_485, %ne3A_488 : i1
      %sub3A_490 = arith.constant 1 : i32
      %sub3A_491 = arith.subi %div3A_470, %sub3A_490 : i32
      %select_n3A_492 = arith.select %and3A_489, %sub3A_491, %div3A_470 : i32
      %jit3A_493 = arith.constant 1 : i32
      %eq3A_494 = arith.constant 0 : i32
      %eq3A_495 = arith.cmpi eq, %jit3A_493, %eq3A_494 : i32
      %jit3A_496 = arith.constant 1 : i32
      %select_n3A_497 = arith.select %eq3A_495, %jit3A_496, %jit3A_493 : i32
      %rem3A_498 = arith.remsi %add3A_27, %select_n3A_497 : i32
      %ne3A_499 = arith.constant 0 : i32
      %ne3A_500 = arith.cmpi ne, %rem3A_498, %ne3A_499 : i32
      %lt3A_501 = arith.constant 0 : i32
      %lt3A_502 = arith.cmpi slt, %rem3A_498, %lt3A_501 : i32
      %lt3A_503 = arith.constant 0 : i32
      %lt3A_504 = arith.cmpi slt, %select_n3A_497, %lt3A_503 : i32
      %ne3A_505 = arith.xori %lt3A_502, %lt3A_504 : i1
      %and3A_506 = arith.andi %ne3A_505, %ne3A_500 : i1
      %add3A_507 = arith.addi %rem3A_498, %select_n3A_497 : i32
      %select_n3A_508 = arith.select %and3A_506, %add3A_507, %rem3A_498 : i32
      %mul3A_509 = arith.constant 128 : i32
      %mul3A_510 = arith.muli %select_n3A_508, %mul3A_509 : i32
      %add3A_511 = arith.addi %mul3A_2, %mul3A_510 : i32
      %dma_start3A_512 = arith.constant 0 : i32
      %dma_start3A_513 = tpu.memref_slice %arg4[%select_n3A_492, %add3A_511, %dma_start3A_512] : memref<26x4096x128xf32, #tpu.memory_space<hbm>> -> memref<1x128x128xf32, #tpu.memory_space<hbm>>
      %dma_start3A_514 = tpu.memref_squeeze %dma_start3A_513 : memref<1x128x128xf32, #tpu.memory_space<hbm>> -> memref<128x128xf32, #tpu.memory_space<hbm>>
      %dma_start3A_515 = arith.constant 0 : i32
      %dma_start3A_516 = tpu.memref_slice %arg4[%select_n3A_492, %add3A_511, %dma_start3A_515] : memref<26x4096x128xf32, #tpu.memory_space<hbm>> -> memref<1x128x128xf32, #tpu.memory_space<hbm>>
      %dma_start3A_517 = tpu.memref_squeeze %dma_start3A_516 : memref<1x128x128xf32, #tpu.memory_space<hbm>> -> memref<128x128xf32, #tpu.memory_space<hbm>>
      tpu.enqueue_dma source(%arg8 : memref<128x128xf32, #tpu.memory_space<vmem>>) target(%dma_start3A_517 : memref<128x128xf32, #tpu.memory_space<hbm>>) target_semaphore(%arg12 : memref<!tpu.dma_semaphore, #tpu.memory_space<semaphore_mem>>)
    }
    %scan3A_7 = arith.constant 13 : i32
    %dma_wait3A = arith.constant 0 : i32
    %dma_wait3A_8 = arith.constant 0 : i32
    %dma_wait3A_9 = tpu.memref_slice %arg4[%dma_wait3A, %mul3A_2, %dma_wait3A_8] : memref<26x4096x128xf32, #tpu.memory_space<hbm>> -> memref<1x128x128xf32, #tpu.memory_space<hbm>>
    %dma_wait3A_10 = tpu.memref_squeeze %dma_wait3A_9 : memref<1x128x128xf32, #tpu.memory_space<hbm>> -> memref<128x128xf32, #tpu.memory_space<hbm>>
    %dma_wait3A_11 = arith.constant 0 : i32
    %dma_wait3A_12 = tpu.memref_slice %arg4[%dma_wait3A, %mul3A_2, %dma_wait3A_11] : memref<26x4096x128xf32, #tpu.memory_space<hbm>> -> memref<1x128x128xf32, #tpu.memory_space<hbm>>
    %dma_wait3A_13 = tpu.memref_squeeze %dma_wait3A_12 : memref<1x128x128xf32, #tpu.memory_space<hbm>> -> memref<128x128xf32, #tpu.memory_space<hbm>>
    tpu.wait_dma2 semaphore(%arg11 : memref<!tpu.dma_semaphore, #tpu.memory_space<semaphore_mem>>) src(%arg7 : memref<128x128xf32, #tpu.memory_space<vmem>>) dst(%dma_wait3A_13 : memref<128x128xf32, #tpu.memory_space<hbm>>)
    %dma_wait3A_14 = arith.constant 0 : i32
    %dma_wait3A_15 = arith.constant 0 : i32
    %dma_wait3A_16 = tpu.memref_slice %arg4[%dma_wait3A_14, %mul3A_2, %dma_wait3A_15] : memref<26x4096x128xf32, #tpu.memory_space<hbm>> -> memref<1x128x128xf32, #tpu.memory_space<hbm>>
    %dma_wait3A_17 = tpu.memref_squeeze %dma_wait3A_16 : memref<1x128x128xf32, #tpu.memory_space<hbm>> -> memref<128x128xf32, #tpu.memory_space<hbm>>
    %dma_wait3A_18 = arith.constant 0 : i32
    %dma_wait3A_19 = tpu.memref_slice %arg4[%dma_wait3A_14, %mul3A_2, %dma_wait3A_18] : memref<26x4096x128xf32, #tpu.memory_space<hbm>> -> memref<1x128x128xf32, #tpu.memory_space<hbm>>
    %dma_wait3A_20 = tpu.memref_squeeze %dma_wait3A_19 : memref<1x128x128xf32, #tpu.memory_space<hbm>> -> memref<128x128xf32, #tpu.memory_space<hbm>>
    tpu.wait_dma2 semaphore(%arg12 : memref<!tpu.dma_semaphore, #tpu.memory_space<semaphore_mem>>) src(%arg8 : memref<128x128xf32, #tpu.memory_space<vmem>>) dst(%dma_wait3A_20 : memref<128x128xf32, #tpu.memory_space<hbm>>)
    return
  }
}

#map = affine_map<(d0, d1) -> (0)>
#map1 = affine_map<(d0, d1) -> (0, 0)>
#map2 = affine_map<(d0, d1) -> (0, 0, 0)>
module attributes {stable_mosaic.version = 14 : i64} {
  func.func @k(%arg0: i32, %arg1: i32, %arg2: memref<425984xi32, #tpu.memory_space<hbm>>, %arg3: memref<26000x128xf32, #tpu.memory_space<hbm>>, %arg4: memref<26x4096x128xf32, #tpu.memory_space<hbm>>, %arg5: memref<128xi32, #tpu.memory_space<vmem>>, %arg6: memref<128xi32, #tpu.memory_space<vmem>>, %arg7: memref<128x128xf32, #tpu.memory_space<vmem>>, %arg8: memref<128x128xf32, #tpu.memory_space<vmem>>, %arg9: memref<!tpu.dma_semaphore, #tpu.memory_space<semaphore_mem>>, %arg10: memref<!tpu.dma_semaphore, #tpu.memory_space<semaphore_mem>>, %arg11: memref<!tpu.dma_semaphore, #tpu.memory_space<semaphore_mem>>, %arg12: memref<!tpu.dma_semaphore, #tpu.memory_space<semaphore_mem>>) attributes {dimension_semantics = [#tpu.dimension_semantics<core_parallel>, #tpu.dimension_semantics<subcore_parallel>], iteration_bounds = array<i64: 2, 16>, scalar_prefetch = 0 : i64, scratch_operands = 8 : i64, tpu.core_type = #tpu.core_type<sc_vector_subcore>, window_params = [{transform_indices = #map}, {transform_indices = #map1}, {transform_indices = #map2}]} {
    %mul3A = arith.constant 2 : i32
    %mul3A_0 = arith.muli %arg1, %mul3A : i32
    %add3A = arith.addi %mul3A_0, %arg0 : i32
    %mul3A_1 = arith.constant 128 : i32
    %mul3A_2 = arith.muli %add3A, %mul3A_1 : i32
    %scan3A = arith.constant 0 : i32
    %scan3A_3 = arith.constant 0 : i32
    %scan3A_4 = arith.constant 13 : i32
    %scan3A_5 = arith.addi %scan3A_3, %scan3A_4 : i32
    %scan3A_6 = arith.constant 1 : i32
    scf.for %scan3A_21 = %scan3A_3 to %scan3A_5 step %scan3A_6  : i32 {
      %mul3A_22 = arith.constant 2 : i32
      %mul3A_23 = arith.muli %mul3A_22, %scan3A_21 : i32
      %mul3A_24 = arith.constant 2 : i32
      %mul3A_25 = arith.muli %mul3A_24, %scan3A_21 : i32
      %add3A_26 = arith.constant 1 : i32
      %add3A_27 = arith.addi %mul3A_25, %add3A_26 : i32
      %jit3A = arith.constant 1 : i32
      %div3A = arith.divsi %mul3A_23, %jit3A : i32
      %sign3A = arith.constant 0 : i32
      %sign3A_28 = arith.cmpi sgt, %mul3A_23, %sign3A : i32
      %sign3A_29 = arith.extui %sign3A_28 : i1 to i32
      %sign3A_30 = arith.constant 0 : i32
      %sign3A_31 = arith.cmpi slt, %mul3A_23, %sign3A_30 : i32
      %sign3A_32 = arith.extui %sign3A_31 : i1 to i32
      %sign3A_33 = arith.subi %sign3A_29, %sign3A_32 : i32
      %sign3A_34 = arith.constant 0 : i32
      %sign3A_35 = arith.cmpi sgt, %jit3A, %sign3A_34 : i32
      %sign3A_36 = arith.extui %sign3A_35 : i1 to i32
      %sign3A_37 = arith.constant 0 : i32
      %sign3A_38 = arith.cmpi slt, %jit3A, %sign3A_37 : i32
      %sign3A_39 = arith.extui %sign3A_38 : i1 to i32
      %sign3A_40 = arith.subi %sign3A_36, %sign3A_39 : i32
      %ne3A = arith.cmpi ne, %sign3A_33, %sign3A_40 : i32
      %rem3A = arith.remsi %mul3A_23, %jit3A : i32
      %ne3A_41 = arith.constant 0 : i32
      %ne3A_42 = arith.cmpi ne, %rem3A, %ne3A_41 : i32
      %and3A = arith.andi %ne3A, %ne3A_42 : i1
      %sub3A = arith.constant 1 : i32
      %sub3A_43 = arith.subi %div3A, %sub3A : i32
      %select_n3A = arith.select %and3A, %sub3A_43, %div3A : i32
      %mul3A_44 = arith.constant 16384 : i32
      %mul3A_45 = arith.muli %select_n3A, %mul3A_44 : i32
      %add3A_46 = arith.constant 4096 : i32
      %add3A_47 = arith.addi %mul3A_45, %add3A_46 : i32
      %add3A_48 = arith.addi %add3A_47, %mul3A_2 : i32
      %jit3A_49 = arith.constant 1 : i32
      %eq3A = arith.constant 0 : i32
      %eq3A_50 = arith.cmpi eq, %jit3A_49, %eq3A : i32
      %jit3A_51 = arith.constant 1 : i32
      %select_n3A_52 = arith.select %eq3A_50, %jit3A_51, %jit3A_49 : i32
      %rem3A_53 = arith.remsi %mul3A_23, %select_n3A_52 : i32
      %ne3A_54 = arith.constant 0 : i32
      %ne3A_55 = arith.cmpi ne, %rem3A_53, %ne3A_54 : i32
      %lt3A = arith.constant 0 : i32
      %lt3A_56 = arith.cmpi slt, %rem3A_53, %lt3A : i32
      %lt3A_57 = arith.constant 0 : i32
      %lt3A_58 = arith.cmpi slt, %select_n3A_52, %lt3A_57 : i32
      %ne3A_59 = arith.xori %lt3A_56, %lt3A_58 : i1
      %and3A_60 = arith.andi %ne3A_59, %ne3A_55 : i1
      %add3A_61 = arith.addi %rem3A_53, %select_n3A_52 : i32
      %select_n3A_62 = arith.select %and3A_60, %add3A_61, %rem3A_53 : i32
      %mul3A_63 = arith.constant 128 : i32
      %mul3A_64 = arith.muli %select_n3A_62, %mul3A_63 : i32
      %add3A_65 = arith.addi %add3A_48, %mul3A_64 : i32
      "tpu.region"() ({
        %run_scoped3A = tpu.sem_alloc : memref<!tpu.dma_semaphore, #tpu.memory_space<semaphore_mem>>
        %dma_start3A_518 = tpu.memref_slice %arg2[%add3A_65] : memref<425984xi32, #tpu.memory_space<hbm>> -> memref<128xi32, #tpu.memory_space<hbm>>
        %dma_start3A_519 = tpu.memref_slice %arg2[%add3A_65] : memref<425984xi32, #tpu.memory_space<hbm>> -> memref<128xi32, #tpu.memory_space<hbm>>
        tpu.enqueue_dma source(%dma_start3A_519 : memref<128xi32, #tpu.memory_space<hbm>>) target(%arg5 : memref<128xi32, #tpu.memory_space<vmem>>) target_semaphore(%run_scoped3A : memref<!tpu.dma_semaphore, #tpu.memory_space<semaphore_mem>>)
        %dma_wait3A_520 = tpu.memref_slice %arg2[%add3A_65] : memref<425984xi32, #tpu.memory_space<hbm>> -> memref<128xi32, #tpu.memory_space<hbm>>
        %dma_wait3A_521 = tpu.memref_slice %arg2[%add3A_65] : memref<425984xi32, #tpu.memory_space<hbm>> -> memref<128xi32, #tpu.memory_space<hbm>>
        tpu.wait_dma2 semaphore(%run_scoped3A : memref<!tpu.dma_semaphore, #tpu.memory_space<semaphore_mem>>) src(%dma_wait3A_521 : memref<128xi32, #tpu.memory_space<hbm>>) dst(%arg5 : memref<128xi32, #tpu.memory_space<vmem>>)
        tpu.yield
      }) : () -> ()
      %jit3A_66 = arith.constant 1 : i32
      %div3A_67 = arith.divsi %add3A_27, %jit3A_66 : i32
      %sign3A_68 = arith.constant 0 : i32
      %sign3A_69 = arith.cmpi sgt, %add3A_27, %sign3A_68 : i32
      %sign3A_70 = arith.extui %sign3A_69 : i1 to i32
      %sign3A_71 = arith.constant 0 : i32
      %sign3A_72 = arith.cmpi slt, %add3A_27, %sign3A_71 : i32
      %sign3A_73 = arith.extui %sign3A_72 : i1 to i32
      %sign3A_74 = arith.subi %sign3A_70, %sign3A_73 : i32
      %sign3A_75 = arith.constant 0 : i32
      %sign3A_76 = arith.cmpi sgt, %jit3A_66, %sign3A_75 : i32
      %sign3A_77 = arith.extui %sign3A_76 : i1 to i32
      %sign3A_78 = arith.constant 0 : i32
      %sign3A_79 = arith.cmpi slt, %jit3A_66, %sign3A_78 : i32
      %sign3A_80 = arith.extui %sign3A_79 : i1 to i32
      %sign3A_81 = arith.subi %sign3A_77, %sign3A_80 : i32
      %ne3A_82 = arith.cmpi ne, %sign3A_74, %sign3A_81 : i32
      %rem3A_83 = arith.remsi %add3A_27, %jit3A_66 : i32
      %ne3A_84 = arith.constant 0 : i32
      %ne3A_85 = arith.cmpi ne, %rem3A_83, %ne3A_84 : i32
      %and3A_86 = arith.andi %ne3A_82, %ne3A_85 : i1
      %sub3A_87 = arith.constant 1 : i32
      %sub3A_88 = arith.subi %div3A_67, %sub3A_87 : i32
      %select_n3A_89 = arith.select %and3A_86, %sub3A_88, %div3A_67 : i32
      %mul3A_90 = arith.constant 16384 : i32
      %mul3A_91 = arith.muli %select_n3A_89, %mul3A_90 : i32
      %add3A_92 = arith.constant 4096 : i32
      %add3A_93 = arith.addi %mul3A_91, %add3A_92 : i32
      %add3A_94 = arith.addi %add3A_93, %mul3A_2 : i32
      %jit3A_95 = arith.constant 1 : i32
      %eq3A_96 = arith.constant 0 : i32
      %eq3A_97 = arith.cmpi eq, %jit3A_95, %eq3A_96 : i32
      %jit3A_98 = arith.constant 1 : i32
      %select_n3A_99 = arith.select %eq3A_97, %jit3A_98, %jit3A_95 : i32
      %rem3A_100 = arith.remsi %add3A_27, %select_n3A_99 : i32
      %ne3A_101 = arith.constant 0 : i32
      %ne3A_102 = arith.cmpi ne, %rem3A_100, %ne3A_101 : i32
      %lt3A_103 = arith.constant 0 : i32
      %lt3A_104 = arith.cmpi slt, %rem3A_100, %lt3A_103 : i32
      %lt3A_105 = arith.constant 0 : i32
      %lt3A_106 = arith.cmpi slt, %select_n3A_99, %lt3A_105 : i32
      %ne3A_107 = arith.xori %lt3A_104, %lt3A_106 : i1
      %and3A_108 = arith.andi %ne3A_107, %ne3A_102 : i1
      %add3A_109 = arith.addi %rem3A_100, %select_n3A_99 : i32
      %select_n3A_110 = arith.select %and3A_108, %add3A_109, %rem3A_100 : i32
      %mul3A_111 = arith.constant 128 : i32
      %mul3A_112 = arith.muli %select_n3A_110, %mul3A_111 : i32
      %add3A_113 = arith.addi %add3A_94, %mul3A_112 : i32
      "tpu.region"() ({
        %run_scoped3A = tpu.sem_alloc : memref<!tpu.dma_semaphore, #tpu.memory_space<semaphore_mem>>
        %dma_start3A_518 = tpu.memref_slice %arg2[%add3A_113] : memref<425984xi32, #tpu.memory_space<hbm>> -> memref<128xi32, #tpu.memory_space<hbm>>
        %dma_start3A_519 = tpu.memref_slice %arg2[%add3A_113] : memref<425984xi32, #tpu.memory_space<hbm>> -> memref<128xi32, #tpu.memory_space<hbm>>
        tpu.enqueue_dma source(%dma_start3A_519 : memref<128xi32, #tpu.memory_space<hbm>>) target(%arg6 : memref<128xi32, #tpu.memory_space<vmem>>) target_semaphore(%run_scoped3A : memref<!tpu.dma_semaphore, #tpu.memory_space<semaphore_mem>>)
        %dma_wait3A_520 = tpu.memref_slice %arg2[%add3A_113] : memref<425984xi32, #tpu.memory_space<hbm>> -> memref<128xi32, #tpu.memory_space<hbm>>
        %dma_wait3A_521 = tpu.memref_slice %arg2[%add3A_113] : memref<425984xi32, #tpu.memory_space<hbm>> -> memref<128xi32, #tpu.memory_space<hbm>>
        tpu.wait_dma2 semaphore(%run_scoped3A : memref<!tpu.dma_semaphore, #tpu.memory_space<semaphore_mem>>) src(%dma_wait3A_521 : memref<128xi32, #tpu.memory_space<hbm>>) dst(%arg6 : memref<128xi32, #tpu.memory_space<vmem>>)
        tpu.yield
      }) : () -> ()
      %jit3A_114 = arith.constant 1 : i32
      %div3A_115 = arith.divsi %mul3A_23, %jit3A_114 : i32
      %sign3A_116 = arith.constant 0 : i32
      %sign3A_117 = arith.cmpi sgt, %mul3A_23, %sign3A_116 : i32
      %sign3A_118 = arith.extui %sign3A_117 : i1 to i32
      %sign3A_119 = arith.constant 0 : i32
      %sign3A_120 = arith.cmpi slt, %mul3A_23, %sign3A_119 : i32
      %sign3A_121 = arith.extui %sign3A_120 : i1 to i32
      %sign3A_122 = arith.subi %sign3A_118, %sign3A_121 : i32
      %sign3A_123 = arith.constant 0 : i32
      %sign3A_124 = arith.cmpi sgt, %jit3A_114, %sign3A_123 : i32
      %sign3A_125 = arith.extui %sign3A_124 : i1 to i32
      %sign3A_126 = arith.constant 0 : i32
      %sign3A_127 = arith.cmpi slt, %jit3A_114, %sign3A_126 : i32
      %sign3A_128 = arith.extui %sign3A_127 : i1 to i32
      %sign3A_129 = arith.subi %sign3A_125, %sign3A_128 : i32
      %ne3A_130 = arith.cmpi ne, %sign3A_122, %sign3A_129 : i32
      %rem3A_131 = arith.remsi %mul3A_23, %jit3A_114 : i32
      %ne3A_132 = arith.constant 0 : i32
      %ne3A_133 = arith.cmpi ne, %rem3A_131, %ne3A_132 : i32
      %and3A_134 = arith.andi %ne3A_130, %ne3A_133 : i1
      %sub3A_135 = arith.constant 1 : i32
      %sub3A_136 = arith.subi %div3A_115, %sub3A_135 : i32
      %select_n3A_137 = arith.select %and3A_134, %sub3A_136, %div3A_115 : i32
      %mul3A_138 = arith.constant 1000 : i32
      %mul3A_139 = arith.muli %select_n3A_137, %mul3A_138 : i32
      %get3A = arith.constant 0 : index
      %get3A_140 = tpu.vector_load %arg5[%get3A] {strides = array<i32>} : memref<128xi32, #tpu.memory_space<vmem>>, vector<16xi32>,
      %get3A_141 = vector.shape_cast %get3A_140 : vector<16xi32> to vector<16xi32>
      %max3A = arith.constant 0 : i32
      %max3A_142 = vector.broadcast %max3A : i32 to vector<16xi32>
      %max3A_143 = arith.maxsi %get3A_141, %max3A_142 : vector<16xi32>
      %min3A = arith.constant 999 : i32
      %min3A_144 = vector.broadcast %min3A : i32 to vector<16xi32>
      %min3A_145 = arith.minsi %max3A_143, %min3A_144 : vector<16xi32>
      %add3A_146 = vector.broadcast %mul3A_139 : i32 to vector<16xi32>
      %add3A_147 = arith.addi %min3A_145, %add3A_146 : vector<16xi32>
      %swap3A = arith.constant 0 : index
      %swap3A_148 = tpu.vector_load %arg5[%swap3A] {strides = array<i32>} : memref<128xi32, #tpu.memory_space<vmem>>, vector<16xi32>,
      %swap3A_149 = vector.shape_cast %swap3A_148 : vector<16xi32> to vector<16xi32>
      %swap3A_150 = vector.shape_cast %add3A_147 : vector<16xi32> to vector<16xi32>
      tpu.vector_store %arg5[%swap3A], %swap3A_150 {strides = array<i32>} : memref<128xi32, #tpu.memory_space<vmem>>, vector<16xi32>,
      %get3A_151 = arith.constant 16 : index
      %get3A_152 = tpu.vector_load %arg5[%get3A_151] {strides = array<i32>} : memref<128xi32, #tpu.memory_space<vmem>>, vector<16xi32>,
      %get3A_153 = vector.shape_cast %get3A_152 : vector<16xi32> to vector<16xi32>
      %max3A_154 = arith.constant 0 : i32
      %max3A_155 = vector.broadcast %max3A_154 : i32 to vector<16xi32>
      %max3A_156 = arith.maxsi %get3A_153, %max3A_155 : vector<16xi32>
      %min3A_157 = arith.constant 999 : i32
      %min3A_158 = vector.broadcast %min3A_157 : i32 to vector<16xi32>
      %min3A_159 = arith.minsi %max3A_156, %min3A_158 : vector<16xi32>
      %add3A_160 = vector.broadcast %mul3A_139 : i32 to vector<16xi32>
      %add3A_161 = arith.addi %min3A_159, %add3A_160 : vector<16xi32>
      %swap3A_162 = arith.constant 16 : index
      %swap3A_163 = tpu.vector_load %arg5[%swap3A_162] {strides = array<i32>} : memref<128xi32, #tpu.memory_space<vmem>>, vector<16xi32>,
      %swap3A_164 = vector.shape_cast %swap3A_163 : vector<16xi32> to vector<16xi32>
      %swap3A_165 = vector.shape_cast %add3A_161 : vector<16xi32> to vector<16xi32>
      tpu.vector_store %arg5[%swap3A_162], %swap3A_165 {strides = array<i32>} : memref<128xi32, #tpu.memory_space<vmem>>, vector<16xi32>,
      %get3A_166 = arith.constant 32 : index
      %get3A_167 = tpu.vector_load %arg5[%get3A_166] {strides = array<i32>} : memref<128xi32, #tpu.memory_space<vmem>>, vector<16xi32>,
      %get3A_168 = vector.shape_cast %get3A_167 : vector<16xi32> to vector<16xi32>
      %max3A_169 = arith.constant 0 : i32
      %max3A_170 = vector.broadcast %max3A_169 : i32 to vector<16xi32>
      %max3A_171 = arith.maxsi %get3A_168, %max3A_170 : vector<16xi32>
      %min3A_172 = arith.constant 999 : i32
      %min3A_173 = vector.broadcast %min3A_172 : i32 to vector<16xi32>
      %min3A_174 = arith.minsi %max3A_171, %min3A_173 : vector<16xi32>
      %add3A_175 = vector.broadcast %mul3A_139 : i32 to vector<16xi32>
      %add3A_176 = arith.addi %min3A_174, %add3A_175 : vector<16xi32>
      %swap3A_177 = arith.constant 32 : index
      %swap3A_178 = tpu.vector_load %arg5[%swap3A_177] {strides = array<i32>} : memref<128xi32, #tpu.memory_space<vmem>>, vector<16xi32>,
      %swap3A_179 = vector.shape_cast %swap3A_178 : vector<16xi32> to vector<16xi32>
      %swap3A_180 = vector.shape_cast %add3A_176 : vector<16xi32> to vector<16xi32>
      tpu.vector_store %arg5[%swap3A_177], %swap3A_180 {strides = array<i32>} : memref<128xi32, #tpu.memory_space<vmem>>, vector<16xi32>,
      %get3A_181 = arith.constant 48 : index
      %get3A_182 = tpu.vector_load %arg5[%get3A_181] {strides = array<i32>} : memref<128xi32, #tpu.memory_space<vmem>>, vector<16xi32>,
      %get3A_183 = vector.shape_cast %get3A_182 : vector<16xi32> to vector<16xi32>
      %max3A_184 = arith.constant 0 : i32
      %max3A_185 = vector.broadcast %max3A_184 : i32 to vector<16xi32>
      %max3A_186 = arith.maxsi %get3A_183, %max3A_185 : vector<16xi32>
      %min3A_187 = arith.constant 999 : i32
      %min3A_188 = vector.broadcast %min3A_187 : i32 to vector<16xi32>
      %min3A_189 = arith.minsi %max3A_186, %min3A_188 : vector<16xi32>
      %add3A_190 = vector.broadcast %mul3A_139 : i32 to vector<16xi32>
      %add3A_191 = arith.addi %min3A_189, %add3A_190 : vector<16xi32>
      %swap3A_192 = arith.constant 48 : index
      %swap3A_193 = tpu.vector_load %arg5[%swap3A_192] {strides = array<i32>} : memref<128xi32, #tpu.memory_space<vmem>>, vector<16xi32>,
      %swap3A_194 = vector.shape_cast %swap3A_193 : vector<16xi32> to vector<16xi32>
      %swap3A_195 = vector.shape_cast %add3A_191 : vector<16xi32> to vector<16xi32>
      tpu.vector_store %arg5[%swap3A_192], %swap3A_195 {strides = array<i32>} : memref<128xi32, #tpu.memory_space<vmem>>, vector<16xi32>,
      %get3A_196 = arith.constant 64 : index
      %get3A_197 = tpu.vector_load %arg5[%get3A_196] {strides = array<i32>} : memref<128xi32, #tpu.memory_space<vmem>>, vector<16xi32>,
      %get3A_198 = vector.shape_cast %get3A_197 : vector<16xi32> to vector<16xi32>
      %max3A_199 = arith.constant 0 : i32
      %max3A_200 = vector.broadcast %max3A_199 : i32 to vector<16xi32>
      %max3A_201 = arith.maxsi %get3A_198, %max3A_200 : vector<16xi32>
      %min3A_202 = arith.constant 999 : i32
      %min3A_203 = vector.broadcast %min3A_202 : i32 to vector<16xi32>
      %min3A_204 = arith.minsi %max3A_201, %min3A_203 : vector<16xi32>
      %add3A_205 = vector.broadcast %mul3A_139 : i32 to vector<16xi32>
      %add3A_206 = arith.addi %min3A_204, %add3A_205 : vector<16xi32>
      %swap3A_207 = arith.constant 64 : index
      %swap3A_208 = tpu.vector_load %arg5[%swap3A_207] {strides = array<i32>} : memref<128xi32, #tpu.memory_space<vmem>>, vector<16xi32>,
      %swap3A_209 = vector.shape_cast %swap3A_208 : vector<16xi32> to vector<16xi32>
      %swap3A_210 = vector.shape_cast %add3A_206 : vector<16xi32> to vector<16xi32>
      tpu.vector_store %arg5[%swap3A_207], %swap3A_210 {strides = array<i32>} : memref<128xi32, #tpu.memory_space<vmem>>, vector<16xi32>,
      %get3A_211 = arith.constant 80 : index
      %get3A_212 = tpu.vector_load %arg5[%get3A_211] {strides = array<i32>} : memref<128xi32, #tpu.memory_space<vmem>>, vector<16xi32>,
      %get3A_213 = vector.shape_cast %get3A_212 : vector<16xi32> to vector<16xi32>
      %max3A_214 = arith.constant 0 : i32
      %max3A_215 = vector.broadcast %max3A_214 : i32 to vector<16xi32>
      %max3A_216 = arith.maxsi %get3A_213, %max3A_215 : vector<16xi32>
      %min3A_217 = arith.constant 999 : i32
      %min3A_218 = vector.broadcast %min3A_217 : i32 to vector<16xi32>
      %min3A_219 = arith.minsi %max3A_216, %min3A_218 : vector<16xi32>
      %add3A_220 = vector.broadcast %mul3A_139 : i32 to vector<16xi32>
      %add3A_221 = arith.addi %min3A_219, %add3A_220 : vector<16xi32>
      %swap3A_222 = arith.constant 80 : index
      %swap3A_223 = tpu.vector_load %arg5[%swap3A_222] {strides = array<i32>} : memref<128xi32, #tpu.memory_space<vmem>>, vector<16xi32>,
      %swap3A_224 = vector.shape_cast %swap3A_223 : vector<16xi32> to vector<16xi32>
      %swap3A_225 = vector.shape_cast %add3A_221 : vector<16xi32> to vector<16xi32>
      tpu.vector_store %arg5[%swap3A_222], %swap3A_225 {strides = array<i32>} : memref<128xi32, #tpu.memory_space<vmem>>, vector<16xi32>,
      %get3A_226 = arith.constant 96 : index
      %get3A_227 = tpu.vector_load %arg5[%get3A_226] {strides = array<i32>} : memref<128xi32, #tpu.memory_space<vmem>>, vector<16xi32>,
      %get3A_228 = vector.shape_cast %get3A_227 : vector<16xi32> to vector<16xi32>
      %max3A_229 = arith.constant 0 : i32
      %max3A_230 = vector.broadcast %max3A_229 : i32 to vector<16xi32>
      %max3A_231 = arith.maxsi %get3A_228, %max3A_230 : vector<16xi32>
      %min3A_232 = arith.constant 999 : i32
      %min3A_233 = vector.broadcast %min3A_232 : i32 to vector<16xi32>
      %min3A_234 = arith.minsi %max3A_231, %min3A_233 : vector<16xi32>
      %add3A_235 = vector.broadcast %mul3A_139 : i32 to vector<16xi32>
      %add3A_236 = arith.addi %min3A_234, %add3A_235 : vector<16xi32>
      %swap3A_237 = arith.constant 96 : index
      %swap3A_238 = tpu.vector_load %arg5[%swap3A_237] {strides = array<i32>} : memref<128xi32, #tpu.memory_space<vmem>>, vector<16xi32>,
      %swap3A_239 = vector.shape_cast %swap3A_238 : vector<16xi32> to vector<16xi32>
      %swap3A_240 = vector.shape_cast %add3A_236 : vector<16xi32> to vector<16xi32>
      tpu.vector_store %arg5[%swap3A_237], %swap3A_240 {strides = array<i32>} : memref<128xi32, #tpu.memory_space<vmem>>, vector<16xi32>,
      %get3A_241 = arith.constant 112 : index
      %get3A_242 = tpu.vector_load %arg5[%get3A_241] {strides = array<i32>} : memref<128xi32, #tpu.memory_space<vmem>>, vector<16xi32>,
      %get3A_243 = vector.shape_cast %get3A_242 : vector<16xi32> to vector<16xi32>
      %max3A_244 = arith.constant 0 : i32
      %max3A_245 = vector.broadcast %max3A_244 : i32 to vector<16xi32>
      %max3A_246 = arith.maxsi %get3A_243, %max3A_245 : vector<16xi32>
      %min3A_247 = arith.constant 999 : i32
      %min3A_248 = vector.broadcast %min3A_247 : i32 to vector<16xi32>
      %min3A_249 = arith.minsi %max3A_246, %min3A_248 : vector<16xi32>
      %add3A_250 = vector.broadcast %mul3A_139 : i32 to vector<16xi32>
      %add3A_251 = arith.addi %min3A_249, %add3A_250 : vector<16xi32>
      %swap3A_252 = arith.constant 112 : index
      %swap3A_253 = tpu.vector_load %arg5[%swap3A_252] {strides = array<i32>} : memref<128xi32, #tpu.memory_space<vmem>>, vector<16xi32>,
      %swap3A_254 = vector.shape_cast %swap3A_253 : vector<16xi32> to vector<16xi32>
      %swap3A_255 = vector.shape_cast %add3A_251 : vector<16xi32> to vector<16xi32>
      tpu.vector_store %arg5[%swap3A_252], %swap3A_255 {strides = array<i32>} : memref<128xi32, #tpu.memory_space<vmem>>, vector<16xi32>,
      %jit3A_256 = arith.constant 1 : i32
      %div3A_257 = arith.divsi %add3A_27, %jit3A_256 : i32
      %sign3A_258 = arith.constant 0 : i32
      %sign3A_259 = arith.cmpi sgt, %add3A_27, %sign3A_258 : i32
      %sign3A_260 = arith.extui %sign3A_259 : i1 to i32
      %sign3A_261 = arith.constant 0 : i32
      %sign3A_262 = arith.cmpi slt, %add3A_27, %sign3A_261 : i32
      %sign3A_263 = arith.extui %sign3A_262 : i1 to i32
      %sign3A_264 = arith.subi %sign3A_260, %sign3A_263 : i32
      %sign3A_265 = arith.constant 0 : i32
      %sign3A_266 = arith.cmpi sgt, %jit3A_256, %sign3A_265 : i32
      %sign3A_267 = arith.extui %sign3A_266 : i1 to i32
      %sign3A_268 = arith.constant 0 : i32
      %sign3A_269 = arith.cmpi slt, %jit3A_256, %sign3A_268 : i32
      %sign3A_270 = arith.extui %sign3A_269 : i1 to i32
      %sign3A_271 = arith.subi %sign3A_267, %sign3A_270 : i32
      %ne3A_272 = arith.cmpi ne, %sign3A_264, %sign3A_271 : i32
      %rem3A_273 = arith.remsi %add3A_27, %jit3A_256 : i32
      %ne3A_274 = arith.constant 0 : i32
      %ne3A_275 = arith.cmpi ne, %rem3A_273, %ne3A_274 : i32
      %and3A_276 = arith.andi %ne3A_272, %ne3A_275 : i1
      %sub3A_277 = arith.constant 1 : i32
      %sub3A_278 = arith.subi %div3A_257, %sub3A_277 : i32
      %select_n3A_279 = arith.select %and3A_276, %sub3A_278, %div3A_257 : i32
      %mul3A_280 = arith.constant 1000 : i32
      %mul3A_281 = arith.muli %select_n3A_279, %mul3A_280 : i32
      %get3A_282 = arith.constant 0 : index
      %get3A_283 = tpu.vector_load %arg6[%get3A_282] {strides = array<i32>} : memref<128xi32, #tpu.memory_space<vmem>>, vector<16xi32>,
      %get3A_284 = vector.shape_cast %get3A_283 : vector<16xi32> to vector<16xi32>
      %max3A_285 = arith.constant 0 : i32
      %max3A_286 = vector.broadcast %max3A_285 : i32 to vector<16xi32>
      %max3A_287 = arith.maxsi %get3A_284, %max3A_286 : vector<16xi32>
      %min3A_288 = arith.constant 999 : i32
      %min3A_289 = vector.broadcast %min3A_288 : i32 to vector<16xi32>
      %min3A_290 = arith.minsi %max3A_287, %min3A_289 : vector<16xi32>
      %add3A_291 = vector.broadcast %mul3A_281 : i32 to vector<16xi32>
      %add3A_292 = arith.addi %min3A_290, %add3A_291 : vector<16xi32>
      %swap3A_293 = arith.constant 0 : index
      %swap3A_294 = tpu.vector_load %arg6[%swap3A_293] {strides = array<i32>} : memref<128xi32, #tpu.memory_space<vmem>>, vector<16xi32>,
      %swap3A_295 = vector.shape_cast %swap3A_294 : vector<16xi32> to vector<16xi32>
      %swap3A_296 = vector.shape_cast %add3A_292 : vector<16xi32> to vector<16xi32>
      tpu.vector_store %arg6[%swap3A_293], %swap3A_296 {strides = array<i32>} : memref<128xi32, #tpu.memory_space<vmem>>, vector<16xi32>,
      %get3A_297 = arith.constant 16 : index
      %get3A_298 = tpu.vector_load %arg6[%get3A_297] {strides = array<i32>} : memref<128xi32, #tpu.memory_space<vmem>>, vector<16xi32>,
      %get3A_299 = vector.shape_cast %get3A_298 : vector<16xi32> to vector<16xi32>
      %max3A_300 = arith.constant 0 : i32
      %max3A_301 = vector.broadcast %max3A_300 : i32 to vector<16xi32>
      %max3A_302 = arith.maxsi %get3A_299, %max3A_301 : vector<16xi32>
      %min3A_303 = arith.constant 999 : i32
      %min3A_304 = vector.broadcast %min3A_303 : i32 to vector<16xi32>
      %min3A_305 = arith.minsi %max3A_302, %min3A_304 : vector<16xi32>
      %add3A_306 = vector.broadcast %mul3A_281 : i32 to vector<16xi32>
      %add3A_307 = arith.addi %min3A_305, %add3A_306 : vector<16xi32>
      %swap3A_308 = arith.constant 16 : index
      %swap3A_309 = tpu.vector_load %arg6[%swap3A_308] {strides = array<i32>} : memref<128xi32, #tpu.memory_space<vmem>>, vector<16xi32>,
      %swap3A_310 = vector.shape_cast %swap3A_309 : vector<16xi32> to vector<16xi32>
      %swap3A_311 = vector.shape_cast %add3A_307 : vector<16xi32> to vector<16xi32>
      tpu.vector_store %arg6[%swap3A_308], %swap3A_311 {strides = array<i32>} : memref<128xi32, #tpu.memory_space<vmem>>, vector<16xi32>,
      %get3A_312 = arith.constant 32 : index
      %get3A_313 = tpu.vector_load %arg6[%get3A_312] {strides = array<i32>} : memref<128xi32, #tpu.memory_space<vmem>>, vector<16xi32>,
      %get3A_314 = vector.shape_cast %get3A_313 : vector<16xi32> to vector<16xi32>
      %max3A_315 = arith.constant 0 : i32
      %max3A_316 = vector.broadcast %max3A_315 : i32 to vector<16xi32>
      %max3A_317 = arith.maxsi %get3A_314, %max3A_316 : vector<16xi32>
      %min3A_318 = arith.constant 999 : i32
      %min3A_319 = vector.broadcast %min3A_318 : i32 to vector<16xi32>
      %min3A_320 = arith.minsi %max3A_317, %min3A_319 : vector<16xi32>
      %add3A_321 = vector.broadcast %mul3A_281 : i32 to vector<16xi32>
      %add3A_322 = arith.addi %min3A_320, %add3A_321 : vector<16xi32>
      %swap3A_323 = arith.constant 32 : index
      %swap3A_324 = tpu.vector_load %arg6[%swap3A_323] {strides = array<i32>} : memref<128xi32, #tpu.memory_space<vmem>>, vector<16xi32>,
      %swap3A_325 = vector.shape_cast %swap3A_324 : vector<16xi32> to vector<16xi32>
      %swap3A_326 = vector.shape_cast %add3A_322 : vector<16xi32> to vector<16xi32>
      tpu.vector_store %arg6[%swap3A_323], %swap3A_326 {strides = array<i32>} : memref<128xi32, #tpu.memory_space<vmem>>, vector<16xi32>,
      %get3A_327 = arith.constant 48 : index
      %get3A_328 = tpu.vector_load %arg6[%get3A_327] {strides = array<i32>} : memref<128xi32, #tpu.memory_space<vmem>>, vector<16xi32>,
      %get3A_329 = vector.shape_cast %get3A_328 : vector<16xi32> to vector<16xi32>
      %max3A_330 = arith.constant 0 : i32
      %max3A_331 = vector.broadcast %max3A_330 : i32 to vector<16xi32>
      %max3A_332 = arith.maxsi %get3A_329, %max3A_331 : vector<16xi32>
      %min3A_333 = arith.constant 999 : i32
      %min3A_334 = vector.broadcast %min3A_333 : i32 to vector<16xi32>
      %min3A_335 = arith.minsi %max3A_332, %min3A_334 : vector<16xi32>
      %add3A_336 = vector.broadcast %mul3A_281 : i32 to vector<16xi32>
      %add3A_337 = arith.addi %min3A_335, %add3A_336 : vector<16xi32>
      %swap3A_338 = arith.constant 48 : index
      %swap3A_339 = tpu.vector_load %arg6[%swap3A_338] {strides = array<i32>} : memref<128xi32, #tpu.memory_space<vmem>>, vector<16xi32>,
      %swap3A_340 = vector.shape_cast %swap3A_339 : vector<16xi32> to vector<16xi32>
      %swap3A_341 = vector.shape_cast %add3A_337 : vector<16xi32> to vector<16xi32>
      tpu.vector_store %arg6[%swap3A_338], %swap3A_341 {strides = array<i32>} : memref<128xi32, #tpu.memory_space<vmem>>, vector<16xi32>,
      %get3A_342 = arith.constant 64 : index
      %get3A_343 = tpu.vector_load %arg6[%get3A_342] {strides = array<i32>} : memref<128xi32, #tpu.memory_space<vmem>>, vector<16xi32>,
      %get3A_344 = vector.shape_cast %get3A_343 : vector<16xi32> to vector<16xi32>
      %max3A_345 = arith.constant 0 : i32
      %max3A_346 = vector.broadcast %max3A_345 : i32 to vector<16xi32>
      %max3A_347 = arith.maxsi %get3A_344, %max3A_346 : vector<16xi32>
      %min3A_348 = arith.constant 999 : i32
      %min3A_349 = vector.broadcast %min3A_348 : i32 to vector<16xi32>
      %min3A_350 = arith.minsi %max3A_347, %min3A_349 : vector<16xi32>
      %add3A_351 = vector.broadcast %mul3A_281 : i32 to vector<16xi32>
      %add3A_352 = arith.addi %min3A_350, %add3A_351 : vector<16xi32>
      %swap3A_353 = arith.constant 64 : index
      %swap3A_354 = tpu.vector_load %arg6[%swap3A_353] {strides = array<i32>} : memref<128xi32, #tpu.memory_space<vmem>>, vector<16xi32>,
      %swap3A_355 = vector.shape_cast %swap3A_354 : vector<16xi32> to vector<16xi32>
      %swap3A_356 = vector.shape_cast %add3A_352 : vector<16xi32> to vector<16xi32>
      tpu.vector_store %arg6[%swap3A_353], %swap3A_356 {strides = array<i32>} : memref<128xi32, #tpu.memory_space<vmem>>, vector<16xi32>,
      %get3A_357 = arith.constant 80 : index
      %get3A_358 = tpu.vector_load %arg6[%get3A_357] {strides = array<i32>} : memref<128xi32, #tpu.memory_space<vmem>>, vector<16xi32>,
      %get3A_359 = vector.shape_cast %get3A_358 : vector<16xi32> to vector<16xi32>
      %max3A_360 = arith.constant 0 : i32
      %max3A_361 = vector.broadcast %max3A_360 : i32 to vector<16xi32>
      %max3A_362 = arith.maxsi %get3A_359, %max3A_361 : vector<16xi32>
      %min3A_363 = arith.constant 999 : i32
      %min3A_364 = vector.broadcast %min3A_363 : i32 to vector<16xi32>
      %min3A_365 = arith.minsi %max3A_362, %min3A_364 : vector<16xi32>
      %add3A_366 = vector.broadcast %mul3A_281 : i32 to vector<16xi32>
      %add3A_367 = arith.addi %min3A_365, %add3A_366 : vector<16xi32>
      %swap3A_368 = arith.constant 80 : index
      %swap3A_369 = tpu.vector_load %arg6[%swap3A_368] {strides = array<i32>} : memref<128xi32, #tpu.memory_space<vmem>>, vector<16xi32>,
      %swap3A_370 = vector.shape_cast %swap3A_369 : vector<16xi32> to vector<16xi32>
      %swap3A_371 = vector.shape_cast %add3A_367 : vector<16xi32> to vector<16xi32>
      tpu.vector_store %arg6[%swap3A_368], %swap3A_371 {strides = array<i32>} : memref<128xi32, #tpu.memory_space<vmem>>, vector<16xi32>,
      %get3A_372 = arith.constant 96 : index
      %get3A_373 = tpu.vector_load %arg6[%get3A_372] {strides = array<i32>} : memref<128xi32, #tpu.memory_space<vmem>>, vector<16xi32>,
      %get3A_374 = vector.shape_cast %get3A_373 : vector<16xi32> to vector<16xi32>
      %max3A_375 = arith.constant 0 : i32
      %max3A_376 = vector.broadcast %max3A_375 : i32 to vector<16xi32>
      %max3A_377 = arith.maxsi %get3A_374, %max3A_376 : vector<16xi32>
      %min3A_378 = arith.constant 999 : i32
      %min3A_379 = vector.broadcast %min3A_378 : i32 to vector<16xi32>
      %min3A_380 = arith.minsi %max3A_377, %min3A_379 : vector<16xi32>
      %add3A_381 = vector.broadcast %mul3A_281 : i32 to vector<16xi32>
      %add3A_382 = arith.addi %min3A_380, %add3A_381 : vector<16xi32>
      %swap3A_383 = arith.constant 96 : index
      %swap3A_384 = tpu.vector_load %arg6[%swap3A_383] {strides = array<i32>} : memref<128xi32, #tpu.memory_space<vmem>>, vector<16xi32>,
      %swap3A_385 = vector.shape_cast %swap3A_384 : vector<16xi32> to vector<16xi32>
      %swap3A_386 = vector.shape_cast %add3A_382 : vector<16xi32> to vector<16xi32>
      tpu.vector_store %arg6[%swap3A_383], %swap3A_386 {strides = array<i32>} : memref<128xi32, #tpu.memory_space<vmem>>, vector<16xi32>,
      %get3A_387 = arith.constant 112 : index
      %get3A_388 = tpu.vector_load %arg6[%get3A_387] {strides = array<i32>} : memref<128xi32, #tpu.memory_space<vmem>>, vector<16xi32>,
      %get3A_389 = vector.shape_cast %get3A_388 : vector<16xi32> to vector<16xi32>
      %max3A_390 = arith.constant 0 : i32
      %max3A_391 = vector.broadcast %max3A_390 : i32 to vector<16xi32>
      %max3A_392 = arith.maxsi %get3A_389, %max3A_391 : vector<16xi32>
      %min3A_393 = arith.constant 999 : i32
      %min3A_394 = vector.broadcast %min3A_393 : i32 to vector<16xi32>
      %min3A_395 = arith.minsi %max3A_392, %min3A_394 : vector<16xi32>
      %add3A_396 = vector.broadcast %mul3A_281 : i32 to vector<16xi32>
      %add3A_397 = arith.addi %min3A_395, %add3A_396 : vector<16xi32>
      %swap3A_398 = arith.constant 112 : index
      %swap3A_399 = tpu.vector_load %arg6[%swap3A_398] {strides = array<i32>} : memref<128xi32, #tpu.memory_space<vmem>>, vector<16xi32>,
      %swap3A_400 = vector.shape_cast %swap3A_399 : vector<16xi32> to vector<16xi32>
      %swap3A_401 = vector.shape_cast %add3A_397 : vector<16xi32> to vector<16xi32>
      tpu.vector_store %arg6[%swap3A_398], %swap3A_401 {strides = array<i32>} : memref<128xi32, #tpu.memory_space<vmem>>, vector<16xi32>,
      %gt3A = arith.constant 0 : i32
      %gt3A_402 = arith.cmpi sgt, %scan3A_21, %gt3A : i32
      %convert_element_type3A = arith.extui %gt3A_402 : i1 to i32
      %cond3A = arith.constant 0 : i32
      %cond3A_403 = arith.cmpi ne, %convert_element_type3A, %cond3A : i32
      scf.if %cond3A_403 {
        %dma_wait3A_518 = arith.constant 0 : i32
        %dma_wait3A_519 = arith.constant 0 : i32
        %dma_wait3A_520 = tpu.memref_slice %arg4[%dma_wait3A_518, %mul3A_2, %dma_wait3A_519] : memref<26x4096x128xf32, #tpu.memory_space<hbm>> -> memref<1x128x128xf32, #tpu.memory_space<hbm>>
        %dma_wait3A_521 = tpu.memref_squeeze %dma_wait3A_520 : memref<1x128x128xf32, #tpu.memory_space<hbm>> -> memref<128x128xf32, #tpu.memory_space<hbm>>
        %dma_wait3A_522 = arith.constant 0 : i32
        %dma_wait3A_523 = tpu.memref_slice %arg4[%dma_wait3A_518, %mul3A_2, %dma_wait3A_522] : memref<26x4096x128xf32, #tpu.memory_space<hbm>> -> memref<1x128x128xf32, #tpu.memory_space<hbm>>
        %dma_wait3A_524 = tpu.memref_squeeze %dma_wait3A_523 : memref<1x128x128xf32, #tpu.memory_space<hbm>> -> memref<128x128xf32, #tpu.memory_space<hbm>>
        tpu.wait_dma2 semaphore(%arg11 : memref<!tpu.dma_semaphore, #tpu.memory_space<semaphore_mem>>) src(%arg7 : memref<128x128xf32, #tpu.memory_space<vmem>>) dst(%dma_wait3A_524 : memref<128x128xf32, #tpu.memory_space<hbm>>)
      } else {
      }
      %dma_start3A = arith.constant 0 : i32
      %dma_start3A_404 = arith.constant 0 : i32
      %dma_start3A_405 = tpu.memref_slice %arg3[%dma_start3A, %dma_start3A_404] : memref<26000x128xf32, #tpu.memory_space<hbm>> -> memref<26000x128xf32, #tpu.memory_space<hbm>>
      tpu.enqueue_indirect_dma source(%dma_start3A_405 : memref<26000x128xf32, #tpu.memory_space<hbm>>) target(%arg7 : memref<128x128xf32, #tpu.memory_space<vmem>>) offsets(%arg5 : memref<128xi32, #tpu.memory_space<vmem>>) semaphore(%arg9 : memref<!tpu.dma_semaphore, #tpu.memory_space<semaphore_mem>>)
      %gt3A_406 = arith.constant 0 : i32
      %gt3A_407 = arith.cmpi sgt, %scan3A_21, %gt3A_406 : i32
      %convert_element_type3A_408 = arith.extui %gt3A_407 : i1 to i32
      %cond3A_409 = arith.constant 0 : i32
      %cond3A_410 = arith.cmpi ne, %convert_element_type3A_408, %cond3A_409 : i32
      scf.if %cond3A_410 {
        %dma_wait3A_518 = arith.constant 0 : i32
        %dma_wait3A_519 = arith.constant 0 : i32
        %dma_wait3A_520 = tpu.memref_slice %arg4[%dma_wait3A_518, %mul3A_2, %dma_wait3A_519] : memref<26x4096x128xf32, #tpu.memory_space<hbm>> -> memref<1x128x128xf32, #tpu.memory_space<hbm>>
        %dma_wait3A_521 = tpu.memref_squeeze %dma_wait3A_520 : memref<1x128x128xf32, #tpu.memory_space<hbm>> -> memref<128x128xf32, #tpu.memory_space<hbm>>
        %dma_wait3A_522 = arith.constant 0 : i32
        %dma_wait3A_523 = tpu.memref_slice %arg4[%dma_wait3A_518, %mul3A_2, %dma_wait3A_522] : memref<26x4096x128xf32, #tpu.memory_space<hbm>> -> memref<1x128x128xf32, #tpu.memory_space<hbm>>
        %dma_wait3A_524 = tpu.memref_squeeze %dma_wait3A_523 : memref<1x128x128xf32, #tpu.memory_space<hbm>> -> memref<128x128xf32, #tpu.memory_space<hbm>>
        tpu.wait_dma2 semaphore(%arg12 : memref<!tpu.dma_semaphore, #tpu.memory_space<semaphore_mem>>) src(%arg8 : memref<128x128xf32, #tpu.memory_space<vmem>>) dst(%dma_wait3A_524 : memref<128x128xf32, #tpu.memory_space<hbm>>)
      } else {
      }
      %dma_start3A_411 = arith.constant 0 : i32
      %dma_start3A_412 = arith.constant 0 : i32
      %dma_start3A_413 = tpu.memref_slice %arg3[%dma_start3A_411, %dma_start3A_412] : memref<26000x128xf32, #tpu.memory_space<hbm>> -> memref<26000x128xf32, #tpu.memory_space<hbm>>
      tpu.enqueue_indirect_dma source(%dma_start3A_413 : memref<26000x128xf32, #tpu.memory_space<hbm>>) target(%arg8 : memref<128x128xf32, #tpu.memory_space<vmem>>) offsets(%arg6 : memref<128xi32, #tpu.memory_space<vmem>>) semaphore(%arg10 : memref<!tpu.dma_semaphore, #tpu.memory_space<semaphore_mem>>)
      %dma_wait3A_414 = arith.constant 0 : i32
      %dma_wait3A_415 = arith.constant 0 : i32
      %dma_wait3A_416 = tpu.memref_slice %arg3[%dma_wait3A_414, %dma_wait3A_415] : memref<26000x128xf32, #tpu.memory_space<hbm>> -> memref<26000x128xf32, #tpu.memory_space<hbm>>
      tpu.wait_indirect_dma semaphore(%arg9 : memref<!tpu.dma_semaphore, #tpu.memory_space<semaphore_mem>>) src(%dma_wait3A_416 : memref<26000x128xf32, #tpu.memory_space<hbm>>) dst(%arg7 : memref<128x128xf32, #tpu.memory_space<vmem>>)
      %jit3A_417 = arith.constant 1 : i32
      %div3A_418 = arith.divsi %mul3A_23, %jit3A_417 : i32
      %sign3A_419 = arith.constant 0 : i32
      %sign3A_420 = arith.cmpi sgt, %mul3A_23, %sign3A_419 : i32
      %sign3A_421 = arith.extui %sign3A_420 : i1 to i32
      %sign3A_422 = arith.constant 0 : i32
      %sign3A_423 = arith.cmpi slt, %mul3A_23, %sign3A_422 : i32
      %sign3A_424 = arith.extui %sign3A_423 : i1 to i32
      %sign3A_425 = arith.subi %sign3A_421, %sign3A_424 : i32
      %sign3A_426 = arith.constant 0 : i32
      %sign3A_427 = arith.cmpi sgt, %jit3A_417, %sign3A_426 : i32
      %sign3A_428 = arith.extui %sign3A_427 : i1 to i32
      %sign3A_429 = arith.constant 0 : i32
      %sign3A_430 = arith.cmpi slt, %jit3A_417, %sign3A_429 : i32
      %sign3A_431 = arith.extui %sign3A_430 : i1 to i32
      %sign3A_432 = arith.subi %sign3A_428, %sign3A_431 : i32
      %ne3A_433 = arith.cmpi ne, %sign3A_425, %sign3A_432 : i32
      %rem3A_434 = arith.remsi %mul3A_23, %jit3A_417 : i32
      %ne3A_435 = arith.constant 0 : i32
      %ne3A_436 = arith.cmpi ne, %rem3A_434, %ne3A_435 : i32
      %and3A_437 = arith.andi %ne3A_433, %ne3A_436 : i1
      %sub3A_438 = arith.constant 1 : i32
      %sub3A_439 = arith.subi %div3A_418, %sub3A_438 : i32
      %select_n3A_440 = arith.select %and3A_437, %sub3A_439, %div3A_418 : i32
      %jit3A_441 = arith.constant 1 : i32
      %eq3A_442 = arith.constant 0 : i32
      %eq3A_443 = arith.cmpi eq, %jit3A_441, %eq3A_442 : i32
      %jit3A_444 = arith.constant 1 : i32
      %select_n3A_445 = arith.select %eq3A_443, %jit3A_444, %jit3A_441 : i32
      %rem3A_446 = arith.remsi %mul3A_23, %select_n3A_445 : i32
      %ne3A_447 = arith.constant 0 : i32
      %ne3A_448 = arith.cmpi ne, %rem3A_446, %ne3A_447 : i32
      %lt3A_449 = arith.constant 0 : i32
      %lt3A_450 = arith.cmpi slt, %rem3A_446, %lt3A_449 : i32
      %lt3A_451 = arith.constant 0 : i32
      %lt3A_452 = arith.cmpi slt, %select_n3A_445, %lt3A_451 : i32
      %ne3A_453 = arith.xori %lt3A_450, %lt3A_452 : i1
      %and3A_454 = arith.andi %ne3A_453, %ne3A_448 : i1
      %add3A_455 = arith.addi %rem3A_446, %select_n3A_445 : i32
      %select_n3A_456 = arith.select %and3A_454, %add3A_455, %rem3A_446 : i32
      %mul3A_457 = arith.constant 128 : i32
      %mul3A_458 = arith.muli %select_n3A_456, %mul3A_457 : i32
      %add3A_459 = arith.addi %mul3A_2, %mul3A_458 : i32
      %dma_start3A_460 = arith.constant 0 : i32
      %dma_start3A_461 = tpu.memref_slice %arg4[%select_n3A_440, %add3A_459, %dma_start3A_460] : memref<26x4096x128xf32, #tpu.memory_space<hbm>> -> memref<1x128x128xf32, #tpu.memory_space<hbm>>
      %dma_start3A_462 = tpu.memref_squeeze %dma_start3A_461 : memref<1x128x128xf32, #tpu.memory_space<hbm>> -> memref<128x128xf32, #tpu.memory_space<hbm>>
      %dma_start3A_463 = arith.constant 0 : i32
      %dma_start3A_464 = tpu.memref_slice %arg4[%select_n3A_440, %add3A_459, %dma_start3A_463] : memref<26x4096x128xf32, #tpu.memory_space<hbm>> -> memref<1x128x128xf32, #tpu.memory_space<hbm>>
      %dma_start3A_465 = tpu.memref_squeeze %dma_start3A_464 : memref<1x128x128xf32, #tpu.memory_space<hbm>> -> memref<128x128xf32, #tpu.memory_space<hbm>>
      tpu.enqueue_dma source(%arg7 : memref<128x128xf32, #tpu.memory_space<vmem>>) target(%dma_start3A_465 : memref<128x128xf32, #tpu.memory_space<hbm>>) target_semaphore(%arg11 : memref<!tpu.dma_semaphore, #tpu.memory_space<semaphore_mem>>)
      %dma_wait3A_466 = arith.constant 0 : i32
      %dma_wait3A_467 = arith.constant 0 : i32
      %dma_wait3A_468 = tpu.memref_slice %arg3[%dma_wait3A_466, %dma_wait3A_467] : memref<26000x128xf32, #tpu.memory_space<hbm>> -> memref<26000x128xf32, #tpu.memory_space<hbm>>
      tpu.wait_indirect_dma semaphore(%arg10 : memref<!tpu.dma_semaphore, #tpu.memory_space<semaphore_mem>>) src(%dma_wait3A_468 : memref<26000x128xf32, #tpu.memory_space<hbm>>) dst(%arg8 : memref<128x128xf32, #tpu.memory_space<vmem>>)
      %jit3A_469 = arith.constant 1 : i32
      %div3A_470 = arith.divsi %add3A_27, %jit3A_469 : i32
      %sign3A_471 = arith.constant 0 : i32
      %sign3A_472 = arith.cmpi sgt, %add3A_27, %sign3A_471 : i32
      %sign3A_473 = arith.extui %sign3A_472 : i1 to i32
      %sign3A_474 = arith.constant 0 : i32
      %sign3A_475 = arith.cmpi slt, %add3A_27, %sign3A_474 : i32
      %sign3A_476 = arith.extui %sign3A_475 : i1 to i32
      %sign3A_477 = arith.subi %sign3A_473, %sign3A_476 : i32
      %sign3A_478 = arith.constant 0 : i32
      %sign3A_479 = arith.cmpi sgt, %jit3A_469, %sign3A_478 : i32
      %sign3A_480 = arith.extui %sign3A_479 : i1 to i32
      %sign3A_481 = arith.constant 0 : i32
      %sign3A_482 = arith.cmpi slt, %jit3A_469, %sign3A_481 : i32
      %sign3A_483 = arith.extui %sign3A_482 : i1 to i32
      %sign3A_484 = arith.subi %sign3A_480, %sign3A_483 : i32
      %ne3A_485 = arith.cmpi ne, %sign3A_477, %sign3A_484 : i32
      %rem3A_486 = arith.remsi %add3A_27, %jit3A_469 : i32
      %ne3A_487 = arith.constant 0 : i32
      %ne3A_488 = arith.cmpi ne, %rem3A_486, %ne3A_487 : i32
      %and3A_489 = arith.andi %ne3A_485, %ne3A_488 : i1
      %sub3A_490 = arith.constant 1 : i32
      %sub3A_491 = arith.subi %div3A_470, %sub3A_490 : i32
      %select_n3A_492 = arith.select %and3A_489, %sub3A_491, %div3A_470 : i32
      %jit3A_493 = arith.constant 1 : i32
      %eq3A_494 = arith.constant 0 : i32
      %eq3A_495 = arith.cmpi eq, %jit3A_493, %eq3A_494 : i32
      %jit3A_496 = arith.constant 1 : i32
      %select_n3A_497 = arith.select %eq3A_495, %jit3A_496, %jit3A_493 : i32
      %rem3A_498 = arith.remsi %add3A_27, %select_n3A_497 : i32
      %ne3A_499 = arith.constant 0 : i32
      %ne3A_500 = arith.cmpi ne, %rem3A_498, %ne3A_499 : i32
      %lt3A_501 = arith.constant 0 : i32
      %lt3A_502 = arith.cmpi slt, %rem3A_498, %lt3A_501 : i32
      %lt3A_503 = arith.constant 0 : i32
      %lt3A_504 = arith.cmpi slt, %select_n3A_497, %lt3A_503 : i32
      %ne3A_505 = arith.xori %lt3A_502, %lt3A_504 : i1
      %and3A_506 = arith.andi %ne3A_505, %ne3A_500 : i1
      %add3A_507 = arith.addi %rem3A_498, %select_n3A_497 : i32
      %select_n3A_508 = arith.select %and3A_506, %add3A_507, %rem3A_498 : i32
      %mul3A_509 = arith.constant 128 : i32
      %mul3A_510 = arith.muli %select_n3A_508, %mul3A_509 : i32
      %add3A_511 = arith.addi %mul3A_2, %mul3A_510 : i32
      %dma_start3A_512 = arith.constant 0 : i32
      %dma_start3A_513 = tpu.memref_slice %arg4[%select_n3A_492, %add3A_511, %dma_start3A_512] : memref<26x4096x128xf32, #tpu.memory_space<hbm>> -> memref<1x128x128xf32, #tpu.memory_space<hbm>>
      %dma_start3A_514 = tpu.memref_squeeze %dma_start3A_513 : memref<1x128x128xf32, #tpu.memory_space<hbm>> -> memref<128x128xf32, #tpu.memory_space<hbm>>
      %dma_start3A_515 = arith.constant 0 : i32
      %dma_start3A_516 = tpu.memref_slice %arg4[%select_n3A_492, %add3A_511, %dma_start3A_515] : memref<26x4096x128xf32, #tpu.memory_space<hbm>> -> memref<1x128x128xf32, #tpu.memory_space<hbm>>
      %dma_start3A_517 = tpu.memref_squeeze %dma_start3A_516 : memref<1x128x128xf32, #tpu.memory_space<hbm>> -> memref<128x128xf32, #tpu.memory_space<hbm>>
      tpu.enqueue_dma source(%arg8 : memref<128x128xf32, #tpu.memory_space<vmem>>) target(%dma_start3A_517 : memref<128x128xf32, #tpu.memory_space<hbm>>) target_semaphore(%arg12 : memref<!tpu.dma_semaphore, #tpu.memory_space<semaphore_mem>>)
    }
    %scan3A_7 = arith.constant 13 : i32
    %dma_wait3A = arith.constant 0 : i32
    %dma_wait3A_8 = arith.constant 0 : i32
    %dma_wait3A_9 = tpu.memref_slice %arg4[%dma_wait3A, %mul3A_2, %dma_wait3A_8] : memref<26x4096x128xf32, #tpu.memory_space<hbm>> -> memref<1x128x128xf32, #tpu.memory_space<hbm>>
    %dma_wait3A_10 = tpu.memref_squeeze %dma_wait3A_9 : memref<1x128x128xf32, #tpu.memory_space<hbm>> -> memref<128x128xf32, #tpu.memory_space<hbm>>
    %dma_wait3A_11 = arith.constant 0 : i32
    %dma_wait3A_12 = tpu.memref_slice %arg4[%dma_wait3A, %mul3A_2, %dma_wait3A_11] : memref<26x4096x128xf32, #tpu.memory_space<hbm>> -> memref<1x128x128xf32, #tpu.memory_space<hbm>>
    %dma_wait3A_13 = tpu.memref_squeeze %dma_wait3A_12 : memref<1x128x128xf32, #tpu.memory_space<hbm>> -> memref<128x128xf32, #tpu.memory_space<hbm>>
    tpu.wait_dma2 semaphore(%arg11 : memref<!tpu.dma_semaphore, #tpu.memory_space<semaphore_mem>>) src(%arg7 : memref<128x128xf32, #tpu.memory_space<vmem>>) dst(%dma_wait3A_13 : memref<128x128xf32, #tpu.memory_space<hbm>>)
    %dma_wait3A_14 = arith.constant 0 : i32
    %dma_wait3A_15 = arith.constant 0 : i32
    %dma_wait3A_16 = tpu.memref_slice %arg4[%dma_wait3A_14, %mul3A_2, %dma_wait3A_15] : memref<26x4096x128xf32, #tpu.memory_space<hbm>> -> memref<1x128x128xf32, #tpu.memory_space<hbm>>
    %dma_wait3A_17 = tpu.memref_squeeze %dma_wait3A_16 : memref<1x128x128xf32, #tpu.memory_space<hbm>> -> memref<128x128xf32, #tpu.memory_space<hbm>>
    %dma_wait3A_18 = arith.constant 0 : i32
    %dma_wait3A_19 = tpu.memref_slice %arg4[%dma_wait3A_14, %mul3A_2, %dma_wait3A_18] : memref<26x4096x128xf32, #tpu.memory_space<hbm>> -> memref<1x128x128xf32, #tpu.memory_space<hbm>>
    %dma_wait3A_20 = tpu.memref_squeeze %dma_wait3A_19 : memref<1x128x128xf32, #tpu.memory_space<hbm>> -> memref<128x128xf32, #tpu.memory_space<hbm>>
    tpu.wait_dma2 semaphore(%arg12 : memref<!tpu.dma_semaphore, #tpu.memory_space<semaphore_mem>>) src(%arg8 : memref<128x128xf32, #tpu.memory_space<vmem>>) dst(%dma_wait3A_20 : memref<128x128xf32, #tpu.memory_space<hbm>>)
    return
  }
}

#map = affine_map<(d0, d1) -> (0)>
#map1 = affine_map<(d0, d1) -> (0, 0)>
#map2 = affine_map<(d0, d1) -> (0, 0, 0)>
module attributes {stable_mosaic.version = 14 : i64} {
  func.func @k(%arg0: i32, %arg1: i32, %arg2: memref<425984xi32, #tpu.memory_space<hbm>>, %arg3: memref<26000x128xf32, #tpu.memory_space<hbm>>, %arg4: memref<26x4096x128xf32, #tpu.memory_space<hbm>>, %arg5: memref<128xi32, #tpu.memory_space<vmem>>, %arg6: memref<128xi32, #tpu.memory_space<vmem>>, %arg7: memref<128x128xf32, #tpu.memory_space<vmem>>, %arg8: memref<128x128xf32, #tpu.memory_space<vmem>>, %arg9: memref<!tpu.dma_semaphore, #tpu.memory_space<semaphore_mem>>, %arg10: memref<!tpu.dma_semaphore, #tpu.memory_space<semaphore_mem>>, %arg11: memref<!tpu.dma_semaphore, #tpu.memory_space<semaphore_mem>>, %arg12: memref<!tpu.dma_semaphore, #tpu.memory_space<semaphore_mem>>) attributes {dimension_semantics = [#tpu.dimension_semantics<core_parallel>, #tpu.dimension_semantics<subcore_parallel>], iteration_bounds = array<i64: 2, 16>, scalar_prefetch = 0 : i64, scratch_operands = 8 : i64, tpu.core_type = #tpu.core_type<sc_vector_subcore>, window_params = [{transform_indices = #map}, {transform_indices = #map1}, {transform_indices = #map2}]} {
    %mul3A = arith.constant 2 : i32
    %mul3A_0 = arith.muli %arg1, %mul3A : i32
    %add3A = arith.addi %mul3A_0, %arg0 : i32
    %mul3A_1 = arith.constant 128 : i32
    %mul3A_2 = arith.muli %add3A, %mul3A_1 : i32
    %scan3A = arith.constant 0 : i32
    %scan3A_3 = arith.constant 0 : i32
    %scan3A_4 = arith.constant 13 : i32
    %scan3A_5 = arith.addi %scan3A_3, %scan3A_4 : i32
    %scan3A_6 = arith.constant 1 : i32
    scf.for %scan3A_21 = %scan3A_3 to %scan3A_5 step %scan3A_6  : i32 {
      %mul3A_22 = arith.constant 2 : i32
      %mul3A_23 = arith.muli %mul3A_22, %scan3A_21 : i32
      %mul3A_24 = arith.constant 2 : i32
      %mul3A_25 = arith.muli %mul3A_24, %scan3A_21 : i32
      %add3A_26 = arith.constant 1 : i32
      %add3A_27 = arith.addi %mul3A_25, %add3A_26 : i32
      %jit3A = arith.constant 1 : i32
      %div3A = arith.divsi %mul3A_23, %jit3A : i32
      %sign3A = arith.constant 0 : i32
      %sign3A_28 = arith.cmpi sgt, %mul3A_23, %sign3A : i32
      %sign3A_29 = arith.extui %sign3A_28 : i1 to i32
      %sign3A_30 = arith.constant 0 : i32
      %sign3A_31 = arith.cmpi slt, %mul3A_23, %sign3A_30 : i32
      %sign3A_32 = arith.extui %sign3A_31 : i1 to i32
      %sign3A_33 = arith.subi %sign3A_29, %sign3A_32 : i32
      %sign3A_34 = arith.constant 0 : i32
      %sign3A_35 = arith.cmpi sgt, %jit3A, %sign3A_34 : i32
      %sign3A_36 = arith.extui %sign3A_35 : i1 to i32
      %sign3A_37 = arith.constant 0 : i32
      %sign3A_38 = arith.cmpi slt, %jit3A, %sign3A_37 : i32
      %sign3A_39 = arith.extui %sign3A_38 : i1 to i32
      %sign3A_40 = arith.subi %sign3A_36, %sign3A_39 : i32
      %ne3A = arith.cmpi ne, %sign3A_33, %sign3A_40 : i32
      %rem3A = arith.remsi %mul3A_23, %jit3A : i32
      %ne3A_41 = arith.constant 0 : i32
      %ne3A_42 = arith.cmpi ne, %rem3A, %ne3A_41 : i32
      %and3A = arith.andi %ne3A, %ne3A_42 : i1
      %sub3A = arith.constant 1 : i32
      %sub3A_43 = arith.subi %div3A, %sub3A : i32
      %select_n3A = arith.select %and3A, %sub3A_43, %div3A : i32
      %mul3A_44 = arith.constant 16384 : i32
      %mul3A_45 = arith.muli %select_n3A, %mul3A_44 : i32
      %add3A_46 = arith.constant 0 : i32
      %add3A_47 = arith.addi %mul3A_45, %add3A_46 : i32
      %add3A_48 = arith.addi %add3A_47, %mul3A_2 : i32
      %jit3A_49 = arith.constant 1 : i32
      %eq3A = arith.constant 0 : i32
      %eq3A_50 = arith.cmpi eq, %jit3A_49, %eq3A : i32
      %jit3A_51 = arith.constant 1 : i32
      %select_n3A_52 = arith.select %eq3A_50, %jit3A_51, %jit3A_49 : i32
      %rem3A_53 = arith.remsi %mul3A_23, %select_n3A_52 : i32
      %ne3A_54 = arith.constant 0 : i32
      %ne3A_55 = arith.cmpi ne, %rem3A_53, %ne3A_54 : i32
      %lt3A = arith.constant 0 : i32
      %lt3A_56 = arith.cmpi slt, %rem3A_53, %lt3A : i32
      %lt3A_57 = arith.constant 0 : i32
      %lt3A_58 = arith.cmpi slt, %select_n3A_52, %lt3A_57 : i32
      %ne3A_59 = arith.xori %lt3A_56, %lt3A_58 : i1
      %and3A_60 = arith.andi %ne3A_59, %ne3A_55 : i1
      %add3A_61 = arith.addi %rem3A_53, %select_n3A_52 : i32
      %select_n3A_62 = arith.select %and3A_60, %add3A_61, %rem3A_53 : i32
      %mul3A_63 = arith.constant 128 : i32
      %mul3A_64 = arith.muli %select_n3A_62, %mul3A_63 : i32
      %add3A_65 = arith.addi %add3A_48, %mul3A_64 : i32
      "tpu.region"() ({
        %run_scoped3A = tpu.sem_alloc : memref<!tpu.dma_semaphore, #tpu.memory_space<semaphore_mem>>
        %dma_start3A_518 = tpu.memref_slice %arg2[%add3A_65] : memref<425984xi32, #tpu.memory_space<hbm>> -> memref<128xi32, #tpu.memory_space<hbm>>
        %dma_start3A_519 = tpu.memref_slice %arg2[%add3A_65] : memref<425984xi32, #tpu.memory_space<hbm>> -> memref<128xi32, #tpu.memory_space<hbm>>
        tpu.enqueue_dma source(%dma_start3A_519 : memref<128xi32, #tpu.memory_space<hbm>>) target(%arg5 : memref<128xi32, #tpu.memory_space<vmem>>) target_semaphore(%run_scoped3A : memref<!tpu.dma_semaphore, #tpu.memory_space<semaphore_mem>>)
        %dma_wait3A_520 = tpu.memref_slice %arg2[%add3A_65] : memref<425984xi32, #tpu.memory_space<hbm>> -> memref<128xi32, #tpu.memory_space<hbm>>
        %dma_wait3A_521 = tpu.memref_slice %arg2[%add3A_65] : memref<425984xi32, #tpu.memory_space<hbm>> -> memref<128xi32, #tpu.memory_space<hbm>>
        tpu.wait_dma2 semaphore(%run_scoped3A : memref<!tpu.dma_semaphore, #tpu.memory_space<semaphore_mem>>) src(%dma_wait3A_521 : memref<128xi32, #tpu.memory_space<hbm>>) dst(%arg5 : memref<128xi32, #tpu.memory_space<vmem>>)
        tpu.yield
      }) : () -> ()
      %jit3A_66 = arith.constant 1 : i32
      %div3A_67 = arith.divsi %add3A_27, %jit3A_66 : i32
      %sign3A_68 = arith.constant 0 : i32
      %sign3A_69 = arith.cmpi sgt, %add3A_27, %sign3A_68 : i32
      %sign3A_70 = arith.extui %sign3A_69 : i1 to i32
      %sign3A_71 = arith.constant 0 : i32
      %sign3A_72 = arith.cmpi slt, %add3A_27, %sign3A_71 : i32
      %sign3A_73 = arith.extui %sign3A_72 : i1 to i32
      %sign3A_74 = arith.subi %sign3A_70, %sign3A_73 : i32
      %sign3A_75 = arith.constant 0 : i32
      %sign3A_76 = arith.cmpi sgt, %jit3A_66, %sign3A_75 : i32
      %sign3A_77 = arith.extui %sign3A_76 : i1 to i32
      %sign3A_78 = arith.constant 0 : i32
      %sign3A_79 = arith.cmpi slt, %jit3A_66, %sign3A_78 : i32
      %sign3A_80 = arith.extui %sign3A_79 : i1 to i32
      %sign3A_81 = arith.subi %sign3A_77, %sign3A_80 : i32
      %ne3A_82 = arith.cmpi ne, %sign3A_74, %sign3A_81 : i32
      %rem3A_83 = arith.remsi %add3A_27, %jit3A_66 : i32
      %ne3A_84 = arith.constant 0 : i32
      %ne3A_85 = arith.cmpi ne, %rem3A_83, %ne3A_84 : i32
      %and3A_86 = arith.andi %ne3A_82, %ne3A_85 : i1
      %sub3A_87 = arith.constant 1 : i32
      %sub3A_88 = arith.subi %div3A_67, %sub3A_87 : i32
      %select_n3A_89 = arith.select %and3A_86, %sub3A_88, %div3A_67 : i32
      %mul3A_90 = arith.constant 16384 : i32
      %mul3A_91 = arith.muli %select_n3A_89, %mul3A_90 : i32
      %add3A_92 = arith.constant 0 : i32
      %add3A_93 = arith.addi %mul3A_91, %add3A_92 : i32
      %add3A_94 = arith.addi %add3A_93, %mul3A_2 : i32
      %jit3A_95 = arith.constant 1 : i32
      %eq3A_96 = arith.constant 0 : i32
      %eq3A_97 = arith.cmpi eq, %jit3A_95, %eq3A_96 : i32
      %jit3A_98 = arith.constant 1 : i32
      %select_n3A_99 = arith.select %eq3A_97, %jit3A_98, %jit3A_95 : i32
      %rem3A_100 = arith.remsi %add3A_27, %select_n3A_99 : i32
      %ne3A_101 = arith.constant 0 : i32
      %ne3A_102 = arith.cmpi ne, %rem3A_100, %ne3A_101 : i32
      %lt3A_103 = arith.constant 0 : i32
      %lt3A_104 = arith.cmpi slt, %rem3A_100, %lt3A_103 : i32
      %lt3A_105 = arith.constant 0 : i32
      %lt3A_106 = arith.cmpi slt, %select_n3A_99, %lt3A_105 : i32
      %ne3A_107 = arith.xori %lt3A_104, %lt3A_106 : i1
      %and3A_108 = arith.andi %ne3A_107, %ne3A_102 : i1
      %add3A_109 = arith.addi %rem3A_100, %select_n3A_99 : i32
      %select_n3A_110 = arith.select %and3A_108, %add3A_109, %rem3A_100 : i32
      %mul3A_111 = arith.constant 128 : i32
      %mul3A_112 = arith.muli %select_n3A_110, %mul3A_111 : i32
      %add3A_113 = arith.addi %add3A_94, %mul3A_112 : i32
      "tpu.region"() ({
        %run_scoped3A = tpu.sem_alloc : memref<!tpu.dma_semaphore, #tpu.memory_space<semaphore_mem>>
        %dma_start3A_518 = tpu.memref_slice %arg2[%add3A_113] : memref<425984xi32, #tpu.memory_space<hbm>> -> memref<128xi32, #tpu.memory_space<hbm>>
        %dma_start3A_519 = tpu.memref_slice %arg2[%add3A_113] : memref<425984xi32, #tpu.memory_space<hbm>> -> memref<128xi32, #tpu.memory_space<hbm>>
        tpu.enqueue_dma source(%dma_start3A_519 : memref<128xi32, #tpu.memory_space<hbm>>) target(%arg6 : memref<128xi32, #tpu.memory_space<vmem>>) target_semaphore(%run_scoped3A : memref<!tpu.dma_semaphore, #tpu.memory_space<semaphore_mem>>)
        %dma_wait3A_520 = tpu.memref_slice %arg2[%add3A_113] : memref<425984xi32, #tpu.memory_space<hbm>> -> memref<128xi32, #tpu.memory_space<hbm>>
        %dma_wait3A_521 = tpu.memref_slice %arg2[%add3A_113] : memref<425984xi32, #tpu.memory_space<hbm>> -> memref<128xi32, #tpu.memory_space<hbm>>
        tpu.wait_dma2 semaphore(%run_scoped3A : memref<!tpu.dma_semaphore, #tpu.memory_space<semaphore_mem>>) src(%dma_wait3A_521 : memref<128xi32, #tpu.memory_space<hbm>>) dst(%arg6 : memref<128xi32, #tpu.memory_space<vmem>>)
        tpu.yield
      }) : () -> ()
      %jit3A_114 = arith.constant 1 : i32
      %div3A_115 = arith.divsi %mul3A_23, %jit3A_114 : i32
      %sign3A_116 = arith.constant 0 : i32
      %sign3A_117 = arith.cmpi sgt, %mul3A_23, %sign3A_116 : i32
      %sign3A_118 = arith.extui %sign3A_117 : i1 to i32
      %sign3A_119 = arith.constant 0 : i32
      %sign3A_120 = arith.cmpi slt, %mul3A_23, %sign3A_119 : i32
      %sign3A_121 = arith.extui %sign3A_120 : i1 to i32
      %sign3A_122 = arith.subi %sign3A_118, %sign3A_121 : i32
      %sign3A_123 = arith.constant 0 : i32
      %sign3A_124 = arith.cmpi sgt, %jit3A_114, %sign3A_123 : i32
      %sign3A_125 = arith.extui %sign3A_124 : i1 to i32
      %sign3A_126 = arith.constant 0 : i32
      %sign3A_127 = arith.cmpi slt, %jit3A_114, %sign3A_126 : i32
      %sign3A_128 = arith.extui %sign3A_127 : i1 to i32
      %sign3A_129 = arith.subi %sign3A_125, %sign3A_128 : i32
      %ne3A_130 = arith.cmpi ne, %sign3A_122, %sign3A_129 : i32
      %rem3A_131 = arith.remsi %mul3A_23, %jit3A_114 : i32
      %ne3A_132 = arith.constant 0 : i32
      %ne3A_133 = arith.cmpi ne, %rem3A_131, %ne3A_132 : i32
      %and3A_134 = arith.andi %ne3A_130, %ne3A_133 : i1
      %sub3A_135 = arith.constant 1 : i32
      %sub3A_136 = arith.subi %div3A_115, %sub3A_135 : i32
      %select_n3A_137 = arith.select %and3A_134, %sub3A_136, %div3A_115 : i32
      %mul3A_138 = arith.constant 1000 : i32
      %mul3A_139 = arith.muli %select_n3A_137, %mul3A_138 : i32
      %get3A = arith.constant 0 : index
      %get3A_140 = tpu.vector_load %arg5[%get3A] {strides = array<i32>} : memref<128xi32, #tpu.memory_space<vmem>>, vector<16xi32>,
      %get3A_141 = vector.shape_cast %get3A_140 : vector<16xi32> to vector<16xi32>
      %max3A = arith.constant 0 : i32
      %max3A_142 = vector.broadcast %max3A : i32 to vector<16xi32>
      %max3A_143 = arith.maxsi %get3A_141, %max3A_142 : vector<16xi32>
      %min3A = arith.constant 999 : i32
      %min3A_144 = vector.broadcast %min3A : i32 to vector<16xi32>
      %min3A_145 = arith.minsi %max3A_143, %min3A_144 : vector<16xi32>
      %add3A_146 = vector.broadcast %mul3A_139 : i32 to vector<16xi32>
      %add3A_147 = arith.addi %min3A_145, %add3A_146 : vector<16xi32>
      %swap3A = arith.constant 0 : index
      %swap3A_148 = tpu.vector_load %arg5[%swap3A] {strides = array<i32>} : memref<128xi32, #tpu.memory_space<vmem>>, vector<16xi32>,
      %swap3A_149 = vector.shape_cast %swap3A_148 : vector<16xi32> to vector<16xi32>
      %swap3A_150 = vector.shape_cast %add3A_147 : vector<16xi32> to vector<16xi32>
      tpu.vector_store %arg5[%swap3A], %swap3A_150 {strides = array<i32>} : memref<128xi32, #tpu.memory_space<vmem>>, vector<16xi32>,
      %get3A_151 = arith.constant 16 : index
      %get3A_152 = tpu.vector_load %arg5[%get3A_151] {strides = array<i32>} : memref<128xi32, #tpu.memory_space<vmem>>, vector<16xi32>,
      %get3A_153 = vector.shape_cast %get3A_152 : vector<16xi32> to vector<16xi32>
      %max3A_154 = arith.constant 0 : i32
      %max3A_155 = vector.broadcast %max3A_154 : i32 to vector<16xi32>
      %max3A_156 = arith.maxsi %get3A_153, %max3A_155 : vector<16xi32>
      %min3A_157 = arith.constant 999 : i32
      %min3A_158 = vector.broadcast %min3A_157 : i32 to vector<16xi32>
      %min3A_159 = arith.minsi %max3A_156, %min3A_158 : vector<16xi32>
      %add3A_160 = vector.broadcast %mul3A_139 : i32 to vector<16xi32>
      %add3A_161 = arith.addi %min3A_159, %add3A_160 : vector<16xi32>
      %swap3A_162 = arith.constant 16 : index
      %swap3A_163 = tpu.vector_load %arg5[%swap3A_162] {strides = array<i32>} : memref<128xi32, #tpu.memory_space<vmem>>, vector<16xi32>,
      %swap3A_164 = vector.shape_cast %swap3A_163 : vector<16xi32> to vector<16xi32>
      %swap3A_165 = vector.shape_cast %add3A_161 : vector<16xi32> to vector<16xi32>
      tpu.vector_store %arg5[%swap3A_162], %swap3A_165 {strides = array<i32>} : memref<128xi32, #tpu.memory_space<vmem>>, vector<16xi32>,
      %get3A_166 = arith.constant 32 : index
      %get3A_167 = tpu.vector_load %arg5[%get3A_166] {strides = array<i32>} : memref<128xi32, #tpu.memory_space<vmem>>, vector<16xi32>,
      %get3A_168 = vector.shape_cast %get3A_167 : vector<16xi32> to vector<16xi32>
      %max3A_169 = arith.constant 0 : i32
      %max3A_170 = vector.broadcast %max3A_169 : i32 to vector<16xi32>
      %max3A_171 = arith.maxsi %get3A_168, %max3A_170 : vector<16xi32>
      %min3A_172 = arith.constant 999 : i32
      %min3A_173 = vector.broadcast %min3A_172 : i32 to vector<16xi32>
      %min3A_174 = arith.minsi %max3A_171, %min3A_173 : vector<16xi32>
      %add3A_175 = vector.broadcast %mul3A_139 : i32 to vector<16xi32>
      %add3A_176 = arith.addi %min3A_174, %add3A_175 : vector<16xi32>
      %swap3A_177 = arith.constant 32 : index
      %swap3A_178 = tpu.vector_load %arg5[%swap3A_177] {strides = array<i32>} : memref<128xi32, #tpu.memory_space<vmem>>, vector<16xi32>,
      %swap3A_179 = vector.shape_cast %swap3A_178 : vector<16xi32> to vector<16xi32>
      %swap3A_180 = vector.shape_cast %add3A_176 : vector<16xi32> to vector<16xi32>
      tpu.vector_store %arg5[%swap3A_177], %swap3A_180 {strides = array<i32>} : memref<128xi32, #tpu.memory_space<vmem>>, vector<16xi32>,
      %get3A_181 = arith.constant 48 : index
      %get3A_182 = tpu.vector_load %arg5[%get3A_181] {strides = array<i32>} : memref<128xi32, #tpu.memory_space<vmem>>, vector<16xi32>,
      %get3A_183 = vector.shape_cast %get3A_182 : vector<16xi32> to vector<16xi32>
      %max3A_184 = arith.constant 0 : i32
      %max3A_185 = vector.broadcast %max3A_184 : i32 to vector<16xi32>
      %max3A_186 = arith.maxsi %get3A_183, %max3A_185 : vector<16xi32>
      %min3A_187 = arith.constant 999 : i32
      %min3A_188 = vector.broadcast %min3A_187 : i32 to vector<16xi32>
      %min3A_189 = arith.minsi %max3A_186, %min3A_188 : vector<16xi32>
      %add3A_190 = vector.broadcast %mul3A_139 : i32 to vector<16xi32>
      %add3A_191 = arith.addi %min3A_189, %add3A_190 : vector<16xi32>
      %swap3A_192 = arith.constant 48 : index
      %swap3A_193 = tpu.vector_load %arg5[%swap3A_192] {strides = array<i32>} : memref<128xi32, #tpu.memory_space<vmem>>, vector<16xi32>,
      %swap3A_194 = vector.shape_cast %swap3A_193 : vector<16xi32> to vector<16xi32>
      %swap3A_195 = vector.shape_cast %add3A_191 : vector<16xi32> to vector<16xi32>
      tpu.vector_store %arg5[%swap3A_192], %swap3A_195 {strides = array<i32>} : memref<128xi32, #tpu.memory_space<vmem>>, vector<16xi32>,
      %get3A_196 = arith.constant 64 : index
      %get3A_197 = tpu.vector_load %arg5[%get3A_196] {strides = array<i32>} : memref<128xi32, #tpu.memory_space<vmem>>, vector<16xi32>,
      %get3A_198 = vector.shape_cast %get3A_197 : vector<16xi32> to vector<16xi32>
      %max3A_199 = arith.constant 0 : i32
      %max3A_200 = vector.broadcast %max3A_199 : i32 to vector<16xi32>
      %max3A_201 = arith.maxsi %get3A_198, %max3A_200 : vector<16xi32>
      %min3A_202 = arith.constant 999 : i32
      %min3A_203 = vector.broadcast %min3A_202 : i32 to vector<16xi32>
      %min3A_204 = arith.minsi %max3A_201, %min3A_203 : vector<16xi32>
      %add3A_205 = vector.broadcast %mul3A_139 : i32 to vector<16xi32>
      %add3A_206 = arith.addi %min3A_204, %add3A_205 : vector<16xi32>
      %swap3A_207 = arith.constant 64 : index
      %swap3A_208 = tpu.vector_load %arg5[%swap3A_207] {strides = array<i32>} : memref<128xi32, #tpu.memory_space<vmem>>, vector<16xi32>,
      %swap3A_209 = vector.shape_cast %swap3A_208 : vector<16xi32> to vector<16xi32>
      %swap3A_210 = vector.shape_cast %add3A_206 : vector<16xi32> to vector<16xi32>
      tpu.vector_store %arg5[%swap3A_207], %swap3A_210 {strides = array<i32>} : memref<128xi32, #tpu.memory_space<vmem>>, vector<16xi32>,
      %get3A_211 = arith.constant 80 : index
      %get3A_212 = tpu.vector_load %arg5[%get3A_211] {strides = array<i32>} : memref<128xi32, #tpu.memory_space<vmem>>, vector<16xi32>,
      %get3A_213 = vector.shape_cast %get3A_212 : vector<16xi32> to vector<16xi32>
      %max3A_214 = arith.constant 0 : i32
      %max3A_215 = vector.broadcast %max3A_214 : i32 to vector<16xi32>
      %max3A_216 = arith.maxsi %get3A_213, %max3A_215 : vector<16xi32>
      %min3A_217 = arith.constant 999 : i32
      %min3A_218 = vector.broadcast %min3A_217 : i32 to vector<16xi32>
      %min3A_219 = arith.minsi %max3A_216, %min3A_218 : vector<16xi32>
      %add3A_220 = vector.broadcast %mul3A_139 : i32 to vector<16xi32>
      %add3A_221 = arith.addi %min3A_219, %add3A_220 : vector<16xi32>
      %swap3A_222 = arith.constant 80 : index
      %swap3A_223 = tpu.vector_load %arg5[%swap3A_222] {strides = array<i32>} : memref<128xi32, #tpu.memory_space<vmem>>, vector<16xi32>,
      %swap3A_224 = vector.shape_cast %swap3A_223 : vector<16xi32> to vector<16xi32>
      %swap3A_225 = vector.shape_cast %add3A_221 : vector<16xi32> to vector<16xi32>
      tpu.vector_store %arg5[%swap3A_222], %swap3A_225 {strides = array<i32>} : memref<128xi32, #tpu.memory_space<vmem>>, vector<16xi32>,
      %get3A_226 = arith.constant 96 : index
      %get3A_227 = tpu.vector_load %arg5[%get3A_226] {strides = array<i32>} : memref<128xi32, #tpu.memory_space<vmem>>, vector<16xi32>,
      %get3A_228 = vector.shape_cast %get3A_227 : vector<16xi32> to vector<16xi32>
      %max3A_229 = arith.constant 0 : i32
      %max3A_230 = vector.broadcast %max3A_229 : i32 to vector<16xi32>
      %max3A_231 = arith.maxsi %get3A_228, %max3A_230 : vector<16xi32>
      %min3A_232 = arith.constant 999 : i32
      %min3A_233 = vector.broadcast %min3A_232 : i32 to vector<16xi32>
      %min3A_234 = arith.minsi %max3A_231, %min3A_233 : vector<16xi32>
      %add3A_235 = vector.broadcast %mul3A_139 : i32 to vector<16xi32>
      %add3A_236 = arith.addi %min3A_234, %add3A_235 : vector<16xi32>
      %swap3A_237 = arith.constant 96 : index
      %swap3A_238 = tpu.vector_load %arg5[%swap3A_237] {strides = array<i32>} : memref<128xi32, #tpu.memory_space<vmem>>, vector<16xi32>,
      %swap3A_239 = vector.shape_cast %swap3A_238 : vector<16xi32> to vector<16xi32>
      %swap3A_240 = vector.shape_cast %add3A_236 : vector<16xi32> to vector<16xi32>
      tpu.vector_store %arg5[%swap3A_237], %swap3A_240 {strides = array<i32>} : memref<128xi32, #tpu.memory_space<vmem>>, vector<16xi32>,
      %get3A_241 = arith.constant 112 : index
      %get3A_242 = tpu.vector_load %arg5[%get3A_241] {strides = array<i32>} : memref<128xi32, #tpu.memory_space<vmem>>, vector<16xi32>,
      %get3A_243 = vector.shape_cast %get3A_242 : vector<16xi32> to vector<16xi32>
      %max3A_244 = arith.constant 0 : i32
      %max3A_245 = vector.broadcast %max3A_244 : i32 to vector<16xi32>
      %max3A_246 = arith.maxsi %get3A_243, %max3A_245 : vector<16xi32>
      %min3A_247 = arith.constant 999 : i32
      %min3A_248 = vector.broadcast %min3A_247 : i32 to vector<16xi32>
      %min3A_249 = arith.minsi %max3A_246, %min3A_248 : vector<16xi32>
      %add3A_250 = vector.broadcast %mul3A_139 : i32 to vector<16xi32>
      %add3A_251 = arith.addi %min3A_249, %add3A_250 : vector<16xi32>
      %swap3A_252 = arith.constant 112 : index
      %swap3A_253 = tpu.vector_load %arg5[%swap3A_252] {strides = array<i32>} : memref<128xi32, #tpu.memory_space<vmem>>, vector<16xi32>,
      %swap3A_254 = vector.shape_cast %swap3A_253 : vector<16xi32> to vector<16xi32>
      %swap3A_255 = vector.shape_cast %add3A_251 : vector<16xi32> to vector<16xi32>
      tpu.vector_store %arg5[%swap3A_252], %swap3A_255 {strides = array<i32>} : memref<128xi32, #tpu.memory_space<vmem>>, vector<16xi32>,
      %jit3A_256 = arith.constant 1 : i32
      %div3A_257 = arith.divsi %add3A_27, %jit3A_256 : i32
      %sign3A_258 = arith.constant 0 : i32
      %sign3A_259 = arith.cmpi sgt, %add3A_27, %sign3A_258 : i32
      %sign3A_260 = arith.extui %sign3A_259 : i1 to i32
      %sign3A_261 = arith.constant 0 : i32
      %sign3A_262 = arith.cmpi slt, %add3A_27, %sign3A_261 : i32
      %sign3A_263 = arith.extui %sign3A_262 : i1 to i32
      %sign3A_264 = arith.subi %sign3A_260, %sign3A_263 : i32
      %sign3A_265 = arith.constant 0 : i32
      %sign3A_266 = arith.cmpi sgt, %jit3A_256, %sign3A_265 : i32
      %sign3A_267 = arith.extui %sign3A_266 : i1 to i32
      %sign3A_268 = arith.constant 0 : i32
      %sign3A_269 = arith.cmpi slt, %jit3A_256, %sign3A_268 : i32
      %sign3A_270 = arith.extui %sign3A_269 : i1 to i32
      %sign3A_271 = arith.subi %sign3A_267, %sign3A_270 : i32
      %ne3A_272 = arith.cmpi ne, %sign3A_264, %sign3A_271 : i32
      %rem3A_273 = arith.remsi %add3A_27, %jit3A_256 : i32
      %ne3A_274 = arith.constant 0 : i32
      %ne3A_275 = arith.cmpi ne, %rem3A_273, %ne3A_274 : i32
      %and3A_276 = arith.andi %ne3A_272, %ne3A_275 : i1
      %sub3A_277 = arith.constant 1 : i32
      %sub3A_278 = arith.subi %div3A_257, %sub3A_277 : i32
      %select_n3A_279 = arith.select %and3A_276, %sub3A_278, %div3A_257 : i32
      %mul3A_280 = arith.constant 1000 : i32
      %mul3A_281 = arith.muli %select_n3A_279, %mul3A_280 : i32
      %get3A_282 = arith.constant 0 : index
      %get3A_283 = tpu.vector_load %arg6[%get3A_282] {strides = array<i32>} : memref<128xi32, #tpu.memory_space<vmem>>, vector<16xi32>,
      %get3A_284 = vector.shape_cast %get3A_283 : vector<16xi32> to vector<16xi32>
      %max3A_285 = arith.constant 0 : i32
      %max3A_286 = vector.broadcast %max3A_285 : i32 to vector<16xi32>
      %max3A_287 = arith.maxsi %get3A_284, %max3A_286 : vector<16xi32>
      %min3A_288 = arith.constant 999 : i32
      %min3A_289 = vector.broadcast %min3A_288 : i32 to vector<16xi32>
      %min3A_290 = arith.minsi %max3A_287, %min3A_289 : vector<16xi32>
      %add3A_291 = vector.broadcast %mul3A_281 : i32 to vector<16xi32>
      %add3A_292 = arith.addi %min3A_290, %add3A_291 : vector<16xi32>
      %swap3A_293 = arith.constant 0 : index
      %swap3A_294 = tpu.vector_load %arg6[%swap3A_293] {strides = array<i32>} : memref<128xi32, #tpu.memory_space<vmem>>, vector<16xi32>,
      %swap3A_295 = vector.shape_cast %swap3A_294 : vector<16xi32> to vector<16xi32>
      %swap3A_296 = vector.shape_cast %add3A_292 : vector<16xi32> to vector<16xi32>
      tpu.vector_store %arg6[%swap3A_293], %swap3A_296 {strides = array<i32>} : memref<128xi32, #tpu.memory_space<vmem>>, vector<16xi32>,
      %get3A_297 = arith.constant 16 : index
      %get3A_298 = tpu.vector_load %arg6[%get3A_297] {strides = array<i32>} : memref<128xi32, #tpu.memory_space<vmem>>, vector<16xi32>,
      %get3A_299 = vector.shape_cast %get3A_298 : vector<16xi32> to vector<16xi32>
      %max3A_300 = arith.constant 0 : i32
      %max3A_301 = vector.broadcast %max3A_300 : i32 to vector<16xi32>
      %max3A_302 = arith.maxsi %get3A_299, %max3A_301 : vector<16xi32>
      %min3A_303 = arith.constant 999 : i32
      %min3A_304 = vector.broadcast %min3A_303 : i32 to vector<16xi32>
      %min3A_305 = arith.minsi %max3A_302, %min3A_304 : vector<16xi32>
      %add3A_306 = vector.broadcast %mul3A_281 : i32 to vector<16xi32>
      %add3A_307 = arith.addi %min3A_305, %add3A_306 : vector<16xi32>
      %swap3A_308 = arith.constant 16 : index
      %swap3A_309 = tpu.vector_load %arg6[%swap3A_308] {strides = array<i32>} : memref<128xi32, #tpu.memory_space<vmem>>, vector<16xi32>,
      %swap3A_310 = vector.shape_cast %swap3A_309 : vector<16xi32> to vector<16xi32>
      %swap3A_311 = vector.shape_cast %add3A_307 : vector<16xi32> to vector<16xi32>
      tpu.vector_store %arg6[%swap3A_308], %swap3A_311 {strides = array<i32>} : memref<128xi32, #tpu.memory_space<vmem>>, vector<16xi32>,
      %get3A_312 = arith.constant 32 : index
      %get3A_313 = tpu.vector_load %arg6[%get3A_312] {strides = array<i32>} : memref<128xi32, #tpu.memory_space<vmem>>, vector<16xi32>,
      %get3A_314 = vector.shape_cast %get3A_313 : vector<16xi32> to vector<16xi32>
      %max3A_315 = arith.constant 0 : i32
      %max3A_316 = vector.broadcast %max3A_315 : i32 to vector<16xi32>
      %max3A_317 = arith.maxsi %get3A_314, %max3A_316 : vector<16xi32>
      %min3A_318 = arith.constant 999 : i32
      %min3A_319 = vector.broadcast %min3A_318 : i32 to vector<16xi32>
      %min3A_320 = arith.minsi %max3A_317, %min3A_319 : vector<16xi32>
      %add3A_321 = vector.broadcast %mul3A_281 : i32 to vector<16xi32>
      %add3A_322 = arith.addi %min3A_320, %add3A_321 : vector<16xi32>
      %swap3A_323 = arith.constant 32 : index
      %swap3A_324 = tpu.vector_load %arg6[%swap3A_323] {strides = array<i32>} : memref<128xi32, #tpu.memory_space<vmem>>, vector<16xi32>,
      %swap3A_325 = vector.shape_cast %swap3A_324 : vector<16xi32> to vector<16xi32>
      %swap3A_326 = vector.shape_cast %add3A_322 : vector<16xi32> to vector<16xi32>
      tpu.vector_store %arg6[%swap3A_323], %swap3A_326 {strides = array<i32>} : memref<128xi32, #tpu.memory_space<vmem>>, vector<16xi32>,
      %get3A_327 = arith.constant 48 : index
      %get3A_328 = tpu.vector_load %arg6[%get3A_327] {strides = array<i32>} : memref<128xi32, #tpu.memory_space<vmem>>, vector<16xi32>,
      %get3A_329 = vector.shape_cast %get3A_328 : vector<16xi32> to vector<16xi32>
      %max3A_330 = arith.constant 0 : i32
      %max3A_331 = vector.broadcast %max3A_330 : i32 to vector<16xi32>
      %max3A_332 = arith.maxsi %get3A_329, %max3A_331 : vector<16xi32>
      %min3A_333 = arith.constant 999 : i32
      %min3A_334 = vector.broadcast %min3A_333 : i32 to vector<16xi32>
      %min3A_335 = arith.minsi %max3A_332, %min3A_334 : vector<16xi32>
      %add3A_336 = vector.broadcast %mul3A_281 : i32 to vector<16xi32>
      %add3A_337 = arith.addi %min3A_335, %add3A_336 : vector<16xi32>
      %swap3A_338 = arith.constant 48 : index
      %swap3A_339 = tpu.vector_load %arg6[%swap3A_338] {strides = array<i32>} : memref<128xi32, #tpu.memory_space<vmem>>, vector<16xi32>,
      %swap3A_340 = vector.shape_cast %swap3A_339 : vector<16xi32> to vector<16xi32>
      %swap3A_341 = vector.shape_cast %add3A_337 : vector<16xi32> to vector<16xi32>
      tpu.vector_store %arg6[%swap3A_338], %swap3A_341 {strides = array<i32>} : memref<128xi32, #tpu.memory_space<vmem>>, vector<16xi32>,
      %get3A_342 = arith.constant 64 : index
      %get3A_343 = tpu.vector_load %arg6[%get3A_342] {strides = array<i32>} : memref<128xi32, #tpu.memory_space<vmem>>, vector<16xi32>,
      %get3A_344 = vector.shape_cast %get3A_343 : vector<16xi32> to vector<16xi32>
      %max3A_345 = arith.constant 0 : i32
      %max3A_346 = vector.broadcast %max3A_345 : i32 to vector<16xi32>
      %max3A_347 = arith.maxsi %get3A_344, %max3A_346 : vector<16xi32>
      %min3A_348 = arith.constant 999 : i32
      %min3A_349 = vector.broadcast %min3A_348 : i32 to vector<16xi32>
      %min3A_350 = arith.minsi %max3A_347, %min3A_349 : vector<16xi32>
      %add3A_351 = vector.broadcast %mul3A_281 : i32 to vector<16xi32>
      %add3A_352 = arith.addi %min3A_350, %add3A_351 : vector<16xi32>
      %swap3A_353 = arith.constant 64 : index
      %swap3A_354 = tpu.vector_load %arg6[%swap3A_353] {strides = array<i32>} : memref<128xi32, #tpu.memory_space<vmem>>, vector<16xi32>,
      %swap3A_355 = vector.shape_cast %swap3A_354 : vector<16xi32> to vector<16xi32>
      %swap3A_356 = vector.shape_cast %add3A_352 : vector<16xi32> to vector<16xi32>
      tpu.vector_store %arg6[%swap3A_353], %swap3A_356 {strides = array<i32>} : memref<128xi32, #tpu.memory_space<vmem>>, vector<16xi32>,
      %get3A_357 = arith.constant 80 : index
      %get3A_358 = tpu.vector_load %arg6[%get3A_357] {strides = array<i32>} : memref<128xi32, #tpu.memory_space<vmem>>, vector<16xi32>,
      %get3A_359 = vector.shape_cast %get3A_358 : vector<16xi32> to vector<16xi32>
      %max3A_360 = arith.constant 0 : i32
      %max3A_361 = vector.broadcast %max3A_360 : i32 to vector<16xi32>
      %max3A_362 = arith.maxsi %get3A_359, %max3A_361 : vector<16xi32>
      %min3A_363 = arith.constant 999 : i32
      %min3A_364 = vector.broadcast %min3A_363 : i32 to vector<16xi32>
      %min3A_365 = arith.minsi %max3A_362, %min3A_364 : vector<16xi32>
      %add3A_366 = vector.broadcast %mul3A_281 : i32 to vector<16xi32>
      %add3A_367 = arith.addi %min3A_365, %add3A_366 : vector<16xi32>
      %swap3A_368 = arith.constant 80 : index
      %swap3A_369 = tpu.vector_load %arg6[%swap3A_368] {strides = array<i32>} : memref<128xi32, #tpu.memory_space<vmem>>, vector<16xi32>,
      %swap3A_370 = vector.shape_cast %swap3A_369 : vector<16xi32> to vector<16xi32>
      %swap3A_371 = vector.shape_cast %add3A_367 : vector<16xi32> to vector<16xi32>
      tpu.vector_store %arg6[%swap3A_368], %swap3A_371 {strides = array<i32>} : memref<128xi32, #tpu.memory_space<vmem>>, vector<16xi32>,
      %get3A_372 = arith.constant 96 : index
      %get3A_373 = tpu.vector_load %arg6[%get3A_372] {strides = array<i32>} : memref<128xi32, #tpu.memory_space<vmem>>, vector<16xi32>,
      %get3A_374 = vector.shape_cast %get3A_373 : vector<16xi32> to vector<16xi32>
      %max3A_375 = arith.constant 0 : i32
      %max3A_376 = vector.broadcast %max3A_375 : i32 to vector<16xi32>
      %max3A_377 = arith.maxsi %get3A_374, %max3A_376 : vector<16xi32>
      %min3A_378 = arith.constant 999 : i32
      %min3A_379 = vector.broadcast %min3A_378 : i32 to vector<16xi32>
      %min3A_380 = arith.minsi %max3A_377, %min3A_379 : vector<16xi32>
      %add3A_381 = vector.broadcast %mul3A_281 : i32 to vector<16xi32>
      %add3A_382 = arith.addi %min3A_380, %add3A_381 : vector<16xi32>
      %swap3A_383 = arith.constant 96 : index
      %swap3A_384 = tpu.vector_load %arg6[%swap3A_383] {strides = array<i32>} : memref<128xi32, #tpu.memory_space<vmem>>, vector<16xi32>,
      %swap3A_385 = vector.shape_cast %swap3A_384 : vector<16xi32> to vector<16xi32>
      %swap3A_386 = vector.shape_cast %add3A_382 : vector<16xi32> to vector<16xi32>
      tpu.vector_store %arg6[%swap3A_383], %swap3A_386 {strides = array<i32>} : memref<128xi32, #tpu.memory_space<vmem>>, vector<16xi32>,
      %get3A_387 = arith.constant 112 : index
      %get3A_388 = tpu.vector_load %arg6[%get3A_387] {strides = array<i32>} : memref<128xi32, #tpu.memory_space<vmem>>, vector<16xi32>,
      %get3A_389 = vector.shape_cast %get3A_388 : vector<16xi32> to vector<16xi32>
      %max3A_390 = arith.constant 0 : i32
      %max3A_391 = vector.broadcast %max3A_390 : i32 to vector<16xi32>
      %max3A_392 = arith.maxsi %get3A_389, %max3A_391 : vector<16xi32>
      %min3A_393 = arith.constant 999 : i32
      %min3A_394 = vector.broadcast %min3A_393 : i32 to vector<16xi32>
      %min3A_395 = arith.minsi %max3A_392, %min3A_394 : vector<16xi32>
      %add3A_396 = vector.broadcast %mul3A_281 : i32 to vector<16xi32>
      %add3A_397 = arith.addi %min3A_395, %add3A_396 : vector<16xi32>
      %swap3A_398 = arith.constant 112 : index
      %swap3A_399 = tpu.vector_load %arg6[%swap3A_398] {strides = array<i32>} : memref<128xi32, #tpu.memory_space<vmem>>, vector<16xi32>,
      %swap3A_400 = vector.shape_cast %swap3A_399 : vector<16xi32> to vector<16xi32>
      %swap3A_401 = vector.shape_cast %add3A_397 : vector<16xi32> to vector<16xi32>
      tpu.vector_store %arg6[%swap3A_398], %swap3A_401 {strides = array<i32>} : memref<128xi32, #tpu.memory_space<vmem>>, vector<16xi32>,
      %gt3A = arith.constant 0 : i32
      %gt3A_402 = arith.cmpi sgt, %scan3A_21, %gt3A : i32
      %convert_element_type3A = arith.extui %gt3A_402 : i1 to i32
      %cond3A = arith.constant 0 : i32
      %cond3A_403 = arith.cmpi ne, %convert_element_type3A, %cond3A : i32
      scf.if %cond3A_403 {
        %dma_wait3A_518 = arith.constant 0 : i32
        %dma_wait3A_519 = arith.constant 0 : i32
        %dma_wait3A_520 = tpu.memref_slice %arg4[%dma_wait3A_518, %mul3A_2, %dma_wait3A_519] : memref<26x4096x128xf32, #tpu.memory_space<hbm>> -> memref<1x128x128xf32, #tpu.memory_space<hbm>>
        %dma_wait3A_521 = tpu.memref_squeeze %dma_wait3A_520 : memref<1x128x128xf32, #tpu.memory_space<hbm>> -> memref<128x128xf32, #tpu.memory_space<hbm>>
        %dma_wait3A_522 = arith.constant 0 : i32
        %dma_wait3A_523 = tpu.memref_slice %arg4[%dma_wait3A_518, %mul3A_2, %dma_wait3A_522] : memref<26x4096x128xf32, #tpu.memory_space<hbm>> -> memref<1x128x128xf32, #tpu.memory_space<hbm>>
        %dma_wait3A_524 = tpu.memref_squeeze %dma_wait3A_523 : memref<1x128x128xf32, #tpu.memory_space<hbm>> -> memref<128x128xf32, #tpu.memory_space<hbm>>
        tpu.wait_dma2 semaphore(%arg11 : memref<!tpu.dma_semaphore, #tpu.memory_space<semaphore_mem>>) src(%arg7 : memref<128x128xf32, #tpu.memory_space<vmem>>) dst(%dma_wait3A_524 : memref<128x128xf32, #tpu.memory_space<hbm>>)
      } else {
      }
      %dma_start3A = arith.constant 0 : i32
      %dma_start3A_404 = arith.constant 0 : i32
      %dma_start3A_405 = tpu.memref_slice %arg3[%dma_start3A, %dma_start3A_404] : memref<26000x128xf32, #tpu.memory_space<hbm>> -> memref<26000x128xf32, #tpu.memory_space<hbm>>
      tpu.enqueue_indirect_dma source(%dma_start3A_405 : memref<26000x128xf32, #tpu.memory_space<hbm>>) target(%arg7 : memref<128x128xf32, #tpu.memory_space<vmem>>) offsets(%arg5 : memref<128xi32, #tpu.memory_space<vmem>>) semaphore(%arg9 : memref<!tpu.dma_semaphore, #tpu.memory_space<semaphore_mem>>)
      %gt3A_406 = arith.constant 0 : i32
      %gt3A_407 = arith.cmpi sgt, %scan3A_21, %gt3A_406 : i32
      %convert_element_type3A_408 = arith.extui %gt3A_407 : i1 to i32
      %cond3A_409 = arith.constant 0 : i32
      %cond3A_410 = arith.cmpi ne, %convert_element_type3A_408, %cond3A_409 : i32
      scf.if %cond3A_410 {
        %dma_wait3A_518 = arith.constant 0 : i32
        %dma_wait3A_519 = arith.constant 0 : i32
        %dma_wait3A_520 = tpu.memref_slice %arg4[%dma_wait3A_518, %mul3A_2, %dma_wait3A_519] : memref<26x4096x128xf32, #tpu.memory_space<hbm>> -> memref<1x128x128xf32, #tpu.memory_space<hbm>>
        %dma_wait3A_521 = tpu.memref_squeeze %dma_wait3A_520 : memref<1x128x128xf32, #tpu.memory_space<hbm>> -> memref<128x128xf32, #tpu.memory_space<hbm>>
        %dma_wait3A_522 = arith.constant 0 : i32
        %dma_wait3A_523 = tpu.memref_slice %arg4[%dma_wait3A_518, %mul3A_2, %dma_wait3A_522] : memref<26x4096x128xf32, #tpu.memory_space<hbm>> -> memref<1x128x128xf32, #tpu.memory_space<hbm>>
        %dma_wait3A_524 = tpu.memref_squeeze %dma_wait3A_523 : memref<1x128x128xf32, #tpu.memory_space<hbm>> -> memref<128x128xf32, #tpu.memory_space<hbm>>
        tpu.wait_dma2 semaphore(%arg12 : memref<!tpu.dma_semaphore, #tpu.memory_space<semaphore_mem>>) src(%arg8 : memref<128x128xf32, #tpu.memory_space<vmem>>) dst(%dma_wait3A_524 : memref<128x128xf32, #tpu.memory_space<hbm>>)
      } else {
      }
      %dma_start3A_411 = arith.constant 0 : i32
      %dma_start3A_412 = arith.constant 0 : i32
      %dma_start3A_413 = tpu.memref_slice %arg3[%dma_start3A_411, %dma_start3A_412] : memref<26000x128xf32, #tpu.memory_space<hbm>> -> memref<26000x128xf32, #tpu.memory_space<hbm>>
      tpu.enqueue_indirect_dma source(%dma_start3A_413 : memref<26000x128xf32, #tpu.memory_space<hbm>>) target(%arg8 : memref<128x128xf32, #tpu.memory_space<vmem>>) offsets(%arg6 : memref<128xi32, #tpu.memory_space<vmem>>) semaphore(%arg10 : memref<!tpu.dma_semaphore, #tpu.memory_space<semaphore_mem>>)
      %dma_wait3A_414 = arith.constant 0 : i32
      %dma_wait3A_415 = arith.constant 0 : i32
      %dma_wait3A_416 = tpu.memref_slice %arg3[%dma_wait3A_414, %dma_wait3A_415] : memref<26000x128xf32, #tpu.memory_space<hbm>> -> memref<26000x128xf32, #tpu.memory_space<hbm>>
      tpu.wait_indirect_dma semaphore(%arg9 : memref<!tpu.dma_semaphore, #tpu.memory_space<semaphore_mem>>) src(%dma_wait3A_416 : memref<26000x128xf32, #tpu.memory_space<hbm>>) dst(%arg7 : memref<128x128xf32, #tpu.memory_space<vmem>>)
      %jit3A_417 = arith.constant 1 : i32
      %div3A_418 = arith.divsi %mul3A_23, %jit3A_417 : i32
      %sign3A_419 = arith.constant 0 : i32
      %sign3A_420 = arith.cmpi sgt, %mul3A_23, %sign3A_419 : i32
      %sign3A_421 = arith.extui %sign3A_420 : i1 to i32
      %sign3A_422 = arith.constant 0 : i32
      %sign3A_423 = arith.cmpi slt, %mul3A_23, %sign3A_422 : i32
      %sign3A_424 = arith.extui %sign3A_423 : i1 to i32
      %sign3A_425 = arith.subi %sign3A_421, %sign3A_424 : i32
      %sign3A_426 = arith.constant 0 : i32
      %sign3A_427 = arith.cmpi sgt, %jit3A_417, %sign3A_426 : i32
      %sign3A_428 = arith.extui %sign3A_427 : i1 to i32
      %sign3A_429 = arith.constant 0 : i32
      %sign3A_430 = arith.cmpi slt, %jit3A_417, %sign3A_429 : i32
      %sign3A_431 = arith.extui %sign3A_430 : i1 to i32
      %sign3A_432 = arith.subi %sign3A_428, %sign3A_431 : i32
      %ne3A_433 = arith.cmpi ne, %sign3A_425, %sign3A_432 : i32
      %rem3A_434 = arith.remsi %mul3A_23, %jit3A_417 : i32
      %ne3A_435 = arith.constant 0 : i32
      %ne3A_436 = arith.cmpi ne, %rem3A_434, %ne3A_435 : i32
      %and3A_437 = arith.andi %ne3A_433, %ne3A_436 : i1
      %sub3A_438 = arith.constant 1 : i32
      %sub3A_439 = arith.subi %div3A_418, %sub3A_438 : i32
      %select_n3A_440 = arith.select %and3A_437, %sub3A_439, %div3A_418 : i32
      %jit3A_441 = arith.constant 1 : i32
      %eq3A_442 = arith.constant 0 : i32
      %eq3A_443 = arith.cmpi eq, %jit3A_441, %eq3A_442 : i32
      %jit3A_444 = arith.constant 1 : i32
      %select_n3A_445 = arith.select %eq3A_443, %jit3A_444, %jit3A_441 : i32
      %rem3A_446 = arith.remsi %mul3A_23, %select_n3A_445 : i32
      %ne3A_447 = arith.constant 0 : i32
      %ne3A_448 = arith.cmpi ne, %rem3A_446, %ne3A_447 : i32
      %lt3A_449 = arith.constant 0 : i32
      %lt3A_450 = arith.cmpi slt, %rem3A_446, %lt3A_449 : i32
      %lt3A_451 = arith.constant 0 : i32
      %lt3A_452 = arith.cmpi slt, %select_n3A_445, %lt3A_451 : i32
      %ne3A_453 = arith.xori %lt3A_450, %lt3A_452 : i1
      %and3A_454 = arith.andi %ne3A_453, %ne3A_448 : i1
      %add3A_455 = arith.addi %rem3A_446, %select_n3A_445 : i32
      %select_n3A_456 = arith.select %and3A_454, %add3A_455, %rem3A_446 : i32
      %mul3A_457 = arith.constant 128 : i32
      %mul3A_458 = arith.muli %select_n3A_456, %mul3A_457 : i32
      %add3A_459 = arith.addi %mul3A_2, %mul3A_458 : i32
      %dma_start3A_460 = arith.constant 0 : i32
      %dma_start3A_461 = tpu.memref_slice %arg4[%select_n3A_440, %add3A_459, %dma_start3A_460] : memref<26x4096x128xf32, #tpu.memory_space<hbm>> -> memref<1x128x128xf32, #tpu.memory_space<hbm>>
      %dma_start3A_462 = tpu.memref_squeeze %dma_start3A_461 : memref<1x128x128xf32, #tpu.memory_space<hbm>> -> memref<128x128xf32, #tpu.memory_space<hbm>>
      %dma_start3A_463 = arith.constant 0 : i32
      %dma_start3A_464 = tpu.memref_slice %arg4[%select_n3A_440, %add3A_459, %dma_start3A_463] : memref<26x4096x128xf32, #tpu.memory_space<hbm>> -> memref<1x128x128xf32, #tpu.memory_space<hbm>>
      %dma_start3A_465 = tpu.memref_squeeze %dma_start3A_464 : memref<1x128x128xf32, #tpu.memory_space<hbm>> -> memref<128x128xf32, #tpu.memory_space<hbm>>
      tpu.enqueue_dma source(%arg7 : memref<128x128xf32, #tpu.memory_space<vmem>>) target(%dma_start3A_465 : memref<128x128xf32, #tpu.memory_space<hbm>>) target_semaphore(%arg11 : memref<!tpu.dma_semaphore, #tpu.memory_space<semaphore_mem>>)
      %dma_wait3A_466 = arith.constant 0 : i32
      %dma_wait3A_467 = arith.constant 0 : i32
      %dma_wait3A_468 = tpu.memref_slice %arg3[%dma_wait3A_466, %dma_wait3A_467] : memref<26000x128xf32, #tpu.memory_space<hbm>> -> memref<26000x128xf32, #tpu.memory_space<hbm>>
      tpu.wait_indirect_dma semaphore(%arg10 : memref<!tpu.dma_semaphore, #tpu.memory_space<semaphore_mem>>) src(%dma_wait3A_468 : memref<26000x128xf32, #tpu.memory_space<hbm>>) dst(%arg8 : memref<128x128xf32, #tpu.memory_space<vmem>>)
      %jit3A_469 = arith.constant 1 : i32
      %div3A_470 = arith.divsi %add3A_27, %jit3A_469 : i32
      %sign3A_471 = arith.constant 0 : i32
      %sign3A_472 = arith.cmpi sgt, %add3A_27, %sign3A_471 : i32
      %sign3A_473 = arith.extui %sign3A_472 : i1 to i32
      %sign3A_474 = arith.constant 0 : i32
      %sign3A_475 = arith.cmpi slt, %add3A_27, %sign3A_474 : i32
      %sign3A_476 = arith.extui %sign3A_475 : i1 to i32
      %sign3A_477 = arith.subi %sign3A_473, %sign3A_476 : i32
      %sign3A_478 = arith.constant 0 : i32
      %sign3A_479 = arith.cmpi sgt, %jit3A_469, %sign3A_478 : i32
      %sign3A_480 = arith.extui %sign3A_479 : i1 to i32
      %sign3A_481 = arith.constant 0 : i32
      %sign3A_482 = arith.cmpi slt, %jit3A_469, %sign3A_481 : i32
      %sign3A_483 = arith.extui %sign3A_482 : i1 to i32
      %sign3A_484 = arith.subi %sign3A_480, %sign3A_483 : i32
      %ne3A_485 = arith.cmpi ne, %sign3A_477, %sign3A_484 : i32
      %rem3A_486 = arith.remsi %add3A_27, %jit3A_469 : i32
      %ne3A_487 = arith.constant 0 : i32
      %ne3A_488 = arith.cmpi ne, %rem3A_486, %ne3A_487 : i32
      %and3A_489 = arith.andi %ne3A_485, %ne3A_488 : i1
      %sub3A_490 = arith.constant 1 : i32
      %sub3A_491 = arith.subi %div3A_470, %sub3A_490 : i32
      %select_n3A_492 = arith.select %and3A_489, %sub3A_491, %div3A_470 : i32
      %jit3A_493 = arith.constant 1 : i32
      %eq3A_494 = arith.constant 0 : i32
      %eq3A_495 = arith.cmpi eq, %jit3A_493, %eq3A_494 : i32
      %jit3A_496 = arith.constant 1 : i32
      %select_n3A_497 = arith.select %eq3A_495, %jit3A_496, %jit3A_493 : i32
      %rem3A_498 = arith.remsi %add3A_27, %select_n3A_497 : i32
      %ne3A_499 = arith.constant 0 : i32
      %ne3A_500 = arith.cmpi ne, %rem3A_498, %ne3A_499 : i32
      %lt3A_501 = arith.constant 0 : i32
      %lt3A_502 = arith.cmpi slt, %rem3A_498, %lt3A_501 : i32
      %lt3A_503 = arith.constant 0 : i32
      %lt3A_504 = arith.cmpi slt, %select_n3A_497, %lt3A_503 : i32
      %ne3A_505 = arith.xori %lt3A_502, %lt3A_504 : i1
      %and3A_506 = arith.andi %ne3A_505, %ne3A_500 : i1
      %add3A_507 = arith.addi %rem3A_498, %select_n3A_497 : i32
      %select_n3A_508 = arith.select %and3A_506, %add3A_507, %rem3A_498 : i32
      %mul3A_509 = arith.constant 128 : i32
      %mul3A_510 = arith.muli %select_n3A_508, %mul3A_509 : i32
      %add3A_511 = arith.addi %mul3A_2, %mul3A_510 : i32
      %dma_start3A_512 = arith.constant 0 : i32
      %dma_start3A_513 = tpu.memref_slice %arg4[%select_n3A_492, %add3A_511, %dma_start3A_512] : memref<26x4096x128xf32, #tpu.memory_space<hbm>> -> memref<1x128x128xf32, #tpu.memory_space<hbm>>
      %dma_start3A_514 = tpu.memref_squeeze %dma_start3A_513 : memref<1x128x128xf32, #tpu.memory_space<hbm>> -> memref<128x128xf32, #tpu.memory_space<hbm>>
      %dma_start3A_515 = arith.constant 0 : i32
      %dma_start3A_516 = tpu.memref_slice %arg4[%select_n3A_492, %add3A_511, %dma_start3A_515] : memref<26x4096x128xf32, #tpu.memory_space<hbm>> -> memref<1x128x128xf32, #tpu.memory_space<hbm>>
      %dma_start3A_517 = tpu.memref_squeeze %dma_start3A_516 : memref<1x128x128xf32, #tpu.memory_space<hbm>> -> memref<128x128xf32, #tpu.memory_space<hbm>>
      tpu.enqueue_dma source(%arg8 : memref<128x128xf32, #tpu.memory_space<vmem>>) target(%dma_start3A_517 : memref<128x128xf32, #tpu.memory_space<hbm>>) target_semaphore(%arg12 : memref<!tpu.dma_semaphore, #tpu.memory_space<semaphore_mem>>)
    }
    %scan3A_7 = arith.constant 13 : i32
    %dma_wait3A = arith.constant 0 : i32
    %dma_wait3A_8 = arith.constant 0 : i32
    %dma_wait3A_9 = tpu.memref_slice %arg4[%dma_wait3A, %mul3A_2, %dma_wait3A_8] : memref<26x4096x128xf32, #tpu.memory_space<hbm>> -> memref<1x128x128xf32, #tpu.memory_space<hbm>>
    %dma_wait3A_10 = tpu.memref_squeeze %dma_wait3A_9 : memref<1x128x128xf32, #tpu.memory_space<hbm>> -> memref<128x128xf32, #tpu.memory_space<hbm>>
    %dma_wait3A_11 = arith.constant 0 : i32
    %dma_wait3A_12 = tpu.memref_slice %arg4[%dma_wait3A, %mul3A_2, %dma_wait3A_11] : memref<26x4096x128xf32, #tpu.memory_space<hbm>> -> memref<1x128x128xf32, #tpu.memory_space<hbm>>
    %dma_wait3A_13 = tpu.memref_squeeze %dma_wait3A_12 : memref<1x128x128xf32, #tpu.memory_space<hbm>> -> memref<128x128xf32, #tpu.memory_space<hbm>>
    tpu.wait_dma2 semaphore(%arg11 : memref<!tpu.dma_semaphore, #tpu.memory_space<semaphore_mem>>) src(%arg7 : memref<128x128xf32, #tpu.memory_space<vmem>>) dst(%dma_wait3A_13 : memref<128x128xf32, #tpu.memory_space<hbm>>)
    %dma_wait3A_14 = arith.constant 0 : i32
    %dma_wait3A_15 = arith.constant 0 : i32
    %dma_wait3A_16 = tpu.memref_slice %arg4[%dma_wait3A_14, %mul3A_2, %dma_wait3A_15] : memref<26x4096x128xf32, #tpu.memory_space<hbm>> -> memref<1x128x128xf32, #tpu.memory_space<hbm>>
    %dma_wait3A_17 = tpu.memref_squeeze %dma_wait3A_16 : memref<1x128x128xf32, #tpu.memory_space<hbm>> -> memref<128x128xf32, #tpu.memory_space<hbm>>
    %dma_wait3A_18 = arith.constant 0 : i32
    %dma_wait3A_19 = tpu.memref_slice %arg4[%dma_wait3A_14, %mul3A_2, %dma_wait3A_18] : memref<26x4096x128xf32, #tpu.memory_space<hbm>> -> memref<1x128x128xf32, #tpu.memory_space<hbm>>
    %dma_wait3A_20 = tpu.memref_squeeze %dma_wait3A_19 : memref<1x128x128xf32, #tpu.memory_space<hbm>> -> memref<128x128xf32, #tpu.memory_space<hbm>>
    tpu.wait_dma2 semaphore(%arg12 : memref<!tpu.dma_semaphore, #tpu.memory_space<semaphore_mem>>) src(%arg8 : memref<128x128xf32, #tpu.memory_space<vmem>>) dst(%dma_wait3A_20 : memref<128x128xf32, #tpu.memory_space<hbm>>)
    return
  }
}

module attributes {stable_mosaic.version = 14 : i64} {
  func.func @body(%arg0: i32, %arg1: memref<26x256x128xf32, #tpu.memory_space<vmem>>, %arg2: memref<1x3328xf32, #tpu.memory_space<vmem>>, %arg3: memref<1x3328xf32, #tpu.memory_space<vmem>>, %arg4: memref<3328x1024xf32, #tpu.memory_space<vmem>>, %arg5: memref<1x1024xf32, #tpu.memory_space<vmem>>, %arg6: memref<1024x512xf32, #tpu.memory_space<vmem>>, %arg7: memref<1x512xf32, #tpu.memory_space<vmem>>, %arg8: memref<512x1xf32, #tpu.memory_space<vmem>>, %arg9: memref<1x1xf32, #tpu.memory_space<vmem>>, %arg10: memref<256x1xf32, #tpu.memory_space<vmem>>) attributes {dimension_semantics = [#tpu.dimension_semantics<arbitrary>], iteration_bounds = array<i64: 16>, scalar_prefetch = 0 : i64, scratch_operands = 0 : i64, tpu.core_type = #tpu.core_type<tc>, window_params = [{transform_indices = @transform_0, window_bounds = array<i64: 26, 256, 128>}, {pipeline_mode = #tpu.pipeline_mode<synchronous>, transform_indices = @transform_1, window_bounds = array<i64: 1, 3328>}, {pipeline_mode = #tpu.pipeline_mode<synchronous>, transform_indices = @transform_2, window_bounds = array<i64: 1, 3328>}, {pipeline_mode = #tpu.pipeline_mode<synchronous>, transform_indices = @transform_3, window_bounds = array<i64: 3328, 1024>}, {pipeline_mode = #tpu.pipeline_mode<synchronous>, transform_indices = @transform_4, window_bounds = array<i64: 1, 1024>}, {pipeline_mode = #tpu.pipeline_mode<synchronous>, transform_indices = @transform_5, window_bounds = array<i64: 1024, 512>}, {pipeline_mode = #tpu.pipeline_mode<synchronous>, transform_indices = @transform_6, window_bounds = array<i64: 1, 512>}, {pipeline_mode = #tpu.pipeline_mode<synchronous>, transform_indices = @transform_7, window_bounds = array<i64: 512, 1>}, {pipeline_mode = #tpu.pipeline_mode<synchronous>, transform_indices = @transform_8, window_bounds = array<i64: 1, 1>}, {transform_indices = @transform_9, window_bounds = array<i64: 256, 1>}]} {
    %get3A = arith.constant 0 : index
    %get3A_0 = arith.constant 0 : index
    %get3A_1 = arith.constant 0 : index
    %get3A_2 = vector.load %arg1[%get3A, %get3A_0, %get3A_1] : memref<26x256x128xf32, #tpu.memory_space<vmem>>, vector<1x256x128xf32>
    %get3A_3 = vector.shape_cast %get3A_2 : vector<1x256x128xf32> to vector<256x128xf32>
    %get3A_4 = arith.constant 1 : index
    %get3A_5 = arith.constant 0 : index
    %get3A_6 = arith.constant 0 : index
    %get3A_7 = vector.load %arg1[%get3A_4, %get3A_5, %get3A_6] : memref<26x256x128xf32, #tpu.memory_space<vmem>>, vector<1x256x128xf32>
    %get3A_8 = vector.shape_cast %get3A_7 : vector<1x256x128xf32> to vector<256x128xf32>
    %get3A_9 = arith.constant 2 : index
    %get3A_10 = arith.constant 0 : index
    %get3A_11 = arith.constant 0 : index
    %get3A_12 = vector.load %arg1[%get3A_9, %get3A_10, %get3A_11] : memref<26x256x128xf32, #tpu.memory_space<vmem>>, vector<1x256x128xf32>
    %get3A_13 = vector.shape_cast %get3A_12 : vector<1x256x128xf32> to vector<256x128xf32>
    %get3A_14 = arith.constant 3 : index
    %get3A_15 = arith.constant 0 : index
    %get3A_16 = arith.constant 0 : index
    %get3A_17 = vector.load %arg1[%get3A_14, %get3A_15, %get3A_16] : memref<26x256x128xf32, #tpu.memory_space<vmem>>, vector<1x256x128xf32>
    %get3A_18 = vector.shape_cast %get3A_17 : vector<1x256x128xf32> to vector<256x128xf32>
    %get3A_19 = arith.constant 4 : index
    %get3A_20 = arith.constant 0 : index
    %get3A_21 = arith.constant 0 : index
    %get3A_22 = vector.load %arg1[%get3A_19, %get3A_20, %get3A_21] : memref<26x256x128xf32, #tpu.memory_space<vmem>>, vector<1x256x128xf32>
    %get3A_23 = vector.shape_cast %get3A_22 : vector<1x256x128xf32> to vector<256x128xf32>
    %get3A_24 = arith.constant 5 : index
    %get3A_25 = arith.constant 0 : index
    %get3A_26 = arith.constant 0 : index
    %get3A_27 = vector.load %arg1[%get3A_24, %get3A_25, %get3A_26] : memref<26x256x128xf32, #tpu.memory_space<vmem>>, vector<1x256x128xf32>
    %get3A_28 = vector.shape_cast %get3A_27 : vector<1x256x128xf32> to vector<256x128xf32>
    %get3A_29 = arith.constant 6 : index
    %get3A_30 = arith.constant 0 : index
    %get3A_31 = arith.constant 0 : index
    %get3A_32 = vector.load %arg1[%get3A_29, %get3A_30, %get3A_31] : memref<26x256x128xf32, #tpu.memory_space<vmem>>, vector<1x256x128xf32>
    %get3A_33 = vector.shape_cast %get3A_32 : vector<1x256x128xf32> to vector<256x128xf32>
    %get3A_34 = arith.constant 7 : index
    %get3A_35 = arith.constant 0 : index
    %get3A_36 = arith.constant 0 : index
    %get3A_37 = vector.load %arg1[%get3A_34, %get3A_35, %get3A_36] : memref<26x256x128xf32, #tpu.memory_space<vmem>>, vector<1x256x128xf32>
    %get3A_38 = vector.shape_cast %get3A_37 : vector<1x256x128xf32> to vector<256x128xf32>
    %get3A_39 = arith.constant 8 : index
    %get3A_40 = arith.constant 0 : index
    %get3A_41 = arith.constant 0 : index
    %get3A_42 = vector.load %arg1[%get3A_39, %get3A_40, %get3A_41] : memref<26x256x128xf32, #tpu.memory_space<vmem>>, vector<1x256x128xf32>
    %get3A_43 = vector.shape_cast %get3A_42 : vector<1x256x128xf32> to vector<256x128xf32>
    %get3A_44 = arith.constant 9 : index
    %get3A_45 = arith.constant 0 : index
    %get3A_46 = arith.constant 0 : index
    %get3A_47 = vector.load %arg1[%get3A_44, %get3A_45, %get3A_46] : memref<26x256x128xf32, #tpu.memory_space<vmem>>, vector<1x256x128xf32>
    %get3A_48 = vector.shape_cast %get3A_47 : vector<1x256x128xf32> to vector<256x128xf32>
    %get3A_49 = arith.constant 10 : index
    %get3A_50 = arith.constant 0 : index
    %get3A_51 = arith.constant 0 : index
    %get3A_52 = vector.load %arg1[%get3A_49, %get3A_50, %get3A_51] : memref<26x256x128xf32, #tpu.memory_space<vmem>>, vector<1x256x128xf32>
    %get3A_53 = vector.shape_cast %get3A_52 : vector<1x256x128xf32> to vector<256x128xf32>
    %get3A_54 = arith.constant 11 : index
    %get3A_55 = arith.constant 0 : index
    %get3A_56 = arith.constant 0 : index
    %get3A_57 = vector.load %arg1[%get3A_54, %get3A_55, %get3A_56] : memref<26x256x128xf32, #tpu.memory_space<vmem>>, vector<1x256x128xf32>
    %get3A_58 = vector.shape_cast %get3A_57 : vector<1x256x128xf32> to vector<256x128xf32>
    %get3A_59 = arith.constant 12 : index
    %get3A_60 = arith.constant 0 : index
    %get3A_61 = arith.constant 0 : index
    %get3A_62 = vector.load %arg1[%get3A_59, %get3A_60, %get3A_61] : memref<26x256x128xf32, #tpu.memory_space<vmem>>, vector<1x256x128xf32>
    %get3A_63 = vector.shape_cast %get3A_62 : vector<1x256x128xf32> to vector<256x128xf32>
    %get3A_64 = arith.constant 13 : index
    %get3A_65 = arith.constant 0 : index
    %get3A_66 = arith.constant 0 : index
    %get3A_67 = vector.load %arg1[%get3A_64, %get3A_65, %get3A_66] : memref<26x256x128xf32, #tpu.memory_space<vmem>>, vector<1x256x128xf32>
    %get3A_68 = vector.shape_cast %get3A_67 : vector<1x256x128xf32> to vector<256x128xf32>
    %get3A_69 = arith.constant 14 : index
    %get3A_70 = arith.constant 0 : index
    %get3A_71 = arith.constant 0 : index
    %get3A_72 = vector.load %arg1[%get3A_69, %get3A_70, %get3A_71] : memref<26x256x128xf32, #tpu.memory_space<vmem>>, vector<1x256x128xf32>
    %get3A_73 = vector.shape_cast %get3A_72 : vector<1x256x128xf32> to vector<256x128xf32>
    %get3A_74 = arith.constant 15 : index
    %get3A_75 = arith.constant 0 : index
    %get3A_76 = arith.constant 0 : index
    %get3A_77 = vector.load %arg1[%get3A_74, %get3A_75, %get3A_76] : memref<26x256x128xf32, #tpu.memory_space<vmem>>, vector<1x256x128xf32>
    %get3A_78 = vector.shape_cast %get3A_77 : vector<1x256x128xf32> to vector<256x128xf32>
    %get3A_79 = arith.constant 16 : index
    %get3A_80 = arith.constant 0 : index
    %get3A_81 = arith.constant 0 : index
    %get3A_82 = vector.load %arg1[%get3A_79, %get3A_80, %get3A_81] : memref<26x256x128xf32, #tpu.memory_space<vmem>>, vector<1x256x128xf32>
    %get3A_83 = vector.shape_cast %get3A_82 : vector<1x256x128xf32> to vector<256x128xf32>
    %get3A_84 = arith.constant 17 : index
    %get3A_85 = arith.constant 0 : index
    %get3A_86 = arith.constant 0 : index
    %get3A_87 = vector.load %arg1[%get3A_84, %get3A_85, %get3A_86] : memref<26x256x128xf32, #tpu.memory_space<vmem>>, vector<1x256x128xf32>
    %get3A_88 = vector.shape_cast %get3A_87 : vector<1x256x128xf32> to vector<256x128xf32>
    %get3A_89 = arith.constant 18 : index
    %get3A_90 = arith.constant 0 : index
    %get3A_91 = arith.constant 0 : index
    %get3A_92 = vector.load %arg1[%get3A_89, %get3A_90, %get3A_91] : memref<26x256x128xf32, #tpu.memory_space<vmem>>, vector<1x256x128xf32>
    %get3A_93 = vector.shape_cast %get3A_92 : vector<1x256x128xf32> to vector<256x128xf32>
    %get3A_94 = arith.constant 19 : index
    %get3A_95 = arith.constant 0 : index
    %get3A_96 = arith.constant 0 : index
    %get3A_97 = vector.load %arg1[%get3A_94, %get3A_95, %get3A_96] : memref<26x256x128xf32, #tpu.memory_space<vmem>>, vector<1x256x128xf32>
    %get3A_98 = vector.shape_cast %get3A_97 : vector<1x256x128xf32> to vector<256x128xf32>
    %get3A_99 = arith.constant 20 : index
    %get3A_100 = arith.constant 0 : index
    %get3A_101 = arith.constant 0 : index
    %get3A_102 = vector.load %arg1[%get3A_99, %get3A_100, %get3A_101] : memref<26x256x128xf32, #tpu.memory_space<vmem>>, vector<1x256x128xf32>
    %get3A_103 = vector.shape_cast %get3A_102 : vector<1x256x128xf32> to vector<256x128xf32>
    %get3A_104 = arith.constant 21 : index
    %get3A_105 = arith.constant 0 : index
    %get3A_106 = arith.constant 0 : index
    %get3A_107 = vector.load %arg1[%get3A_104, %get3A_105, %get3A_106] : memref<26x256x128xf32, #tpu.memory_space<vmem>>, vector<1x256x128xf32>
    %get3A_108 = vector.shape_cast %get3A_107 : vector<1x256x128xf32> to vector<256x128xf32>
    %get3A_109 = arith.constant 22 : index
    %get3A_110 = arith.constant 0 : index
    %get3A_111 = arith.constant 0 : index
    %get3A_112 = vector.load %arg1[%get3A_109, %get3A_110, %get3A_111] : memref<26x256x128xf32, #tpu.memory_space<vmem>>, vector<1x256x128xf32>
    %get3A_113 = vector.shape_cast %get3A_112 : vector<1x256x128xf32> to vector<256x128xf32>
    %get3A_114 = arith.constant 23 : index
    %get3A_115 = arith.constant 0 : index
    %get3A_116 = arith.constant 0 : index
    %get3A_117 = vector.load %arg1[%get3A_114, %get3A_115, %get3A_116] : memref<26x256x128xf32, #tpu.memory_space<vmem>>, vector<1x256x128xf32>
    %get3A_118 = vector.shape_cast %get3A_117 : vector<1x256x128xf32> to vector<256x128xf32>
    %get3A_119 = arith.constant 24 : index
    %get3A_120 = arith.constant 0 : index
    %get3A_121 = arith.constant 0 : index
    %get3A_122 = vector.load %arg1[%get3A_119, %get3A_120, %get3A_121] : memref<26x256x128xf32, #tpu.memory_space<vmem>>, vector<1x256x128xf32>
    %get3A_123 = vector.shape_cast %get3A_122 : vector<1x256x128xf32> to vector<256x128xf32>
    %get3A_124 = arith.constant 25 : index
    %get3A_125 = arith.constant 0 : index
    %get3A_126 = arith.constant 0 : index
    %get3A_127 = vector.load %arg1[%get3A_124, %get3A_125, %get3A_126] : memref<26x256x128xf32, #tpu.memory_space<vmem>>, vector<1x256x128xf32>
    %get3A_128 = vector.shape_cast %get3A_127 : vector<1x256x128xf32> to vector<256x128xf32>
    %concatenate3A = tpu.concatenate %get3A_3, %get3A_8, %get3A_13, %get3A_18, %get3A_23, %get3A_28, %get3A_33, %get3A_38, %get3A_43, %get3A_48, %get3A_53, %get3A_58, %get3A_63, %get3A_68, %get3A_73, %get3A_78, %get3A_83, %get3A_88, %get3A_93, %get3A_98, %get3A_103, %get3A_108, %get3A_113, %get3A_118, %get3A_123, %get3A_128 in 1 : vector<256x128xf32>, vector<256x128xf32>, vector<256x128xf32>, vector<256x128xf32>, vector<256x128xf32>, vector<256x128xf32>, vector<256x128xf32>, vector<256x128xf32>, vector<256x128xf32>, vector<256x128xf32>, vector<256x128xf32>, vector<256x128xf32>, vector<256x128xf32>, vector<256x128xf32>, vector<256x128xf32>, vector<256x128xf32>, vector<256x128xf32>, vector<256x128xf32>, vector<256x128xf32>, vector<256x128xf32>, vector<256x128xf32>, vector<256x128xf32>, vector<256x128xf32>, vector<256x128xf32>, vector<256x128xf32>, vector<256x128xf32> -> vector<256x3328xf32>
    %get3A_129 = arith.constant 0 : index
    %get3A_130 = arith.constant 0 : index
    %get3A_131 = vector.load %arg2[%get3A_129, %get3A_130] : memref<1x3328xf32, #tpu.memory_space<vmem>>, vector<1x3328xf32>
    %mul3A = arith.constant 0.999994993 : f32
    %mul3A_132 = vector.broadcast %mul3A : f32 to vector<1x3328xf32>
    %mul3A_133 = arith.mulf %get3A_131, %mul3A_132 : vector<1x3328xf32>
    %mul3A_134 = vector.broadcast %mul3A_133 : vector<1x3328xf32> to vector<256x3328xf32>
    %mul3A_135 = arith.mulf %concatenate3A, %mul3A_134 : vector<256x3328xf32>
    %get3A_136 = arith.constant 0 : index
    %get3A_137 = arith.constant 0 : index
    %get3A_138 = vector.load %arg3[%get3A_136, %get3A_137] : memref<1x3328xf32, #tpu.memory_space<vmem>>, vector<1x3328xf32>
    %add3A = vector.broadcast %get3A_138 : vector<1x3328xf32> to vector<256x3328xf32>
    %add3A_139 = arith.addf %mul3A_135, %add3A : vector<256x3328xf32>
    %convert_element_type3A = arith.truncf %add3A_139 : vector<256x3328xf32> to vector<256x3328xbf16>
    %get3A_140 = arith.constant 0 : index
    %get3A_141 = arith.constant 0 : index
    %get3A_142 = vector.load %arg4[%get3A_140, %get3A_141] : memref<3328x1024xf32, #tpu.memory_space<vmem>>, vector<3328x1024xf32>
    %convert_element_type3A_143 = arith.truncf %get3A_142 : vector<3328x1024xf32> to vector<3328x1024xbf16>
    %dot_general3A = arith.constant dense<0.000000e+00> : vector<256x1024xf32>
    %dot_general3A_144 = tpu.matmul %convert_element_type3A, %convert_element_type3A_143, %dot_general3A {dimension_numbers = #tpu.dot_dimension_numbers<[1], [0], [0], [1], [0, 0, 1, 1], [], []>, transpose_lhs_hint = false} : vector<256x3328xbf16>, vector<3328x1024xbf16>, vector<256x1024xf32> -> vector<256x1024xf32>
    %get3A_145 = arith.constant 0 : index
    %get3A_146 = arith.constant 0 : index
    %get3A_147 = vector.load %arg5[%get3A_145, %get3A_146] : memref<1x1024xf32, #tpu.memory_space<vmem>>, vector<1x1024xf32>
    %add3A_148 = vector.broadcast %get3A_147 : vector<1x1024xf32> to vector<256x1024xf32>
    %add3A_149 = arith.addf %dot_general3A_144, %add3A_148 : vector<256x1024xf32>
    %max3A = arith.constant 0.000000e+00 : f32
    %max3A_150 = vector.broadcast %max3A : f32 to vector<256x1024xf32>
    %max3A_151 = arith.maximumf %add3A_149, %max3A_150 : vector<256x1024xf32>
    %convert_element_type3A_152 = arith.truncf %max3A_151 : vector<256x1024xf32> to vector<256x1024xbf16>
    %get3A_153 = arith.constant 0 : index
    %get3A_154 = arith.constant 0 : index
    %get3A_155 = vector.load %arg6[%get3A_153, %get3A_154] : memref<1024x512xf32, #tpu.memory_space<vmem>>, vector<1024x512xf32>
    %convert_element_type3A_156 = arith.truncf %get3A_155 : vector<1024x512xf32> to vector<1024x512xbf16>
    %dot_general3A_157 = arith.constant dense<0.000000e+00> : vector<256x512xf32>
    %dot_general3A_158 = tpu.matmul %convert_element_type3A_152, %convert_element_type3A_156, %dot_general3A_157 {dimension_numbers = #tpu.dot_dimension_numbers<[1], [0], [0], [1], [0, 0, 1, 1], [], []>, transpose_lhs_hint = false} : vector<256x1024xbf16>, vector<1024x512xbf16>, vector<256x512xf32> -> vector<256x512xf32>
    %get3A_159 = arith.constant 0 : index
    %get3A_160 = arith.constant 0 : index
    %get3A_161 = vector.load %arg7[%get3A_159, %get3A_160] : memref<1x512xf32, #tpu.memory_space<vmem>>, vector<1x512xf32>
    %add3A_162 = vector.broadcast %get3A_161 : vector<1x512xf32> to vector<256x512xf32>
    %add3A_163 = arith.addf %dot_general3A_158, %add3A_162 : vector<256x512xf32>
    %max3A_164 = arith.constant 0.000000e+00 : f32
    %max3A_165 = vector.broadcast %max3A_164 : f32 to vector<256x512xf32>
    %max3A_166 = arith.maximumf %add3A_163, %max3A_165 : vector<256x512xf32>
    %get3A_167 = arith.constant 0 : index
    %get3A_168 = arith.constant 0 : index
    %get3A_169 = vector.load %arg8[%get3A_167, %get3A_168] : memref<512x1xf32, #tpu.memory_space<vmem>>, vector<512x1xf32>
    %dot_general3A_170 = arith.constant dense<0.000000e+00> : vector<256x1xf32>
    %dot_general3A_171 = tpu.matmul %max3A_166, %get3A_169, %dot_general3A_170 {dimension_numbers = #tpu.dot_dimension_numbers<[1], [0], [0], [1], [0, 0, 1, 1], [], []>, transpose_lhs_hint = false} : vector<256x512xf32>, vector<512x1xf32>, vector<256x1xf32> -> vector<256x1xf32>
    %get3A_172 = arith.constant 0 : index
    %get3A_173 = arith.constant 0 : index
    %get3A_174 = vector.load %arg9[%get3A_172, %get3A_173] : memref<1x1xf32, #tpu.memory_space<vmem>>, vector<1x1xf32>
    %add3A_175 = vector.broadcast %get3A_174 : vector<1x1xf32> to vector<256x1xf32>
    %add3A_176 = arith.addf %dot_general3A_171, %add3A_175 : vector<256x1xf32>
    %logistic3A = arith.negf %add3A_176 : vector<256x1xf32>
    %logistic3A_177 = math.exp %logistic3A : vector<256x1xf32>
    %logistic3A_178 = arith.constant 1.000000e+00 : f32
    %logistic3A_179 = vector.broadcast %logistic3A_178 : f32 to vector<256x1xf32>
    %logistic3A_180 = arith.addf %logistic3A_179, %logistic3A_177 : vector<256x1xf32>
    %logistic3A_181 = arith.divf %logistic3A_179, %logistic3A_180 : vector<256x1xf32>
    %swap3A = arith.constant 0 : index
    %swap3A_182 = arith.constant 0 : index
    %swap3A_183 = vector.load %arg10[%swap3A, %swap3A_182] : memref<256x1xf32, #tpu.memory_space<vmem>>, vector<256x1xf32>
    tpu.vector_store %arg10[%swap3A, %swap3A_182], %logistic3A_181 {strides = array<i32>} : memref<256x1xf32, #tpu.memory_space<vmem>>, vector<256x1xf32>,
    return
  }
  func.func @transform_0(%arg0: i32) -> (i32, i32, i32) {
    %c0_i32 = arith.constant 0 : i32
    %c0_i32_0 = arith.constant 0 : i32
    %c0_i32_1 = arith.constant 0 : i32
    return %c0_i32, %arg0, %c0_i32_0 : i32, i32, i32
  }
  func.func @transform_1(%arg0: i32) -> (i32, i32) {
    %c0_i32 = arith.constant 0 : i32
    %c0_i32_0 = arith.constant 0 : i32
    %c0_i32_1 = arith.constant 0 : i32
    return %c0_i32, %c0_i32_0 : i32, i32
  }
  func.func @transform_2(%arg0: i32) -> (i32, i32) {
    %c0_i32 = arith.constant 0 : i32
    %c0_i32_0 = arith.constant 0 : i32
    %c0_i32_1 = arith.constant 0 : i32
    return %c0_i32, %c0_i32_0 : i32, i32
  }
  func.func @transform_3(%arg0: i32) -> (i32, i32) {
    %c0_i32 = arith.constant 0 : i32
    %c0_i32_0 = arith.constant 0 : i32
    %c0_i32_1 = arith.constant 0 : i32
    return %c0_i32, %c0_i32_0 : i32, i32
  }
  func.func @transform_4(%arg0: i32) -> (i32, i32) {
    %c0_i32 = arith.constant 0 : i32
    %c0_i32_0 = arith.constant 0 : i32
    %c0_i32_1 = arith.constant 0 : i32
    return %c0_i32, %c0_i32_0 : i32, i32
  }
  func.func @transform_5(%arg0: i32) -> (i32, i32) {
    %c0_i32 = arith.constant 0 : i32
    %c0_i32_0 = arith.constant 0 : i32
    %c0_i32_1 = arith.constant 0 : i32
    return %c0_i32, %c0_i32_0 : i32, i32
  }
  func.func @transform_6(%arg0: i32) -> (i32, i32) {
    %c0_i32 = arith.constant 0 : i32
    %c0_i32_0 = arith.constant 0 : i32
    %c0_i32_1 = arith.constant 0 : i32
    return %c0_i32, %c0_i32_0 : i32, i32
  }
  func.func @transform_7(%arg0: i32) -> (i32, i32) {
    %c0_i32 = arith.constant 0 : i32
    %c0_i32_0 = arith.constant 0 : i32
    %c0_i32_1 = arith.constant 0 : i32
    return %c0_i32, %c0_i32_0 : i32, i32
  }
  func.func @transform_8(%arg0: i32) -> (i32, i32) {
    %c0_i32 = arith.constant 0 : i32
    %c0_i32_0 = arith.constant 0 : i32
    %c0_i32_1 = arith.constant 0 : i32
    return %c0_i32, %c0_i32_0 : i32, i32
  }
  func.func @transform_9(%arg0: i32) -> (i32, i32) {
    %c0_i32 = arith.constant 0 : i32
    %c0_i32_0 = arith.constant 0 : i32
    return %arg0, %c0_i32 : i32, i32
  }
}

</mosaic_0001>

<sc_bundles>
// kernel: kernel.10.cloned.1.call-start
scs
__scs_entry_jumppad:
0x0: {  	(pc) =	sbr.rel $0x88, $3  }
0x1: {  	(tag) =	ssettag $0x0;
	lr =	simm.s32 $0x1  }
0x2: {  	[smem:$0x3F97] =	sst lr;
	_ =	strace $0xD0000000  }
0x3: {  	_ = 	snop  }
0x4: {  	_ = 	snop  }
0x5: {  	_ = 	snop  }
0x6: {  	_ = 	snop  }
0x7: {  	_ = 	snop  }
__scs_overlays_trampoline_lowered:
0x8: {  	[smem:$0x3FA6] =	sst s0  }
0x9: {  	[smem:$0x3FA7] =	sst s1  }
0xa: {  	[smem:$0x3FA8] =	sst s2  }
0xb: {  	[smem:$0x3FA9] =	sst s3  }
0xc: {  	[smem:$0x3FAA] =	sst s4  }
0xd: {  	[smem:$0x3FAB] =	sst s5  }
0xe: {  	[smem:$0x3FAC] =	sst s6  }
0xf: {  	[smem:$0x3FAD] =	sst s7  }
0x10: {  	[smem:$0x3FAE] =	sst s8  }
0x11: {  	[smem:$0x3FAF] =	sst s9;
	s0 =	simm.s32 @!p0 $0x0  }
0x12: {  	s1 =	sld [smem:$0x3F95];
	s0 =	simm.s32 @p0 $0x1  }
0x13: {  	[smem:$0x3FB0] =	sst s0;
	s0 =	simm.s32 @!p1 $0x0  }
0x14: {  	s2 =	sld [smem:$0x3F94];
	s0 =	simm.s32 @p1 $0x1  }
0x15: {  	[smem:$0x3FB1] =	sst s0;
	s0 =	simm.s32 @!p2 $0x0  }
0x16: {  	s3 =	sld [smem:$0x3FDB];
	s0 =	simm.s32 @p2 $0x1  }
0x17: {  	s4 =	simm.s32 $0x1BF5;
	[smem:$0x3FB3] =	sst s0  }
0x18: {  	s0 =	sld [smem:$0x3F96];
	_ =	swait.ge [sflag:s4], $0x0  }
0x19: {  	s7 =	sld [smem:$0x3F97]  }
0x1a: {  	s8 =	sadd.s32 $0xFFFFE003, lr  }
0x1b: {  	s9 =	sadd.s32 $0xFFFFFEF7, lr;
	s5 =	simm.s32 $0xFFFFFFFF;
	p2 =	slt.u32 s8, $0xFFFFF086  }
0x1c: {  	p1 =	slt.u32 s9, $0xF7A;
	s5 =	simm.s32 @!p2 $0x0  }
0x1d: {  	s5 =	simm.s32 @p1 $0x1;
	p0 =	seq.s32 s7, s2  }
0x1e: {  	s7 =	smul.u32 @!p0 $0xF7A, s2;
	p2 =	seq.s32 @!p0 s5, $0x0  }
0x1f: {  	s9 =	smul.u32 $0xF7A, s1;
	s8 =	simm.s32 @!p0 $0x1BF5;
	p2 =	por !p2, p0  }
0x20: {  	[sflag:s8] =	ssyncset.s32 @!p0 $0xFFFFF086;
	s6 =	sadd.s32 @!p0 s3, s7;
	s7 =	simm.s32 @!p0 $0x108  }
0x21: {  	s3 =	sadd.s32 s3, s9;
	s6 =	sadd.s32 @!p0 $0x88, s6;
	s7 =	simm.s32 @p2 $0x1082  }
0x22: {  	[simem:s7], [sflag:s8] =	dma.local @!p0 [hbm:s6], $0xF7A  }
0x23: {  	s9 =	sor.u32 $0xD0000000, s2;
	s6 =	simm.s32 $0x108;
	_ =	swait.ge @!p0 [sflag:s8], $0x0  }
0x24: {  	s3 =	sadd.s32 $0x88, s3;
	s6 =	simm.s32 @!p1 $0x1082;
	[sflag:s4] =	ssyncset.s32 $0xFFFFF086  }
0x25: {  	[simem:s6], [sflag:s4] =	dma.local [hbm:s3], $0xF7A  }
0x26: {  	[smem:$0x3F97] =	sst s1;
	(tag) =	ssettag s2;
	_ =	strace s9  }
0x27: {  	s1 =	sld [smem:$0x3FA7]  }
0x28: {  	s2 =	sld [smem:$0x3FA8]  }
0x29: {  	s4 =	sld [smem:$0x3FAA]  }
0x2a: {  	p0 =	seq.s32 s5, $0x0;
	s5 =	sld [smem:$0x3FAB]  }
0x2b: {  	s6 =	sld [smem:$0x3FAC]  }
0x2c: {  	s7 =	sld [smem:$0x3FAD]  }
0x2d: {  	s3 =	simm.s32 $0x108;
	s8 =	sld [smem:$0x3FAE]  }
0x2e: {  	s3 =	simm.s32 @!p0 $0x1082;
	s9 =	sld [smem:$0x3FAF]  }
0x2f: {  	lr =	sadd.s32 s0, s3;
	s0 =	sld [smem:$0x3FA6]  }
0x30: {  	s3 =	sld [smem:$0x3FA9]  }
0x31: {  	[smem:$0x3FB2] =	sst s10  }
0x32: {  	s10 =	sld [smem:$0x3FB0];
	_ =	sdelay $0x3  }
0x33: {  	p0 =	seq.s32 s10, $0x1;
	s10 =	sld [smem:$0x3FB2];
	_ =	sdelay $0x3  }
0x34: {  	[smem:$0x3FB2] =	sst s10  }
0x35: {  	s10 =	sld [smem:$0x3FB1];
	_ =	sdelay $0x3  }
0x36: {  	p1 =	seq.s32 s10, $0x1;
	s10 =	sld [smem:$0x3FB2];
	_ =	sdelay $0x3  }
0x37: {  	[smem:$0x3FB2] =	sst s10  }
0x38: {  	s10 =	sld [smem:$0x3FB3]  }
0x39: {  	_ = 	snop;
	(pc) =	sbr.ind lr, $3  }
0x3a: {  	_ = 	snop  }
0x3b: {  	_ = 	snop  }
0x3c: {  	p2 =	seq.s32 s10, $0x1;
	s10 =	sld [smem:$0x3FB2]  }
0x3d: {  	_ =	shalt  }
0x3e: {  	_ =	shalt  }
0x3f: {  	_ =	shalt  }
0x40: {  	_ =	shalt  }
0x41: {  	_ =	shalt  }
0x42: {  	_ =	shalt  }
0x43: {  	_ =	shalt  }
0x44: {  	_ =	shalt  }
0x45: {  	_ =	shalt  }
0x46: {  	_ =	shalt  }
0x47: {  	_ =	shalt  }
0x48: {  	_ =	shalt  }
0x49: {  	_ =	shalt  }
0x4a: {  	_ =	shalt  }
0x4b: {  	_ =	shalt  }
0x4c: {  	_ =	shalt  }
0x4d: {  	_ =	shalt  }
0x4e: {  	_ =	shalt  }
0x4f: {  	_ =	shalt  }
0x50: {  	_ =	shalt  }
0x51: {  	_ =	shalt  }
0x52: {  	_ =	shalt  }
0x53: {  	_ =	shalt  }
0x54: {  	_ =	shalt  }
0x55: {  	_ =	shalt  }
0x56: {  	_ =	shalt  }
0x57: {  	_ =	shalt  }
0x58: {  	_ =	shalt  }
0x59: {  	_ =	shalt  }
0x5a: {  	_ =	shalt  }
0x5b: {  	_ =	shalt  }
0x5c: {  	_ =	shalt  }
0x5d: {  	_ =	shalt  }
0x5e: {  	_ =	shalt  }
0x5f: {  	_ =	shalt  }
0x60: {  	_ =	shalt  }
0x61: {  	_ =	shalt  }
0x62: {  	_ =	shalt  }
0x63: {  	_ =	shalt  }
0x64: {  	_ =	shalt  }
0x65: {  	_ =	shalt  }
0x66: {  	_ =	shalt  }
0x67: {  	_ =	shalt  }
0x68: {  	_ =	shalt  }
0x69: {  	_ =	shalt  }
0x6a: {  	_ =	shalt  }
0x6b: {  	_ =	shalt  }
0x6c: {  	_ =	shalt  }
0x6d: {  	_ =	shalt  }
0x6e: {  	_ =	shalt  }
0x6f: {  	_ =	shalt  }
0x70: {  	_ =	shalt  }
0x71: {  	_ =	shalt  }
0x72: {  	_ =	shalt  }
0x73: {  	_ =	shalt  }
0x74: {  	_ =	shalt  }
0x75: {  	_ =	shalt  }
0x76: {  	_ =	shalt  }
0x77: {  	_ =	shalt  }
0x78: {  	_ =	shalt  }
0x79: {  	_ =	shalt  }
0x7a: {  	_ =	shalt  }
0x7b: {  	_ =	shalt  }
0x7c: {  	_ =	shalt  }
0x7d: {  	_ =	shalt  }
0x7e: {  	_ =	shalt  }
0x7f: {  	_ =	shalt  }
0x80: {  	_ =	shalt  }
0x81: {  	_ =	shalt  }
0x82: {  	_ =	shalt  }
0x83: {  	_ =	shalt  }
0x84: {  	_ =	shalt  }
0x85: {  	_ =	shalt  }
0x86: {  	_ =	shalt  }
0x87: {  	_ =	shalt  }
.Lfunc_end0:
.L_simem_size_0:
called_computation_lowered:
.L_overlay_start_0:
0x88: {  	s2 =	sld [smem:$0x3FD9]  }
0x89: {  	s3 =	sld [smem:$0x3FFE];
	_ =	sdelay $0x1  }
0x8a: {  	s1 =	srdreg.scid  }
0x8b: {  	s0 =	sand.u32 $0x1, s1  }
0x8c: {  	s17 =	sshll.u32 s0, $0xA;
	s2 =	sadd.s32 s3, s2  }
0x8d: {  	s2 =	sadd.s32 s2, s17  }
0x8e: {  	[smem:$0x3FBE] =	sst s2  }
0x8f: {  	_ = 	snop  }
0x90: {  	s18 =	sld [smem:$0x3FC8];
	(tm) =	ssettm $0x1  }
0x91: {  	s19 =	sld [smem:$0x3FFB];
	_ =	sdelay $0x3  }
0x92: {  	_ =	strace s19  }
0x93: {  	s2 =	sld [smem:$0x3FFC];
	_ =	sdelay $0x3  }
0x94: {  	_ =	strace s2  }
0x95: {  	s2 =	sld [smem:$0x3FFD];
	_ =	sdelay $0x3  }
0x96: {  	_ =	strace s2  }
0x97: {  	_ =	strace $0x8FFFFFFF  }
0x98: {  	s20 =	sld [smem:$0x3FDB];
	_ =	sdelay $0x1  }
0x99: {  	s4 =	simm.s32 $_scs_section_size  }
0x9a: {  	s5 =	simm.s32 $_size__tile_overlayer_lowered;
	s6 =	simm.s32 $_tile_overlayer_lowered  }
0x9b: {  	s7 =	simm.s32 $0x1BFF;
	s21 =	sshll.u32 s6, $0x1;
	s4 =	sadd.s32 s4, s20  }
0x9c: {  	s22 =	simm.s32 $0x0;
	s5 =	sshll.u32 s5, $0x1;
	s6 =	sadd.s32 s21, s4  }
0x9d: {  	[timem:s22], [sflag:s7] =	dma.local [hbm:s6], s5  }
0x9e: {  	_ =	swait.ge [sflag:s7], s5  }
0x9f: {  	s5 =	ssub.s32 $0x0, s5;
	[sflag:s7] =	ssyncset.done $0x0  }
0xa0: {  	[sflag:s7] =	ssyncadd.s32 s5;
	_ =	sdelay $0x1  }
0xa1: {  	s23 =	simm.s32 $0x1B8B  }
0xa2: {  	_ =	swait.ge [sflag:s23], $0x1  }
0xa3: {  	[sflag:s23] =	ssyncset.done $0x0  }
0xa4: {  	[sflag:s23] =	ssyncadd.s32 $0xFFFFFFFF  }
0xa5: {  	s5 =	sld [smem:$0x0]  }
0xa6: {  	s6 =	sand.u32 $0xFFFFFFFE, s1  }
0xa7: {  	p0 =	sne.s32 s1, s6  }
0xa8: {  	s6 =	sshll.u32 @p0 s6, $0xE  }
0xa9: {  	s6 =	sadd.s32 @p0 $0x11B8D, s6;
	s7 =	sshll.u32 @p0 s5, $0x11  }
0xaa: {  	s6 =	sor.u32 @p0 s7, s6  }
0xab: {  	[sflag:s6] =	ssyncadd.remote.s32 @p0 $0x1;
	_ =	sdelay $0x1  }
0xac: {  	s6 =	simm.s32 @p0 $0x1B8D  }
0xad: {  	_ =	swait.eq @p0 [sflag:s6], $0x1  }
0xae: {  	[sflag:s6] =	ssyncadd.s32 @p0 $0xFFFFFFFF  }
0xaf: {  	s7 =	sshll.u32 @!p0 s1, $0xE  }
0xb0: {  	s7 =	sor.u32 @!p0 $0x4000, s7;
	s6 =	simm.s32 @!p0 $0x1B8D  }
0xb1: {  	s5 =	sshll.u32 @!p0 s5, $0x11;
	s7 =	sadd.s32 @!p0 $0x11B8D, s7;
	_ =	swait.eq @!p0 [sflag:s6], $0x1  }
0xb2: {  	s5 =	sor.u32 @!p0 s5, s7;
	[sflag:s6] =	ssyncadd.s32 @!p0 $0xFFFFFFFF  }
0xb3: {  	s25 =	simm.s32 $0x1B8E;
	s24 =	sld [smem:$0x3FFE];
	[sflag:s5] =	ssyncadd.remote.s32 @!p0 $0x1  }
0xb4: {  	s26 =	simm.s32 $execute0_lowered;
	[smem:$0x3FD2] =	sst s25  }
0xb5: {  	s6 =	sshll.u32 s26, $0x1;
	_ =	strace $0x8000004F;
	[dreg:$0x1] =	wrdreg $0xFFFFFFFF  }
0xb6: {  	s28 =	simm.s32 $_size_execute0_lowered;
	s4 =	sadd.s32 s4, s6;
	[dreg:$0x0] =	wrdreg $0x0  }
0xb7: {  	s6 =	sshll.u32 s28, $0x1;
	[dreg:$0x2] =	wrdreg s4  }
0xb8: {  	[dreg:$0x3] =	wrdreg s6  }
0xb9: {  	[dreg:$0x4] =	wrdreg $0xC0  }
0xba: {  	_ =	task [dreg:s22], $0x5FFFF  }
0xbb: {  	[dreg:$0x1] =	wrdreg $0xFFFFFFFF  }
0xbc: {  	[dreg:$0x0] =	wrdreg $0x60  }
0xbd: {  	[dreg:$0x2] =	wrdreg s24  }
0xbe: {  	[dreg:$0x3] =	wrdreg s18  }
0xbf: {  	[dreg:$0x4] =	wrdreg $0x9  }
0xc0: {  	_ =	task.clear_ibuf [dreg:s22], $0x5FFFF;
	_ =	strace $0x9000004F  }
0xc1: {  	s29 =	simm.s32 $0x9;
	_ =	strace $0x80000051  }
0xc2: {  	_ =	swait.ge [sflag:s29], $0x1  }
0xc3: {  	[sflag:s29] =	ssyncadd.s32 $0xFFFFFFFF  }
0xc4: {  	_ =	strace $0x90000051  }
0xc5: {  	_ =	sfence  }
0xc6: {  	s30 =	sld [smem:$0x0];
	_ =	sdelay $0x2  }
0xc7: {  	s31 =	sshll.u32 s1, $0xD;
	s1 =	sshrl.u32 s1, $0x2  }
0xc8: {  	s4 =	sand.u32 $0x4000, s31;
	s1 =	sadd.s32 s1, s30  }
0xc9: {  	s0 =	sor.u32 s4, s0;
	s1 =	sshll.u32 s1, $0x11  }
0xca: {  	s0 =	sor.u32 s1, s0  }
0xcb: {  	s0 =	sadd.s32 $0x8F2B, s0  }
0xcc: {  	[sflag:s0] =	ssyncadd.remote.s32 $0x1  }
0xcd: {  	_ =	sfence.sel $0xFFFF  }
0xce: {  	[dreg:$0x0] =	wrdreg $0xFFFFFFFF;
	(pc) =	sbr.abs _section_cstart, $3  }
0xcf: {  	[dreg:$0x1] =	wrdreg $0xFFFFFFFF  }
0xd0: {  	_ =	task.clear_ibuf [dreg:s22], $0x2FFFF;
	_ =	strace $0x9FFFFFFF  }
0xd1: {  	(tm) =	ssettm $0x7FFFFFFF  }
tec
execute0_lowered:
.L_overlay_start_1:
0x0: {  	(tag) =	ssettag $0x1  }
0x1: {  	s3 =	rddreg [dreg:$0x0]  }
0x2: {  	s1 =	rddreg [dreg:$0x1]  }
0x3: {  	s0 =	rddreg [dreg:$0x2];
	s2 =	simm.s32 $0x0  }
0x4: {  	s4 =	srdreg.scid;
	s12 =	simm.s32 $0x1;
	s13 =	simm.s32 $0x100  }
0x5: {  	s14 =	simm.s32 $0x2;
	s15 =	simm.s32 $0x3;
	s16 =	simm.s32 $0x4  }
0x6: {  	s17 =	simm.s32 $0x0;
	[smem:$0x7FF] =	sst s2;
	s4 =	sand.u32 $0x1, s4  }
0x7: {  	s8 =	sadd.s32 $0x1600, s3;
	s7 =	sadd.s32 $0x4EE600, s3;
	s3 =	stileid.u32  }
0x8: {  	_ =	strace $0x80000050;
	s5 =	ssub.s32 $0x2, s4;
	s28 =	sshll.u32 s3, $0xF  }
0x9: {  	s9 =	sshll.u32 s4, $0xE;
	s10 =	sshll.u32 s3, $0x8;
	s11 =	sshll.u32 s4, $0x7  }
0xa: {  	s6 =	sshrl.u32 s5, $0x1;
	s30 =	sor.u32 s11, s10;
	s11 =	simm.s32 $0x4100  }
0xb: {  	s5 =	ssub.s32 s5, s6;
	s6 =	sor.u32 s9, s28;
	s10 =	sor.u32 $0x4000, s30  }
0xc: {  	s9 =	sshrl.u32 s30, $0x3;
	s4 =	smax.u32 s5, $0x1;
	s29 =	sshrl.u32 s6, $0x3  }
0xd: {  	s6 =	sor.u32 $0x80000, s6;
	s10 =	sshrl.u32 s10, $0x3;
	s5 =	sadd.s32 s29, s7  }
0xe: {  	s31 =	sshrl.u32 s6, $0x3;
	s6 =	sadd.s32 s9, s8;
	s8 =	sadd.s32 s10, s8  }
0xf: {  	s9 =	simm.s32 $0x5;
	s10 =	simm.s32 $0x80;
	s7 =	sadd.s32 s31, s7  }
.LBB2_1:
0x10: {  	s21 =	simm.s32 $0x7D0  }
0x11: {  	s22 =	sadd.s32 $0x1000, s8;
	s18 =	smov.u32 s7;
	s24 =	smov.u32 s6  }
0x12: {  	s23 =	smov.u32 s8;
	s20 =	simm.s32 $0x0;
	s19 =	smov.u32 s5  }
.LBB2_2:
0x13: {  	s26 =	smov.u32 s21;
	s21 =	sadd.s32 $0x7D0, s21;
	s25 =	smov.u32 s18  }
0x14: {  	[tilespmem:s2], [sflag:$0x5] =	stream.linear.gather [hbm4b:s24+s2], $0x80, $0x38;
	[tilespmem:$0x8100] =	vst v63  }
0x15: {  	p0 =	sne.s32 s21, $0x6590;
	_ =	swait.ge [sflag:s9], $0x80  }
0x16: {  	[sflag:s9] =	ssyncset.done $0x0  }
0x17: {  	[sflag:s9] =	ssyncadd.s32 $0xFFFFFF80  }
0x18: {  	[tilespmem:s10], [sflag:$0x5] =	stream.linear.gather [hbm4b:s23+s2], $0x80, $0x38;
	[tilespmem:$0x8100] =	vst v63  }
0x19: {  	s23 =	smov.u32 s22;
	_ =	swait.ge [sflag:s9], $0x80  }
0x1a: {  	[sflag:s9] =	ssyncset.done $0x0  }
0x1b: {  	[sflag:s9] =	ssyncadd.s32 $0xFFFFFF80  }
0x1c: {  	v0 =	vld [tilespmem:$0x60]  }
0x1d: {  	v1 =	vld [tilespmem:$0x30]  }
0x1e: {  	v2 =	vld [tilespmem:$0xF0]  }
0x1f: {  	v3 =	vld [tilespmem:$0x20]  }
0x20: {  	v4 =	vld [tilespmem:$0xD0]  }
0x21: {  	v5 =	vld [tilespmem:$0x10]  }
0x22: {  	v6 =	vld [tilespmem:$0xA0]  }
0x23: {  	v7 =	vld [tilespmem:$0xE0]  }
0x24: {  	vm4 =	vgt.s32 v2, $0x0;
	vm0 =	vgt.s32 v3, $0x0;
	v8 =	vld [tilespmem:$0xB0]  }
0x25: {  	vm3 =	vgt.s32 v1, $0x0;
	v3 =	vnsel vm0, $0x0, v3;
	v9 =	vld [tilespmem:$0x50];
	vm0 =	vgt.s32 v4, $0x0  }
0x26: {  	vm2 =	vgt.s32 v0, $0x0;
	vm1 =	vgt.s32 v5, $0x0;
	v10 =	vld [tilespmem:$0x90];
	v4 =	vnsel vm0, $0x0, v4  }
0x27: {  	v0 =	vnsel vm2, $0x0, v0;
	v5 =	vnsel vm1, $0x0, v5;
	vm0 =	vgt.s32 v6, $0x0;
	v11 =	vld [tilespmem:$0xC0]  }
0x28: {  	v5 =	vmin.u32 v5, $0x3E7;
	v12 =	vld [tilespmem:$0x80];
	v6 =	vnsel vm0, $0x0, v6;
	vm1 =	vgt.s32 v7, $0x0  }
0x29: {  	s28 =	sadd.s32 $0x3E8, s20;
	v4 =	vmin.u32 v4, $0x3E7;
	v13 =	vld [tilespmem:$0x70];
	vm0 =	vgt.s32 v8, $0x0;
	v7 =	vnsel vm1, $0x0, v7  }
0x2a: {  	v4 =	vadd.s32 s28, v4;
	v14 =	vld [tilespmem:$0x40];
	vm1 =	vgt.s32 v9, $0x0;
	v7 =	vmin.u32 v7, $0x3E7  }
0x2b: {  	v5 =	vadd.s32 s20, v5;
	v15 =	vld [tilespmem:$0x0];
	vm2 =	vgt.s32 v10, $0x0;
	[tilespmem:$0xD0] =	vst v4;
	v4 =	vadd.s32 s28, v7  }
0x2c: {  	v2 =	vnsel vm4, $0x0, v2;
	v3 =	vmin.u32 v3, $0x3E7;
	[tilespmem:$0x10] =	vst v5;
	v5 =	vmin.u32 v6, $0x3E7  }
0x2d: {  	v0 =	vmin.u32 v0, $0x3E7;
	v2 =	vmin.u32 v2, $0x3E7;
	v3 =	vadd.s32 s20, v3;
	[tilespmem:$0xE0] =	vst v4  }
0x2e: {  	v1 =	vnsel vm3, $0x0, v1;
	v2 =	vadd.s32 s28, v2;
	[tilespmem:$0x20] =	vst v3;
	vm3 =	vgt.s32 v13, $0x0  }
0x2f: {  	v1 =	vmin.u32 v1, $0x3E7;
	v3 =	vnsel vm3, $0x0, v13;
	vm3 =	vgt.s32 v12, $0x0;
	[tilespmem:$0xF0] =	vst v2  }
0x30: {  	v1 =	vadd.s32 s20, v1;
	v2 =	vmin.u32 v3, $0x3E7;
	v3 =	vnsel vm3, $0x0, v12  }
0x31: {  	vm3 =	vgt.s32 v15, $0x0;
	[tilespmem:$0x30] =	vst v1;
	v1 =	vadd.s32 s20, v2;
	v2 =	vmin.u32 v3, $0x3E7  }
0x32: {  	v0 =	vadd.s32 s20, v0;
	v3 =	vnsel vm3, $0x0, v15;
	[tilespmem:$0x70] =	vst v1;
	v1 =	vadd.s32 s28, v2  }
0x33: {  	vm3 =	vgt.s32 v14, $0x0;
	v2 =	vnsel vm0, $0x0, v8;
	[tilespmem:$0x80] =	vst v1;
	v1 =	vadd.s32 s28, v5  }
0x34: {  	v4 =	vnsel vm1, $0x0, v9;
	vm0 =	vgt.s32 v11, $0x0;
	[tilespmem:$0x60] =	vst v0;
	v0 =	vmin.u32 v2, $0x3E7  }
0x35: {  	v2 =	vmin.u32 v4, $0x3E7;
	v4 =	vnsel vm2, $0x0, v10;
	[tilespmem:$0xA0] =	vst v1;
	v0 =	vadd.s32 s28, v0  }
0x36: {  	v1 =	vadd.s32 s20, v2;
	v2 =	vmin.u32 v4, $0x3E7;
	[tilespmem:$0xB0] =	vst v0;
	v0 =	vnsel vm0, $0x0, v11  }
0x37: {  	v4 =	vnsel vm3, $0x0, v14;
	[tilespmem:$0x50] =	vst v1;
	v1 =	vadd.s32 s28, v2;
	v0 =	vmin.u32 v0, $0x3E7  }
0x38: {  	v2 =	vmin.u32 v3, $0x3E7;
	v3 =	vmin.u32 v4, $0x3E7;
	[tilespmem:$0x90] =	vst v1;
	v0 =	vadd.s32 s28, v0  }
0x39: {  	p1 =	seq.s32 s20, $0x0;
	v1 =	vadd.s32 s20, v2;
	v2 =	vadd.s32 s20, v3;
	s20 =	smov.u32 s26;
	[tilespmem:$0xC0] =	vst v0  }
0x3a: {  	s29 =	simm.s32 @p1 $0x100;
	s26 =	simm.s32 @p1 $0x80;
	s28 =	simm.s32 @p1 $0x0;
	[tilespmem:$0x0] =	vst v1  }
0x3b: {  	s30 =	simm.s32 @!p1 $0x3;
	[tilespmem:$0x40] =	vst v2  }
0x3c: {  	[tilespmem:s29], [sflag:$0x1] =	stream.indirect.gather @p1 [hbm4b:s1+s26], $0x80, s28, s26, $0xb8;
	[tilespmem:$0x8100] =	vst v63  }
0x3d: {  	_ =	swait.ge @!p1 [sflag:s30], $0x4000  }
0x3e: {  	s26 =	simm.s32 @!p1 $0x100;
	s28 =	simm.s32 @!p1 $0x4;
	[sflag:s30] =	ssyncset.done @!p1 $0x0  }
0x3f: {  	s29 =	simm.s32 @!p1 $0x80;
	[sflag:s30] =	ssyncadd.s32 @!p1 $0xFFFFC000;
	s30 =	simm.s32 @!p1 $0x0  }
0x40: {  	[tilespmem:s26], [sflag:$0x1] =	stream.indirect.gather @!p1 [hbm4b:s1+s29], $0x80, s30, s29, $0xb8;
	[tilespmem:$0x8100] =	vst v63  }
0x41: {  	_ =	swait.ge @!p1 [sflag:s28], $0x4000  }
0x42: {  	[sflag:s28] =	ssyncset.done @!p1 $0x0  }
0x43: {  	[sflag:s28] =	ssyncadd.s32 @!p1 $0xFFFFC000  }
0x44: {  	[tilespmem:s11], [sflag:$0x2] =	stream.indirect.gather [hbm4b:s1+s10], $0x80, s10, s10, $0xb8;
	[tilespmem:$0x8100] =	vst v63  }
0x45: {  	_ =	swait.ge [sflag:s12], $0x4000  }
0x46: {  	[sflag:s12] =	ssyncset.done $0x0  }
0x47: {  	[sflag:s12] =	ssyncadd.s32 $0xFFFFC000  }
0x48: {  	[hbm4b:s19+s2] =	stream.linear.scatter [tilespmem:s13], [sflag:$0x3], $0x4000, $0x38;
	[tilespmem:$0x8100] =	vst v63  }
.Ltmp0:
0x49: {  	_ = 	snop;
	(pc) =	sbr.rel @p0 .LBB2_2-.Ltmp0, $4  }
0x4a: {  	_ =	swait.ge [sflag:s14], $0x4000  }
0x4b: {  	s18 =	sadd.s32 $0x20000, s18;
	s22 =	sadd.s32 $0x1000, s22;
	[sflag:s14] =	ssyncset.done $0x0  }
0x4c: {  	s24 =	sadd.s32 $0x1000, s24;
	s19 =	sadd.s32 $0x20000, s19;
	[sflag:s14] =	ssyncadd.s32 $0xFFFFC000  }
0x4d: {  	[hbm4b:s25+s2] =	stream.linear.scatter [tilespmem:s11], [sflag:$0x4], $0x4000, $0x38;
	[tilespmem:$0x8100] =	vst v63  }
0x4e: {  	[tilespmem:s2], [sflag:$0x5] =	stream.linear.gather [hbm4b:s24+s2], $0x80, $0x38;
	[tilespmem:$0x8100] =	vst v63  }
0x4f: {  	_ =	swait.ge [sflag:s9], $0x80  }
0x50: {  	[sflag:s9] =	ssyncset.done $0x0  }
0x51: {  	[sflag:s9] =	ssyncadd.s32 $0xFFFFFF80  }
0x52: {  	[tilespmem:s10], [sflag:$0x5] =	stream.linear.gather [hbm4b:s23+s2], $0x80, $0x38;
	[tilespmem:$0x8100] =	vst v63  }
0x53: {  	_ =	swait.ge [sflag:s9], $0x80  }
0x54: {  	[sflag:s9] =	ssyncset.done $0x0  }
0x55: {  	[sflag:s9] =	ssyncadd.s32 $0xFFFFFF80  }
0x56: {  	v0 =	vld [tilespmem:$0x60]  }
0x57: {  	v1 =	vld [tilespmem:$0x30]  }
0x58: {  	v2 =	vld [tilespmem:$0xF0]  }
0x59: {  	v3 =	vld [tilespmem:$0x20]  }
0x5a: {  	v4 =	vld [tilespmem:$0xD0]  }
0x5b: {  	v5 =	vld [tilespmem:$0x10]  }
0x5c: {  	v6 =	vld [tilespmem:$0xA0]  }
0x5d: {  	v7 =	vld [tilespmem:$0xE0]  }
0x5e: {  	v8 =	vld [tilespmem:$0xB0]  }
0x5f: {  	v9 =	vld [tilespmem:$0x50]  }
0x60: {  	v10 =	vld [tilespmem:$0x90]  }
0x61: {  	v11 =	vld [tilespmem:$0x70]  }
0x62: {  	v12 =	vld [tilespmem:$0x80]  }
0x63: {  	v13 =	vld [tilespmem:$0x0]  }
0x64: {  	v40 =	vld [tilespmem:$0xC0];
	vm0 =	vgt.s32 v3, $0x0  }
0x65: {  	v46 =	vld [tilespmem:$0x40];
	vm4 =	vgt.s32 v2, $0x0;
	vm3 =	vgt.s32 v1, $0x0;
	vm5 =	vgt.s32 v4, $0x0  }
0x66: {  	vm1 =	vgt.s32 v5, $0x0;
	vm2 =	vgt.s32 v0, $0x0;
	vm6 =	vgt.s32 v6, $0x0  }
0x67: {  	vm7 =	vgt.s32 v7, $0x0;
	vm8 =	vgt.s32 v8, $0x0;
	vm9 =	vgt.s32 v9, $0x0  }
0x68: {  	vm10 =	vgt.s32 v10, $0x0;
	vm11 =	vgt.s32 v11, $0x0;
	vm12 =	vgt.s32 v12, $0x0  }
0x69: {  	vm13 =	vgt.s32 v13, $0x0;
	vm14 =	vgt.s32 v40, $0x0;
	v4 =	vnsel vm5, $0x0, v4  }
0x6a: {  	s21 =	sadd.s32 $0x3E8, s20;
	vm15 =	vgt.s32 v46, $0x0;
	v5 =	vnsel vm1, $0x0, v5;
	v4 =	vmin.u32 v4, $0x3E7  }
0x6b: {  	v7 =	vnsel vm7, $0x0, v7;
	v5 =	vmin.u32 v5, $0x3E7;
	v4 =	vadd.s32 s21, v4  }
0x6c: {  	v3 =	vnsel vm0, $0x0, v3;
	v7 =	vmin.u32 v7, $0x3E7;
	v5 =	vadd.s32 s20, v5;
	[tilespmem:$0xD0] =	vst v4  }
0x6d: {  	v2 =	vnsel vm4, $0x0, v2;
	v3 =	vmin.u32 v3, $0x3E7;
	v38 =	vadd.s32 s21, v7;
	[tilespmem:$0x10] =	vst v5  }
0x6e: {  	v1 =	vnsel vm3, $0x0, v1;
	v2 =	vmin.u32 v2, $0x3E7;
	v3 =	vadd.s32 s20, v3;
	[tilespmem:$0xE0] =	vst v38  }
0x6f: {  	v41 =	vnsel vm11, $0x0, v11;
	v1 =	vmin.u32 v1, $0x3E7;
	v2 =	vadd.s32 s21, v2;
	[tilespmem:$0x20] =	vst v3  }
0x70: {  	v43 =	vnsel vm12, $0x0, v12;
	v42 =	vmin.u32 v41, $0x3E7;
	v1 =	vadd.s32 s20, v1;
	[tilespmem:$0xF0] =	vst v2  }
0x71: {  	v0 =	vnsel vm2, $0x0, v0;
	v45 =	vmin.u32 v43, $0x3E7;
	v44 =	vadd.s32 s20, v42;
	[tilespmem:$0x30] =	vst v1  }
0x72: {  	v6 =	vnsel vm6, $0x0, v6;
	v0 =	vmin.u32 v0, $0x3E7;
	v48 =	vadd.s32 s21, v45;
	[tilespmem:$0x70] =	vst v44  }
0x73: {  	v51 =	vnsel vm9, $0x0, v9;
	v39 =	vmin.u32 v6, $0x3E7;
	v0 =	vadd.s32 s20, v0;
	[tilespmem:$0x80] =	vst v48  }
0x74: {  	v54 =	vnsel vm10, $0x0, v10;
	v53 =	vmin.u32 v51, $0x3E7;
	v49 =	vadd.s32 s21, v39;
	[tilespmem:$0x60] =	vst v0  }
0x75: {  	v47 =	vnsel vm13, $0x0, v13;
	v56 =	vmin.u32 v54, $0x3E7;
	v55 =	vadd.s32 s20, v53;
	[tilespmem:$0xA0] =	vst v49  }
0x76: {  	v50 =	vnsel vm8, $0x0, v8;
	v60 =	vmin.u32 v47, $0x3E7;
	v58 =	vadd.s32 s21, v56;
	[tilespmem:$0x50] =	vst v55  }
0x77: {  	v59 =	vnsel vm15, $0x0, v46;
	v52 =	vmin.u32 v50, $0x3E7;
	v62 =	vadd.s32 s20, v60;
	[tilespmem:$0x90] =	vst v58  }
0x78: {  	v57 =	vnsel vm14, $0x0, v40;
	v61 =	vmin.u32 v59, $0x3E7;
	v0 =	vadd.s32 s21, v52;
	[tilespmem:$0x0] =	vst v62  }
0x79: {  	p0 =	seq.s32 s20, $0x0;
	v63 =	vadd.s32 s20, v61;
	[tilespmem:$0xB0] =	vst v0;
	v0 =	vmin.u32 v57, $0x3E7  }
0x7a: {  	s22 =	simm.s32 @p0 $0x100;
	[tilespmem:$0x40] =	vst v63;
	v0 =	vadd.s32 s21, v0  }
0x7b: {  	s23 =	simm.s32 @!p0 $0x3;
	s20 =	simm.s32 @p0 $0x80;
	s21 =	simm.s32 @p0 $0x0;
	[tilespmem:$0xC0] =	vst v0  }
0x7c: {  	[tilespmem:s22], [sflag:$0x1] =	stream.indirect.gather @p0 [hbm4b:s1+s20], $0x80, s21, s20, $0xb8;
	[tilespmem:$0x8100] =	vst v63  }
0x7d: {  	_ =	swait.ge @!p0 [sflag:s23], $0x4000  }
0x7e: {  	s20 =	simm.s32 @!p0 $0x100;
	s21 =	simm.s32 @!p0 $0x4;
	[sflag:s23] =	ssyncset.done @!p0 $0x0  }
0x7f: {  	s22 =	simm.s32 @!p0 $0x80;
	[sflag:s23] =	ssyncadd.s32 @!p0 $0xFFFFC000;
	s23 =	simm.s32 @!p0 $0x0  }
0x80: {  	[tilespmem:s20], [sflag:$0x1] =	stream.indirect.gather @!p0 [hbm4b:s1+s22], $0x80, s23, s22, $0xb8;
	[tilespmem:$0x8100] =	vst v63  }
0x81: {  	_ =	swait.ge @!p0 [sflag:s21], $0x4000  }
0x82: {  	[sflag:s21] =	ssyncset.done @!p0 $0x0  }
0x83: {  	[sflag:s21] =	ssyncadd.s32 @!p0 $0xFFFFC000  }
0x84: {  	[tilespmem:s11], [sflag:$0x2] =	stream.indirect.gather [hbm4b:s1+s10], $0x80, s10, s10, $0xb8;
	[tilespmem:$0x8100] =	vst v63  }
0x85: {  	_ =	swait.ge [sflag:s12], $0x4000  }
0x86: {  	[sflag:s12] =	ssyncset.done $0x0  }
0x87: {  	[sflag:s12] =	ssyncadd.s32 $0xFFFFC000  }
0x88: {  	[hbm4b:s19+s2] =	stream.linear.scatter [tilespmem:s13], [sflag:$0x3], $0x4000, $0x38;
	[tilespmem:$0x8100] =	vst v63  }
0x89: {  	_ =	swait.ge [sflag:s14], $0x4000  }
0x8a: {  	[sflag:s14] =	ssyncset.done $0x0  }
0x8b: {  	s17 =	sadd.s32 $0x1, s17;
	[sflag:s14] =	ssyncadd.s32 $0xFFFFC000  }
0x8c: {  	[hbm4b:s18+s2] =	stream.linear.scatter [tilespmem:s11], [sflag:$0x4], $0x4000, $0x38;
	[tilespmem:$0x8100] =	vst v63  }
0x8d: {  	p0 =	sne.s32 s17, s4;
	_ =	swait.ge [sflag:s15], $0x4000  }
.Ltmp1:
0x8e: {  	[sflag:s15] =	ssyncset.done $0x0;
	(pc) =	sbr.rel @p0 .LBB2_1-.Ltmp1, $4  }
0x8f: {  	[sflag:s15] =	ssyncadd.s32 $0xFFFFC000  }
0x90: {  	_ =	swait.ge [sflag:s16], $0x4000  }
0x91: {  	[sflag:s16] =	ssyncset.done $0x0  }
0x92: {  	[sflag:s16] =	ssyncadd.s32 $0xFFFFC000  }
0x93: {  	_ =	sfence.sel $0x180000  }
0x94: {  	[bflag:$0x0] =	sbarrier.arrive $0xFFFF  }
0x95: {  	p0 =	sne.s32 s3, $0x0;
	_ =	strace $0x90000050  }
0x96: {  	s0 =	sadd.s32 @!p0 $0x100000, s0;
	[bflag:$0x2] =	sbarrier.arrive $0xFFFF  }
0x97: {  	[sflag:s0] =	ssyncadd.tile.s32 @!p0 $0x1;
	_ =	shalt  }
.Lfunc_end2:
_tile_overlayer_lowered:
.L_overlay_start_2:
0x98: {  	(tag) =	ssettag $0x2  }
0x99: {  	s0 =	rddreg [dreg:$0x0];
	s2 =	stileid.u32  }
0x9a: {  	s1 =	rddreg [dreg:$0x1];
	p0 =	sne.s32 s2, $0x0  }
0x9b: {  	s3 =	rddreg [dreg:$0x2];
	[bflag:$0x3] =	sbarrier.arrive $0xFFFF;
	s2 =	simm.s32 @!p0 $0x1C05  }
0x9c: {  	[timem:s3], [sflag:s2] =	dma.local @!p0 [hbm:s0], s1  }
0x9d: {  	s0 =	simm.s32 @!p0 $0x5  }
0x9e: {  	_ =	swait.ge @!p0 [sflag:s0], s1  }
0x9f: {  	s1 =	ssub.s32 @!p0 $0x0, s1;
	[sflag:s0] =	ssyncset.done @!p0 $0x0  }
0xa0: {  	[sflag:s0] =	ssyncadd.s32 @!p0 s1  }
0xa1: {  	[bflag:$0x3] =	sbarrier.arrive $0xFFFF  }
0xa2: {  	_ =	shalt  }

// kernel: kernel.13.cloned.1.call-start
scs
__scs_entry_jumppad:
0x0: {  	(pc) =	sbr.rel $0x88, $3  }
0x1: {  	(tag) =	ssettag $0x0;
	lr =	simm.s32 $0x1  }
0x2: {  	[smem:$0x3F97] =	sst lr;
	_ =	strace $0xD0000000  }
0x3: {  	_ = 	snop  }
0x4: {  	_ = 	snop  }
0x5: {  	_ = 	snop  }
0x6: {  	_ = 	snop  }
0x7: {  	_ = 	snop  }
__scs_overlays_trampoline_lowered:
0x8: {  	[smem:$0x3FA6] =	sst s0  }
0x9: {  	[smem:$0x3FA7] =	sst s1  }
0xa: {  	[smem:$0x3FA8] =	sst s2  }
0xb: {  	[smem:$0x3FA9] =	sst s3  }
0xc: {  	[smem:$0x3FAA] =	sst s4  }
0xd: {  	[smem:$0x3FAB] =	sst s5  }
0xe: {  	[smem:$0x3FAC] =	sst s6  }
0xf: {  	[smem:$0x3FAD] =	sst s7  }
0x10: {  	[smem:$0x3FAE] =	sst s8  }
0x11: {  	[smem:$0x3FAF] =	sst s9;
	s0 =	simm.s32 @!p0 $0x0  }
0x12: {  	s1 =	sld [smem:$0x3F95];
	s0 =	simm.s32 @p0 $0x1  }
0x13: {  	[smem:$0x3FB0] =	sst s0;
	s0 =	simm.s32 @!p1 $0x0  }
0x14: {  	s2 =	sld [smem:$0x3F94];
	s0 =	simm.s32 @p1 $0x1  }
0x15: {  	[smem:$0x3FB1] =	sst s0;
	s0 =	simm.s32 @!p2 $0x0  }
0x16: {  	s3 =	sld [smem:$0x3FDB];
	s0 =	simm.s32 @p2 $0x1  }
0x17: {  	s4 =	simm.s32 $0x1BF5;
	[smem:$0x3FB3] =	sst s0  }
0x18: {  	s0 =	sld [smem:$0x3F96];
	_ =	swait.ge [sflag:s4], $0x0  }
0x19: {  	s7 =	sld [smem:$0x3F97]  }
0x1a: {  	s8 =	sadd.s32 $0xFFFFE003, lr  }
0x1b: {  	s9 =	sadd.s32 $0xFFFFFEF7, lr;
	s5 =	simm.s32 $0xFFFFFFFF;
	p2 =	slt.u32 s8, $0xFFFFF086  }
0x1c: {  	p1 =	slt.u32 s9, $0xF7A;
	s5 =	simm.s32 @!p2 $0x0  }
0x1d: {  	s5 =	simm.s32 @p1 $0x1;
	p0 =	seq.s32 s7, s2  }
0x1e: {  	s7 =	smul.u32 @!p0 $0xF7A, s2;
	p2 =	seq.s32 @!p0 s5, $0x0  }
0x1f: {  	s9 =	smul.u32 $0xF7A, s1;
	s8 =	simm.s32 @!p0 $0x1BF5;
	p2 =	por !p2, p0  }
0x20: {  	[sflag:s8] =	ssyncset.s32 @!p0 $0xFFFFF086;
	s6 =	sadd.s32 @!p0 s3, s7;
	s7 =	simm.s32 @!p0 $0x108  }
0x21: {  	s3 =	sadd.s32 s3, s9;
	s6 =	sadd.s32 @!p0 $0x88, s6;
	s7 =	simm.s32 @p2 $0x1082  }
0x22: {  	[simem:s7], [sflag:s8] =	dma.local @!p0 [hbm:s6], $0xF7A  }
0x23: {  	s9 =	sor.u32 $0xD0000000, s2;
	s6 =	simm.s32 $0x108;
	_ =	swait.ge @!p0 [sflag:s8], $0x0  }
0x24: {  	s3 =	sadd.s32 $0x88, s3;
	s6 =	simm.s32 @!p1 $0x1082;
	[sflag:s4] =	ssyncset.s32 $0xFFFFF086  }
0x25: {  	[simem:s6], [sflag:s4] =	dma.local [hbm:s3], $0xF7A  }
0x26: {  	[smem:$0x3F97] =	sst s1;
	(tag) =	ssettag s2;
	_ =	strace s9  }
0x27: {  	s1 =	sld [smem:$0x3FA7]  }
0x28: {  	s2 =	sld [smem:$0x3FA8]  }
0x29: {  	s4 =	sld [smem:$0x3FAA]  }
0x2a: {  	p0 =	seq.s32 s5, $0x0;
	s5 =	sld [smem:$0x3FAB]  }
0x2b: {  	s6 =	sld [smem:$0x3FAC]  }
0x2c: {  	s7 =	sld [smem:$0x3FAD]  }
0x2d: {  	s3 =	simm.s32 $0x108;
	s8 =	sld [smem:$0x3FAE]  }
0x2e: {  	s3 =	simm.s32 @!p0 $0x1082;
	s9 =	sld [smem:$0x3FAF]  }
0x2f: {  	lr =	sadd.s32 s0, s3;
	s0 =	sld [smem:$0x3FA6]  }
0x30: {  	s3 =	sld [smem:$0x3FA9]  }
0x31: {  	[smem:$0x3FB2] =	sst s10  }
0x32: {  	s10 =	sld [smem:$0x3FB0];
	_ =	sdelay $0x3  }
0x33: {  	p0 =	seq.s32 s10, $0x1;
	s10 =	sld [smem:$0x3FB2];
	_ =	sdelay $0x3  }
0x34: {  	[smem:$0x3FB2] =	sst s10  }
0x35: {  	s10 =	sld [smem:$0x3FB1];
	_ =	sdelay $0x3  }
0x36: {  	p1 =	seq.s32 s10, $0x1;
	s10 =	sld [smem:$0x3FB2];
	_ =	sdelay $0x3  }
0x37: {  	[smem:$0x3FB2] =	sst s10  }
0x38: {  	s10 =	sld [smem:$0x3FB3]  }
0x39: {  	_ = 	snop;
	(pc) =	sbr.ind lr, $3  }
0x3a: {  	_ = 	snop  }
0x3b: {  	_ = 	snop  }
0x3c: {  	p2 =	seq.s32 s10, $0x1;
	s10 =	sld [smem:$0x3FB2]  }
0x3d: {  	_ =	shalt  }
0x3e: {  	_ =	shalt  }
0x3f: {  	_ =	shalt  }
0x40: {  	_ =	shalt  }
0x41: {  	_ =	shalt  }
0x42: {  	_ =	shalt  }
0x43: {  	_ =	shalt  }
0x44: {  	_ =	shalt  }
0x45: {  	_ =	shalt  }
0x46: {  	_ =	shalt  }
0x47: {  	_ =	shalt  }
0x48: {  	_ =	shalt  }
0x49: {  	_ =	shalt  }
0x4a: {  	_ =	shalt  }
0x4b: {  	_ =	shalt  }
0x4c: {  	_ =	shalt  }
0x4d: {  	_ =	shalt  }
0x4e: {  	_ =	shalt  }
0x4f: {  	_ =	shalt  }
0x50: {  	_ =	shalt  }
0x51: {  	_ =	shalt  }
0x52: {  	_ =	shalt  }
0x53: {  	_ =	shalt  }
0x54: {  	_ =	shalt  }
0x55: {  	_ =	shalt  }
0x56: {  	_ =	shalt  }
0x57: {  	_ =	shalt  }
0x58: {  	_ =	shalt  }
0x59: {  	_ =	shalt  }
0x5a: {  	_ =	shalt  }
0x5b: {  	_ =	shalt  }
0x5c: {  	_ =	shalt  }
0x5d: {  	_ =	shalt  }
0x5e: {  	_ =	shalt  }
0x5f: {  	_ =	shalt  }
0x60: {  	_ =	shalt  }
0x61: {  	_ =	shalt  }
0x62: {  	_ =	shalt  }
0x63: {  	_ =	shalt  }
0x64: {  	_ =	shalt  }
0x65: {  	_ =	shalt  }
0x66: {  	_ =	shalt  }
0x67: {  	_ =	shalt  }
0x68: {  	_ =	shalt  }
0x69: {  	_ =	shalt  }
0x6a: {  	_ =	shalt  }
0x6b: {  	_ =	shalt  }
0x6c: {  	_ =	shalt  }
0x6d: {  	_ =	shalt  }
0x6e: {  	_ =	shalt  }
0x6f: {  	_ =	shalt  }
0x70: {  	_ =	shalt  }
0x71: {  	_ =	shalt  }
0x72: {  	_ =	shalt  }
0x73: {  	_ =	shalt  }
0x74: {  	_ =	shalt  }
0x75: {  	_ =	shalt  }
0x76: {  	_ =	shalt  }
0x77: {  	_ =	shalt  }
0x78: {  	_ =	shalt  }
0x79: {  	_ =	shalt  }
0x7a: {  	_ =	shalt  }
0x7b: {  	_ =	shalt  }
0x7c: {  	_ =	shalt  }
0x7d: {  	_ =	shalt  }
0x7e: {  	_ =	shalt  }
0x7f: {  	_ =	shalt  }
0x80: {  	_ =	shalt  }
0x81: {  	_ =	shalt  }
0x82: {  	_ =	shalt  }
0x83: {  	_ =	shalt  }
0x84: {  	_ =	shalt  }
0x85: {  	_ =	shalt  }
0x86: {  	_ =	shalt  }
0x87: {  	_ =	shalt  }
.Lfunc_end0:
.L_simem_size_0:
called_computation.1_lowered:
.L_overlay_start_0:
0x88: {  	s2 =	sld [smem:$0x3FD9]  }
0x89: {  	s3 =	sld [smem:$0x3FFE];
	_ =	sdelay $0x1  }
0x8a: {  	s1 =	srdreg.scid  }
0x8b: {  	s0 =	sand.u32 $0x1, s1  }
0x8c: {  	s17 =	sshll.u32 s0, $0xA;
	s2 =	sadd.s32 s3, s2  }
0x8d: {  	s2 =	sadd.s32 s2, s17  }
0x8e: {  	[smem:$0x3FBE] =	sst s2  }
0x8f: {  	_ = 	snop  }
0x90: {  	s18 =	sld [smem:$0x3FC8];
	(tm) =	ssettm $0x1  }
0x91: {  	s19 =	sld [smem:$0x3FFB];
	_ =	sdelay $0x3  }
0x92: {  	_ =	strace s19  }
0x93: {  	s2 =	sld [smem:$0x3FFC];
	_ =	sdelay $0x3  }
0x94: {  	_ =	strace s2  }
0x95: {  	s2 =	sld [smem:$0x3FFD];
	_ =	sdelay $0x3  }
0x96: {  	_ =	strace s2  }
0x97: {  	_ =	strace $0x8FFFFFFF  }
0x98: {  	s20 =	sld [smem:$0x3FDB];
	_ =	sdelay $0x1  }
0x99: {  	s4 =	simm.s32 $_scs_section_size  }
0x9a: {  	s5 =	simm.s32 $_size__tile_overlayer_lowered;
	s6 =	simm.s32 $_tile_overlayer_lowered  }
0x9b: {  	s7 =	simm.s32 $0x1BFF;
	s21 =	sshll.u32 s6, $0x1;
	s4 =	sadd.s32 s4, s20  }
0x9c: {  	s22 =	simm.s32 $0x0;
	s5 =	sshll.u32 s5, $0x1;
	s6 =	sadd.s32 s21, s4  }
0x9d: {  	[timem:s22], [sflag:s7] =	dma.local [hbm:s6], s5  }
0x9e: {  	_ =	swait.ge [sflag:s7], s5  }
0x9f: {  	s5 =	ssub.s32 $0x0, s5;
	[sflag:s7] =	ssyncset.done $0x0  }
0xa0: {  	[sflag:s7] =	ssyncadd.s32 s5;
	_ =	sdelay $0x1  }
0xa1: {  	s23 =	simm.s32 $0x1B8B  }
0xa2: {  	_ =	swait.ge [sflag:s23], $0x1  }
0xa3: {  	[sflag:s23] =	ssyncset.done $0x0  }
0xa4: {  	[sflag:s23] =	ssyncadd.s32 $0xFFFFFFFF  }
0xa5: {  	s5 =	sld [smem:$0x0]  }
0xa6: {  	s6 =	sand.u32 $0xFFFFFFFE, s1  }
0xa7: {  	p0 =	sne.s32 s1, s6  }
0xa8: {  	s6 =	sshll.u32 @p0 s6, $0xE  }
0xa9: {  	s6 =	sadd.s32 @p0 $0x11B8D, s6;
	s7 =	sshll.u32 @p0 s5, $0x11  }
0xaa: {  	s6 =	sor.u32 @p0 s7, s6  }
0xab: {  	[sflag:s6] =	ssyncadd.remote.s32 @p0 $0x1;
	_ =	sdelay $0x1  }
0xac: {  	s6 =	simm.s32 @p0 $0x1B8D  }
0xad: {  	_ =	swait.eq @p0 [sflag:s6], $0x1  }
0xae: {  	[sflag:s6] =	ssyncadd.s32 @p0 $0xFFFFFFFF  }
0xaf: {  	s7 =	sshll.u32 @!p0 s1, $0xE  }
0xb0: {  	s7 =	sor.u32 @!p0 $0x4000, s7;
	s6 =	simm.s32 @!p0 $0x1B8D  }
0xb1: {  	s5 =	sshll.u32 @!p0 s5, $0x11;
	s7 =	sadd.s32 @!p0 $0x11B8D, s7;
	_ =	swait.eq @!p0 [sflag:s6], $0x1  }
0xb2: {  	s5 =	sor.u32 @!p0 s5, s7;
	[sflag:s6] =	ssyncadd.s32 @!p0 $0xFFFFFFFF  }
0xb3: {  	s25 =	simm.s32 $0x1B8E;
	s24 =	sld [smem:$0x3FFE];
	[sflag:s5] =	ssyncadd.remote.s32 @!p0 $0x1  }
0xb4: {  	s26 =	simm.s32 $execute0_lowered;
	[smem:$0x3FD2] =	sst s25  }
0xb5: {  	s6 =	sshll.u32 s26, $0x1;
	_ =	strace $0x8000004C;
	[dreg:$0x1] =	wrdreg $0xFFFFFFFF  }
0xb6: {  	s28 =	simm.s32 $_size_execute0_lowered;
	s4 =	sadd.s32 s4, s6;
	[dreg:$0x0] =	wrdreg $0x0  }
0xb7: {  	s6 =	sshll.u32 s28, $0x1;
	[dreg:$0x2] =	wrdreg s4  }
0xb8: {  	[dreg:$0x3] =	wrdreg s6  }
0xb9: {  	[dreg:$0x4] =	wrdreg $0xC0  }
0xba: {  	_ =	task [dreg:s22], $0x5FFFF  }
0xbb: {  	[dreg:$0x1] =	wrdreg $0xFFFFFFFF  }
0xbc: {  	[dreg:$0x0] =	wrdreg $0x60  }
0xbd: {  	[dreg:$0x2] =	wrdreg s24  }
0xbe: {  	[dreg:$0x3] =	wrdreg s18  }
0xbf: {  	[dreg:$0x4] =	wrdreg $0xA  }
0xc0: {  	_ =	task.clear_ibuf [dreg:s22], $0x5FFFF;
	_ =	strace $0x9000004C  }
0xc1: {  	s29 =	simm.s32 $0xA;
	_ =	strace $0x8000004E  }
0xc2: {  	_ =	swait.ge [sflag:s29], $0x1  }
0xc3: {  	[sflag:s29] =	ssyncadd.s32 $0xFFFFFFFF  }
0xc4: {  	_ =	strace $0x9000004E  }
0xc5: {  	_ =	sfence  }
0xc6: {  	s30 =	sld [smem:$0x0];
	_ =	sdelay $0x2  }
0xc7: {  	s31 =	sshll.u32 s1, $0xD;
	s1 =	sshrl.u32 s1, $0x2  }
0xc8: {  	s4 =	sand.u32 $0x4000, s31;
	s1 =	sadd.s32 s1, s30  }
0xc9: {  	s0 =	sor.u32 s4, s0;
	s1 =	sshll.u32 s1, $0x11  }
0xca: {  	s0 =	sor.u32 s1, s0  }
0xcb: {  	s0 =	sadd.s32 $0x8F2B, s0  }
0xcc: {  	[sflag:s0] =	ssyncadd.remote.s32 $0x1  }
0xcd: {  	_ =	sfence.sel $0xFFFF  }
0xce: {  	[dreg:$0x0] =	wrdreg $0xFFFFFFFF;
	(pc) =	sbr.abs _section_cstart, $3  }
0xcf: {  	[dreg:$0x1] =	wrdreg $0xFFFFFFFF  }
0xd0: {  	_ =	task.clear_ibuf [dreg:s22], $0x2FFFF;
	_ =	strace $0x9FFFFFFF  }
0xd1: {  	(tm) =	ssettm $0x7FFFFFFF  }
tec
execute0_lowered:
.L_overlay_start_1:
0x0: {  	(tag) =	ssettag $0x1  }
0x1: {  	s3 =	rddreg [dreg:$0x0]  }
0x2: {  	s1 =	rddreg [dreg:$0x1]  }
0x3: {  	s0 =	rddreg [dreg:$0x2]  }
0x4: {  	s2 =	simm.s32 $0x0;
	s4 =	srdreg.scid;
	s12 =	simm.s32 $0x1  }
0x5: {  	s13 =	simm.s32 $0x100;
	s14 =	simm.s32 $0x2;
	s15 =	simm.s32 $0x3  }
0x6: {  	s16 =	simm.s32 $0x4;
	s17 =	simm.s32 $0x0;
	[smem:$0x7FF] =	sst s2  }
0x7: {  	s6 =	sadd.s32 $0x1600, s3;
	s4 =	sand.u32 $0x1, s4;
	s7 =	sadd.s32 $0x34E600, s3  }
0x8: {  	s3 =	stileid.u32;
	_ =	strace $0x8000004D;
	s5 =	ssub.s32 $0x2, s4  }
0x9: {  	s9 =	sshll.u32 s3, $0xF;
	s10 =	sshll.u32 s4, $0xE;
	s11 =	sshll.u32 s3, $0x8  }
0xa: {  	s4 =	sshll.u32 s4, $0x7;
	s8 =	sshrl.u32 s5, $0x1;
	s9 =	sor.u32 s10, s9  }
0xb: {  	s30 =	sor.u32 s4, s11;
	s11 =	simm.s32 $0x4100;
	s5 =	ssub.s32 s5, s8  }
0xc: {  	s29 =	sshrl.u32 s9, $0x3;
	s31 =	sor.u32 $0x4000, s30;
	s10 =	sshrl.u32 s30, $0x3  }
0xd: {  	s9 =	sor.u32 $0x80000, s9;
	s4 =	smax.u32 s5, $0x1;
	s5 =	sadd.s32 s29, s7  }
0xe: {  	s8 =	sshrl.u32 s31, $0x3;
	s10 =	sadd.s32 s10, s6;
	s9 =	sshrl.u32 s9, $0x3  }
0xf: {  	s8 =	sadd.s32 s8, s6;
	s6 =	sadd.s32 $0x200, s10;
	s7 =	sadd.s32 s9, s7  }
0x10: {  	s9 =	simm.s32 $0x5;
	s10 =	simm.s32 $0x80;
	s8 =	sadd.s32 $0x200, s8  }
.LBB2_1:
0x11: {  	s21 =	simm.s32 $0x7D0  }
0x12: {  	s22 =	sadd.s32 $0x1000, s8;
	s18 =	smov.u32 s7;
	s24 =	smov.u32 s6  }
0x13: {  	s23 =	smov.u32 s8;
	s20 =	simm.s32 $0x0;
	s19 =	smov.u32 s5  }
.LBB2_2:
0x14: {  	s26 =	smov.u32 s21;
	s21 =	sadd.s32 $0x7D0, s21;
	s25 =	smov.u32 s18  }
0x15: {  	[tilespmem:s2], [sflag:$0x5] =	stream.linear.gather [hbm4b:s24+s2], $0x80, $0x38;
	[tilespmem:$0x8100] =	vst v63  }
0x16: {  	p0 =	sne.s32 s21, $0x6590;
	_ =	swait.ge [sflag:s9], $0x80  }
0x17: {  	[sflag:s9] =	ssyncset.done $0x0  }
0x18: {  	[sflag:s9] =	ssyncadd.s32 $0xFFFFFF80  }
0x19: {  	[tilespmem:s10], [sflag:$0x5] =	stream.linear.gather [hbm4b:s23+s2], $0x80, $0x38;
	[tilespmem:$0x8100] =	vst v63  }
0x1a: {  	s23 =	smov.u32 s22;
	_ =	swait.ge [sflag:s9], $0x80  }
0x1b: {  	[sflag:s9] =	ssyncset.done $0x0  }
0x1c: {  	[sflag:s9] =	ssyncadd.s32 $0xFFFFFF80  }
0x1d: {  	v0 =	vld [tilespmem:$0x60]  }
0x1e: {  	v1 =	vld [tilespmem:$0x30]  }
0x1f: {  	v2 =	vld [tilespmem:$0xF0]  }
0x20: {  	v3 =	vld [tilespmem:$0x20]  }
0x21: {  	v4 =	vld [tilespmem:$0xD0]  }
0x22: {  	v5 =	vld [tilespmem:$0x10]  }
0x23: {  	v6 =	vld [tilespmem:$0xA0]  }
0x24: {  	v7 =	vld [tilespmem:$0xE0]  }
0x25: {  	vm4 =	vgt.s32 v2, $0x0;
	vm0 =	vgt.s32 v3, $0x0;
	v8 =	vld [tilespmem:$0xB0]  }
0x26: {  	vm3 =	vgt.s32 v1, $0x0;
	v3 =	vnsel vm0, $0x0, v3;
	v9 =	vld [tilespmem:$0x50];
	vm0 =	vgt.s32 v4, $0x0  }
0x27: {  	vm2 =	vgt.s32 v0, $0x0;
	vm1 =	vgt.s32 v5, $0x0;
	v10 =	vld [tilespmem:$0x90];
	v4 =	vnsel vm0, $0x0, v4  }
0x28: {  	v0 =	vnsel vm2, $0x0, v0;
	v5 =	vnsel vm1, $0x0, v5;
	vm0 =	vgt.s32 v6, $0x0;
	v11 =	vld [tilespmem:$0xC0]  }
0x29: {  	v5 =	vmin.u32 v5, $0x3E7;
	v12 =	vld [tilespmem:$0x80];
	v6 =	vnsel vm0, $0x0, v6;
	vm1 =	vgt.s32 v7, $0x0  }
0x2a: {  	s28 =	sadd.s32 $0x3E8, s20;
	v4 =	vmin.u32 v4, $0x3E7;
	v13 =	vld [tilespmem:$0x70];
	vm0 =	vgt.s32 v8, $0x0;
	v7 =	vnsel vm1, $0x0, v7  }
0x2b: {  	v4 =	vadd.s32 s28, v4;
	v14 =	vld [tilespmem:$0x40];
	vm1 =	vgt.s32 v9, $0x0;
	v7 =	vmin.u32 v7, $0x3E7  }
0x2c: {  	v5 =	vadd.s32 s20, v5;
	v15 =	vld [tilespmem:$0x0];
	vm2 =	vgt.s32 v10, $0x0;
	[tilespmem:$0xD0] =	vst v4;
	v4 =	vadd.s32 s28, v7  }
0x2d: {  	v2 =	vnsel vm4, $0x0, v2;
	v3 =	vmin.u32 v3, $0x3E7;
	[tilespmem:$0x10] =	vst v5;
	v5 =	vmin.u32 v6, $0x3E7  }
0x2e: {  	v0 =	vmin.u32 v0, $0x3E7;
	v2 =	vmin.u32 v2, $0x3E7;
	v3 =	vadd.s32 s20, v3;
	[tilespmem:$0xE0] =	vst v4  }
0x2f: {  	v1 =	vnsel vm3, $0x0, v1;
	v2 =	vadd.s32 s28, v2;
	[tilespmem:$0x20] =	vst v3;
	vm3 =	vgt.s32 v13, $0x0  }
0x30: {  	v1 =	vmin.u32 v1, $0x3E7;
	v3 =	vnsel vm3, $0x0, v13;
	vm3 =	vgt.s32 v12, $0x0;
	[tilespmem:$0xF0] =	vst v2  }
0x31: {  	v1 =	vadd.s32 s20, v1;
	v2 =	vmin.u32 v3, $0x3E7;
	v3 =	vnsel vm3, $0x0, v12  }
0x32: {  	vm3 =	vgt.s32 v15, $0x0;
	[tilespmem:$0x30] =	vst v1;
	v1 =	vadd.s32 s20, v2;
	v2 =	vmin.u32 v3, $0x3E7  }
0x33: {  	v0 =	vadd.s32 s20, v0;
	v3 =	vnsel vm3, $0x0, v15;
	[tilespmem:$0x70] =	vst v1;
	v1 =	vadd.s32 s28, v2  }
0x34: {  	vm3 =	vgt.s32 v14, $0x0;
	v2 =	vnsel vm0, $0x0, v8;
	[tilespmem:$0x80] =	vst v1;
	v1 =	vadd.s32 s28, v5  }
0x35: {  	v4 =	vnsel vm1, $0x0, v9;
	vm0 =	vgt.s32 v11, $0x0;
	[tilespmem:$0x60] =	vst v0;
	v0 =	vmin.u32 v2, $0x3E7  }
0x36: {  	v2 =	vmin.u32 v4, $0x3E7;
	v4 =	vnsel vm2, $0x0, v10;
	[tilespmem:$0xA0] =	vst v1;
	v0 =	vadd.s32 s28, v0  }
0x37: {  	v1 =	vadd.s32 s20, v2;
	v2 =	vmin.u32 v4, $0x3E7;
	[tilespmem:$0xB0] =	vst v0;
	v0 =	vnsel vm0, $0x0, v11  }
0x38: {  	v4 =	vnsel vm3, $0x0, v14;
	[tilespmem:$0x50] =	vst v1;
	v1 =	vadd.s32 s28, v2;
	v0 =	vmin.u32 v0, $0x3E7  }
0x39: {  	v2 =	vmin.u32 v3, $0x3E7;
	v3 =	vmin.u32 v4, $0x3E7;
	[tilespmem:$0x90] =	vst v1;
	v0 =	vadd.s32 s28, v0  }
0x3a: {  	p1 =	seq.s32 s20, $0x0;
	v1 =	vadd.s32 s20, v2;
	v2 =	vadd.s32 s20, v3;
	s20 =	smov.u32 s26;
	[tilespmem:$0xC0] =	vst v0  }
0x3b: {  	s29 =	simm.s32 @p1 $0x100;
	s26 =	simm.s32 @p1 $0x80;
	s28 =	simm.s32 @p1 $0x0;
	[tilespmem:$0x0] =	vst v1  }
0x3c: {  	s30 =	simm.s32 @!p1 $0x3;
	[tilespmem:$0x40] =	vst v2  }
0x3d: {  	[tilespmem:s29], [sflag:$0x1] =	stream.indirect.gather @p1 [hbm4b:s1+s26], $0x80, s28, s26, $0xb8;
	[tilespmem:$0x8100] =	vst v63  }
0x3e: {  	_ =	swait.ge @!p1 [sflag:s30], $0x4000  }
0x3f: {  	s26 =	simm.s32 @!p1 $0x100;
	s28 =	simm.s32 @!p1 $0x4;
	[sflag:s30] =	ssyncset.done @!p1 $0x0  }
0x40: {  	s29 =	simm.s32 @!p1 $0x80;
	[sflag:s30] =	ssyncadd.s32 @!p1 $0xFFFFC000;
	s30 =	simm.s32 @!p1 $0x0  }
0x41: {  	[tilespmem:s26], [sflag:$0x1] =	stream.indirect.gather @!p1 [hbm4b:s1+s29], $0x80, s30, s29, $0xb8;
	[tilespmem:$0x8100] =	vst v63  }
0x42: {  	_ =	swait.ge @!p1 [sflag:s28], $0x4000  }
0x43: {  	[sflag:s28] =	ssyncset.done @!p1 $0x0  }
0x44: {  	[sflag:s28] =	ssyncadd.s32 @!p1 $0xFFFFC000  }
0x45: {  	[tilespmem:s11], [sflag:$0x2] =	stream.indirect.gather [hbm4b:s1+s10], $0x80, s10, s10, $0xb8;
	[tilespmem:$0x8100] =	vst v63  }
0x46: {  	_ =	swait.ge [sflag:s12], $0x4000  }
0x47: {  	[sflag:s12] =	ssyncset.done $0x0  }
0x48: {  	[sflag:s12] =	ssyncadd.s32 $0xFFFFC000  }
0x49: {  	[hbm4b:s19+s2] =	stream.linear.scatter [tilespmem:s13], [sflag:$0x3], $0x4000, $0x38;
	[tilespmem:$0x8100] =	vst v63  }
.Ltmp0:
0x4a: {  	_ = 	snop;
	(pc) =	sbr.rel @p0 .LBB2_2-.Ltmp0, $4  }
0x4b: {  	_ =	swait.ge [sflag:s14], $0x4000  }
0x4c: {  	s18 =	sadd.s32 $0x20000, s18;
	s22 =	sadd.s32 $0x1000, s22;
	[sflag:s14] =	ssyncset.done $0x0  }
0x4d: {  	s24 =	sadd.s32 $0x1000, s24;
	s19 =	sadd.s32 $0x20000, s19;
	[sflag:s14] =	ssyncadd.s32 $0xFFFFC000  }
0x4e: {  	[hbm4b:s25+s2] =	stream.linear.scatter [tilespmem:s11], [sflag:$0x4], $0x4000, $0x38;
	[tilespmem:$0x8100] =	vst v63  }
0x4f: {  	[tilespmem:s2], [sflag:$0x5] =	stream.linear.gather [hbm4b:s24+s2], $0x80, $0x38;
	[tilespmem:$0x8100] =	vst v63  }
0x50: {  	_ =	swait.ge [sflag:s9], $0x80  }
0x51: {  	[sflag:s9] =	ssyncset.done $0x0  }
0x52: {  	[sflag:s9] =	ssyncadd.s32 $0xFFFFFF80  }
0x53: {  	[tilespmem:s10], [sflag:$0x5] =	stream.linear.gather [hbm4b:s23+s2], $0x80, $0x38;
	[tilespmem:$0x8100] =	vst v63  }
0x54: {  	_ =	swait.ge [sflag:s9], $0x80  }
0x55: {  	[sflag:s9] =	ssyncset.done $0x0  }
0x56: {  	[sflag:s9] =	ssyncadd.s32 $0xFFFFFF80  }
0x57: {  	v0 =	vld [tilespmem:$0x60]  }
0x58: {  	v1 =	vld [tilespmem:$0x30]  }
0x59: {  	v2 =	vld [tilespmem:$0xF0]  }
0x5a: {  	v3 =	vld [tilespmem:$0x20]  }
0x5b: {  	v4 =	vld [tilespmem:$0xD0]  }
0x5c: {  	v5 =	vld [tilespmem:$0x10]  }
0x5d: {  	v6 =	vld [tilespmem:$0xA0]  }
0x5e: {  	v7 =	vld [tilespmem:$0xE0]  }
0x5f: {  	v8 =	vld [tilespmem:$0xB0]  }
0x60: {  	v9 =	vld [tilespmem:$0x50]  }
0x61: {  	v10 =	vld [tilespmem:$0x90]  }
0x62: {  	v11 =	vld [tilespmem:$0x70]  }
0x63: {  	v12 =	vld [tilespmem:$0x80]  }
0x64: {  	v13 =	vld [tilespmem:$0x0]  }
0x65: {  	v40 =	vld [tilespmem:$0xC0];
	vm0 =	vgt.s32 v3, $0x0  }
0x66: {  	v46 =	vld [tilespmem:$0x40];
	vm4 =	vgt.s32 v2, $0x0;
	vm3 =	vgt.s32 v1, $0x0;
	vm5 =	vgt.s32 v4, $0x0  }
0x67: {  	vm1 =	vgt.s32 v5, $0x0;
	vm2 =	vgt.s32 v0, $0x0;
	vm6 =	vgt.s32 v6, $0x0  }
0x68: {  	vm7 =	vgt.s32 v7, $0x0;
	vm8 =	vgt.s32 v8, $0x0;
	vm9 =	vgt.s32 v9, $0x0  }
0x69: {  	vm10 =	vgt.s32 v10, $0x0;
	vm11 =	vgt.s32 v11, $0x0;
	vm12 =	vgt.s32 v12, $0x0  }
0x6a: {  	vm13 =	vgt.s32 v13, $0x0;
	vm14 =	vgt.s32 v40, $0x0;
	v4 =	vnsel vm5, $0x0, v4  }
0x6b: {  	s21 =	sadd.s32 $0x3E8, s20;
	vm15 =	vgt.s32 v46, $0x0;
	v5 =	vnsel vm1, $0x0, v5;
	v4 =	vmin.u32 v4, $0x3E7  }
0x6c: {  	v7 =	vnsel vm7, $0x0, v7;
	v5 =	vmin.u32 v5, $0x3E7;
	v4 =	vadd.s32 s21, v4  }
0x6d: {  	v3 =	vnsel vm0, $0x0, v3;
	v7 =	vmin.u32 v7, $0x3E7;
	v5 =	vadd.s32 s20, v5;
	[tilespmem:$0xD0] =	vst v4  }
0x6e: {  	v2 =	vnsel vm4, $0x0, v2;
	v3 =	vmin.u32 v3, $0x3E7;
	v38 =	vadd.s32 s21, v7;
	[tilespmem:$0x10] =	vst v5  }
0x6f: {  	v1 =	vnsel vm3, $0x0, v1;
	v2 =	vmin.u32 v2, $0x3E7;
	v3 =	vadd.s32 s20, v3;
	[tilespmem:$0xE0] =	vst v38  }
0x70: {  	v41 =	vnsel vm11, $0x0, v11;
	v1 =	vmin.u32 v1, $0x3E7;
	v2 =	vadd.s32 s21, v2;
	[tilespmem:$0x20] =	vst v3  }
0x71: {  	v43 =	vnsel vm12, $0x0, v12;
	v42 =	vmin.u32 v41, $0x3E7;
	v1 =	vadd.s32 s20, v1;
	[tilespmem:$0xF0] =	vst v2  }
0x72: {  	v0 =	vnsel vm2, $0x0, v0;
	v45 =	vmin.u32 v43, $0x3E7;
	v44 =	vadd.s32 s20, v42;
	[tilespmem:$0x30] =	vst v1  }
0x73: {  	v6 =	vnsel vm6, $0x0, v6;
	v0 =	vmin.u32 v0, $0x3E7;
	v48 =	vadd.s32 s21, v45;
	[tilespmem:$0x70] =	vst v44  }
0x74: {  	v51 =	vnsel vm9, $0x0, v9;
	v39 =	vmin.u32 v6, $0x3E7;
	v0 =	vadd.s32 s20, v0;
	[tilespmem:$0x80] =	vst v48  }
0x75: {  	v54 =	vnsel vm10, $0x0, v10;
	v53 =	vmin.u32 v51, $0x3E7;
	v49 =	vadd.s32 s21, v39;
	[tilespmem:$0x60] =	vst v0  }
0x76: {  	v47 =	vnsel vm13, $0x0, v13;
	v56 =	vmin.u32 v54, $0x3E7;
	v55 =	vadd.s32 s20, v53;
	[tilespmem:$0xA0] =	vst v49  }
0x77: {  	v50 =	vnsel vm8, $0x0, v8;
	v60 =	vmin.u32 v47, $0x3E7;
	v58 =	vadd.s32 s21, v56;
	[tilespmem:$0x50] =	vst v55  }
0x78: {  	v59 =	vnsel vm15, $0x0, v46;
	v52 =	vmin.u32 v50, $0x3E7;
	v62 =	vadd.s32 s20, v60;
	[tilespmem:$0x90] =	vst v58  }
0x79: {  	v57 =	vnsel vm14, $0x0, v40;
	v61 =	vmin.u32 v59, $0x3E7;
	v0 =	vadd.s32 s21, v52;
	[tilespmem:$0x0] =	vst v62  }
0x7a: {  	p0 =	seq.s32 s20, $0x0;
	v63 =	vadd.s32 s20, v61;
	[tilespmem:$0xB0] =	vst v0;
	v0 =	vmin.u32 v57, $0x3E7  }
0x7b: {  	s22 =	simm.s32 @p0 $0x100;
	[tilespmem:$0x40] =	vst v63;
	v0 =	vadd.s32 s21, v0  }
0x7c: {  	s23 =	simm.s32 @!p0 $0x3;
	s20 =	simm.s32 @p0 $0x80;
	s21 =	simm.s32 @p0 $0x0;
	[tilespmem:$0xC0] =	vst v0  }
0x7d: {  	[tilespmem:s22], [sflag:$0x1] =	stream.indirect.gather @p0 [hbm4b:s1+s20], $0x80, s21, s20, $0xb8;
	[tilespmem:$0x8100] =	vst v63  }
0x7e: {  	_ =	swait.ge @!p0 [sflag:s23], $0x4000  }
0x7f: {  	s20 =	simm.s32 @!p0 $0x100;
	s21 =	simm.s32 @!p0 $0x4;
	[sflag:s23] =	ssyncset.done @!p0 $0x0  }
0x80: {  	s22 =	simm.s32 @!p0 $0x80;
	[sflag:s23] =	ssyncadd.s32 @!p0 $0xFFFFC000;
	s23 =	simm.s32 @!p0 $0x0  }
0x81: {  	[tilespmem:s20], [sflag:$0x1] =	stream.indirect.gather @!p0 [hbm4b:s1+s22], $0x80, s23, s22, $0xb8;
	[tilespmem:$0x8100] =	vst v63  }
0x82: {  	_ =	swait.ge @!p0 [sflag:s21], $0x4000  }
0x83: {  	[sflag:s21] =	ssyncset.done @!p0 $0x0  }
0x84: {  	[sflag:s21] =	ssyncadd.s32 @!p0 $0xFFFFC000  }
0x85: {  	[tilespmem:s11], [sflag:$0x2] =	stream.indirect.gather [hbm4b:s1+s10], $0x80, s10, s10, $0xb8;
	[tilespmem:$0x8100] =	vst v63  }
0x86: {  	_ =	swait.ge [sflag:s12], $0x4000  }
0x87: {  	[sflag:s12] =	ssyncset.done $0x0  }
0x88: {  	[sflag:s12] =	ssyncadd.s32 $0xFFFFC000  }
0x89: {  	[hbm4b:s19+s2] =	stream.linear.scatter [tilespmem:s13], [sflag:$0x3], $0x4000, $0x38;
	[tilespmem:$0x8100] =	vst v63  }
0x8a: {  	_ =	swait.ge [sflag:s14], $0x4000  }
0x8b: {  	[sflag:s14] =	ssyncset.done $0x0  }
0x8c: {  	s17 =	sadd.s32 $0x1, s17;
	[sflag:s14] =	ssyncadd.s32 $0xFFFFC000  }
0x8d: {  	[hbm4b:s18+s2] =	stream.linear.scatter [tilespmem:s11], [sflag:$0x4], $0x4000, $0x38;
	[tilespmem:$0x8100] =	vst v63  }
0x8e: {  	p0 =	sne.s32 s17, s4;
	_ =	swait.ge [sflag:s15], $0x4000  }
.Ltmp1:
0x8f: {  	[sflag:s15] =	ssyncset.done $0x0;
	(pc) =	sbr.rel @p0 .LBB2_1-.Ltmp1, $4  }
0x90: {  	[sflag:s15] =	ssyncadd.s32 $0xFFFFC000  }
0x91: {  	_ =	swait.ge [sflag:s16], $0x4000  }
0x92: {  	[sflag:s16] =	ssyncset.done $0x0  }
0x93: {  	[sflag:s16] =	ssyncadd.s32 $0xFFFFC000  }
0x94: {  	_ =	sfence.sel $0x180000  }
0x95: {  	[bflag:$0x0] =	sbarrier.arrive $0xFFFF  }
0x96: {  	p0 =	sne.s32 s3, $0x0;
	_ =	strace $0x9000004D  }
0x97: {  	s0 =	sadd.s32 @!p0 $0x100000, s0;
	[bflag:$0x2] =	sbarrier.arrive $0xFFFF  }
0x98: {  	[sflag:s0] =	ssyncadd.tile.s32 @!p0 $0x1;
	_ =	shalt  }
.Lfunc_end2:
_tile_overlayer_lowered:
.L_overlay_start_2:
0x99: {  	(tag) =	ssettag $0x2  }
0x9a: {  	s0 =	rddreg [dreg:$0x0];
	s2 =	stileid.u32  }
0x9b: {  	s1 =	rddreg [dreg:$0x1];
	p0 =	sne.s32 s2, $0x0  }
0x9c: {  	s3 =	rddreg [dreg:$0x2];
	[bflag:$0x3] =	sbarrier.arrive $0xFFFF;
	s2 =	simm.s32 @!p0 $0x1C05  }
0x9d: {  	[timem:s3], [sflag:s2] =	dma.local @!p0 [hbm:s0], s1  }
0x9e: {  	s0 =	simm.s32 @!p0 $0x5  }
0x9f: {  	_ =	swait.ge @!p0 [sflag:s0], s1  }
0xa0: {  	s1 =	ssub.s32 @!p0 $0x0, s1;
	[sflag:s0] =	ssyncset.done @!p0 $0x0  }
0xa1: {  	[sflag:s0] =	ssyncadd.s32 @!p0 s1  }
0xa2: {  	[bflag:$0x3] =	sbarrier.arrive $0xFFFF  }
0xa3: {  	_ =	shalt  }

// kernel: kernel.16.cloned.1.call-start
scs
__scs_entry_jumppad:
0x0: {  	(pc) =	sbr.rel $0x88, $3  }
0x1: {  	(tag) =	ssettag $0x0;
	lr =	simm.s32 $0x1  }
0x2: {  	[smem:$0x3F97] =	sst lr;
	_ =	strace $0xD0000000  }
0x3: {  	_ = 	snop  }
0x4: {  	_ = 	snop  }
0x5: {  	_ = 	snop  }
0x6: {  	_ = 	snop  }
0x7: {  	_ = 	snop  }
__scs_overlays_trampoline_lowered:
0x8: {  	[smem:$0x3FA6] =	sst s0  }
0x9: {  	[smem:$0x3FA7] =	sst s1  }
0xa: {  	[smem:$0x3FA8] =	sst s2  }
0xb: {  	[smem:$0x3FA9] =	sst s3  }
0xc: {  	[smem:$0x3FAA] =	sst s4  }
0xd: {  	[smem:$0x3FAB] =	sst s5  }
0xe: {  	[smem:$0x3FAC] =	sst s6  }
0xf: {  	[smem:$0x3FAD] =	sst s7  }
0x10: {  	[smem:$0x3FAE] =	sst s8  }
0x11: {  	[smem:$0x3FAF] =	sst s9;
	s0 =	simm.s32 @!p0 $0x0  }
0x12: {  	s1 =	sld [smem:$0x3F95];
	s0 =	simm.s32 @p0 $0x1  }
0x13: {  	[smem:$0x3FB0] =	sst s0;
	s0 =	simm.s32 @!p1 $0x0  }
0x14: {  	s2 =	sld [smem:$0x3F94];
	s0 =	simm.s32 @p1 $0x1  }
0x15: {  	[smem:$0x3FB1] =	sst s0;
	s0 =	simm.s32 @!p2 $0x0  }
0x16: {  	s3 =	sld [smem:$0x3FDB];
	s0 =	simm.s32 @p2 $0x1  }
0x17: {  	s4 =	simm.s32 $0x1BF5;
	[smem:$0x3FB3] =	sst s0  }
0x18: {  	s0 =	sld [smem:$0x3F96];
	_ =	swait.ge [sflag:s4], $0x0  }
0x19: {  	s7 =	sld [smem:$0x3F97]  }
0x1a: {  	s8 =	sadd.s32 $0xFFFFE003, lr  }
0x1b: {  	s9 =	sadd.s32 $0xFFFFFEF7, lr;
	s5 =	simm.s32 $0xFFFFFFFF;
	p2 =	slt.u32 s8, $0xFFFFF086  }
0x1c: {  	p1 =	slt.u32 s9, $0xF7A;
	s5 =	simm.s32 @!p2 $0x0  }
0x1d: {  	s5 =	simm.s32 @p1 $0x1;
	p0 =	seq.s32 s7, s2  }
0x1e: {  	s7 =	smul.u32 @!p0 $0xF7A, s2;
	p2 =	seq.s32 @!p0 s5, $0x0  }
0x1f: {  	s9 =	smul.u32 $0xF7A, s1;
	s8 =	simm.s32 @!p0 $0x1BF5;
	p2 =	por !p2, p0  }
0x20: {  	[sflag:s8] =	ssyncset.s32 @!p0 $0xFFFFF086;
	s6 =	sadd.s32 @!p0 s3, s7;
	s7 =	simm.s32 @!p0 $0x108  }
0x21: {  	s3 =	sadd.s32 s3, s9;
	s6 =	sadd.s32 @!p0 $0x88, s6;
	s7 =	simm.s32 @p2 $0x1082  }
0x22: {  	[simem:s7], [sflag:s8] =	dma.local @!p0 [hbm:s6], $0xF7A  }
0x23: {  	s9 =	sor.u32 $0xD0000000, s2;
	s6 =	simm.s32 $0x108;
	_ =	swait.ge @!p0 [sflag:s8], $0x0  }
0x24: {  	s3 =	sadd.s32 $0x88, s3;
	s6 =	simm.s32 @!p1 $0x1082;
	[sflag:s4] =	ssyncset.s32 $0xFFFFF086  }
0x25: {  	[simem:s6], [sflag:s4] =	dma.local [hbm:s3], $0xF7A  }
0x26: {  	[smem:$0x3F97] =	sst s1;
	(tag) =	ssettag s2;
	_ =	strace s9  }
0x27: {  	s1 =	sld [smem:$0x3FA7]  }
0x28: {  	s2 =	sld [smem:$0x3FA8]  }
0x29: {  	s4 =	sld [smem:$0x3FAA]  }
0x2a: {  	p0 =	seq.s32 s5, $0x0;
	s5 =	sld [smem:$0x3FAB]  }
0x2b: {  	s6 =	sld [smem:$0x3FAC]  }
0x2c: {  	s7 =	sld [smem:$0x3FAD]  }
0x2d: {  	s3 =	simm.s32 $0x108;
	s8 =	sld [smem:$0x3FAE]  }
0x2e: {  	s3 =	simm.s32 @!p0 $0x1082;
	s9 =	sld [smem:$0x3FAF]  }
0x2f: {  	lr =	sadd.s32 s0, s3;
	s0 =	sld [smem:$0x3FA6]  }
0x30: {  	s3 =	sld [smem:$0x3FA9]  }
0x31: {  	[smem:$0x3FB2] =	sst s10  }
0x32: {  	s10 =	sld [smem:$0x3FB0];
	_ =	sdelay $0x3  }
0x33: {  	p0 =	seq.s32 s10, $0x1;
	s10 =	sld [smem:$0x3FB2];
	_ =	sdelay $0x3  }
0x34: {  	[smem:$0x3FB2] =	sst s10  }
0x35: {  	s10 =	sld [smem:$0x3FB1];
	_ =	sdelay $0x3  }
0x36: {  	p1 =	seq.s32 s10, $0x1;
	s10 =	sld [smem:$0x3FB2];
	_ =	sdelay $0x3  }
0x37: {  	[smem:$0x3FB2] =	sst s10  }
0x38: {  	s10 =	sld [smem:$0x3FB3]  }
0x39: {  	_ = 	snop;
	(pc) =	sbr.ind lr, $3  }
0x3a: {  	_ = 	snop  }
0x3b: {  	_ = 	snop  }
0x3c: {  	p2 =	seq.s32 s10, $0x1;
	s10 =	sld [smem:$0x3FB2]  }
0x3d: {  	_ =	shalt  }
0x3e: {  	_ =	shalt  }
0x3f: {  	_ =	shalt  }
0x40: {  	_ =	shalt  }
0x41: {  	_ =	shalt  }
0x42: {  	_ =	shalt  }
0x43: {  	_ =	shalt  }
0x44: {  	_ =	shalt  }
0x45: {  	_ =	shalt  }
0x46: {  	_ =	shalt  }
0x47: {  	_ =	shalt  }
0x48: {  	_ =	shalt  }
0x49: {  	_ =	shalt  }
0x4a: {  	_ =	shalt  }
0x4b: {  	_ =	shalt  }
0x4c: {  	_ =	shalt  }
0x4d: {  	_ =	shalt  }
0x4e: {  	_ =	shalt  }
0x4f: {  	_ =	shalt  }
0x50: {  	_ =	shalt  }
0x51: {  	_ =	shalt  }
0x52: {  	_ =	shalt  }
0x53: {  	_ =	shalt  }
0x54: {  	_ =	shalt  }
0x55: {  	_ =	shalt  }
0x56: {  	_ =	shalt  }
0x57: {  	_ =	shalt  }
0x58: {  	_ =	shalt  }
0x59: {  	_ =	shalt  }
0x5a: {  	_ =	shalt  }
0x5b: {  	_ =	shalt  }
0x5c: {  	_ =	shalt  }
0x5d: {  	_ =	shalt  }
0x5e: {  	_ =	shalt  }
0x5f: {  	_ =	shalt  }
0x60: {  	_ =	shalt  }
0x61: {  	_ =	shalt  }
0x62: {  	_ =	shalt  }
0x63: {  	_ =	shalt  }
0x64: {  	_ =	shalt  }
0x65: {  	_ =	shalt  }
0x66: {  	_ =	shalt  }
0x67: {  	_ =	shalt  }
0x68: {  	_ =	shalt  }
0x69: {  	_ =	shalt  }
0x6a: {  	_ =	shalt  }
0x6b: {  	_ =	shalt  }
0x6c: {  	_ =	shalt  }
0x6d: {  	_ =	shalt  }
0x6e: {  	_ =	shalt  }
0x6f: {  	_ =	shalt  }
0x70: {  	_ =	shalt  }
0x71: {  	_ =	shalt  }
0x72: {  	_ =	shalt  }
0x73: {  	_ =	shalt  }
0x74: {  	_ =	shalt  }
0x75: {  	_ =	shalt  }
0x76: {  	_ =	shalt  }
0x77: {  	_ =	shalt  }
0x78: {  	_ =	shalt  }
0x79: {  	_ =	shalt  }
0x7a: {  	_ =	shalt  }
0x7b: {  	_ =	shalt  }
0x7c: {  	_ =	shalt  }
0x7d: {  	_ =	shalt  }
0x7e: {  	_ =	shalt  }
0x7f: {  	_ =	shalt  }
0x80: {  	_ =	shalt  }
0x81: {  	_ =	shalt  }
0x82: {  	_ =	shalt  }
0x83: {  	_ =	shalt  }
0x84: {  	_ =	shalt  }
0x85: {  	_ =	shalt  }
0x86: {  	_ =	shalt  }
0x87: {  	_ =	shalt  }
.Lfunc_end0:
.L_simem_size_0:
called_computation.2_lowered:
.L_overlay_start_0:
0x88: {  	s2 =	sld [smem:$0x3FD9]  }
0x89: {  	s3 =	sld [smem:$0x3FFE];
	_ =	sdelay $0x1  }
0x8a: {  	s1 =	srdreg.scid  }
0x8b: {  	s0 =	sand.u32 $0x1, s1  }
0x8c: {  	s17 =	sshll.u32 s0, $0xA;
	s2 =	sadd.s32 s3, s2  }
0x8d: {  	s2 =	sadd.s32 s2, s17  }
0x8e: {  	[smem:$0x3FBE] =	sst s2  }
0x8f: {  	_ = 	snop  }
0x90: {  	s18 =	sld [smem:$0x3FC8];
	(tm) =	ssettm $0x1  }
0x91: {  	s19 =	sld [smem:$0x3FFB];
	_ =	sdelay $0x3  }
0x92: {  	_ =	strace s19  }
0x93: {  	s2 =	sld [smem:$0x3FFC];
	_ =	sdelay $0x3  }
0x94: {  	_ =	strace s2  }
0x95: {  	s2 =	sld [smem:$0x3FFD];
	_ =	sdelay $0x3  }
0x96: {  	_ =	strace s2  }
0x97: {  	_ =	strace $0x8FFFFFFF  }
0x98: {  	s20 =	sld [smem:$0x3FDB];
	_ =	sdelay $0x1  }
0x99: {  	s4 =	simm.s32 $_scs_section_size  }
0x9a: {  	s5 =	simm.s32 $_size__tile_overlayer_lowered;
	s6 =	simm.s32 $_tile_overlayer_lowered  }
0x9b: {  	s7 =	simm.s32 $0x1BFF;
	s21 =	sshll.u32 s6, $0x1;
	s4 =	sadd.s32 s4, s20  }
0x9c: {  	s22 =	simm.s32 $0x0;
	s5 =	sshll.u32 s5, $0x1;
	s6 =	sadd.s32 s21, s4  }
0x9d: {  	[timem:s22], [sflag:s7] =	dma.local [hbm:s6], s5  }
0x9e: {  	_ =	swait.ge [sflag:s7], s5  }
0x9f: {  	s5 =	ssub.s32 $0x0, s5;
	[sflag:s7] =	ssyncset.done $0x0  }
0xa0: {  	[sflag:s7] =	ssyncadd.s32 s5;
	_ =	sdelay $0x1  }
0xa1: {  	s23 =	simm.s32 $0x1B8B  }
0xa2: {  	_ =	swait.ge [sflag:s23], $0x1  }
0xa3: {  	[sflag:s23] =	ssyncset.done $0x0  }
0xa4: {  	[sflag:s23] =	ssyncadd.s32 $0xFFFFFFFF  }
0xa5: {  	s5 =	sld [smem:$0x0]  }
0xa6: {  	s6 =	sand.u32 $0xFFFFFFFE, s1  }
0xa7: {  	p0 =	sne.s32 s1, s6  }
0xa8: {  	s6 =	sshll.u32 @p0 s6, $0xE  }
0xa9: {  	s6 =	sadd.s32 @p0 $0x11B8D, s6;
	s7 =	sshll.u32 @p0 s5, $0x11  }
0xaa: {  	s6 =	sor.u32 @p0 s7, s6  }
0xab: {  	[sflag:s6] =	ssyncadd.remote.s32 @p0 $0x1;
	_ =	sdelay $0x1  }
0xac: {  	s6 =	simm.s32 @p0 $0x1B8D  }
0xad: {  	_ =	swait.eq @p0 [sflag:s6], $0x1  }
0xae: {  	[sflag:s6] =	ssyncadd.s32 @p0 $0xFFFFFFFF  }
0xaf: {  	s7 =	sshll.u32 @!p0 s1, $0xE  }
0xb0: {  	s7 =	sor.u32 @!p0 $0x4000, s7;
	s6 =	simm.s32 @!p0 $0x1B8D  }
0xb1: {  	s5 =	sshll.u32 @!p0 s5, $0x11;
	s7 =	sadd.s32 @!p0 $0x11B8D, s7;
	_ =	swait.eq @!p0 [sflag:s6], $0x1  }
0xb2: {  	s5 =	sor.u32 @!p0 s5, s7;
	[sflag:s6] =	ssyncadd.s32 @!p0 $0xFFFFFFFF  }
0xb3: {  	s25 =	simm.s32 $0x1B8E;
	s24 =	sld [smem:$0x3FFE];
	[sflag:s5] =	ssyncadd.remote.s32 @!p0 $0x1  }
0xb4: {  	s26 =	simm.s32 $execute0_lowered;
	[smem:$0x3FD2] =	sst s25  }
0xb5: {  	s6 =	sshll.u32 s26, $0x1;
	_ =	strace $0x80000049;
	[dreg:$0x1] =	wrdreg $0xFFFFFFFF  }
0xb6: {  	s28 =	simm.s32 $_size_execute0_lowered;
	s4 =	sadd.s32 s4, s6;
	[dreg:$0x0] =	wrdreg $0x0  }
0xb7: {  	s6 =	sshll.u32 s28, $0x1;
	[dreg:$0x2] =	wrdreg s4  }
0xb8: {  	[dreg:$0x3] =	wrdreg s6  }
0xb9: {  	[dreg:$0x4] =	wrdreg $0xC0  }
0xba: {  	_ =	task [dreg:s22], $0x5FFFF  }
0xbb: {  	[dreg:$0x1] =	wrdreg $0xFFFFFFFF  }
0xbc: {  	[dreg:$0x0] =	wrdreg $0x60  }
0xbd: {  	[dreg:$0x2] =	wrdreg s24  }
0xbe: {  	[dreg:$0x3] =	wrdreg s18  }
0xbf: {  	[dreg:$0x4] =	wrdreg $0xB  }
0xc0: {  	_ =	task.clear_ibuf [dreg:s22], $0x5FFFF;
	_ =	strace $0x90000049  }
0xc1: {  	s29 =	simm.s32 $0xB;
	_ =	strace $0x8000004B  }
0xc2: {  	_ =	swait.ge [sflag:s29], $0x1  }
0xc3: {  	[sflag:s29] =	ssyncadd.s32 $0xFFFFFFFF  }
0xc4: {  	_ =	strace $0x9000004B  }
0xc5: {  	_ =	sfence  }
0xc6: {  	s30 =	sld [smem:$0x0];
	_ =	sdelay $0x2  }
0xc7: {  	s31 =	sshll.u32 s1, $0xD;
	s1 =	sshrl.u32 s1, $0x2  }
0xc8: {  	s4 =	sand.u32 $0x4000, s31;
	s1 =	sadd.s32 s1, s30  }
0xc9: {  	s0 =	sor.u32 s4, s0;
	s1 =	sshll.u32 s1, $0x11  }
0xca: {  	s0 =	sor.u32 s1, s0  }
0xcb: {  	s0 =	sadd.s32 $0x8F2B, s0  }
0xcc: {  	[sflag:s0] =	ssyncadd.remote.s32 $0x1  }
0xcd: {  	_ =	sfence.sel $0xFFFF  }
0xce: {  	[dreg:$0x0] =	wrdreg $0xFFFFFFFF;
	(pc) =	sbr.abs _section_cstart, $3  }
0xcf: {  	[dreg:$0x1] =	wrdreg $0xFFFFFFFF  }
0xd0: {  	_ =	task.clear_ibuf [dreg:s22], $0x2FFFF;
	_ =	strace $0x9FFFFFFF  }
0xd1: {  	(tm) =	ssettm $0x7FFFFFFF  }
tec
execute0_lowered:
.L_overlay_start_1:
0x0: {  	(tag) =	ssettag $0x1  }
0x1: {  	s3 =	rddreg [dreg:$0x0]  }
0x2: {  	s1 =	rddreg [dreg:$0x1]  }
0x3: {  	s0 =	rddreg [dreg:$0x2]  }
0x4: {  	s2 =	simm.s32 $0x0;
	s4 =	srdreg.scid;
	s12 =	simm.s32 $0x1  }
0x5: {  	s13 =	simm.s32 $0x100;
	s14 =	simm.s32 $0x2;
	s15 =	simm.s32 $0x3  }
0x6: {  	s16 =	simm.s32 $0x4;
	s17 =	simm.s32 $0x0;
	[smem:$0x7FF] =	sst s2  }
0x7: {  	s6 =	sadd.s32 $0x1600, s3;
	s4 =	sand.u32 $0x1, s4;
	s7 =	sadd.s32 $0x1AE600, s3  }
0x8: {  	s3 =	stileid.u32;
	_ =	strace $0x8000004A;
	s5 =	ssub.s32 $0x2, s4  }
0x9: {  	s9 =	sshll.u32 s3, $0xF;
	s10 =	sshll.u32 s4, $0xE;
	s11 =	sshll.u32 s3, $0x8  }
0xa: {  	s4 =	sshll.u32 s4, $0x7;
	s8 =	sshrl.u32 s5, $0x1;
	s9 =	sor.u32 s10, s9  }
0xb: {  	s30 =	sor.u32 s4, s11;
	s11 =	simm.s32 $0x4100;
	s5 =	ssub.s32 s5, s8  }
0xc: {  	s29 =	sshrl.u32 s9, $0x3;
	s31 =	sor.u32 $0x4000, s30;
	s10 =	sshrl.u32 s30, $0x3  }
0xd: {  	s9 =	sor.u32 $0x80000, s9;
	s4 =	smax.u32 s5, $0x1;
	s5 =	sadd.s32 s29, s7  }
0xe: {  	s8 =	sshrl.u32 s31, $0x3;
	s10 =	sadd.s32 s10, s6;
	s9 =	sshrl.u32 s9, $0x3  }
0xf: {  	s8 =	sadd.s32 s8, s6;
	s6 =	sadd.s32 $0x400, s10;
	s7 =	sadd.s32 s9, s7  }
0x10: {  	s9 =	simm.s32 $0x5;
	s10 =	simm.s32 $0x80;
	s8 =	sadd.s32 $0x400, s8  }
.LBB2_1:
0x11: {  	s21 =	simm.s32 $0x7D0  }
0x12: {  	s22 =	sadd.s32 $0x1000, s8;
	s18 =	smov.u32 s7;
	s24 =	smov.u32 s6  }
0x13: {  	s23 =	smov.u32 s8;
	s20 =	simm.s32 $0x0;
	s19 =	smov.u32 s5  }
.LBB2_2:
0x14: {  	s26 =	smov.u32 s21;
	s21 =	sadd.s32 $0x7D0, s21;
	s25 =	smov.u32 s18  }
0x15: {  	[tilespmem:s2], [sflag:$0x5] =	stream.linear.gather [hbm4b:s24+s2], $0x80, $0x38;
	[tilespmem:$0x8100] =	vst v63  }
0x16: {  	p0 =	sne.s32 s21, $0x6590;
	_ =	swait.ge [sflag:s9], $0x80  }
0x17: {  	[sflag:s9] =	ssyncset.done $0x0  }
0x18: {  	[sflag:s9] =	ssyncadd.s32 $0xFFFFFF80  }
0x19: {  	[tilespmem:s10], [sflag:$0x5] =	stream.linear.gather [hbm4b:s23+s2], $0x80, $0x38;
	[tilespmem:$0x8100] =	vst v63  }
0x1a: {  	s23 =	smov.u32 s22;
	_ =	swait.ge [sflag:s9], $0x80  }
0x1b: {  	[sflag:s9] =	ssyncset.done $0x0  }
0x1c: {  	[sflag:s9] =	ssyncadd.s32 $0xFFFFFF80  }
0x1d: {  	v0 =	vld [tilespmem:$0x60]  }
0x1e: {  	v1 =	vld [tilespmem:$0x30]  }
0x1f: {  	v2 =	vld [tilespmem:$0xF0]  }
0x20: {  	v3 =	vld [tilespmem:$0x20]  }
0x21: {  	v4 =	vld [tilespmem:$0xD0]  }
0x22: {  	v5 =	vld [tilespmem:$0x10]  }
0x23: {  	v6 =	vld [tilespmem:$0xA0]  }
0x24: {  	v7 =	vld [tilespmem:$0xE0]  }
0x25: {  	vm4 =	vgt.s32 v2, $0x0;
	vm0 =	vgt.s32 v3, $0x0;
	v8 =	vld [tilespmem:$0xB0]  }
0x26: {  	vm3 =	vgt.s32 v1, $0x0;
	v3 =	vnsel vm0, $0x0, v3;
	v9 =	vld [tilespmem:$0x50];
	vm0 =	vgt.s32 v4, $0x0  }
0x27: {  	vm2 =	vgt.s32 v0, $0x0;
	vm1 =	vgt.s32 v5, $0x0;
	v10 =	vld [tilespmem:$0x90];
	v4 =	vnsel vm0, $0x0, v4  }
0x28: {  	v0 =	vnsel vm2, $0x0, v0;
	v5 =	vnsel vm1, $0x0, v5;
	vm0 =	vgt.s32 v6, $0x0;
	v11 =	vld [tilespmem:$0xC0]  }
0x29: {  	v5 =	vmin.u32 v5, $0x3E7;
	v12 =	vld [tilespmem:$0x80];
	v6 =	vnsel vm0, $0x0, v6;
	vm1 =	vgt.s32 v7, $0x0  }
0x2a: {  	s28 =	sadd.s32 $0x3E8, s20;
	v4 =	vmin.u32 v4, $0x3E7;
	v13 =	vld [tilespmem:$0x70];
	vm0 =	vgt.s32 v8, $0x0;
	v7 =	vnsel vm1, $0x0, v7  }
0x2b: {  	v4 =	vadd.s32 s28, v4;
	v14 =	vld [tilespmem:$0x40];
	vm1 =	vgt.s32 v9, $0x0;
	v7 =	vmin.u32 v7, $0x3E7  }
0x2c: {  	v5 =	vadd.s32 s20, v5;
	v15 =	vld [tilespmem:$0x0];
	vm2 =	vgt.s32 v10, $0x0;
	[tilespmem:$0xD0] =	vst v4;
	v4 =	vadd.s32 s28, v7  }
0x2d: {  	v2 =	vnsel vm4, $0x0, v2;
	v3 =	vmin.u32 v3, $0x3E7;
	[tilespmem:$0x10] =	vst v5;
	v5 =	vmin.u32 v6, $0x3E7  }
0x2e: {  	v0 =	vmin.u32 v0, $0x3E7;
	v2 =	vmin.u32 v2, $0x3E7;
	v3 =	vadd.s32 s20, v3;
	[tilespmem:$0xE0] =	vst v4  }
0x2f: {  	v1 =	vnsel vm3, $0x0, v1;
	v2 =	vadd.s32 s28, v2;
	[tilespmem:$0x20] =	vst v3;
	vm3 =	vgt.s32 v13, $0x0  }
0x30: {  	v1 =	vmin.u32 v1, $0x3E7;
	v3 =	vnsel vm3, $0x0, v13;
	vm3 =	vgt.s32 v12, $0x0;
	[tilespmem:$0xF0] =	vst v2  }
0x31: {  	v1 =	vadd.s32 s20, v1;
	v2 =	vmin.u32 v3, $0x3E7;
	v3 =	vnsel vm3, $0x0, v12  }
0x32: {  	vm3 =	vgt.s32 v15, $0x0;
	[tilespmem:$0x30] =	vst v1;
	v1 =	vadd.s32 s20, v2;
	v2 =	vmin.u32 v3, $0x3E7  }
0x33: {  	v0 =	vadd.s32 s20, v0;
	v3 =	vnsel vm3, $0x0, v15;
	[tilespmem:$0x70] =	vst v1;
	v1 =	vadd.s32 s28, v2  }
0x34: {  	vm3 =	vgt.s32 v14, $0x0;
	v2 =	vnsel vm0, $0x0, v8;
	[tilespmem:$0x80] =	vst v1;
	v1 =	vadd.s32 s28, v5  }
0x35: {  	v4 =	vnsel vm1, $0x0, v9;
	vm0 =	vgt.s32 v11, $0x0;
	[tilespmem:$0x60] =	vst v0;
	v0 =	vmin.u32 v2, $0x3E7  }
0x36: {  	v2 =	vmin.u32 v4, $0x3E7;
	v4 =	vnsel vm2, $0x0, v10;
	[tilespmem:$0xA0] =	vst v1;
	v0 =	vadd.s32 s28, v0  }
0x37: {  	v1 =	vadd.s32 s20, v2;
	v2 =	vmin.u32 v4, $0x3E7;
	[tilespmem:$0xB0] =	vst v0;
	v0 =	vnsel vm0, $0x0, v11  }
0x38: {  	v4 =	vnsel vm3, $0x0, v14;
	[tilespmem:$0x50] =	vst v1;
	v1 =	vadd.s32 s28, v2;
	v0 =	vmin.u32 v0, $0x3E7  }
0x39: {  	v2 =	vmin.u32 v3, $0x3E7;
	v3 =	vmin.u32 v4, $0x3E7;
	[tilespmem:$0x90] =	vst v1;
	v0 =	vadd.s32 s28, v0  }
0x3a: {  	p1 =	seq.s32 s20, $0x0;
	v1 =	vadd.s32 s20, v2;
	v2 =	vadd.s32 s20, v3;
	s20 =	smov.u32 s26;
	[tilespmem:$0xC0] =	vst v0  }
0x3b: {  	s29 =	simm.s32 @p1 $0x100;
	s26 =	simm.s32 @p1 $0x80;
	s28 =	simm.s32 @p1 $0x0;
	[tilespmem:$0x0] =	vst v1  }
0x3c: {  	s30 =	simm.s32 @!p1 $0x3;
	[tilespmem:$0x40] =	vst v2  }
0x3d: {  	[tilespmem:s29], [sflag:$0x1] =	stream.indirect.gather @p1 [hbm4b:s1+s26], $0x80, s28, s26, $0xb8;
	[tilespmem:$0x8100] =	vst v63  }
0x3e: {  	_ =	swait.ge @!p1 [sflag:s30], $0x4000  }
0x3f: {  	s26 =	simm.s32 @!p1 $0x100;
	s28 =	simm.s32 @!p1 $0x4;
	[sflag:s30] =	ssyncset.done @!p1 $0x0  }
0x40: {  	s29 =	simm.s32 @!p1 $0x80;
	[sflag:s30] =	ssyncadd.s32 @!p1 $0xFFFFC000;
	s30 =	simm.s32 @!p1 $0x0  }
0x41: {  	[tilespmem:s26], [sflag:$0x1] =	stream.indirect.gather @!p1 [hbm4b:s1+s29], $0x80, s30, s29, $0xb8;
	[tilespmem:$0x8100] =	vst v63  }
0x42: {  	_ =	swait.ge @!p1 [sflag:s28], $0x4000  }
0x43: {  	[sflag:s28] =	ssyncset.done @!p1 $0x0  }
0x44: {  	[sflag:s28] =	ssyncadd.s32 @!p1 $0xFFFFC000  }
0x45: {  	[tilespmem:s11], [sflag:$0x2] =	stream.indirect.gather [hbm4b:s1+s10], $0x80, s10, s10, $0xb8;
	[tilespmem:$0x8100] =	vst v63  }
0x46: {  	_ =	swait.ge [sflag:s12], $0x4000  }
0x47: {  	[sflag:s12] =	ssyncset.done $0x0  }
0x48: {  	[sflag:s12] =	ssyncadd.s32 $0xFFFFC000  }
0x49: {  	[hbm4b:s19+s2] =	stream.linear.scatter [tilespmem:s13], [sflag:$0x3], $0x4000, $0x38;
	[tilespmem:$0x8100] =	vst v63  }
.Ltmp0:
0x4a: {  	_ = 	snop;
	(pc) =	sbr.rel @p0 .LBB2_2-.Ltmp0, $4  }
0x4b: {  	_ =	swait.ge [sflag:s14], $0x4000  }
0x4c: {  	s18 =	sadd.s32 $0x20000, s18;
	s22 =	sadd.s32 $0x1000, s22;
	[sflag:s14] =	ssyncset.done $0x0  }
0x4d: {  	s24 =	sadd.s32 $0x1000, s24;
	s19 =	sadd.s32 $0x20000, s19;
	[sflag:s14] =	ssyncadd.s32 $0xFFFFC000  }
0x4e: {  	[hbm4b:s25+s2] =	stream.linear.scatter [tilespmem:s11], [sflag:$0x4], $0x4000, $0x38;
	[tilespmem:$0x8100] =	vst v63  }
0x4f: {  	[tilespmem:s2], [sflag:$0x5] =	stream.linear.gather [hbm4b:s24+s2], $0x80, $0x38;
	[tilespmem:$0x8100] =	vst v63  }
0x50: {  	_ =	swait.ge [sflag:s9], $0x80  }
0x51: {  	[sflag:s9] =	ssyncset.done $0x0  }
0x52: {  	[sflag:s9] =	ssyncadd.s32 $0xFFFFFF80  }
0x53: {  	[tilespmem:s10], [sflag:$0x5] =	stream.linear.gather [hbm4b:s23+s2], $0x80, $0x38;
	[tilespmem:$0x8100] =	vst v63  }
0x54: {  	_ =	swait.ge [sflag:s9], $0x80  }
0x55: {  	[sflag:s9] =	ssyncset.done $0x0  }
0x56: {  	[sflag:s9] =	ssyncadd.s32 $0xFFFFFF80  }
0x57: {  	v0 =	vld [tilespmem:$0x60]  }
0x58: {  	v1 =	vld [tilespmem:$0x30]  }
0x59: {  	v2 =	vld [tilespmem:$0xF0]  }
0x5a: {  	v3 =	vld [tilespmem:$0x20]  }
0x5b: {  	v4 =	vld [tilespmem:$0xD0]  }
0x5c: {  	v5 =	vld [tilespmem:$0x10]  }
0x5d: {  	v6 =	vld [tilespmem:$0xA0]  }
0x5e: {  	v7 =	vld [tilespmem:$0xE0]  }
0x5f: {  	v8 =	vld [tilespmem:$0xB0]  }
0x60: {  	v9 =	vld [tilespmem:$0x50]  }
0x61: {  	v10 =	vld [tilespmem:$0x90]  }
0x62: {  	v11 =	vld [tilespmem:$0x70]  }
0x63: {  	v12 =	vld [tilespmem:$0x80]  }
0x64: {  	v13 =	vld [tilespmem:$0x0]  }
0x65: {  	v40 =	vld [tilespmem:$0xC0];
	vm0 =	vgt.s32 v3, $0x0  }
0x66: {  	v46 =	vld [tilespmem:$0x40];
	vm4 =	vgt.s32 v2, $0x0;
	vm3 =	vgt.s32 v1, $0x0;
	vm5 =	vgt.s32 v4, $0x0  }
0x67: {  	vm1 =	vgt.s32 v5, $0x0;
	vm2 =	vgt.s32 v0, $0x0;
	vm6 =	vgt.s32 v6, $0x0  }
0x68: {  	vm7 =	vgt.s32 v7, $0x0;
	vm8 =	vgt.s32 v8, $0x0;
	vm9 =	vgt.s32 v9, $0x0  }
0x69: {  	vm10 =	vgt.s32 v10, $0x0;
	vm11 =	vgt.s32 v11, $0x0;
	vm12 =	vgt.s32 v12, $0x0  }
0x6a: {  	vm13 =	vgt.s32 v13, $0x0;
	vm14 =	vgt.s32 v40, $0x0;
	v4 =	vnsel vm5, $0x0, v4  }
0x6b: {  	s21 =	sadd.s32 $0x3E8, s20;
	vm15 =	vgt.s32 v46, $0x0;
	v5 =	vnsel vm1, $0x0, v5;
	v4 =	vmin.u32 v4, $0x3E7  }
0x6c: {  	v7 =	vnsel vm7, $0x0, v7;
	v5 =	vmin.u32 v5, $0x3E7;
	v4 =	vadd.s32 s21, v4  }
0x6d: {  	v3 =	vnsel vm0, $0x0, v3;
	v7 =	vmin.u32 v7, $0x3E7;
	v5 =	vadd.s32 s20, v5;
	[tilespmem:$0xD0] =	vst v4  }
0x6e: {  	v2 =	vnsel vm4, $0x0, v2;
	v3 =	vmin.u32 v3, $0x3E7;
	v38 =	vadd.s32 s21, v7;
	[tilespmem:$0x10] =	vst v5  }
0x6f: {  	v1 =	vnsel vm3, $0x0, v1;
	v2 =	vmin.u32 v2, $0x3E7;
	v3 =	vadd.s32 s20, v3;
	[tilespmem:$0xE0] =	vst v38  }
0x70: {  	v41 =	vnsel vm11, $0x0, v11;
	v1 =	vmin.u32 v1, $0x3E7;
	v2 =	vadd.s32 s21, v2;
	[tilespmem:$0x20] =	vst v3  }
0x71: {  	v43 =	vnsel vm12, $0x0, v12;
	v42 =	vmin.u32 v41, $0x3E7;
	v1 =	vadd.s32 s20, v1;
	[tilespmem:$0xF0] =	vst v2  }
0x72: {  	v0 =	vnsel vm2, $0x0, v0;
	v45 =	vmin.u32 v43, $0x3E7;
	v44 =	vadd.s32 s20, v42;
	[tilespmem:$0x30] =	vst v1  }
0x73: {  	v6 =	vnsel vm6, $0x0, v6;
	v0 =	vmin.u32 v0, $0x3E7;
	v48 =	vadd.s32 s21, v45;
	[tilespmem:$0x70] =	vst v44  }
0x74: {  	v51 =	vnsel vm9, $0x0, v9;
	v39 =	vmin.u32 v6, $0x3E7;
	v0 =	vadd.s32 s20, v0;
	[tilespmem:$0x80] =	vst v48  }
0x75: {  	v54 =	vnsel vm10, $0x0, v10;
	v53 =	vmin.u32 v51, $0x3E7;
	v49 =	vadd.s32 s21, v39;
	[tilespmem:$0x60] =	vst v0  }
0x76: {  	v47 =	vnsel vm13, $0x0, v13;
	v56 =	vmin.u32 v54, $0x3E7;
	v55 =	vadd.s32 s20, v53;
	[tilespmem:$0xA0] =	vst v49  }
0x77: {  	v50 =	vnsel vm8, $0x0, v8;
	v60 =	vmin.u32 v47, $0x3E7;
	v58 =	vadd.s32 s21, v56;
	[tilespmem:$0x50] =	vst v55  }
0x78: {  	v59 =	vnsel vm15, $0x0, v46;
	v52 =	vmin.u32 v50, $0x3E7;
	v62 =	vadd.s32 s20, v60;
	[tilespmem:$0x90] =	vst v58  }
0x79: {  	v57 =	vnsel vm14, $0x0, v40;
	v61 =	vmin.u32 v59, $0x3E7;
	v0 =	vadd.s32 s21, v52;
	[tilespmem:$0x0] =	vst v62  }
0x7a: {  	p0 =	seq.s32 s20, $0x0;
	v63 =	vadd.s32 s20, v61;
	[tilespmem:$0xB0] =	vst v0;
	v0 =	vmin.u32 v57, $0x3E7  }
0x7b: {  	s22 =	simm.s32 @p0 $0x100;
	[tilespmem:$0x40] =	vst v63;
	v0 =	vadd.s32 s21, v0  }
0x7c: {  	s23 =	simm.s32 @!p0 $0x3;
	s20 =	simm.s32 @p0 $0x80;
	s21 =	simm.s32 @p0 $0x0;
	[tilespmem:$0xC0] =	vst v0  }
0x7d: {  	[tilespmem:s22], [sflag:$0x1] =	stream.indirect.gather @p0 [hbm4b:s1+s20], $0x80, s21, s20, $0xb8;
	[tilespmem:$0x8100] =	vst v63  }
0x7e: {  	_ =	swait.ge @!p0 [sflag:s23], $0x4000  }
0x7f: {  	s20 =	simm.s32 @!p0 $0x100;
	s21 =	simm.s32 @!p0 $0x4;
	[sflag:s23] =	ssyncset.done @!p0 $0x0  }
0x80: {  	s22 =	simm.s32 @!p0 $0x80;
	[sflag:s23] =	ssyncadd.s32 @!p0 $0xFFFFC000;
	s23 =	simm.s32 @!p0 $0x0  }
0x81: {  	[tilespmem:s20], [sflag:$0x1] =	stream.indirect.gather @!p0 [hbm4b:s1+s22], $0x80, s23, s22, $0xb8;
	[tilespmem:$0x8100] =	vst v63  }
0x82: {  	_ =	swait.ge @!p0 [sflag:s21], $0x4000  }
0x83: {  	[sflag:s21] =	ssyncset.done @!p0 $0x0  }
0x84: {  	[sflag:s21] =	ssyncadd.s32 @!p0 $0xFFFFC000  }
0x85: {  	[tilespmem:s11], [sflag:$0x2] =	stream.indirect.gather [hbm4b:s1+s10], $0x80, s10, s10, $0xb8;
	[tilespmem:$0x8100] =	vst v63  }
0x86: {  	_ =	swait.ge [sflag:s12], $0x4000  }
0x87: {  	[sflag:s12] =	ssyncset.done $0x0  }
0x88: {  	[sflag:s12] =	ssyncadd.s32 $0xFFFFC000  }
0x89: {  	[hbm4b:s19+s2] =	stream.linear.scatter [tilespmem:s13], [sflag:$0x3], $0x4000, $0x38;
	[tilespmem:$0x8100] =	vst v63  }
0x8a: {  	_ =	swait.ge [sflag:s14], $0x4000  }
0x8b: {  	[sflag:s14] =	ssyncset.done $0x0  }
0x8c: {  	s17 =	sadd.s32 $0x1, s17;
	[sflag:s14] =	ssyncadd.s32 $0xFFFFC000  }
0x8d: {  	[hbm4b:s18+s2] =	stream.linear.scatter [tilespmem:s11], [sflag:$0x4], $0x4000, $0x38;
	[tilespmem:$0x8100] =	vst v63  }
0x8e: {  	p0 =	sne.s32 s17, s4;
	_ =	swait.ge [sflag:s15], $0x4000  }
.Ltmp1:
0x8f: {  	[sflag:s15] =	ssyncset.done $0x0;
	(pc) =	sbr.rel @p0 .LBB2_1-.Ltmp1, $4  }
0x90: {  	[sflag:s15] =	ssyncadd.s32 $0xFFFFC000  }
0x91: {  	_ =	swait.ge [sflag:s16], $0x4000  }
0x92: {  	[sflag:s16] =	ssyncset.done $0x0  }
0x93: {  	[sflag:s16] =	ssyncadd.s32 $0xFFFFC000  }
0x94: {  	_ =	sfence.sel $0x180000  }
0x95: {  	[bflag:$0x0] =	sbarrier.arrive $0xFFFF  }
0x96: {  	p0 =	sne.s32 s3, $0x0;
	_ =	strace $0x9000004A  }
0x97: {  	s0 =	sadd.s32 @!p0 $0x100000, s0;
	[bflag:$0x2] =	sbarrier.arrive $0xFFFF  }
0x98: {  	[sflag:s0] =	ssyncadd.tile.s32 @!p0 $0x1;
	_ =	shalt  }
.Lfunc_end2:
_tile_overlayer_lowered:
.L_overlay_start_2:
0x99: {  	(tag) =	ssettag $0x2  }
0x9a: {  	s0 =	rddreg [dreg:$0x0];
	s2 =	stileid.u32  }
0x9b: {  	s1 =	rddreg [dreg:$0x1];
	p0 =	sne.s32 s2, $0x0  }
0x9c: {  	s3 =	rddreg [dreg:$0x2];
	[bflag:$0x3] =	sbarrier.arrive $0xFFFF;
	s2 =	simm.s32 @!p0 $0x1C05  }
0x9d: {  	[timem:s3], [sflag:s2] =	dma.local @!p0 [hbm:s0], s1  }
0x9e: {  	s0 =	simm.s32 @!p0 $0x5  }
0x9f: {  	_ =	swait.ge @!p0 [sflag:s0], s1  }
0xa0: {  	s1 =	ssub.s32 @!p0 $0x0, s1;
	[sflag:s0] =	ssyncset.done @!p0 $0x0  }
0xa1: {  	[sflag:s0] =	ssyncadd.s32 @!p0 s1  }
0xa2: {  	[bflag:$0x3] =	sbarrier.arrive $0xFFFF  }
0xa3: {  	_ =	shalt  }

// kernel: kernel.19.cloned.1.call-start
scs
__scs_entry_jumppad:
0x0: {  	(pc) =	sbr.rel $0x88, $3  }
0x1: {  	(tag) =	ssettag $0x0;
	lr =	simm.s32 $0x1  }
0x2: {  	[smem:$0x3F97] =	sst lr;
	_ =	strace $0xD0000000  }
0x3: {  	_ = 	snop  }
0x4: {  	_ = 	snop  }
0x5: {  	_ = 	snop  }
0x6: {  	_ = 	snop  }
0x7: {  	_ = 	snop  }
__scs_overlays_trampoline_lowered:
0x8: {  	[smem:$0x3FA6] =	sst s0  }
0x9: {  	[smem:$0x3FA7] =	sst s1  }
0xa: {  	[smem:$0x3FA8] =	sst s2  }
0xb: {  	[smem:$0x3FA9] =	sst s3  }
0xc: {  	[smem:$0x3FAA] =	sst s4  }
0xd: {  	[smem:$0x3FAB] =	sst s5  }
0xe: {  	[smem:$0x3FAC] =	sst s6  }
0xf: {  	[smem:$0x3FAD] =	sst s7  }
0x10: {  	[smem:$0x3FAE] =	sst s8  }
0x11: {  	[smem:$0x3FAF] =	sst s9;
	s0 =	simm.s32 @!p0 $0x0  }
0x12: {  	s1 =	sld [smem:$0x3F95];
	s0 =	simm.s32 @p0 $0x1  }
0x13: {  	[smem:$0x3FB0] =	sst s0;
	s0 =	simm.s32 @!p1 $0x0  }
0x14: {  	s2 =	sld [smem:$0x3F94];
	s0 =	simm.s32 @p1 $0x1  }
0x15: {  	[smem:$0x3FB1] =	sst s0;
	s0 =	simm.s32 @!p2 $0x0  }
0x16: {  	s3 =	sld [smem:$0x3FDB];
	s0 =	simm.s32 @p2 $0x1  }
0x17: {  	s4 =	simm.s32 $0x1BF5;
	[smem:$0x3FB3] =	sst s0  }
0x18: {  	s0 =	sld [smem:$0x3F96];
	_ =	swait.ge [sflag:s4], $0x0  }
0x19: {  	s7 =	sld [smem:$0x3F97]  }
0x1a: {  	s8 =	sadd.s32 $0xFFFFE003, lr  }
0x1b: {  	s9 =	sadd.s32 $0xFFFFFEF7, lr;
	s5 =	simm.s32 $0xFFFFFFFF;
	p2 =	slt.u32 s8, $0xFFFFF086  }
0x1c: {  	p1 =	slt.u32 s9, $0xF7A;
	s5 =	simm.s32 @!p2 $0x0  }
0x1d: {  	s5 =	simm.s32 @p1 $0x1;
	p0 =	seq.s32 s7, s2  }
0x1e: {  	s7 =	smul.u32 @!p0 $0xF7A, s2;
	p2 =	seq.s32 @!p0 s5, $0x0  }
0x1f: {  	s9 =	smul.u32 $0xF7A, s1;
	s8 =	simm.s32 @!p0 $0x1BF5;
	p2 =	por !p2, p0  }
0x20: {  	[sflag:s8] =	ssyncset.s32 @!p0 $0xFFFFF086;
	s6 =	sadd.s32 @!p0 s3, s7;
	s7 =	simm.s32 @!p0 $0x108  }
0x21: {  	s3 =	sadd.s32 s3, s9;
	s6 =	sadd.s32 @!p0 $0x88, s6;
	s7 =	simm.s32 @p2 $0x1082  }
0x22: {  	[simem:s7], [sflag:s8] =	dma.local @!p0 [hbm:s6], $0xF7A  }
0x23: {  	s9 =	sor.u32 $0xD0000000, s2;
	s6 =	simm.s32 $0x108;
	_ =	swait.ge @!p0 [sflag:s8], $0x0  }
0x24: {  	s3 =	sadd.s32 $0x88, s3;
	s6 =	simm.s32 @!p1 $0x1082;
	[sflag:s4] =	ssyncset.s32 $0xFFFFF086  }
0x25: {  	[simem:s6], [sflag:s4] =	dma.local [hbm:s3], $0xF7A  }
0x26: {  	[smem:$0x3F97] =	sst s1;
	(tag) =	ssettag s2;
	_ =	strace s9  }
0x27: {  	s1 =	sld [smem:$0x3FA7]  }
0x28: {  	s2 =	sld [smem:$0x3FA8]  }
0x29: {  	s4 =	sld [smem:$0x3FAA]  }
0x2a: {  	p0 =	seq.s32 s5, $0x0;
	s5 =	sld [smem:$0x3FAB]  }
0x2b: {  	s6 =	sld [smem:$0x3FAC]  }
0x2c: {  	s7 =	sld [smem:$0x3FAD]  }
0x2d: {  	s3 =	simm.s32 $0x108;
	s8 =	sld [smem:$0x3FAE]  }
0x2e: {  	s3 =	simm.s32 @!p0 $0x1082;
	s9 =	sld [smem:$0x3FAF]  }
0x2f: {  	lr =	sadd.s32 s0, s3;
	s0 =	sld [smem:$0x3FA6]  }
0x30: {  	s3 =	sld [smem:$0x3FA9]  }
0x31: {  	[smem:$0x3FB2] =	sst s10  }
0x32: {  	s10 =	sld [smem:$0x3FB0];
	_ =	sdelay $0x3  }
0x33: {  	p0 =	seq.s32 s10, $0x1;
	s10 =	sld [smem:$0x3FB2];
	_ =	sdelay $0x3  }
0x34: {  	[smem:$0x3FB2] =	sst s10  }
0x35: {  	s10 =	sld [smem:$0x3FB1];
	_ =	sdelay $0x3  }
0x36: {  	p1 =	seq.s32 s10, $0x1;
	s10 =	sld [smem:$0x3FB2];
	_ =	sdelay $0x3  }
0x37: {  	[smem:$0x3FB2] =	sst s10  }
0x38: {  	s10 =	sld [smem:$0x3FB3]  }
0x39: {  	_ = 	snop;
	(pc) =	sbr.ind lr, $3  }
0x3a: {  	_ = 	snop  }
0x3b: {  	_ = 	snop  }
0x3c: {  	p2 =	seq.s32 s10, $0x1;
	s10 =	sld [smem:$0x3FB2]  }
0x3d: {  	_ =	shalt  }
0x3e: {  	_ =	shalt  }
0x3f: {  	_ =	shalt  }
0x40: {  	_ =	shalt  }
0x41: {  	_ =	shalt  }
0x42: {  	_ =	shalt  }
0x43: {  	_ =	shalt  }
0x44: {  	_ =	shalt  }
0x45: {  	_ =	shalt  }
0x46: {  	_ =	shalt  }
0x47: {  	_ =	shalt  }
0x48: {  	_ =	shalt  }
0x49: {  	_ =	shalt  }
0x4a: {  	_ =	shalt  }
0x4b: {  	_ =	shalt  }
0x4c: {  	_ =	shalt  }
0x4d: {  	_ =	shalt  }
0x4e: {  	_ =	shalt  }
0x4f: {  	_ =	shalt  }
0x50: {  	_ =	shalt  }
0x51: {  	_ =	shalt  }
0x52: {  	_ =	shalt  }
0x53: {  	_ =	shalt  }
0x54: {  	_ =	shalt  }
0x55: {  	_ =	shalt  }
0x56: {  	_ =	shalt  }
0x57: {  	_ =	shalt  }
0x58: {  	_ =	shalt  }
0x59: {  	_ =	shalt  }
0x5a: {  	_ =	shalt  }
0x5b: {  	_ =	shalt  }
0x5c: {  	_ =	shalt  }
0x5d: {  	_ =	shalt  }
0x5e: {  	_ =	shalt  }
0x5f: {  	_ =	shalt  }
0x60: {  	_ =	shalt  }
0x61: {  	_ =	shalt  }
0x62: {  	_ =	shalt  }
0x63: {  	_ =	shalt  }
0x64: {  	_ =	shalt  }
0x65: {  	_ =	shalt  }
0x66: {  	_ =	shalt  }
0x67: {  	_ =	shalt  }
0x68: {  	_ =	shalt  }
0x69: {  	_ =	shalt  }
0x6a: {  	_ =	shalt  }
0x6b: {  	_ =	shalt  }
0x6c: {  	_ =	shalt  }
0x6d: {  	_ =	shalt  }
0x6e: {  	_ =	shalt  }
0x6f: {  	_ =	shalt  }
0x70: {  	_ =	shalt  }
0x71: {  	_ =	shalt  }
0x72: {  	_ =	shalt  }
0x73: {  	_ =	shalt  }
0x74: {  	_ =	shalt  }
0x75: {  	_ =	shalt  }
0x76: {  	_ =	shalt  }
0x77: {  	_ =	shalt  }
0x78: {  	_ =	shalt  }
0x79: {  	_ =	shalt  }
0x7a: {  	_ =	shalt  }
0x7b: {  	_ =	shalt  }
0x7c: {  	_ =	shalt  }
0x7d: {  	_ =	shalt  }
0x7e: {  	_ =	shalt  }
0x7f: {  	_ =	shalt  }
0x80: {  	_ =	shalt  }
0x81: {  	_ =	shalt  }
0x82: {  	_ =	shalt  }
0x83: {  	_ =	shalt  }
0x84: {  	_ =	shalt  }
0x85: {  	_ =	shalt  }
0x86: {  	_ =	shalt  }
0x87: {  	_ =	shalt  }
.Lfunc_end0:
.L_simem_size_0:
called_computation.3_lowered:
.L_overlay_start_0:
0x88: {  	s2 =	sld [smem:$0x3FD9]  }
0x89: {  	s3 =	sld [smem:$0x3FFE];
	_ =	sdelay $0x1  }
0x8a: {  	s1 =	srdreg.scid  }
0x8b: {  	s0 =	sand.u32 $0x1, s1  }
0x8c: {  	s17 =	sshll.u32 s0, $0xA;
	s2 =	sadd.s32 s3, s2  }
0x8d: {  	s2 =	sadd.s32 s2, s17  }
0x8e: {  	[smem:$0x3FBE] =	sst s2  }
0x8f: {  	_ = 	snop  }
0x90: {  	s2 =	sld [smem:$0x3FC8];
	(tm) =	ssettm $0x1  }
0x91: {  	s18 =	sld [smem:$0x3FFB];
	_ =	sdelay $0x3  }
0x92: {  	_ =	strace s18  }
0x93: {  	s3 =	sld [smem:$0x3FFC];
	_ =	sdelay $0x3  }
0x94: {  	_ =	strace s3  }
0x95: {  	s3 =	sld [smem:$0x3FFD];
	_ =	sdelay $0x3  }
0x96: {  	_ =	strace s3  }
0x97: {  	_ =	strace $0x8FFFFFFF  }
0x98: {  	s19 =	sld [smem:$0x3FDB];
	_ =	sdelay $0x1  }
0x99: {  	s4 =	simm.s32 $_scs_section_size  }
0x9a: {  	s5 =	simm.s32 $_size__tile_overlayer_lowered;
	s6 =	simm.s32 $_tile_overlayer_lowered  }
0x9b: {  	s22 =	simm.s32 $0x1BFF;
	s21 =	sshll.u32 s6, $0x1;
	s3 =	sadd.s32 s4, s19  }
0x9c: {  	s7 =	simm.s32 $0x0;
	s20 =	sshll.u32 s5, $0x1;
	s5 =	sadd.s32 s21, s3  }
0x9d: {  	[timem:s7], [sflag:s22] =	dma.local [hbm:s5], s20  }
0x9e: {  	_ =	swait.ge [sflag:s22], s20  }
0x9f: {  	s4 =	ssub.s32 $0x0, s20;
	[sflag:s22] =	ssyncset.done $0x0  }
0xa0: {  	[sflag:s22] =	ssyncadd.s32 s4;
	_ =	sdelay $0x1  }
0xa1: {  	s23 =	simm.s32 $0x1B8B  }
0xa2: {  	_ =	swait.ge [sflag:s23], $0x1  }
0xa3: {  	[sflag:s23] =	ssyncset.done $0x0  }
0xa4: {  	s25 =	simm.s32 $0x1B8E;
	s24 =	sld [smem:$0x3FFE];
	[sflag:s23] =	ssyncadd.s32 $0xFFFFFFFF  }
0xa5: {  	s26 =	simm.s32 $execute0_lowered;
	[smem:$0x3FD2] =	sst s25  }
0xa6: {  	s5 =	sshll.u32 s26, $0x1;
	_ =	strace $0x80000046;
	[dreg:$0x1] =	wrdreg $0xFFFFFFFF  }
0xa7: {  	s28 =	simm.s32 $_size_execute0_lowered;
	s3 =	sadd.s32 s3, s5;
	[dreg:$0x0] =	wrdreg $0x0  }
0xa8: {  	s5 =	sshll.u32 s28, $0x1;
	[dreg:$0x2] =	wrdreg s3  }
0xa9: {  	[dreg:$0x3] =	wrdreg s5  }
0xaa: {  	[dreg:$0x4] =	wrdreg $0xC0  }
0xab: {  	_ =	task [dreg:s7], $0x5FFFF  }
0xac: {  	[dreg:$0x1] =	wrdreg $0xFFFFFFFF  }
0xad: {  	[dreg:$0x0] =	wrdreg $0x60  }
0xae: {  	[dreg:$0x2] =	wrdreg s24  }
0xaf: {  	[dreg:$0x3] =	wrdreg s2  }
0xb0: {  	[dreg:$0x4] =	wrdreg $0xC  }
0xb1: {  	_ =	task.clear_ibuf [dreg:s7], $0x5FFFF;
	_ =	strace $0x90000046  }
0xb2: {  	s29 =	simm.s32 $0xC;
	_ =	strace $0x80000048  }
0xb3: {  	_ =	swait.ge [sflag:s29], $0x1  }
0xb4: {  	[sflag:s29] =	ssyncadd.s32 $0xFFFFFFFF  }
0xb5: {  	_ =	strace $0x90000048  }
0xb6: {  	_ =	sfence  }
0xb7: {  	s30 =	sld [smem:$0x0];
	_ =	sdelay $0x2  }
0xb8: {  	s31 =	sshll.u32 s1, $0xD;
	s1 =	sshrl.u32 s1, $0x2  }
0xb9: {  	s3 =	sand.u32 $0x4000, s31;
	s1 =	sadd.s32 s1, s30  }
0xba: {  	s0 =	sor.u32 s3, s0;
	s1 =	sshll.u32 s1, $0x11  }
0xbb: {  	s0 =	sor.u32 s1, s0  }
0xbc: {  	s0 =	sadd.s32 $0x8F2B, s0  }
0xbd: {  	[sflag:s0] =	ssyncadd.remote.s32 $0x1  }
0xbe: {  	_ =	sfence.sel $0xFFFF  }
0xbf: {  	[dreg:$0x0] =	wrdreg $0xFFFFFFFF;
	(pc) =	sbr.abs _section_cstart, $3  }
0xc0: {  	[dreg:$0x1] =	wrdreg $0xFFFFFFFF  }
0xc1: {  	_ =	task.clear_ibuf [dreg:s7], $0x2FFFF;
	_ =	strace $0x9FFFFFFF  }
0xc2: {  	(tm) =	ssettm $0x7FFFFFFF  }
0xc3: {  	_ =	shalt  }
tec
execute0_lowered:
.L_overlay_start_1:
0x0: {  	(tag) =	ssettag $0x1  }
0x1: {  	s3 =	rddreg [dreg:$0x0]  }
0x2: {  	s1 =	rddreg [dreg:$0x1]  }
0x3: {  	s0 =	rddreg [dreg:$0x2]  }
0x4: {  	s2 =	simm.s32 $0x0;
	s4 =	srdreg.scid;
	s12 =	simm.s32 $0x1  }
0x5: {  	s13 =	simm.s32 $0x100;
	s14 =	simm.s32 $0x2;
	s15 =	simm.s32 $0x3  }
0x6: {  	s16 =	simm.s32 $0x4;
	s17 =	simm.s32 $0x0;
	[smem:$0x7FF] =	sst s2  }
0x7: {  	s6 =	sadd.s32 $0x1600, s3;
	s4 =	sand.u32 $0x1, s4;
	s7 =	sadd.s32 $0xE600, s3  }
0x8: {  	s3 =	stileid.u32;
	_ =	strace $0x80000047;
	s5 =	ssub.s32 $0x2, s4  }
0x9: {  	s9 =	sshll.u32 s3, $0xF;
	s10 =	sshll.u32 s4, $0xE;
	s11 =	sshll.u32 s3, $0x8  }
0xa: {  	s4 =	sshll.u32 s4, $0x7;
	s8 =	sshrl.u32 s5, $0x1;
	s9 =	sor.u32 s10, s9  }
0xb: {  	s30 =	sor.u32 s4, s11;
	s11 =	simm.s32 $0x4100;
	s5 =	ssub.s32 s5, s8  }
0xc: {  	s29 =	sshrl.u32 s9, $0x3;
	s31 =	sor.u32 $0x4000, s30;
	s10 =	sshrl.u32 s30, $0x3  }
0xd: {  	s9 =	sor.u32 $0x80000, s9;
	s4 =	smax.u32 s5, $0x1;
	s5 =	sadd.s32 s29, s7  }
0xe: {  	s8 =	sshrl.u32 s31, $0x3;
	s10 =	sadd.s32 s10, s6;
	s9 =	sshrl.u32 s9, $0x3  }
0xf: {  	s8 =	sadd.s32 s8, s6;
	s6 =	sadd.s32 $0x600, s10;
	s7 =	sadd.s32 s9, s7  }
0x10: {  	s9 =	simm.s32 $0x5;
	s10 =	simm.s32 $0x80;
	s8 =	sadd.s32 $0x600, s8  }
.LBB2_1:
0x11: {  	s21 =	simm.s32 $0x7D0  }
0x12: {  	s22 =	sadd.s32 $0x1000, s8;
	s18 =	smov.u32 s7;
	s24 =	smov.u32 s6  }
0x13: {  	s23 =	smov.u32 s8;
	s20 =	simm.s32 $0x0;
	s19 =	smov.u32 s5  }
.LBB2_2:
0x14: {  	s26 =	smov.u32 s21;
	s21 =	sadd.s32 $0x7D0, s21;
	s25 =	smov.u32 s18  }
0x15: {  	[tilespmem:s2], [sflag:$0x5] =	stream.linear.gather [hbm4b:s24+s2], $0x80, $0x38;
	[tilespmem:$0x8100] =	vst v63  }
0x16: {  	p0 =	sne.s32 s21, $0x6590;
	_ =	swait.ge [sflag:s9], $0x80  }
0x17: {  	[sflag:s9] =	ssyncset.done $0x0  }
0x18: {  	[sflag:s9] =	ssyncadd.s32 $0xFFFFFF80  }
0x19: {  	[tilespmem:s10], [sflag:$0x5] =	stream.linear.gather [hbm4b:s23+s2], $0x80, $0x38;
	[tilespmem:$0x8100] =	vst v63  }
0x1a: {  	s23 =	smov.u32 s22;
	_ =	swait.ge [sflag:s9], $0x80  }
0x1b: {  	[sflag:s9] =	ssyncset.done $0x0  }
0x1c: {  	[sflag:s9] =	ssyncadd.s32 $0xFFFFFF80  }
0x1d: {  	v0 =	vld [tilespmem:$0x60]  }
0x1e: {  	v1 =	vld [tilespmem:$0x30]  }
0x1f: {  	v2 =	vld [tilespmem:$0xF0]  }
0x20: {  	v3 =	vld [tilespmem:$0x20]  }
0x21: {  	v4 =	vld [tilespmem:$0xD0]  }
0x22: {  	v5 =	vld [tilespmem:$0x10]  }
0x23: {  	v6 =	vld [tilespmem:$0xA0]  }
0x24: {  	v7 =	vld [tilespmem:$0xE0]  }
0x25: {  	vm4 =	vgt.s32 v2, $0x0;
	vm0 =	vgt.s32 v3, $0x0;
	v8 =	vld [tilespmem:$0xB0]  }
0x26: {  	vm3 =	vgt.s32 v1, $0x0;
	v3 =	vnsel vm0, $0x0, v3;
	v9 =	vld [tilespmem:$0x50];
	vm0 =	vgt.s32 v4, $0x0  }
0x27: {  	vm2 =	vgt.s32 v0, $0x0;
	vm1 =	vgt.s32 v5, $0x0;
	v10 =	vld [tilespmem:$0x90];
	v4 =	vnsel vm0, $0x0, v4  }
0x28: {  	v0 =	vnsel vm2, $0x0, v0;
	v5 =	vnsel vm1, $0x0, v5;
	vm0 =	vgt.s32 v6, $0x0;
	v11 =	vld [tilespmem:$0xC0]  }
0x29: {  	v5 =	vmin.u32 v5, $0x3E7;
	v12 =	vld [tilespmem:$0x80];
	v6 =	vnsel vm0, $0x0, v6;
	vm1 =	vgt.s32 v7, $0x0  }
0x2a: {  	s28 =	sadd.s32 $0x3E8, s20;
	v4 =	vmin.u32 v4, $0x3E7;
	v13 =	vld [tilespmem:$0x70];
	vm0 =	vgt.s32 v8, $0x0;
	v7 =	vnsel vm1, $0x0, v7  }
0x2b: {  	v4 =	vadd.s32 s28, v4;
	v14 =	vld [tilespmem:$0x40];
	vm1 =	vgt.s32 v9, $0x0;
	v7 =	vmin.u32 v7, $0x3E7  }
0x2c: {  	v5 =	vadd.s32 s20, v5;
	v15 =	vld [tilespmem:$0x0];
	vm2 =	vgt.s32 v10, $0x0;
	[tilespmem:$0xD0] =	vst v4;
	v4 =	vadd.s32 s28, v7  }
0x2d: {  	v2 =	vnsel vm4, $0x0, v2;
	v3 =	vmin.u32 v3, $0x3E7;
	[tilespmem:$0x10] =	vst v5;
	v5 =	vmin.u32 v6, $0x3E7  }
0x2e: {  	v0 =	vmin.u32 v0, $0x3E7;
	v2 =	vmin.u32 v2, $0x3E7;
	v3 =	vadd.s32 s20, v3;
	[tilespmem:$0xE0] =	vst v4  }
0x2f: {  	v1 =	vnsel vm3, $0x0, v1;
	v2 =	vadd.s32 s28, v2;
	[tilespmem:$0x20] =	vst v3;
	vm3 =	vgt.s32 v13, $0x0  }
0x30: {  	v1 =	vmin.u32 v1, $0x3E7;
	v3 =	vnsel vm3, $0x0, v13;
	vm3 =	vgt.s32 v12, $0x0;
	[tilespmem:$0xF0] =	vst v2  }
0x31: {  	v1 =	vadd.s32 s20, v1;
	v2 =	vmin.u32 v3, $0x3E7;
	v3 =	vnsel vm3, $0x0, v12  }
0x32: {  	vm3 =	vgt.s32 v15, $0x0;
	[tilespmem:$0x30] =	vst v1;
	v1 =	vadd.s32 s20, v2;
	v2 =	vmin.u32 v3, $0x3E7  }
0x33: {  	v0 =	vadd.s32 s20, v0;
	v3 =	vnsel vm3, $0x0, v15;
	[tilespmem:$0x70] =	vst v1;
	v1 =	vadd.s32 s28, v2  }
0x34: {  	vm3 =	vgt.s32 v14, $0x0;
	v2 =	vnsel vm0, $0x0, v8;
	[tilespmem:$0x80] =	vst v1;
	v1 =	vadd.s32 s28, v5  }
0x35: {  	v4 =	vnsel vm1, $0x0, v9;
	vm0 =	vgt.s32 v11, $0x0;
	[tilespmem:$0x60] =	vst v0;
	v0 =	vmin.u32 v2, $0x3E7  }
0x36: {  	v2 =	vmin.u32 v4, $0x3E7;
	v4 =	vnsel vm2, $0x0, v10;
	[tilespmem:$0xA0] =	vst v1;
	v0 =	vadd.s32 s28, v0  }
0x37: {  	v1 =	vadd.s32 s20, v2;
	v2 =	vmin.u32 v4, $0x3E7;
	[tilespmem:$0xB0] =	vst v0;
	v0 =	vnsel vm0, $0x0, v11  }
0x38: {  	v4 =	vnsel vm3, $0x0, v14;
	[tilespmem:$0x50] =	vst v1;
	v1 =	vadd.s32 s28, v2;
	v0 =	vmin.u32 v0, $0x3E7  }
0x39: {  	v2 =	vmin.u32 v3, $0x3E7;
	v3 =	vmin.u32 v4, $0x3E7;
	[tilespmem:$0x90] =	vst v1;
	v0 =	vadd.s32 s28, v0  }
0x3a: {  	p1 =	seq.s32 s20, $0x0;
	v1 =	vadd.s32 s20, v2;
	v2 =	vadd.s32 s20, v3;
	s20 =	smov.u32 s26;
	[tilespmem:$0xC0] =	vst v0  }
0x3b: {  	s29 =	simm.s32 @p1 $0x100;
	s26 =	simm.s32 @p1 $0x80;
	s28 =	simm.s32 @p1 $0x0;
	[tilespmem:$0x0] =	vst v1  }
0x3c: {  	s30 =	simm.s32 @!p1 $0x3;
	[tilespmem:$0x40] =	vst v2  }
0x3d: {  	[tilespmem:s29], [sflag:$0x1] =	stream.indirect.gather @p1 [hbm4b:s1+s26], $0x80, s28, s26, $0xb8;
	[tilespmem:$0x8100] =	vst v63  }
0x3e: {  	_ =	swait.ge @!p1 [sflag:s30], $0x4000  }
0x3f: {  	s26 =	simm.s32 @!p1 $0x100;
	s28 =	simm.s32 @!p1 $0x4;
	[sflag:s30] =	ssyncset.done @!p1 $0x0  }
0x40: {  	s29 =	simm.s32 @!p1 $0x80;
	[sflag:s30] =	ssyncadd.s32 @!p1 $0xFFFFC000;
	s30 =	simm.s32 @!p1 $0x0  }
0x41: {  	[tilespmem:s26], [sflag:$0x1] =	stream.indirect.gather @!p1 [hbm4b:s1+s29], $0x80, s30, s29, $0xb8;
	[tilespmem:$0x8100] =	vst v63  }
0x42: {  	_ =	swait.ge @!p1 [sflag:s28], $0x4000  }
0x43: {  	[sflag:s28] =	ssyncset.done @!p1 $0x0  }
0x44: {  	[sflag:s28] =	ssyncadd.s32 @!p1 $0xFFFFC000  }
0x45: {  	[tilespmem:s11], [sflag:$0x2] =	stream.indirect.gather [hbm4b:s1+s10], $0x80, s10, s10, $0xb8;
	[tilespmem:$0x8100] =	vst v63  }
0x46: {  	_ =	swait.ge [sflag:s12], $0x4000  }
0x47: {  	[sflag:s12] =	ssyncset.done $0x0  }
0x48: {  	[sflag:s12] =	ssyncadd.s32 $0xFFFFC000  }
0x49: {  	[hbm4b:s19+s2] =	stream.linear.scatter [tilespmem:s13], [sflag:$0x3], $0x4000, $0x38;
	[tilespmem:$0x8100] =	vst v63  }
.Ltmp0:
0x4a: {  	_ = 	snop;
	(pc) =	sbr.rel @p0 .LBB2_2-.Ltmp0, $4  }
0x4b: {  	_ =	swait.ge [sflag:s14], $0x4000  }
0x4c: {  	s18 =	sadd.s32 $0x20000, s18;
	s22 =	sadd.s32 $0x1000, s22;
	[sflag:s14] =	ssyncset.done $0x0  }
0x4d: {  	s24 =	sadd.s32 $0x1000, s24;
	s19 =	sadd.s32 $0x20000, s19;
	[sflag:s14] =	ssyncadd.s32 $0xFFFFC000  }
0x4e: {  	[hbm4b:s25+s2] =	stream.linear.scatter [tilespmem:s11], [sflag:$0x4], $0x4000, $0x38;
	[tilespmem:$0x8100] =	vst v63  }
0x4f: {  	[tilespmem:s2], [sflag:$0x5] =	stream.linear.gather [hbm4b:s24+s2], $0x80, $0x38;
	[tilespmem:$0x8100] =	vst v63  }
0x50: {  	_ =	swait.ge [sflag:s9], $0x80  }
0x51: {  	[sflag:s9] =	ssyncset.done $0x0  }
0x52: {  	[sflag:s9] =	ssyncadd.s32 $0xFFFFFF80  }
0x53: {  	[tilespmem:s10], [sflag:$0x5] =	stream.linear.gather [hbm4b:s23+s2], $0x80, $0x38;
	[tilespmem:$0x8100] =	vst v63  }
0x54: {  	_ =	swait.ge [sflag:s9], $0x80  }
0x55: {  	[sflag:s9] =	ssyncset.done $0x0  }
0x56: {  	[sflag:s9] =	ssyncadd.s32 $0xFFFFFF80  }
0x57: {  	v0 =	vld [tilespmem:$0x60]  }
0x58: {  	v1 =	vld [tilespmem:$0x30]  }
0x59: {  	v2 =	vld [tilespmem:$0xF0]  }
0x5a: {  	v3 =	vld [tilespmem:$0x20]  }
0x5b: {  	v4 =	vld [tilespmem:$0xD0]  }
0x5c: {  	v5 =	vld [tilespmem:$0x10]  }
0x5d: {  	v6 =	vld [tilespmem:$0xA0]  }
0x5e: {  	v7 =	vld [tilespmem:$0xE0]  }
0x5f: {  	v8 =	vld [tilespmem:$0xB0]  }
0x60: {  	v9 =	vld [tilespmem:$0x50]  }
0x61: {  	v10 =	vld [tilespmem:$0x90]  }
0x62: {  	v11 =	vld [tilespmem:$0x70]  }
0x63: {  	v12 =	vld [tilespmem:$0x80]  }
0x64: {  	v13 =	vld [tilespmem:$0x0]  }
0x65: {  	v40 =	vld [tilespmem:$0xC0];
	vm0 =	vgt.s32 v3, $0x0  }
0x66: {  	v46 =	vld [tilespmem:$0x40];
	vm4 =	vgt.s32 v2, $0x0;
	vm3 =	vgt.s32 v1, $0x0;
	vm5 =	vgt.s32 v4, $0x0  }
0x67: {  	vm1 =	vgt.s32 v5, $0x0;
	vm2 =	vgt.s32 v0, $0x0;
	vm6 =	vgt.s32 v6, $0x0  }
0x68: {  	vm7 =	vgt.s32 v7, $0x0;
	vm8 =	vgt.s32 v8, $0x0;
	vm9 =	vgt.s32 v9, $0x0  }
0x69: {  	vm10 =	vgt.s32 v10, $0x0;
	vm11 =	vgt.s32 v11, $0x0;
	vm12 =	vgt.s32 v12, $0x0  }
0x6a: {  	vm13 =	vgt.s32 v13, $0x0;
	vm14 =	vgt.s32 v40, $0x0;
	v4 =	vnsel vm5, $0x0, v4  }
0x6b: {  	s21 =	sadd.s32 $0x3E8, s20;
	vm15 =	vgt.s32 v46, $0x0;
	v5 =	vnsel vm1, $0x0, v5;
	v4 =	vmin.u32 v4, $0x3E7  }
0x6c: {  	v7 =	vnsel vm7, $0x0, v7;
	v5 =	vmin.u32 v5, $0x3E7;
	v4 =	vadd.s32 s21, v4  }
0x6d: {  	v3 =	vnsel vm0, $0x0, v3;
	v7 =	vmin.u32 v7, $0x3E7;
	v5 =	vadd.s32 s20, v5;
	[tilespmem:$0xD0] =	vst v4  }
0x6e: {  	v2 =	vnsel vm4, $0x0, v2;
	v3 =	vmin.u32 v3, $0x3E7;
	v38 =	vadd.s32 s21, v7;
	[tilespmem:$0x10] =	vst v5  }
0x6f: {  	v1 =	vnsel vm3, $0x0, v1;
	v2 =	vmin.u32 v2, $0x3E7;
	v3 =	vadd.s32 s20, v3;
	[tilespmem:$0xE0] =	vst v38  }
0x70: {  	v41 =	vnsel vm11, $0x0, v11;
	v1 =	vmin.u32 v1, $0x3E7;
	v2 =	vadd.s32 s21, v2;
	[tilespmem:$0x20] =	vst v3  }
0x71: {  	v43 =	vnsel vm12, $0x0, v12;
	v42 =	vmin.u32 v41, $0x3E7;
	v1 =	vadd.s32 s20, v1;
	[tilespmem:$0xF0] =	vst v2  }
0x72: {  	v0 =	vnsel vm2, $0x0, v0;
	v45 =	vmin.u32 v43, $0x3E7;
	v44 =	vadd.s32 s20, v42;
	[tilespmem:$0x30] =	vst v1  }
0x73: {  	v6 =	vnsel vm6, $0x0, v6;
	v0 =	vmin.u32 v0, $0x3E7;
	v48 =	vadd.s32 s21, v45;
	[tilespmem:$0x70] =	vst v44  }
0x74: {  	v51 =	vnsel vm9, $0x0, v9;
	v39 =	vmin.u32 v6, $0x3E7;
	v0 =	vadd.s32 s20, v0;
	[tilespmem:$0x80] =	vst v48  }
0x75: {  	v54 =	vnsel vm10, $0x0, v10;
	v53 =	vmin.u32 v51, $0x3E7;
	v49 =	vadd.s32 s21, v39;
	[tilespmem:$0x60] =	vst v0  }
0x76: {  	v47 =	vnsel vm13, $0x0, v13;
	v56 =	vmin.u32 v54, $0x3E7;
	v55 =	vadd.s32 s20, v53;
	[tilespmem:$0xA0] =	vst v49  }
0x77: {  	v50 =	vnsel vm8, $0x0, v8;
	v60 =	vmin.u32 v47, $0x3E7;
	v58 =	vadd.s32 s21, v56;
	[tilespmem:$0x50] =	vst v55  }
0x78: {  	v59 =	vnsel vm15, $0x0, v46;
	v52 =	vmin.u32 v50, $0x3E7;
	v62 =	vadd.s32 s20, v60;
	[tilespmem:$0x90] =	vst v58  }
0x79: {  	v57 =	vnsel vm14, $0x0, v40;
	v61 =	vmin.u32 v59, $0x3E7;
	v0 =	vadd.s32 s21, v52;
	[tilespmem:$0x0] =	vst v62  }
0x7a: {  	p0 =	seq.s32 s20, $0x0;
	v63 =	vadd.s32 s20, v61;
	[tilespmem:$0xB0] =	vst v0;
	v0 =	vmin.u32 v57, $0x3E7  }
0x7b: {  	s22 =	simm.s32 @p0 $0x100;
	[tilespmem:$0x40] =	vst v63;
	v0 =	vadd.s32 s21, v0  }
0x7c: {  	s23 =	simm.s32 @!p0 $0x3;
	s20 =	simm.s32 @p0 $0x80;
	s21 =	simm.s32 @p0 $0x0;
	[tilespmem:$0xC0] =	vst v0  }
0x7d: {  	[tilespmem:s22], [sflag:$0x1] =	stream.indirect.gather @p0 [hbm4b:s1+s20], $0x80, s21, s20, $0xb8;
	[tilespmem:$0x8100] =	vst v63  }
0x7e: {  	_ =	swait.ge @!p0 [sflag:s23], $0x4000  }
0x7f: {  	s20 =	simm.s32 @!p0 $0x100;
	s21 =	simm.s32 @!p0 $0x4;
	[sflag:s23] =	ssyncset.done @!p0 $0x0  }
0x80: {  	s22 =	simm.s32 @!p0 $0x80;
	[sflag:s23] =	ssyncadd.s32 @!p0 $0xFFFFC000;
	s23 =	simm.s32 @!p0 $0x0  }
0x81: {  	[tilespmem:s20], [sflag:$0x1] =	stream.indirect.gather @!p0 [hbm4b:s1+s22], $0x80, s23, s22, $0xb8;
	[tilespmem:$0x8100] =	vst v63  }
0x82: {  	_ =	swait.ge @!p0 [sflag:s21], $0x4000  }
0x83: {  	[sflag:s21] =	ssyncset.done @!p0 $0x0  }
0x84: {  	[sflag:s21] =	ssyncadd.s32 @!p0 $0xFFFFC000  }
0x85: {  	[tilespmem:s11], [sflag:$0x2] =	stream.indirect.gather [hbm4b:s1+s10], $0x80, s10, s10, $0xb8;
	[tilespmem:$0x8100] =	vst v63  }
0x86: {  	_ =	swait.ge [sflag:s12], $0x4000  }
0x87: {  	[sflag:s12] =	ssyncset.done $0x0  }
0x88: {  	[sflag:s12] =	ssyncadd.s32 $0xFFFFC000  }
0x89: {  	[hbm4b:s19+s2] =	stream.linear.scatter [tilespmem:s13], [sflag:$0x3], $0x4000, $0x38;
	[tilespmem:$0x8100] =	vst v63  }
0x8a: {  	_ =	swait.ge [sflag:s14], $0x4000  }
0x8b: {  	[sflag:s14] =	ssyncset.done $0x0  }
0x8c: {  	s17 =	sadd.s32 $0x1, s17;
	[sflag:s14] =	ssyncadd.s32 $0xFFFFC000  }
0x8d: {  	[hbm4b:s18+s2] =	stream.linear.scatter [tilespmem:s11], [sflag:$0x4], $0x4000, $0x38;
	[tilespmem:$0x8100] =	vst v63  }
0x8e: {  	p0 =	sne.s32 s17, s4;
	_ =	swait.ge [sflag:s15], $0x4000  }
.Ltmp1:
0x8f: {  	[sflag:s15] =	ssyncset.done $0x0;
	(pc) =	sbr.rel @p0 .LBB2_1-.Ltmp1, $4  }
0x90: {  	[sflag:s15] =	ssyncadd.s32 $0xFFFFC000  }
0x91: {  	_ =	swait.ge [sflag:s16], $0x4000  }
0x92: {  	[sflag:s16] =	ssyncset.done $0x0  }
0x93: {  	[sflag:s16] =	ssyncadd.s32 $0xFFFFC000  }
0x94: {  	_ =	sfence.sel $0x180000  }
0x95: {  	[bflag:$0x0] =	sbarrier.arrive $0xFFFF  }
0x96: {  	p0 =	sne.s32 s3, $0x0;
	_ =	strace $0x90000047  }
0x97: {  	s0 =	sadd.s32 @!p0 $0x100000, s0;
	[bflag:$0x2] =	sbarrier.arrive $0xFFFF  }
0x98: {  	[sflag:s0] =	ssyncadd.tile.s32 @!p0 $0x1;
	_ =	shalt  }
.Lfunc_end2:
_tile_overlayer_lowered:
.L_overlay_start_2:
0x99: {  	(tag) =	ssettag $0x2  }
0x9a: {  	s0 =	rddreg [dreg:$0x0];
	s2 =	stileid.u32  }
0x9b: {  	s1 =	rddreg [dreg:$0x1];
	p0 =	sne.s32 s2, $0x0  }
0x9c: {  	s3 =	rddreg [dreg:$0x2];
	[bflag:$0x3] =	sbarrier.arrive $0xFFFF;
	s2 =	simm.s32 @!p0 $0x1C05  }
0x9d: {  	[timem:s3], [sflag:s2] =	dma.local @!p0 [hbm:s0], s1  }
0x9e: {  	s0 =	simm.s32 @!p0 $0x5  }
0x9f: {  	_ =	swait.ge @!p0 [sflag:s0], s1  }
0xa0: {  	s1 =	ssub.s32 @!p0 $0x0, s1;
	[sflag:s0] =	ssyncset.done @!p0 $0x0  }
0xa1: {  	[sflag:s0] =	ssyncadd.s32 @!p0 s1  }
0xa2: {  	[bflag:$0x3] =	sbarrier.arrive $0xFFFF  }
0xa3: {  	_ =	shalt  }

</sc_bundles>
